<compile_context>
chip_gen: v7x
topology: tpu7x:2x2x1
jax: 0.10.2.dev20260603
libtpu: 0.0.44.dev20260713+nightly
codegen_flags: <defaults>
</compile_context>

<pallas_src>
import functools
import math

import jax
import jax.numpy as jnp
from jax import lax
from jax.experimental import pallas as pl
from jax.experimental.pallas import tpu as pltpu
from jax.experimental.pallas import tpu_sc as plsc

VOCAB = 100000
D_MODEL = 128
SCALE = math.sqrt(float(D_MODEL))

NUM_CORES = 2
NUM_SUBCORES = 16
NUM_WORKERS = NUM_CORES * NUM_SUBCORES
LANES = 16

B_TOTAL = 1024 * 200
BPW = B_TOTAL // NUM_WORKERS
CHUNK = 64
NCHUNK = BPW // CHUNK
K = 10
NGROUP = NCHUNK // K

_mesh = plsc.VectorSubcoreMesh(core_axis_name="c", subcore_axis_name="s")


@functools.partial(
    pl.kernel,
    out_type=jax.ShapeDtypeStruct((B_TOTAL, D_MODEL), jnp.float32),
    mesh=_mesh,
    scratch_types=[
        pltpu.VMEM((NCHUNK, CHUNK), jnp.int32),
        pltpu.VMEM((K, CHUNK, D_MODEL), jnp.float32),
        pltpu.SemaphoreType.DMA((K,)),
        pltpu.SemaphoreType.DMA((K,)),
    ],
)
def _embed_sc(x_hbm, tbl_hbm, out_hbm, idx_v, rows_v, gsem, wsem):
    wid = lax.axis_index("s") * NUM_CORES + lax.axis_index("c")
    base = wid * BPW

    pltpu.sync_copy(x_hbm.at[wid], idx_v)

    def group_body(g, carry):
        for b in range(K):
            i = g * K + b

            @pl.when(g > 0)
            def _drain_prev():
                pltpu.make_async_copy(
                    rows_v.at[b],
                    out_hbm.at[pl.ds(base + (i - K) * CHUNK, CHUNK)],
                    wsem.at[b],
                ).wait()

            pltpu.make_async_copy(
                tbl_hbm.at[idx_v.at[i]], rows_v.at[b], gsem.at[b]
            ).start()

        for b in range(K):
            i = g * K + b
            pltpu.make_async_copy(
                tbl_hbm.at[idx_v.at[i]], rows_v.at[b], gsem.at[b]
            ).wait()

            def _scale(r, c, b=b):
                for rr in range(2):
                    for j in range(D_MODEL // LANES):
                        sl = pl.ds(j * LANES, LANES)
                        rows_v[b, 2 * r + rr, sl] = rows_v[b, 2 * r + rr, sl] * SCALE
                return c

            lax.fori_loop(0, CHUNK // 2, _scale, 0)

            pltpu.make_async_copy(
                rows_v.at[b], out_hbm.at[pl.ds(base + i * CHUNK, CHUNK)], wsem.at[b]
            ).start()
        return carry

    lax.fori_loop(0, NGROUP, group_body, 0)

    for b in range(K):
        i = (NGROUP - 1) * K + b
        pltpu.make_async_copy(
            rows_v.at[b], out_hbm.at[pl.ds(base + i * CHUNK, CHUNK)], wsem.at[b]
        ).wait()


def kernel(x, emb_weight):
    x_flat = x.reshape(NUM_WORKERS, NCHUNK, CHUNK).astype(jnp.int32)
    out = _embed_sc(x_flat, emb_weight)
    return out.reshape(x.shape + (D_MODEL,))

# --- scband reference (transcript-rebuilt; emitter-appended) ---
"""Pipeline reference for scband-embedding-13597866459855 (READ-ONLY COPY).

The authoritative reference and input builder live on the scoring server;
editing this copy changes nothing except your own understanding.
"""

import jax, jax.numpy as jnp
import numpy as np
import math

VOCAB = 100000
D_MODEL = 128

def setup_inputs(seed: int = 0) -> dict:
    key = jax.random.key(seed)
    k1, k2 = jax.random.split(key)
    x = jax.random.randint(k1, (1024, 200), 0, VOCAB, dtype=jnp.int64 if jax.config.jax_enable_x64 else jnp.int32)
    emb_weight = jax.random.normal(k2, (VOCAB, D_MODEL), dtype=jnp.float32)
    return {"x": x, "emb_weight": emb_weight}

def reference(x, emb_weight):
    # Faithful to: self.emb(x) * math.sqrt(self.d_model)
    out = jnp.take(emb_weight, x, axis=0)
    return out * math.sqrt(D_MODEL)

if __name__ == "__main__":
    import jax
    _d = setup_inputs()
    print(jax.jit(kernel)(*tuple(_d.values())))

</pallas_src>

<mosaic_0001>
#map = affine_map<(d0, d1) -> (0, 0, 0)>
#map1 = affine_map<(d0, d1) -> (0, 0)>
module attributes {stable_mosaic.version = 14 : i64} {
  func.func @_embed_sc(%arg0: i32, %arg1: i32, %arg2: memref<32x100x64xi32, #tpu.memory_space<hbm>>, %arg3: memref<100000x128xf32, #tpu.memory_space<hbm>>, %arg4: memref<204800x128xf32, #tpu.memory_space<hbm>>, %arg5: memref<100x64xi32, #tpu.memory_space<vmem>>, %arg6: memref<10x64x128xf32, #tpu.memory_space<vmem>>, %arg7: memref<10x!tpu.dma_semaphore, #tpu.memory_space<semaphore_mem>>, %arg8: memref<10x!tpu.dma_semaphore, #tpu.memory_space<semaphore_mem>>) attributes {dimension_semantics = [#tpu.dimension_semantics<core_parallel>, #tpu.dimension_semantics<subcore_parallel>], iteration_bounds = array<i64: 2, 16>, scalar_prefetch = 0 : i64, scratch_operands = 4 : i64, tpu.core_type = #tpu.core_type<sc_vector_subcore>, window_params = [{transform_indices = #map}, {transform_indices = #map1}, {transform_indices = #map1}]} {
    %mul3A = arith.constant 2 : i32
    %mul3A_0 = arith.muli %arg1, %mul3A : i32
    %add3A = arith.addi %mul3A_0, %arg0 : i32
    %mul3A_1 = arith.constant 6400 : i32
    %mul3A_2 = arith.muli %add3A, %mul3A_1 : i32
    "tpu.region"() ({
      %run_scoped3A = tpu.sem_alloc : memref<!tpu.dma_semaphore, #tpu.memory_space<semaphore_mem>>
      %dma_start3A = arith.constant 0 : i32
      %dma_start3A_187 = arith.constant 0 : i32
      %dma_start3A_188 = tpu.memref_slice %arg2[%add3A, %dma_start3A, %dma_start3A_187] : memref<32x100x64xi32, #tpu.memory_space<hbm>> -> memref<1x100x64xi32, #tpu.memory_space<hbm>>
      %dma_start3A_189 = tpu.memref_squeeze %dma_start3A_188 : memref<1x100x64xi32, #tpu.memory_space<hbm>> -> memref<100x64xi32, #tpu.memory_space<hbm>>
      %dma_start3A_190 = arith.constant 0 : i32
      %dma_start3A_191 = arith.constant 0 : i32
      %dma_start3A_192 = tpu.memref_slice %arg2[%add3A, %dma_start3A_190, %dma_start3A_191] : memref<32x100x64xi32, #tpu.memory_space<hbm>> -> memref<1x100x64xi32, #tpu.memory_space<hbm>>
      %dma_start3A_193 = tpu.memref_squeeze %dma_start3A_192 : memref<1x100x64xi32, #tpu.memory_space<hbm>> -> memref<100x64xi32, #tpu.memory_space<hbm>>
      tpu.enqueue_dma source(%dma_start3A_193 : memref<100x64xi32, #tpu.memory_space<hbm>>) target(%arg5 : memref<100x64xi32, #tpu.memory_space<vmem>>) target_semaphore(%run_scoped3A : memref<!tpu.dma_semaphore, #tpu.memory_space<semaphore_mem>>)
      %dma_wait3A_194 = arith.constant 0 : i32
      %dma_wait3A_195 = arith.constant 0 : i32
      %dma_wait3A_196 = tpu.memref_slice %arg2[%add3A, %dma_wait3A_194, %dma_wait3A_195] : memref<32x100x64xi32, #tpu.memory_space<hbm>> -> memref<1x100x64xi32, #tpu.memory_space<hbm>>
      %dma_wait3A_197 = tpu.memref_squeeze %dma_wait3A_196 : memref<1x100x64xi32, #tpu.memory_space<hbm>> -> memref<100x64xi32, #tpu.memory_space<hbm>>
      %dma_wait3A_198 = arith.constant 0 : i32
      %dma_wait3A_199 = arith.constant 0 : i32
      %dma_wait3A_200 = tpu.memref_slice %arg2[%add3A, %dma_wait3A_198, %dma_wait3A_199] : memref<32x100x64xi32, #tpu.memory_space<hbm>> -> memref<1x100x64xi32, #tpu.memory_space<hbm>>
      %dma_wait3A_201 = tpu.memref_squeeze %dma_wait3A_200 : memref<1x100x64xi32, #tpu.memory_space<hbm>> -> memref<100x64xi32, #tpu.memory_space<hbm>>
      tpu.wait_dma2 semaphore(%run_scoped3A : memref<!tpu.dma_semaphore, #tpu.memory_space<semaphore_mem>>) src(%dma_wait3A_201 : memref<100x64xi32, #tpu.memory_space<hbm>>) dst(%arg5 : memref<100x64xi32, #tpu.memory_space<vmem>>)
      tpu.yield
    }) : () -> ()
    %scan3A = arith.constant 0 : i32
    %scan3A_3 = arith.constant 0 : i32
    %scan3A_4 = arith.constant 10 : i32
    %scan3A_5 = arith.addi %scan3A_3, %scan3A_4 : i32
    %scan3A_6 = arith.constant 1 : i32
    scf.for %scan3A_187 = %scan3A_3 to %scan3A_5 step %scan3A_6  : i32 {
      %mul3A_188 = arith.constant 10 : i32
      %mul3A_189 = arith.muli %scan3A_187, %mul3A_188 : i32
      %add3A_190 = arith.constant 0 : i32
      %add3A_191 = arith.addi %mul3A_189, %add3A_190 : i32
      %gt3A = arith.constant 0 : i32
      %gt3A_192 = arith.cmpi sgt, %scan3A_187, %gt3A : i32
      %convert_element_type3A = arith.extui %gt3A_192 : i1 to i32
      %cond3A = arith.constant 0 : i32
      %cond3A_193 = arith.cmpi ne, %convert_element_type3A, %cond3A : i32
      scf.if %cond3A_193 {
        %sub3A = arith.constant 10 : i32
        %sub3A_844 = arith.subi %add3A_191, %sub3A : i32
        %mul3A_845 = arith.constant 64 : i32
        %mul3A_846 = arith.muli %sub3A_844, %mul3A_845 : i32
        %add3A_847 = arith.addi %mul3A_2, %mul3A_846 : i32
        %dma_wait3A_848 = arith.constant 0 : i32
        %dma_wait3A_849 = arith.constant 0 : i32
        %dma_wait3A_850 = arith.constant 0 : i32
        %dma_wait3A_851 = arith.constant 0 : i32
        %dma_wait3A_852 = tpu.memref_slice %arg6[%dma_wait3A_848, %dma_wait3A_850, %dma_wait3A_851] : memref<10x64x128xf32, #tpu.memory_space<vmem>> -> memref<1x64x128xf32, #tpu.memory_space<vmem>>
        %dma_wait3A_853 = tpu.memref_squeeze %dma_wait3A_852 : memref<1x64x128xf32, #tpu.memory_space<vmem>> -> memref<64x128xf32, #tpu.memory_space<vmem>>
        %dma_wait3A_854 = arith.constant 0 : i32
        %dma_wait3A_855 = tpu.memref_slice %arg4[%add3A_847, %dma_wait3A_854] : memref<204800x128xf32, #tpu.memory_space<hbm>> -> memref<64x128xf32, #tpu.memory_space<hbm>>
        %dma_wait3A_856 = tpu.memref_slice %arg8[%dma_wait3A_849] : memref<10x!tpu.dma_semaphore, #tpu.memory_space<semaphore_mem>> -> memref<1x!tpu.dma_semaphore, #tpu.memory_space<semaphore_mem>>
        %dma_wait3A_857 = tpu.memref_squeeze %dma_wait3A_856 : memref<1x!tpu.dma_semaphore, #tpu.memory_space<semaphore_mem>> -> memref<!tpu.dma_semaphore, #tpu.memory_space<semaphore_mem>>
        %dma_wait3A_858 = arith.constant 0 : i32
        %dma_wait3A_859 = tpu.memref_slice %arg4[%add3A_847, %dma_wait3A_858] : memref<204800x128xf32, #tpu.memory_space<hbm>> -> memref<64x128xf32, #tpu.memory_space<hbm>>
        %dma_wait3A_860 = arith.constant 0 : i32
        %dma_wait3A_861 = arith.constant 0 : i32
        %dma_wait3A_862 = tpu.memref_slice %arg6[%dma_wait3A_848, %dma_wait3A_860, %dma_wait3A_861] : memref<10x64x128xf32, #tpu.memory_space<vmem>> -> memref<1x64x128xf32, #tpu.memory_space<vmem>>
        %dma_wait3A_863 = tpu.memref_squeeze %dma_wait3A_862 : memref<1x64x128xf32, #tpu.memory_space<vmem>> -> memref<64x128xf32, #tpu.memory_space<vmem>>
        tpu.wait_dma2 semaphore(%dma_wait3A_857 : memref<!tpu.dma_semaphore, #tpu.memory_space<semaphore_mem>>) src(%dma_wait3A_863 : memref<64x128xf32, #tpu.memory_space<vmem>>) dst(%dma_wait3A_859 : memref<64x128xf32, #tpu.memory_space<hbm>>)
      } else {
      }
      %dma_start3A = arith.constant 0 : i32
      %dma_start3A_194 = arith.constant 0 : i32
      %dma_start3A_195 = arith.constant 0 : i32
      %dma_start3A_196 = arith.constant 0 : i32
      %dma_start3A_197 = tpu.memref_slice %arg6[%dma_start3A, %dma_start3A_195, %dma_start3A_196] : memref<10x64x128xf32, #tpu.memory_space<vmem>> -> memref<1x64x128xf32, #tpu.memory_space<vmem>>
      %dma_start3A_198 = tpu.memref_squeeze %dma_start3A_197 : memref<1x64x128xf32, #tpu.memory_space<vmem>> -> memref<64x128xf32, #tpu.memory_space<vmem>>
      %dma_start3A_199 = arith.constant 0 : i32
      %dma_start3A_200 = tpu.memref_slice %arg5[%add3A_191, %dma_start3A_199] : memref<100x64xi32, #tpu.memory_space<vmem>> -> memref<1x64xi32, #tpu.memory_space<vmem>>
      %dma_start3A_201 = tpu.memref_squeeze %dma_start3A_200 : memref<1x64xi32, #tpu.memory_space<vmem>> -> memref<64xi32, #tpu.memory_space<vmem>>
      %dma_start3A_202 = arith.constant 0 : i32
      %dma_start3A_203 = arith.constant 0 : i32
      %dma_start3A_204 = tpu.memref_slice %arg3[%dma_start3A_202, %dma_start3A_203] : memref<100000x128xf32, #tpu.memory_space<hbm>> -> memref<100000x128xf32, #tpu.memory_space<hbm>>
      %dma_start3A_205 = tpu.memref_slice %arg7[%dma_start3A_194] : memref<10x!tpu.dma_semaphore, #tpu.memory_space<semaphore_mem>> -> memref<1x!tpu.dma_semaphore, #tpu.memory_space<semaphore_mem>>
      %dma_start3A_206 = tpu.memref_squeeze %dma_start3A_205 : memref<1x!tpu.dma_semaphore, #tpu.memory_space<semaphore_mem>> -> memref<!tpu.dma_semaphore, #tpu.memory_space<semaphore_mem>>
      tpu.enqueue_indirect_dma source(%dma_start3A_204 : memref<100000x128xf32, #tpu.memory_space<hbm>>) target(%dma_start3A_198 : memref<64x128xf32, #tpu.memory_space<vmem>>) offsets(%dma_start3A_201 : memref<64xi32, #tpu.memory_space<vmem>>) semaphore(%dma_start3A_206 : memref<!tpu.dma_semaphore, #tpu.memory_space<semaphore_mem>>)
      %mul3A_207 = arith.constant 10 : i32
      %mul3A_208 = arith.muli %scan3A_187, %mul3A_207 : i32
      %add3A_209 = arith.constant 1 : i32
      %add3A_210 = arith.addi %mul3A_208, %add3A_209 : i32
      %gt3A_211 = arith.constant 0 : i32
      %gt3A_212 = arith.cmpi sgt, %scan3A_187, %gt3A_211 : i32
      %convert_element_type3A_213 = arith.extui %gt3A_212 : i1 to i32
      %cond3A_214 = arith.constant 0 : i32
      %cond3A_215 = arith.cmpi ne, %convert_element_type3A_213, %cond3A_214 : i32
      scf.if %cond3A_215 {
        %sub3A = arith.constant 10 : i32
        %sub3A_844 = arith.subi %add3A_210, %sub3A : i32
        %mul3A_845 = arith.constant 64 : i32
        %mul3A_846 = arith.muli %sub3A_844, %mul3A_845 : i32
        %add3A_847 = arith.addi %mul3A_2, %mul3A_846 : i32
        %dma_wait3A_848 = arith.constant 1 : i32
        %dma_wait3A_849 = arith.constant 1 : i32
        %dma_wait3A_850 = arith.constant 0 : i32
        %dma_wait3A_851 = arith.constant 0 : i32
        %dma_wait3A_852 = tpu.memref_slice %arg6[%dma_wait3A_848, %dma_wait3A_850, %dma_wait3A_851] : memref<10x64x128xf32, #tpu.memory_space<vmem>> -> memref<1x64x128xf32, #tpu.memory_space<vmem>>
        %dma_wait3A_853 = tpu.memref_squeeze %dma_wait3A_852 : memref<1x64x128xf32, #tpu.memory_space<vmem>> -> memref<64x128xf32, #tpu.memory_space<vmem>>
        %dma_wait3A_854 = arith.constant 0 : i32
        %dma_wait3A_855 = tpu.memref_slice %arg4[%add3A_847, %dma_wait3A_854] : memref<204800x128xf32, #tpu.memory_space<hbm>> -> memref<64x128xf32, #tpu.memory_space<hbm>>
        %dma_wait3A_856 = tpu.memref_slice %arg8[%dma_wait3A_849] : memref<10x!tpu.dma_semaphore, #tpu.memory_space<semaphore_mem>> -> memref<1x!tpu.dma_semaphore, #tpu.memory_space<semaphore_mem>>
        %dma_wait3A_857 = tpu.memref_squeeze %dma_wait3A_856 : memref<1x!tpu.dma_semaphore, #tpu.memory_space<semaphore_mem>> -> memref<!tpu.dma_semaphore, #tpu.memory_space<semaphore_mem>>
        %dma_wait3A_858 = arith.constant 0 : i32
        %dma_wait3A_859 = tpu.memref_slice %arg4[%add3A_847, %dma_wait3A_858] : memref<204800x128xf32, #tpu.memory_space<hbm>> -> memref<64x128xf32, #tpu.memory_space<hbm>>
        %dma_wait3A_860 = arith.constant 0 : i32
        %dma_wait3A_861 = arith.constant 0 : i32
        %dma_wait3A_862 = tpu.memref_slice %arg6[%dma_wait3A_848, %dma_wait3A_860, %dma_wait3A_861] : memref<10x64x128xf32, #tpu.memory_space<vmem>> -> memref<1x64x128xf32, #tpu.memory_space<vmem>>
        %dma_wait3A_863 = tpu.memref_squeeze %dma_wait3A_862 : memref<1x64x128xf32, #tpu.memory_space<vmem>> -> memref<64x128xf32, #tpu.memory_space<vmem>>
        tpu.wait_dma2 semaphore(%dma_wait3A_857 : memref<!tpu.dma_semaphore, #tpu.memory_space<semaphore_mem>>) src(%dma_wait3A_863 : memref<64x128xf32, #tpu.memory_space<vmem>>) dst(%dma_wait3A_859 : memref<64x128xf32, #tpu.memory_space<hbm>>)
      } else {
      }
      %dma_start3A_216 = arith.constant 1 : i32
      %dma_start3A_217 = arith.constant 1 : i32
      %dma_start3A_218 = arith.constant 0 : i32
      %dma_start3A_219 = arith.constant 0 : i32
      %dma_start3A_220 = tpu.memref_slice %arg6[%dma_start3A_216, %dma_start3A_218, %dma_start3A_219] : memref<10x64x128xf32, #tpu.memory_space<vmem>> -> memref<1x64x128xf32, #tpu.memory_space<vmem>>
      %dma_start3A_221 = tpu.memref_squeeze %dma_start3A_220 : memref<1x64x128xf32, #tpu.memory_space<vmem>> -> memref<64x128xf32, #tpu.memory_space<vmem>>
      %dma_start3A_222 = arith.constant 0 : i32
      %dma_start3A_223 = tpu.memref_slice %arg5[%add3A_210, %dma_start3A_222] : memref<100x64xi32, #tpu.memory_space<vmem>> -> memref<1x64xi32, #tpu.memory_space<vmem>>
      %dma_start3A_224 = tpu.memref_squeeze %dma_start3A_223 : memref<1x64xi32, #tpu.memory_space<vmem>> -> memref<64xi32, #tpu.memory_space<vmem>>
      %dma_start3A_225 = arith.constant 0 : i32
      %dma_start3A_226 = arith.constant 0 : i32
      %dma_start3A_227 = tpu.memref_slice %arg3[%dma_start3A_225, %dma_start3A_226] : memref<100000x128xf32, #tpu.memory_space<hbm>> -> memref<100000x128xf32, #tpu.memory_space<hbm>>
      %dma_start3A_228 = tpu.memref_slice %arg7[%dma_start3A_217] : memref<10x!tpu.dma_semaphore, #tpu.memory_space<semaphore_mem>> -> memref<1x!tpu.dma_semaphore, #tpu.memory_space<semaphore_mem>>
      %dma_start3A_229 = tpu.memref_squeeze %dma_start3A_228 : memref<1x!tpu.dma_semaphore, #tpu.memory_space<semaphore_mem>> -> memref<!tpu.dma_semaphore, #tpu.memory_space<semaphore_mem>>
      tpu.enqueue_indirect_dma source(%dma_start3A_227 : memref<100000x128xf32, #tpu.memory_space<hbm>>) target(%dma_start3A_221 : memref<64x128xf32, #tpu.memory_space<vmem>>) offsets(%dma_start3A_224 : memref<64xi32, #tpu.memory_space<vmem>>) semaphore(%dma_start3A_229 : memref<!tpu.dma_semaphore, #tpu.memory_space<semaphore_mem>>)
      %mul3A_230 = arith.constant 10 : i32
      %mul3A_231 = arith.muli %scan3A_187, %mul3A_230 : i32
      %add3A_232 = arith.constant 2 : i32
      %add3A_233 = arith.addi %mul3A_231, %add3A_232 : i32
      %gt3A_234 = arith.constant 0 : i32
      %gt3A_235 = arith.cmpi sgt, %scan3A_187, %gt3A_234 : i32
      %convert_element_type3A_236 = arith.extui %gt3A_235 : i1 to i32
      %cond3A_237 = arith.constant 0 : i32
      %cond3A_238 = arith.cmpi ne, %convert_element_type3A_236, %cond3A_237 : i32
      scf.if %cond3A_238 {
        %sub3A = arith.constant 10 : i32
        %sub3A_844 = arith.subi %add3A_233, %sub3A : i32
        %mul3A_845 = arith.constant 64 : i32
        %mul3A_846 = arith.muli %sub3A_844, %mul3A_845 : i32
        %add3A_847 = arith.addi %mul3A_2, %mul3A_846 : i32
        %dma_wait3A_848 = arith.constant 2 : i32
        %dma_wait3A_849 = arith.constant 2 : i32
        %dma_wait3A_850 = arith.constant 0 : i32
        %dma_wait3A_851 = arith.constant 0 : i32
        %dma_wait3A_852 = tpu.memref_slice %arg6[%dma_wait3A_848, %dma_wait3A_850, %dma_wait3A_851] : memref<10x64x128xf32, #tpu.memory_space<vmem>> -> memref<1x64x128xf32, #tpu.memory_space<vmem>>
        %dma_wait3A_853 = tpu.memref_squeeze %dma_wait3A_852 : memref<1x64x128xf32, #tpu.memory_space<vmem>> -> memref<64x128xf32, #tpu.memory_space<vmem>>
        %dma_wait3A_854 = arith.constant 0 : i32
        %dma_wait3A_855 = tpu.memref_slice %arg4[%add3A_847, %dma_wait3A_854] : memref<204800x128xf32, #tpu.memory_space<hbm>> -> memref<64x128xf32, #tpu.memory_space<hbm>>
        %dma_wait3A_856 = tpu.memref_slice %arg8[%dma_wait3A_849] : memref<10x!tpu.dma_semaphore, #tpu.memory_space<semaphore_mem>> -> memref<1x!tpu.dma_semaphore, #tpu.memory_space<semaphore_mem>>
        %dma_wait3A_857 = tpu.memref_squeeze %dma_wait3A_856 : memref<1x!tpu.dma_semaphore, #tpu.memory_space<semaphore_mem>> -> memref<!tpu.dma_semaphore, #tpu.memory_space<semaphore_mem>>
        %dma_wait3A_858 = arith.constant 0 : i32
        %dma_wait3A_859 = tpu.memref_slice %arg4[%add3A_847, %dma_wait3A_858] : memref<204800x128xf32, #tpu.memory_space<hbm>> -> memref<64x128xf32, #tpu.memory_space<hbm>>
        %dma_wait3A_860 = arith.constant 0 : i32
        %dma_wait3A_861 = arith.constant 0 : i32
        %dma_wait3A_862 = tpu.memref_slice %arg6[%dma_wait3A_848, %dma_wait3A_860, %dma_wait3A_861] : memref<10x64x128xf32, #tpu.memory_space<vmem>> -> memref<1x64x128xf32, #tpu.memory_space<vmem>>
        %dma_wait3A_863 = tpu.memref_squeeze %dma_wait3A_862 : memref<1x64x128xf32, #tpu.memory_space<vmem>> -> memref<64x128xf32, #tpu.memory_space<vmem>>
        tpu.wait_dma2 semaphore(%dma_wait3A_857 : memref<!tpu.dma_semaphore, #tpu.memory_space<semaphore_mem>>) src(%dma_wait3A_863 : memref<64x128xf32, #tpu.memory_space<vmem>>) dst(%dma_wait3A_859 : memref<64x128xf32, #tpu.memory_space<hbm>>)
      } else {
      }
      %dma_start3A_239 = arith.constant 2 : i32
      %dma_start3A_240 = arith.constant 2 : i32
      %dma_start3A_241 = arith.constant 0 : i32
      %dma_start3A_242 = arith.constant 0 : i32
      %dma_start3A_243 = tpu.memref_slice %arg6[%dma_start3A_239, %dma_start3A_241, %dma_start3A_242] : memref<10x64x128xf32, #tpu.memory_space<vmem>> -> memref<1x64x128xf32, #tpu.memory_space<vmem>>
      %dma_start3A_244 = tpu.memref_squeeze %dma_start3A_243 : memref<1x64x128xf32, #tpu.memory_space<vmem>> -> memref<64x128xf32, #tpu.memory_space<vmem>>
      %dma_start3A_245 = arith.constant 0 : i32
      %dma_start3A_246 = tpu.memref_slice %arg5[%add3A_233, %dma_start3A_245] : memref<100x64xi32, #tpu.memory_space<vmem>> -> memref<1x64xi32, #tpu.memory_space<vmem>>
      %dma_start3A_247 = tpu.memref_squeeze %dma_start3A_246 : memref<1x64xi32, #tpu.memory_space<vmem>> -> memref<64xi32, #tpu.memory_space<vmem>>
      %dma_start3A_248 = arith.constant 0 : i32
      %dma_start3A_249 = arith.constant 0 : i32
      %dma_start3A_250 = tpu.memref_slice %arg3[%dma_start3A_248, %dma_start3A_249] : memref<100000x128xf32, #tpu.memory_space<hbm>> -> memref<100000x128xf32, #tpu.memory_space<hbm>>
      %dma_start3A_251 = tpu.memref_slice %arg7[%dma_start3A_240] : memref<10x!tpu.dma_semaphore, #tpu.memory_space<semaphore_mem>> -> memref<1x!tpu.dma_semaphore, #tpu.memory_space<semaphore_mem>>
      %dma_start3A_252 = tpu.memref_squeeze %dma_start3A_251 : memref<1x!tpu.dma_semaphore, #tpu.memory_space<semaphore_mem>> -> memref<!tpu.dma_semaphore, #tpu.memory_space<semaphore_mem>>
      tpu.enqueue_indirect_dma source(%dma_start3A_250 : memref<100000x128xf32, #tpu.memory_space<hbm>>) target(%dma_start3A_244 : memref<64x128xf32, #tpu.memory_space<vmem>>) offsets(%dma_start3A_247 : memref<64xi32, #tpu.memory_space<vmem>>) semaphore(%dma_start3A_252 : memref<!tpu.dma_semaphore, #tpu.memory_space<semaphore_mem>>)
      %mul3A_253 = arith.constant 10 : i32
      %mul3A_254 = arith.muli %scan3A_187, %mul3A_253 : i32
      %add3A_255 = arith.constant 3 : i32
      %add3A_256 = arith.addi %mul3A_254, %add3A_255 : i32
      %gt3A_257 = arith.constant 0 : i32
      %gt3A_258 = arith.cmpi sgt, %scan3A_187, %gt3A_257 : i32
      %convert_element_type3A_259 = arith.extui %gt3A_258 : i1 to i32
      %cond3A_260 = arith.constant 0 : i32
      %cond3A_261 = arith.cmpi ne, %convert_element_type3A_259, %cond3A_260 : i32
      scf.if %cond3A_261 {
        %sub3A = arith.constant 10 : i32
        %sub3A_844 = arith.subi %add3A_256, %sub3A : i32
        %mul3A_845 = arith.constant 64 : i32
        %mul3A_846 = arith.muli %sub3A_844, %mul3A_845 : i32
        %add3A_847 = arith.addi %mul3A_2, %mul3A_846 : i32
        %dma_wait3A_848 = arith.constant 3 : i32
        %dma_wait3A_849 = arith.constant 3 : i32
        %dma_wait3A_850 = arith.constant 0 : i32
        %dma_wait3A_851 = arith.constant 0 : i32
        %dma_wait3A_852 = tpu.memref_slice %arg6[%dma_wait3A_848, %dma_wait3A_850, %dma_wait3A_851] : memref<10x64x128xf32, #tpu.memory_space<vmem>> -> memref<1x64x128xf32, #tpu.memory_space<vmem>>
        %dma_wait3A_853 = tpu.memref_squeeze %dma_wait3A_852 : memref<1x64x128xf32, #tpu.memory_space<vmem>> -> memref<64x128xf32, #tpu.memory_space<vmem>>
        %dma_wait3A_854 = arith.constant 0 : i32
        %dma_wait3A_855 = tpu.memref_slice %arg4[%add3A_847, %dma_wait3A_854] : memref<204800x128xf32, #tpu.memory_space<hbm>> -> memref<64x128xf32, #tpu.memory_space<hbm>>
        %dma_wait3A_856 = tpu.memref_slice %arg8[%dma_wait3A_849] : memref<10x!tpu.dma_semaphore, #tpu.memory_space<semaphore_mem>> -> memref<1x!tpu.dma_semaphore, #tpu.memory_space<semaphore_mem>>
        %dma_wait3A_857 = tpu.memref_squeeze %dma_wait3A_856 : memref<1x!tpu.dma_semaphore, #tpu.memory_space<semaphore_mem>> -> memref<!tpu.dma_semaphore, #tpu.memory_space<semaphore_mem>>
        %dma_wait3A_858 = arith.constant 0 : i32
        %dma_wait3A_859 = tpu.memref_slice %arg4[%add3A_847, %dma_wait3A_858] : memref<204800x128xf32, #tpu.memory_space<hbm>> -> memref<64x128xf32, #tpu.memory_space<hbm>>
        %dma_wait3A_860 = arith.constant 0 : i32
        %dma_wait3A_861 = arith.constant 0 : i32
        %dma_wait3A_862 = tpu.memref_slice %arg6[%dma_wait3A_848, %dma_wait3A_860, %dma_wait3A_861] : memref<10x64x128xf32, #tpu.memory_space<vmem>> -> memref<1x64x128xf32, #tpu.memory_space<vmem>>
        %dma_wait3A_863 = tpu.memref_squeeze %dma_wait3A_862 : memref<1x64x128xf32, #tpu.memory_space<vmem>> -> memref<64x128xf32, #tpu.memory_space<vmem>>
        tpu.wait_dma2 semaphore(%dma_wait3A_857 : memref<!tpu.dma_semaphore, #tpu.memory_space<semaphore_mem>>) src(%dma_wait3A_863 : memref<64x128xf32, #tpu.memory_space<vmem>>) dst(%dma_wait3A_859 : memref<64x128xf32, #tpu.memory_space<hbm>>)
      } else {
      }
      %dma_start3A_262 = arith.constant 3 : i32
      %dma_start3A_263 = arith.constant 3 : i32
      %dma_start3A_264 = arith.constant 0 : i32
      %dma_start3A_265 = arith.constant 0 : i32
      %dma_start3A_266 = tpu.memref_slice %arg6[%dma_start3A_262, %dma_start3A_264, %dma_start3A_265] : memref<10x64x128xf32, #tpu.memory_space<vmem>> -> memref<1x64x128xf32, #tpu.memory_space<vmem>>
      %dma_start3A_267 = tpu.memref_squeeze %dma_start3A_266 : memref<1x64x128xf32, #tpu.memory_space<vmem>> -> memref<64x128xf32, #tpu.memory_space<vmem>>
      %dma_start3A_268 = arith.constant 0 : i32
      %dma_start3A_269 = tpu.memref_slice %arg5[%add3A_256, %dma_start3A_268] : memref<100x64xi32, #tpu.memory_space<vmem>> -> memref<1x64xi32, #tpu.memory_space<vmem>>
      %dma_start3A_270 = tpu.memref_squeeze %dma_start3A_269 : memref<1x64xi32, #tpu.memory_space<vmem>> -> memref<64xi32, #tpu.memory_space<vmem>>
      %dma_start3A_271 = arith.constant 0 : i32
      %dma_start3A_272 = arith.constant 0 : i32
      %dma_start3A_273 = tpu.memref_slice %arg3[%dma_start3A_271, %dma_start3A_272] : memref<100000x128xf32, #tpu.memory_space<hbm>> -> memref<100000x128xf32, #tpu.memory_space<hbm>>
      %dma_start3A_274 = tpu.memref_slice %arg7[%dma_start3A_263] : memref<10x!tpu.dma_semaphore, #tpu.memory_space<semaphore_mem>> -> memref<1x!tpu.dma_semaphore, #tpu.memory_space<semaphore_mem>>
      %dma_start3A_275 = tpu.memref_squeeze %dma_start3A_274 : memref<1x!tpu.dma_semaphore, #tpu.memory_space<semaphore_mem>> -> memref<!tpu.dma_semaphore, #tpu.memory_space<semaphore_mem>>
      tpu.enqueue_indirect_dma source(%dma_start3A_273 : memref<100000x128xf32, #tpu.memory_space<hbm>>) target(%dma_start3A_267 : memref<64x128xf32, #tpu.memory_space<vmem>>) offsets(%dma_start3A_270 : memref<64xi32, #tpu.memory_space<vmem>>) semaphore(%dma_start3A_275 : memref<!tpu.dma_semaphore, #tpu.memory_space<semaphore_mem>>)
      %mul3A_276 = arith.constant 10 : i32
      %mul3A_277 = arith.muli %scan3A_187, %mul3A_276 : i32
      %add3A_278 = arith.constant 4 : i32
      %add3A_279 = arith.addi %mul3A_277, %add3A_278 : i32
      %gt3A_280 = arith.constant 0 : i32
      %gt3A_281 = arith.cmpi sgt, %scan3A_187, %gt3A_280 : i32
      %convert_element_type3A_282 = arith.extui %gt3A_281 : i1 to i32
      %cond3A_283 = arith.constant 0 : i32
      %cond3A_284 = arith.cmpi ne, %convert_element_type3A_282, %cond3A_283 : i32
      scf.if %cond3A_284 {
        %sub3A = arith.constant 10 : i32
        %sub3A_844 = arith.subi %add3A_279, %sub3A : i32
        %mul3A_845 = arith.constant 64 : i32
        %mul3A_846 = arith.muli %sub3A_844, %mul3A_845 : i32
        %add3A_847 = arith.addi %mul3A_2, %mul3A_846 : i32
        %dma_wait3A_848 = arith.constant 4 : i32
        %dma_wait3A_849 = arith.constant 4 : i32
        %dma_wait3A_850 = arith.constant 0 : i32
        %dma_wait3A_851 = arith.constant 0 : i32
        %dma_wait3A_852 = tpu.memref_slice %arg6[%dma_wait3A_848, %dma_wait3A_850, %dma_wait3A_851] : memref<10x64x128xf32, #tpu.memory_space<vmem>> -> memref<1x64x128xf32, #tpu.memory_space<vmem>>
        %dma_wait3A_853 = tpu.memref_squeeze %dma_wait3A_852 : memref<1x64x128xf32, #tpu.memory_space<vmem>> -> memref<64x128xf32, #tpu.memory_space<vmem>>
        %dma_wait3A_854 = arith.constant 0 : i32
        %dma_wait3A_855 = tpu.memref_slice %arg4[%add3A_847, %dma_wait3A_854] : memref<204800x128xf32, #tpu.memory_space<hbm>> -> memref<64x128xf32, #tpu.memory_space<hbm>>
        %dma_wait3A_856 = tpu.memref_slice %arg8[%dma_wait3A_849] : memref<10x!tpu.dma_semaphore, #tpu.memory_space<semaphore_mem>> -> memref<1x!tpu.dma_semaphore, #tpu.memory_space<semaphore_mem>>
        %dma_wait3A_857 = tpu.memref_squeeze %dma_wait3A_856 : memref<1x!tpu.dma_semaphore, #tpu.memory_space<semaphore_mem>> -> memref<!tpu.dma_semaphore, #tpu.memory_space<semaphore_mem>>
        %dma_wait3A_858 = arith.constant 0 : i32
        %dma_wait3A_859 = tpu.memref_slice %arg4[%add3A_847, %dma_wait3A_858] : memref<204800x128xf32, #tpu.memory_space<hbm>> -> memref<64x128xf32, #tpu.memory_space<hbm>>
        %dma_wait3A_860 = arith.constant 0 : i32
        %dma_wait3A_861 = arith.constant 0 : i32
        %dma_wait3A_862 = tpu.memref_slice %arg6[%dma_wait3A_848, %dma_wait3A_860, %dma_wait3A_861] : memref<10x64x128xf32, #tpu.memory_space<vmem>> -> memref<1x64x128xf32, #tpu.memory_space<vmem>>
        %dma_wait3A_863 = tpu.memref_squeeze %dma_wait3A_862 : memref<1x64x128xf32, #tpu.memory_space<vmem>> -> memref<64x128xf32, #tpu.memory_space<vmem>>
        tpu.wait_dma2 semaphore(%dma_wait3A_857 : memref<!tpu.dma_semaphore, #tpu.memory_space<semaphore_mem>>) src(%dma_wait3A_863 : memref<64x128xf32, #tpu.memory_space<vmem>>) dst(%dma_wait3A_859 : memref<64x128xf32, #tpu.memory_space<hbm>>)
      } else {
      }
      %dma_start3A_285 = arith.constant 4 : i32
      %dma_start3A_286 = arith.constant 4 : i32
      %dma_start3A_287 = arith.constant 0 : i32
      %dma_start3A_288 = arith.constant 0 : i32
      %dma_start3A_289 = tpu.memref_slice %arg6[%dma_start3A_285, %dma_start3A_287, %dma_start3A_288] : memref<10x64x128xf32, #tpu.memory_space<vmem>> -> memref<1x64x128xf32, #tpu.memory_space<vmem>>
      %dma_start3A_290 = tpu.memref_squeeze %dma_start3A_289 : memref<1x64x128xf32, #tpu.memory_space<vmem>> -> memref<64x128xf32, #tpu.memory_space<vmem>>
      %dma_start3A_291 = arith.constant 0 : i32
      %dma_start3A_292 = tpu.memref_slice %arg5[%add3A_279, %dma_start3A_291] : memref<100x64xi32, #tpu.memory_space<vmem>> -> memref<1x64xi32, #tpu.memory_space<vmem>>
      %dma_start3A_293 = tpu.memref_squeeze %dma_start3A_292 : memref<1x64xi32, #tpu.memory_space<vmem>> -> memref<64xi32, #tpu.memory_space<vmem>>
      %dma_start3A_294 = arith.constant 0 : i32
      %dma_start3A_295 = arith.constant 0 : i32
      %dma_start3A_296 = tpu.memref_slice %arg3[%dma_start3A_294, %dma_start3A_295] : memref<100000x128xf32, #tpu.memory_space<hbm>> -> memref<100000x128xf32, #tpu.memory_space<hbm>>
      %dma_start3A_297 = tpu.memref_slice %arg7[%dma_start3A_286] : memref<10x!tpu.dma_semaphore, #tpu.memory_space<semaphore_mem>> -> memref<1x!tpu.dma_semaphore, #tpu.memory_space<semaphore_mem>>
      %dma_start3A_298 = tpu.memref_squeeze %dma_start3A_297 : memref<1x!tpu.dma_semaphore, #tpu.memory_space<semaphore_mem>> -> memref<!tpu.dma_semaphore, #tpu.memory_space<semaphore_mem>>
      tpu.enqueue_indirect_dma source(%dma_start3A_296 : memref<100000x128xf32, #tpu.memory_space<hbm>>) target(%dma_start3A_290 : memref<64x128xf32, #tpu.memory_space<vmem>>) offsets(%dma_start3A_293 : memref<64xi32, #tpu.memory_space<vmem>>) semaphore(%dma_start3A_298 : memref<!tpu.dma_semaphore, #tpu.memory_space<semaphore_mem>>)
      %mul3A_299 = arith.constant 10 : i32
      %mul3A_300 = arith.muli %scan3A_187, %mul3A_299 : i32
      %add3A_301 = arith.constant 5 : i32
      %add3A_302 = arith.addi %mul3A_300, %add3A_301 : i32
      %gt3A_303 = arith.constant 0 : i32
      %gt3A_304 = arith.cmpi sgt, %scan3A_187, %gt3A_303 : i32
      %convert_element_type3A_305 = arith.extui %gt3A_304 : i1 to i32
      %cond3A_306 = arith.constant 0 : i32
      %cond3A_307 = arith.cmpi ne, %convert_element_type3A_305, %cond3A_306 : i32
      scf.if %cond3A_307 {
        %sub3A = arith.constant 10 : i32
        %sub3A_844 = arith.subi %add3A_302, %sub3A : i32
        %mul3A_845 = arith.constant 64 : i32
        %mul3A_846 = arith.muli %sub3A_844, %mul3A_845 : i32
        %add3A_847 = arith.addi %mul3A_2, %mul3A_846 : i32
        %dma_wait3A_848 = arith.constant 5 : i32
        %dma_wait3A_849 = arith.constant 5 : i32
        %dma_wait3A_850 = arith.constant 0 : i32
        %dma_wait3A_851 = arith.constant 0 : i32
        %dma_wait3A_852 = tpu.memref_slice %arg6[%dma_wait3A_848, %dma_wait3A_850, %dma_wait3A_851] : memref<10x64x128xf32, #tpu.memory_space<vmem>> -> memref<1x64x128xf32, #tpu.memory_space<vmem>>
        %dma_wait3A_853 = tpu.memref_squeeze %dma_wait3A_852 : memref<1x64x128xf32, #tpu.memory_space<vmem>> -> memref<64x128xf32, #tpu.memory_space<vmem>>
        %dma_wait3A_854 = arith.constant 0 : i32
        %dma_wait3A_855 = tpu.memref_slice %arg4[%add3A_847, %dma_wait3A_854] : memref<204800x128xf32, #tpu.memory_space<hbm>> -> memref<64x128xf32, #tpu.memory_space<hbm>>
        %dma_wait3A_856 = tpu.memref_slice %arg8[%dma_wait3A_849] : memref<10x!tpu.dma_semaphore, #tpu.memory_space<semaphore_mem>> -> memref<1x!tpu.dma_semaphore, #tpu.memory_space<semaphore_mem>>
        %dma_wait3A_857 = tpu.memref_squeeze %dma_wait3A_856 : memref<1x!tpu.dma_semaphore, #tpu.memory_space<semaphore_mem>> -> memref<!tpu.dma_semaphore, #tpu.memory_space<semaphore_mem>>
        %dma_wait3A_858 = arith.constant 0 : i32
        %dma_wait3A_859 = tpu.memref_slice %arg4[%add3A_847, %dma_wait3A_858] : memref<204800x128xf32, #tpu.memory_space<hbm>> -> memref<64x128xf32, #tpu.memory_space<hbm>>
        %dma_wait3A_860 = arith.constant 0 : i32
        %dma_wait3A_861 = arith.constant 0 : i32
        %dma_wait3A_862 = tpu.memref_slice %arg6[%dma_wait3A_848, %dma_wait3A_860, %dma_wait3A_861] : memref<10x64x128xf32, #tpu.memory_space<vmem>> -> memref<1x64x128xf32, #tpu.memory_space<vmem>>
        %dma_wait3A_863 = tpu.memref_squeeze %dma_wait3A_862 : memref<1x64x128xf32, #tpu.memory_space<vmem>> -> memref<64x128xf32, #tpu.memory_space<vmem>>
        tpu.wait_dma2 semaphore(%dma_wait3A_857 : memref<!tpu.dma_semaphore, #tpu.memory_space<semaphore_mem>>) src(%dma_wait3A_863 : memref<64x128xf32, #tpu.memory_space<vmem>>) dst(%dma_wait3A_859 : memref<64x128xf32, #tpu.memory_space<hbm>>)
      } else {
      }
      %dma_start3A_308 = arith.constant 5 : i32
      %dma_start3A_309 = arith.constant 5 : i32
      %dma_start3A_310 = arith.constant 0 : i32
      %dma_start3A_311 = arith.constant 0 : i32
      %dma_start3A_312 = tpu.memref_slice %arg6[%dma_start3A_308, %dma_start3A_310, %dma_start3A_311] : memref<10x64x128xf32, #tpu.memory_space<vmem>> -> memref<1x64x128xf32, #tpu.memory_space<vmem>>
      %dma_start3A_313 = tpu.memref_squeeze %dma_start3A_312 : memref<1x64x128xf32, #tpu.memory_space<vmem>> -> memref<64x128xf32, #tpu.memory_space<vmem>>
      %dma_start3A_314 = arith.constant 0 : i32
      %dma_start3A_315 = tpu.memref_slice %arg5[%add3A_302, %dma_start3A_314] : memref<100x64xi32, #tpu.memory_space<vmem>> -> memref<1x64xi32, #tpu.memory_space<vmem>>
      %dma_start3A_316 = tpu.memref_squeeze %dma_start3A_315 : memref<1x64xi32, #tpu.memory_space<vmem>> -> memref<64xi32, #tpu.memory_space<vmem>>
      %dma_start3A_317 = arith.constant 0 : i32
      %dma_start3A_318 = arith.constant 0 : i32
      %dma_start3A_319 = tpu.memref_slice %arg3[%dma_start3A_317, %dma_start3A_318] : memref<100000x128xf32, #tpu.memory_space<hbm>> -> memref<100000x128xf32, #tpu.memory_space<hbm>>
      %dma_start3A_320 = tpu.memref_slice %arg7[%dma_start3A_309] : memref<10x!tpu.dma_semaphore, #tpu.memory_space<semaphore_mem>> -> memref<1x!tpu.dma_semaphore, #tpu.memory_space<semaphore_mem>>
      %dma_start3A_321 = tpu.memref_squeeze %dma_start3A_320 : memref<1x!tpu.dma_semaphore, #tpu.memory_space<semaphore_mem>> -> memref<!tpu.dma_semaphore, #tpu.memory_space<semaphore_mem>>
      tpu.enqueue_indirect_dma source(%dma_start3A_319 : memref<100000x128xf32, #tpu.memory_space<hbm>>) target(%dma_start3A_313 : memref<64x128xf32, #tpu.memory_space<vmem>>) offsets(%dma_start3A_316 : memref<64xi32, #tpu.memory_space<vmem>>) semaphore(%dma_start3A_321 : memref<!tpu.dma_semaphore, #tpu.memory_space<semaphore_mem>>)
      %mul3A_322 = arith.constant 10 : i32
      %mul3A_323 = arith.muli %scan3A_187, %mul3A_322 : i32
      %add3A_324 = arith.constant 6 : i32
      %add3A_325 = arith.addi %mul3A_323, %add3A_324 : i32
      %gt3A_326 = arith.constant 0 : i32
      %gt3A_327 = arith.cmpi sgt, %scan3A_187, %gt3A_326 : i32
      %convert_element_type3A_328 = arith.extui %gt3A_327 : i1 to i32
      %cond3A_329 = arith.constant 0 : i32
      %cond3A_330 = arith.cmpi ne, %convert_element_type3A_328, %cond3A_329 : i32
      scf.if %cond3A_330 {
        %sub3A = arith.constant 10 : i32
        %sub3A_844 = arith.subi %add3A_325, %sub3A : i32
        %mul3A_845 = arith.constant 64 : i32
        %mul3A_846 = arith.muli %sub3A_844, %mul3A_845 : i32
        %add3A_847 = arith.addi %mul3A_2, %mul3A_846 : i32
        %dma_wait3A_848 = arith.constant 6 : i32
        %dma_wait3A_849 = arith.constant 6 : i32
        %dma_wait3A_850 = arith.constant 0 : i32
        %dma_wait3A_851 = arith.constant 0 : i32
        %dma_wait3A_852 = tpu.memref_slice %arg6[%dma_wait3A_848, %dma_wait3A_850, %dma_wait3A_851] : memref<10x64x128xf32, #tpu.memory_space<vmem>> -> memref<1x64x128xf32, #tpu.memory_space<vmem>>
        %dma_wait3A_853 = tpu.memref_squeeze %dma_wait3A_852 : memref<1x64x128xf32, #tpu.memory_space<vmem>> -> memref<64x128xf32, #tpu.memory_space<vmem>>
        %dma_wait3A_854 = arith.constant 0 : i32
        %dma_wait3A_855 = tpu.memref_slice %arg4[%add3A_847, %dma_wait3A_854] : memref<204800x128xf32, #tpu.memory_space<hbm>> -> memref<64x128xf32, #tpu.memory_space<hbm>>
        %dma_wait3A_856 = tpu.memref_slice %arg8[%dma_wait3A_849] : memref<10x!tpu.dma_semaphore, #tpu.memory_space<semaphore_mem>> -> memref<1x!tpu.dma_semaphore, #tpu.memory_space<semaphore_mem>>
        %dma_wait3A_857 = tpu.memref_squeeze %dma_wait3A_856 : memref<1x!tpu.dma_semaphore, #tpu.memory_space<semaphore_mem>> -> memref<!tpu.dma_semaphore, #tpu.memory_space<semaphore_mem>>
        %dma_wait3A_858 = arith.constant 0 : i32
        %dma_wait3A_859 = tpu.memref_slice %arg4[%add3A_847, %dma_wait3A_858] : memref<204800x128xf32, #tpu.memory_space<hbm>> -> memref<64x128xf32, #tpu.memory_space<hbm>>
        %dma_wait3A_860 = arith.constant 0 : i32
        %dma_wait3A_861 = arith.constant 0 : i32
        %dma_wait3A_862 = tpu.memref_slice %arg6[%dma_wait3A_848, %dma_wait3A_860, %dma_wait3A_861] : memref<10x64x128xf32, #tpu.memory_space<vmem>> -> memref<1x64x128xf32, #tpu.memory_space<vmem>>
        %dma_wait3A_863 = tpu.memref_squeeze %dma_wait3A_862 : memref<1x64x128xf32, #tpu.memory_space<vmem>> -> memref<64x128xf32, #tpu.memory_space<vmem>>
        tpu.wait_dma2 semaphore(%dma_wait3A_857 : memref<!tpu.dma_semaphore, #tpu.memory_space<semaphore_mem>>) src(%dma_wait3A_863 : memref<64x128xf32, #tpu.memory_space<vmem>>) dst(%dma_wait3A_859 : memref<64x128xf32, #tpu.memory_space<hbm>>)
      } else {
      }
      %dma_start3A_331 = arith.constant 6 : i32
      %dma_start3A_332 = arith.constant 6 : i32
      %dma_start3A_333 = arith.constant 0 : i32
      %dma_start3A_334 = arith.constant 0 : i32
      %dma_start3A_335 = tpu.memref_slice %arg6[%dma_start3A_331, %dma_start3A_333, %dma_start3A_334] : memref<10x64x128xf32, #tpu.memory_space<vmem>> -> memref<1x64x128xf32, #tpu.memory_space<vmem>>
      %dma_start3A_336 = tpu.memref_squeeze %dma_start3A_335 : memref<1x64x128xf32, #tpu.memory_space<vmem>> -> memref<64x128xf32, #tpu.memory_space<vmem>>
      %dma_start3A_337 = arith.constant 0 : i32
      %dma_start3A_338 = tpu.memref_slice %arg5[%add3A_325, %dma_start3A_337] : memref<100x64xi32, #tpu.memory_space<vmem>> -> memref<1x64xi32, #tpu.memory_space<vmem>>
      %dma_start3A_339 = tpu.memref_squeeze %dma_start3A_338 : memref<1x64xi32, #tpu.memory_space<vmem>> -> memref<64xi32, #tpu.memory_space<vmem>>
      %dma_start3A_340 = arith.constant 0 : i32
      %dma_start3A_341 = arith.constant 0 : i32
      %dma_start3A_342 = tpu.memref_slice %arg3[%dma_start3A_340, %dma_start3A_341] : memref<100000x128xf32, #tpu.memory_space<hbm>> -> memref<100000x128xf32, #tpu.memory_space<hbm>>
      %dma_start3A_343 = tpu.memref_slice %arg7[%dma_start3A_332] : memref<10x!tpu.dma_semaphore, #tpu.memory_space<semaphore_mem>> -> memref<1x!tpu.dma_semaphore, #tpu.memory_space<semaphore_mem>>
      %dma_start3A_344 = tpu.memref_squeeze %dma_start3A_343 : memref<1x!tpu.dma_semaphore, #tpu.memory_space<semaphore_mem>> -> memref<!tpu.dma_semaphore, #tpu.memory_space<semaphore_mem>>
      tpu.enqueue_indirect_dma source(%dma_start3A_342 : memref<100000x128xf32, #tpu.memory_space<hbm>>) target(%dma_start3A_336 : memref<64x128xf32, #tpu.memory_space<vmem>>) offsets(%dma_start3A_339 : memref<64xi32, #tpu.memory_space<vmem>>) semaphore(%dma_start3A_344 : memref<!tpu.dma_semaphore, #tpu.memory_space<semaphore_mem>>)
      %mul3A_345 = arith.constant 10 : i32
      %mul3A_346 = arith.muli %scan3A_187, %mul3A_345 : i32
      %add3A_347 = arith.constant 7 : i32
      %add3A_348 = arith.addi %mul3A_346, %add3A_347 : i32
      %gt3A_349 = arith.constant 0 : i32
      %gt3A_350 = arith.cmpi sgt, %scan3A_187, %gt3A_349 : i32
      %convert_element_type3A_351 = arith.extui %gt3A_350 : i1 to i32
      %cond3A_352 = arith.constant 0 : i32
      %cond3A_353 = arith.cmpi ne, %convert_element_type3A_351, %cond3A_352 : i32
      scf.if %cond3A_353 {
        %sub3A = arith.constant 10 : i32
        %sub3A_844 = arith.subi %add3A_348, %sub3A : i32
        %mul3A_845 = arith.constant 64 : i32
        %mul3A_846 = arith.muli %sub3A_844, %mul3A_845 : i32
        %add3A_847 = arith.addi %mul3A_2, %mul3A_846 : i32
        %dma_wait3A_848 = arith.constant 7 : i32
        %dma_wait3A_849 = arith.constant 7 : i32
        %dma_wait3A_850 = arith.constant 0 : i32
        %dma_wait3A_851 = arith.constant 0 : i32
        %dma_wait3A_852 = tpu.memref_slice %arg6[%dma_wait3A_848, %dma_wait3A_850, %dma_wait3A_851] : memref<10x64x128xf32, #tpu.memory_space<vmem>> -> memref<1x64x128xf32, #tpu.memory_space<vmem>>
        %dma_wait3A_853 = tpu.memref_squeeze %dma_wait3A_852 : memref<1x64x128xf32, #tpu.memory_space<vmem>> -> memref<64x128xf32, #tpu.memory_space<vmem>>
        %dma_wait3A_854 = arith.constant 0 : i32
        %dma_wait3A_855 = tpu.memref_slice %arg4[%add3A_847, %dma_wait3A_854] : memref<204800x128xf32, #tpu.memory_space<hbm>> -> memref<64x128xf32, #tpu.memory_space<hbm>>
        %dma_wait3A_856 = tpu.memref_slice %arg8[%dma_wait3A_849] : memref<10x!tpu.dma_semaphore, #tpu.memory_space<semaphore_mem>> -> memref<1x!tpu.dma_semaphore, #tpu.memory_space<semaphore_mem>>
        %dma_wait3A_857 = tpu.memref_squeeze %dma_wait3A_856 : memref<1x!tpu.dma_semaphore, #tpu.memory_space<semaphore_mem>> -> memref<!tpu.dma_semaphore, #tpu.memory_space<semaphore_mem>>
        %dma_wait3A_858 = arith.constant 0 : i32
        %dma_wait3A_859 = tpu.memref_slice %arg4[%add3A_847, %dma_wait3A_858] : memref<204800x128xf32, #tpu.memory_space<hbm>> -> memref<64x128xf32, #tpu.memory_space<hbm>>
        %dma_wait3A_860 = arith.constant 0 : i32
        %dma_wait3A_861 = arith.constant 0 : i32
        %dma_wait3A_862 = tpu.memref_slice %arg6[%dma_wait3A_848, %dma_wait3A_860, %dma_wait3A_861] : memref<10x64x128xf32, #tpu.memory_space<vmem>> -> memref<1x64x128xf32, #tpu.memory_space<vmem>>
        %dma_wait3A_863 = tpu.memref_squeeze %dma_wait3A_862 : memref<1x64x128xf32, #tpu.memory_space<vmem>> -> memref<64x128xf32, #tpu.memory_space<vmem>>
        tpu.wait_dma2 semaphore(%dma_wait3A_857 : memref<!tpu.dma_semaphore, #tpu.memory_space<semaphore_mem>>) src(%dma_wait3A_863 : memref<64x128xf32, #tpu.memory_space<vmem>>) dst(%dma_wait3A_859 : memref<64x128xf32, #tpu.memory_space<hbm>>)
      } else {
      }
      %dma_start3A_354 = arith.constant 7 : i32
      %dma_start3A_355 = arith.constant 7 : i32
      %dma_start3A_356 = arith.constant 0 : i32
      %dma_start3A_357 = arith.constant 0 : i32
      %dma_start3A_358 = tpu.memref_slice %arg6[%dma_start3A_354, %dma_start3A_356, %dma_start3A_357] : memref<10x64x128xf32, #tpu.memory_space<vmem>> -> memref<1x64x128xf32, #tpu.memory_space<vmem>>
      %dma_start3A_359 = tpu.memref_squeeze %dma_start3A_358 : memref<1x64x128xf32, #tpu.memory_space<vmem>> -> memref<64x128xf32, #tpu.memory_space<vmem>>
      %dma_start3A_360 = arith.constant 0 : i32
      %dma_start3A_361 = tpu.memref_slice %arg5[%add3A_348, %dma_start3A_360] : memref<100x64xi32, #tpu.memory_space<vmem>> -> memref<1x64xi32, #tpu.memory_space<vmem>>
      %dma_start3A_362 = tpu.memref_squeeze %dma_start3A_361 : memref<1x64xi32, #tpu.memory_space<vmem>> -> memref<64xi32, #tpu.memory_space<vmem>>
      %dma_start3A_363 = arith.constant 0 : i32
      %dma_start3A_364 = arith.constant 0 : i32
      %dma_start3A_365 = tpu.memref_slice %arg3[%dma_start3A_363, %dma_start3A_364] : memref<100000x128xf32, #tpu.memory_space<hbm>> -> memref<100000x128xf32, #tpu.memory_space<hbm>>
      %dma_start3A_366 = tpu.memref_slice %arg7[%dma_start3A_355] : memref<10x!tpu.dma_semaphore, #tpu.memory_space<semaphore_mem>> -> memref<1x!tpu.dma_semaphore, #tpu.memory_space<semaphore_mem>>
      %dma_start3A_367 = tpu.memref_squeeze %dma_start3A_366 : memref<1x!tpu.dma_semaphore, #tpu.memory_space<semaphore_mem>> -> memref<!tpu.dma_semaphore, #tpu.memory_space<semaphore_mem>>
      tpu.enqueue_indirect_dma source(%dma_start3A_365 : memref<100000x128xf32, #tpu.memory_space<hbm>>) target(%dma_start3A_359 : memref<64x128xf32, #tpu.memory_space<vmem>>) offsets(%dma_start3A_362 : memref<64xi32, #tpu.memory_space<vmem>>) semaphore(%dma_start3A_367 : memref<!tpu.dma_semaphore, #tpu.memory_space<semaphore_mem>>)
      %mul3A_368 = arith.constant 10 : i32
      %mul3A_369 = arith.muli %scan3A_187, %mul3A_368 : i32
      %add3A_370 = arith.constant 8 : i32
      %add3A_371 = arith.addi %mul3A_369, %add3A_370 : i32
      %gt3A_372 = arith.constant 0 : i32
      %gt3A_373 = arith.cmpi sgt, %scan3A_187, %gt3A_372 : i32
      %convert_element_type3A_374 = arith.extui %gt3A_373 : i1 to i32
      %cond3A_375 = arith.constant 0 : i32
      %cond3A_376 = arith.cmpi ne, %convert_element_type3A_374, %cond3A_375 : i32
      scf.if %cond3A_376 {
        %sub3A = arith.constant 10 : i32
        %sub3A_844 = arith.subi %add3A_371, %sub3A : i32
        %mul3A_845 = arith.constant 64 : i32
        %mul3A_846 = arith.muli %sub3A_844, %mul3A_845 : i32
        %add3A_847 = arith.addi %mul3A_2, %mul3A_846 : i32
        %dma_wait3A_848 = arith.constant 8 : i32
        %dma_wait3A_849 = arith.constant 8 : i32
        %dma_wait3A_850 = arith.constant 0 : i32
        %dma_wait3A_851 = arith.constant 0 : i32
        %dma_wait3A_852 = tpu.memref_slice %arg6[%dma_wait3A_848, %dma_wait3A_850, %dma_wait3A_851] : memref<10x64x128xf32, #tpu.memory_space<vmem>> -> memref<1x64x128xf32, #tpu.memory_space<vmem>>
        %dma_wait3A_853 = tpu.memref_squeeze %dma_wait3A_852 : memref<1x64x128xf32, #tpu.memory_space<vmem>> -> memref<64x128xf32, #tpu.memory_space<vmem>>
        %dma_wait3A_854 = arith.constant 0 : i32
        %dma_wait3A_855 = tpu.memref_slice %arg4[%add3A_847, %dma_wait3A_854] : memref<204800x128xf32, #tpu.memory_space<hbm>> -> memref<64x128xf32, #tpu.memory_space<hbm>>
        %dma_wait3A_856 = tpu.memref_slice %arg8[%dma_wait3A_849] : memref<10x!tpu.dma_semaphore, #tpu.memory_space<semaphore_mem>> -> memref<1x!tpu.dma_semaphore, #tpu.memory_space<semaphore_mem>>
        %dma_wait3A_857 = tpu.memref_squeeze %dma_wait3A_856 : memref<1x!tpu.dma_semaphore, #tpu.memory_space<semaphore_mem>> -> memref<!tpu.dma_semaphore, #tpu.memory_space<semaphore_mem>>
        %dma_wait3A_858 = arith.constant 0 : i32
        %dma_wait3A_859 = tpu.memref_slice %arg4[%add3A_847, %dma_wait3A_858] : memref<204800x128xf32, #tpu.memory_space<hbm>> -> memref<64x128xf32, #tpu.memory_space<hbm>>
        %dma_wait3A_860 = arith.constant 0 : i32
        %dma_wait3A_861 = arith.constant 0 : i32
        %dma_wait3A_862 = tpu.memref_slice %arg6[%dma_wait3A_848, %dma_wait3A_860, %dma_wait3A_861] : memref<10x64x128xf32, #tpu.memory_space<vmem>> -> memref<1x64x128xf32, #tpu.memory_space<vmem>>
        %dma_wait3A_863 = tpu.memref_squeeze %dma_wait3A_862 : memref<1x64x128xf32, #tpu.memory_space<vmem>> -> memref<64x128xf32, #tpu.memory_space<vmem>>
        tpu.wait_dma2 semaphore(%dma_wait3A_857 : memref<!tpu.dma_semaphore, #tpu.memory_space<semaphore_mem>>) src(%dma_wait3A_863 : memref<64x128xf32, #tpu.memory_space<vmem>>) dst(%dma_wait3A_859 : memref<64x128xf32, #tpu.memory_space<hbm>>)
      } else {
      }
      %dma_start3A_377 = arith.constant 8 : i32
      %dma_start3A_378 = arith.constant 8 : i32
      %dma_start3A_379 = arith.constant 0 : i32
      %dma_start3A_380 = arith.constant 0 : i32
      %dma_start3A_381 = tpu.memref_slice %arg6[%dma_start3A_377, %dma_start3A_379, %dma_start3A_380] : memref<10x64x128xf32, #tpu.memory_space<vmem>> -> memref<1x64x128xf32, #tpu.memory_space<vmem>>
      %dma_start3A_382 = tpu.memref_squeeze %dma_start3A_381 : memref<1x64x128xf32, #tpu.memory_space<vmem>> -> memref<64x128xf32, #tpu.memory_space<vmem>>
      %dma_start3A_383 = arith.constant 0 : i32
      %dma_start3A_384 = tpu.memref_slice %arg5[%add3A_371, %dma_start3A_383] : memref<100x64xi32, #tpu.memory_space<vmem>> -> memref<1x64xi32, #tpu.memory_space<vmem>>
      %dma_start3A_385 = tpu.memref_squeeze %dma_start3A_384 : memref<1x64xi32, #tpu.memory_space<vmem>> -> memref<64xi32, #tpu.memory_space<vmem>>
      %dma_start3A_386 = arith.constant 0 : i32
      %dma_start3A_387 = arith.constant 0 : i32
      %dma_start3A_388 = tpu.memref_slice %arg3[%dma_start3A_386, %dma_start3A_387] : memref<100000x128xf32, #tpu.memory_space<hbm>> -> memref<100000x128xf32, #tpu.memory_space<hbm>>
      %dma_start3A_389 = tpu.memref_slice %arg7[%dma_start3A_378] : memref<10x!tpu.dma_semaphore, #tpu.memory_space<semaphore_mem>> -> memref<1x!tpu.dma_semaphore, #tpu.memory_space<semaphore_mem>>
      %dma_start3A_390 = tpu.memref_squeeze %dma_start3A_389 : memref<1x!tpu.dma_semaphore, #tpu.memory_space<semaphore_mem>> -> memref<!tpu.dma_semaphore, #tpu.memory_space<semaphore_mem>>
      tpu.enqueue_indirect_dma source(%dma_start3A_388 : memref<100000x128xf32, #tpu.memory_space<hbm>>) target(%dma_start3A_382 : memref<64x128xf32, #tpu.memory_space<vmem>>) offsets(%dma_start3A_385 : memref<64xi32, #tpu.memory_space<vmem>>) semaphore(%dma_start3A_390 : memref<!tpu.dma_semaphore, #tpu.memory_space<semaphore_mem>>)
      %mul3A_391 = arith.constant 10 : i32
      %mul3A_392 = arith.muli %scan3A_187, %mul3A_391 : i32
      %add3A_393 = arith.constant 9 : i32
      %add3A_394 = arith.addi %mul3A_392, %add3A_393 : i32
      %gt3A_395 = arith.constant 0 : i32
      %gt3A_396 = arith.cmpi sgt, %scan3A_187, %gt3A_395 : i32
      %convert_element_type3A_397 = arith.extui %gt3A_396 : i1 to i32
      %cond3A_398 = arith.constant 0 : i32
      %cond3A_399 = arith.cmpi ne, %convert_element_type3A_397, %cond3A_398 : i32
      scf.if %cond3A_399 {
        %sub3A = arith.constant 10 : i32
        %sub3A_844 = arith.subi %add3A_394, %sub3A : i32
        %mul3A_845 = arith.constant 64 : i32
        %mul3A_846 = arith.muli %sub3A_844, %mul3A_845 : i32
        %add3A_847 = arith.addi %mul3A_2, %mul3A_846 : i32
        %dma_wait3A_848 = arith.constant 9 : i32
        %dma_wait3A_849 = arith.constant 9 : i32
        %dma_wait3A_850 = arith.constant 0 : i32
        %dma_wait3A_851 = arith.constant 0 : i32
        %dma_wait3A_852 = tpu.memref_slice %arg6[%dma_wait3A_848, %dma_wait3A_850, %dma_wait3A_851] : memref<10x64x128xf32, #tpu.memory_space<vmem>> -> memref<1x64x128xf32, #tpu.memory_space<vmem>>
        %dma_wait3A_853 = tpu.memref_squeeze %dma_wait3A_852 : memref<1x64x128xf32, #tpu.memory_space<vmem>> -> memref<64x128xf32, #tpu.memory_space<vmem>>
        %dma_wait3A_854 = arith.constant 0 : i32
        %dma_wait3A_855 = tpu.memref_slice %arg4[%add3A_847, %dma_wait3A_854] : memref<204800x128xf32, #tpu.memory_space<hbm>> -> memref<64x128xf32, #tpu.memory_space<hbm>>
        %dma_wait3A_856 = tpu.memref_slice %arg8[%dma_wait3A_849] : memref<10x!tpu.dma_semaphore, #tpu.memory_space<semaphore_mem>> -> memref<1x!tpu.dma_semaphore, #tpu.memory_space<semaphore_mem>>
        %dma_wait3A_857 = tpu.memref_squeeze %dma_wait3A_856 : memref<1x!tpu.dma_semaphore, #tpu.memory_space<semaphore_mem>> -> memref<!tpu.dma_semaphore, #tpu.memory_space<semaphore_mem>>
        %dma_wait3A_858 = arith.constant 0 : i32
        %dma_wait3A_859 = tpu.memref_slice %arg4[%add3A_847, %dma_wait3A_858] : memref<204800x128xf32, #tpu.memory_space<hbm>> -> memref<64x128xf32, #tpu.memory_space<hbm>>
        %dma_wait3A_860 = arith.constant 0 : i32
        %dma_wait3A_861 = arith.constant 0 : i32
        %dma_wait3A_862 = tpu.memref_slice %arg6[%dma_wait3A_848, %dma_wait3A_860, %dma_wait3A_861] : memref<10x64x128xf32, #tpu.memory_space<vmem>> -> memref<1x64x128xf32, #tpu.memory_space<vmem>>
        %dma_wait3A_863 = tpu.memref_squeeze %dma_wait3A_862 : memref<1x64x128xf32, #tpu.memory_space<vmem>> -> memref<64x128xf32, #tpu.memory_space<vmem>>
        tpu.wait_dma2 semaphore(%dma_wait3A_857 : memref<!tpu.dma_semaphore, #tpu.memory_space<semaphore_mem>>) src(%dma_wait3A_863 : memref<64x128xf32, #tpu.memory_space<vmem>>) dst(%dma_wait3A_859 : memref<64x128xf32, #tpu.memory_space<hbm>>)
      } else {
      }
      %dma_start3A_400 = arith.constant 9 : i32
      %dma_start3A_401 = arith.constant 9 : i32
      %dma_start3A_402 = arith.constant 0 : i32
      %dma_start3A_403 = arith.constant 0 : i32
      %dma_start3A_404 = tpu.memref_slice %arg6[%dma_start3A_400, %dma_start3A_402, %dma_start3A_403] : memref<10x64x128xf32, #tpu.memory_space<vmem>> -> memref<1x64x128xf32, #tpu.memory_space<vmem>>
      %dma_start3A_405 = tpu.memref_squeeze %dma_start3A_404 : memref<1x64x128xf32, #tpu.memory_space<vmem>> -> memref<64x128xf32, #tpu.memory_space<vmem>>
      %dma_start3A_406 = arith.constant 0 : i32
      %dma_start3A_407 = tpu.memref_slice %arg5[%add3A_394, %dma_start3A_406] : memref<100x64xi32, #tpu.memory_space<vmem>> -> memref<1x64xi32, #tpu.memory_space<vmem>>
      %dma_start3A_408 = tpu.memref_squeeze %dma_start3A_407 : memref<1x64xi32, #tpu.memory_space<vmem>> -> memref<64xi32, #tpu.memory_space<vmem>>
      %dma_start3A_409 = arith.constant 0 : i32
      %dma_start3A_410 = arith.constant 0 : i32
      %dma_start3A_411 = tpu.memref_slice %arg3[%dma_start3A_409, %dma_start3A_410] : memref<100000x128xf32, #tpu.memory_space<hbm>> -> memref<100000x128xf32, #tpu.memory_space<hbm>>
      %dma_start3A_412 = tpu.memref_slice %arg7[%dma_start3A_401] : memref<10x!tpu.dma_semaphore, #tpu.memory_space<semaphore_mem>> -> memref<1x!tpu.dma_semaphore, #tpu.memory_space<semaphore_mem>>
      %dma_start3A_413 = tpu.memref_squeeze %dma_start3A_412 : memref<1x!tpu.dma_semaphore, #tpu.memory_space<semaphore_mem>> -> memref<!tpu.dma_semaphore, #tpu.memory_space<semaphore_mem>>
      tpu.enqueue_indirect_dma source(%dma_start3A_411 : memref<100000x128xf32, #tpu.memory_space<hbm>>) target(%dma_start3A_405 : memref<64x128xf32, #tpu.memory_space<vmem>>) offsets(%dma_start3A_408 : memref<64xi32, #tpu.memory_space<vmem>>) semaphore(%dma_start3A_413 : memref<!tpu.dma_semaphore, #tpu.memory_space<semaphore_mem>>)
      %mul3A_414 = arith.constant 10 : i32
      %mul3A_415 = arith.muli %scan3A_187, %mul3A_414 : i32
      %add3A_416 = arith.constant 0 : i32
      %add3A_417 = arith.addi %mul3A_415, %add3A_416 : i32
      %dma_wait3A_418 = arith.constant 0 : i32
      %dma_wait3A_419 = arith.constant 0 : i32
      %dma_wait3A_420 = arith.constant 0 : i32
      %dma_wait3A_421 = arith.constant 0 : i32
      %dma_wait3A_422 = tpu.memref_slice %arg6[%dma_wait3A_418, %dma_wait3A_420, %dma_wait3A_421] : memref<10x64x128xf32, #tpu.memory_space<vmem>> -> memref<1x64x128xf32, #tpu.memory_space<vmem>>
      %dma_wait3A_423 = tpu.memref_squeeze %dma_wait3A_422 : memref<1x64x128xf32, #tpu.memory_space<vmem>> -> memref<64x128xf32, #tpu.memory_space<vmem>>
      %dma_wait3A_424 = arith.constant 0 : i32
      %dma_wait3A_425 = tpu.memref_slice %arg5[%add3A_417, %dma_wait3A_424] : memref<100x64xi32, #tpu.memory_space<vmem>> -> memref<1x64xi32, #tpu.memory_space<vmem>>
      %dma_wait3A_426 = tpu.memref_squeeze %dma_wait3A_425 : memref<1x64xi32, #tpu.memory_space<vmem>> -> memref<64xi32, #tpu.memory_space<vmem>>
      %dma_wait3A_427 = arith.constant 0 : i32
      %dma_wait3A_428 = arith.constant 0 : i32
      %dma_wait3A_429 = tpu.memref_slice %arg3[%dma_wait3A_427, %dma_wait3A_428] : memref<100000x128xf32, #tpu.memory_space<hbm>> -> memref<100000x128xf32, #tpu.memory_space<hbm>>
      %dma_wait3A_430 = tpu.memref_slice %arg7[%dma_wait3A_419] : memref<10x!tpu.dma_semaphore, #tpu.memory_space<semaphore_mem>> -> memref<1x!tpu.dma_semaphore, #tpu.memory_space<semaphore_mem>>
      %dma_wait3A_431 = tpu.memref_squeeze %dma_wait3A_430 : memref<1x!tpu.dma_semaphore, #tpu.memory_space<semaphore_mem>> -> memref<!tpu.dma_semaphore, #tpu.memory_space<semaphore_mem>>
      tpu.wait_indirect_dma semaphore(%dma_wait3A_431 : memref<!tpu.dma_semaphore, #tpu.memory_space<semaphore_mem>>) src(%dma_wait3A_429 : memref<100000x128xf32, #tpu.memory_space<hbm>>) dst(%dma_wait3A_423 : memref<64x128xf32, #tpu.memory_space<vmem>>)
      %scan3A_432 = arith.constant 0 : i32
      %scan3A_433 = arith.constant 0 : i32
      %scan3A_434 = arith.constant 32 : i32
      %scan3A_435 = arith.addi %scan3A_433, %scan3A_434 : i32
      %scan3A_436 = arith.constant 1 : i32
      scf.for %scan3A_844 = %scan3A_433 to %scan3A_435 step %scan3A_436  : i32 {
        %mul3A_845 = arith.constant 2 : i32
        %mul3A_846 = arith.muli %mul3A_845, %scan3A_844 : i32
        %add3A_847 = arith.constant 0 : i32
        %add3A_848 = arith.addi %mul3A_846, %add3A_847 : i32
        %get3A = arith.constant 0 : i32
        %get3A_849 = arith.index_cast %get3A : i32 to index
        %get3A_850 = arith.index_cast %add3A_848 : i32 to index
        %get3A_851 = arith.constant 0 : index
        %get3A_852 = tpu.vector_load %arg6[%get3A_849, %get3A_850, %get3A_851] {strides = array<i32>} : memref<10x64x128xf32, #tpu.memory_space<vmem>>, vector<1x1x16xf32>,
        %get3A_853 = vector.shape_cast %get3A_852 : vector<1x1x16xf32> to vector<16xf32>
        %mul3A_854 = arith.constant 11.3137083 : f32
        %mul3A_855 = vector.broadcast %mul3A_854 : f32 to vector<16xf32>
        %mul3A_856 = arith.mulf %get3A_853, %mul3A_855 : vector<16xf32>
        %mul3A_857 = arith.constant 2 : i32
        %mul3A_858 = arith.muli %mul3A_857, %scan3A_844 : i32
        %add3A_859 = arith.constant 0 : i32
        %add3A_860 = arith.addi %mul3A_858, %add3A_859 : i32
        %swap3A = arith.constant 0 : i32
        %swap3A_861 = arith.index_cast %swap3A : i32 to index
        %swap3A_862 = arith.index_cast %add3A_860 : i32 to index
        %swap3A_863 = arith.constant 0 : index
        %swap3A_864 = tpu.vector_load %arg6[%swap3A_861, %swap3A_862, %swap3A_863] {strides = array<i32>} : memref<10x64x128xf32, #tpu.memory_space<vmem>>, vector<1x1x16xf32>,
        %swap3A_865 = vector.shape_cast %swap3A_864 : vector<1x1x16xf32> to vector<16xf32>
        %swap3A_866 = vector.shape_cast %mul3A_856 : vector<16xf32> to vector<1x1x16xf32>
        tpu.vector_store %arg6[%swap3A_861, %swap3A_862, %swap3A_863], %swap3A_866 {strides = array<i32>} : memref<10x64x128xf32, #tpu.memory_space<vmem>>, vector<1x1x16xf32>,
        %mul3A_867 = arith.constant 2 : i32
        %mul3A_868 = arith.muli %mul3A_867, %scan3A_844 : i32
        %add3A_869 = arith.constant 0 : i32
        %add3A_870 = arith.addi %mul3A_868, %add3A_869 : i32
        %get3A_871 = arith.constant 0 : i32
        %get3A_872 = arith.index_cast %get3A_871 : i32 to index
        %get3A_873 = arith.index_cast %add3A_870 : i32 to index
        %get3A_874 = arith.constant 16 : index
        %get3A_875 = tpu.vector_load %arg6[%get3A_872, %get3A_873, %get3A_874] {strides = array<i32>} : memref<10x64x128xf32, #tpu.memory_space<vmem>>, vector<1x1x16xf32>,
        %get3A_876 = vector.shape_cast %get3A_875 : vector<1x1x16xf32> to vector<16xf32>
        %mul3A_877 = arith.constant 11.3137083 : f32
        %mul3A_878 = vector.broadcast %mul3A_877 : f32 to vector<16xf32>
        %mul3A_879 = arith.mulf %get3A_876, %mul3A_878 : vector<16xf32>
        %mul3A_880 = arith.constant 2 : i32
        %mul3A_881 = arith.muli %mul3A_880, %scan3A_844 : i32
        %add3A_882 = arith.constant 0 : i32
        %add3A_883 = arith.addi %mul3A_881, %add3A_882 : i32
        %swap3A_884 = arith.constant 0 : i32
        %swap3A_885 = arith.index_cast %swap3A_884 : i32 to index
        %swap3A_886 = arith.index_cast %add3A_883 : i32 to index
        %swap3A_887 = arith.constant 16 : index
        %swap3A_888 = tpu.vector_load %arg6[%swap3A_885, %swap3A_886, %swap3A_887] {strides = array<i32>} : memref<10x64x128xf32, #tpu.memory_space<vmem>>, vector<1x1x16xf32>,
        %swap3A_889 = vector.shape_cast %swap3A_888 : vector<1x1x16xf32> to vector<16xf32>
        %swap3A_890 = vector.shape_cast %mul3A_879 : vector<16xf32> to vector<1x1x16xf32>
        tpu.vector_store %arg6[%swap3A_885, %swap3A_886, %swap3A_887], %swap3A_890 {strides = array<i32>} : memref<10x64x128xf32, #tpu.memory_space<vmem>>, vector<1x1x16xf32>,
        %mul3A_891 = arith.constant 2 : i32
        %mul3A_892 = arith.muli %mul3A_891, %scan3A_844 : i32
        %add3A_893 = arith.constant 0 : i32
        %add3A_894 = arith.addi %mul3A_892, %add3A_893 : i32
        %get3A_895 = arith.constant 0 : i32
        %get3A_896 = arith.index_cast %get3A_895 : i32 to index
        %get3A_897 = arith.index_cast %add3A_894 : i32 to index
        %get3A_898 = arith.constant 32 : index
        %get3A_899 = tpu.vector_load %arg6[%get3A_896, %get3A_897, %get3A_898] {strides = array<i32>} : memref<10x64x128xf32, #tpu.memory_space<vmem>>, vector<1x1x16xf32>,
        %get3A_900 = vector.shape_cast %get3A_899 : vector<1x1x16xf32> to vector<16xf32>
        %mul3A_901 = arith.constant 11.3137083 : f32
        %mul3A_902 = vector.broadcast %mul3A_901 : f32 to vector<16xf32>
        %mul3A_903 = arith.mulf %get3A_900, %mul3A_902 : vector<16xf32>
        %mul3A_904 = arith.constant 2 : i32
        %mul3A_905 = arith.muli %mul3A_904, %scan3A_844 : i32
        %add3A_906 = arith.constant 0 : i32
        %add3A_907 = arith.addi %mul3A_905, %add3A_906 : i32
        %swap3A_908 = arith.constant 0 : i32
        %swap3A_909 = arith.index_cast %swap3A_908 : i32 to index
        %swap3A_910 = arith.index_cast %add3A_907 : i32 to index
        %swap3A_911 = arith.constant 32 : index
        %swap3A_912 = tpu.vector_load %arg6[%swap3A_909, %swap3A_910, %swap3A_911] {strides = array<i32>} : memref<10x64x128xf32, #tpu.memory_space<vmem>>, vector<1x1x16xf32>,
        %swap3A_913 = vector.shape_cast %swap3A_912 : vector<1x1x16xf32> to vector<16xf32>
        %swap3A_914 = vector.shape_cast %mul3A_903 : vector<16xf32> to vector<1x1x16xf32>
        tpu.vector_store %arg6[%swap3A_909, %swap3A_910, %swap3A_911], %swap3A_914 {strides = array<i32>} : memref<10x64x128xf32, #tpu.memory_space<vmem>>, vector<1x1x16xf32>,
        %mul3A_915 = arith.constant 2 : i32
        %mul3A_916 = arith.muli %mul3A_915, %scan3A_844 : i32
        %add3A_917 = arith.constant 0 : i32
        %add3A_918 = arith.addi %mul3A_916, %add3A_917 : i32
        %get3A_919 = arith.constant 0 : i32
        %get3A_920 = arith.index_cast %get3A_919 : i32 to index
        %get3A_921 = arith.index_cast %add3A_918 : i32 to index
        %get3A_922 = arith.constant 48 : index
        %get3A_923 = tpu.vector_load %arg6[%get3A_920, %get3A_921, %get3A_922] {strides = array<i32>} : memref<10x64x128xf32, #tpu.memory_space<vmem>>, vector<1x1x16xf32>,
        %get3A_924 = vector.shape_cast %get3A_923 : vector<1x1x16xf32> to vector<16xf32>
        %mul3A_925 = arith.constant 11.3137083 : f32
        %mul3A_926 = vector.broadcast %mul3A_925 : f32 to vector<16xf32>
        %mul3A_927 = arith.mulf %get3A_924, %mul3A_926 : vector<16xf32>
        %mul3A_928 = arith.constant 2 : i32
        %mul3A_929 = arith.muli %mul3A_928, %scan3A_844 : i32
        %add3A_930 = arith.constant 0 : i32
        %add3A_931 = arith.addi %mul3A_929, %add3A_930 : i32
        %swap3A_932 = arith.constant 0 : i32
        %swap3A_933 = arith.index_cast %swap3A_932 : i32 to index
        %swap3A_934 = arith.index_cast %add3A_931 : i32 to index
        %swap3A_935 = arith.constant 48 : index
        %swap3A_936 = tpu.vector_load %arg6[%swap3A_933, %swap3A_934, %swap3A_935] {strides = array<i32>} : memref<10x64x128xf32, #tpu.memory_space<vmem>>, vector<1x1x16xf32>,
        %swap3A_937 = vector.shape_cast %swap3A_936 : vector<1x1x16xf32> to vector<16xf32>
        %swap3A_938 = vector.shape_cast %mul3A_927 : vector<16xf32> to vector<1x1x16xf32>
        tpu.vector_store %arg6[%swap3A_933, %swap3A_934, %swap3A_935], %swap3A_938 {strides = array<i32>} : memref<10x64x128xf32, #tpu.memory_space<vmem>>, vector<1x1x16xf32>,
        %mul3A_939 = arith.constant 2 : i32
        %mul3A_940 = arith.muli %mul3A_939, %scan3A_844 : i32
        %add3A_941 = arith.constant 0 : i32
        %add3A_942 = arith.addi %mul3A_940, %add3A_941 : i32
        %get3A_943 = arith.constant 0 : i32
        %get3A_944 = arith.index_cast %get3A_943 : i32 to index
        %get3A_945 = arith.index_cast %add3A_942 : i32 to index
        %get3A_946 = arith.constant 64 : index
        %get3A_947 = tpu.vector_load %arg6[%get3A_944, %get3A_945, %get3A_946] {strides = array<i32>} : memref<10x64x128xf32, #tpu.memory_space<vmem>>, vector<1x1x16xf32>,
        %get3A_948 = vector.shape_cast %get3A_947 : vector<1x1x16xf32> to vector<16xf32>
        %mul3A_949 = arith.constant 11.3137083 : f32
        %mul3A_950 = vector.broadcast %mul3A_949 : f32 to vector<16xf32>
        %mul3A_951 = arith.mulf %get3A_948, %mul3A_950 : vector<16xf32>
        %mul3A_952 = arith.constant 2 : i32
        %mul3A_953 = arith.muli %mul3A_952, %scan3A_844 : i32
        %add3A_954 = arith.constant 0 : i32
        %add3A_955 = arith.addi %mul3A_953, %add3A_954 : i32
        %swap3A_956 = arith.constant 0 : i32
        %swap3A_957 = arith.index_cast %swap3A_956 : i32 to index
        %swap3A_958 = arith.index_cast %add3A_955 : i32 to index
        %swap3A_959 = arith.constant 64 : index
        %swap3A_960 = tpu.vector_load %arg6[%swap3A_957, %swap3A_958, %swap3A_959] {strides = array<i32>} : memref<10x64x128xf32, #tpu.memory_space<vmem>>, vector<1x1x16xf32>,
        %swap3A_961 = vector.shape_cast %swap3A_960 : vector<1x1x16xf32> to vector<16xf32>
        %swap3A_962 = vector.shape_cast %mul3A_951 : vector<16xf32> to vector<1x1x16xf32>
        tpu.vector_store %arg6[%swap3A_957, %swap3A_958, %swap3A_959], %swap3A_962 {strides = array<i32>} : memref<10x64x128xf32, #tpu.memory_space<vmem>>, vector<1x1x16xf32>,
        %mul3A_963 = arith.constant 2 : i32
        %mul3A_964 = arith.muli %mul3A_963, %scan3A_844 : i32
        %add3A_965 = arith.constant 0 : i32
        %add3A_966 = arith.addi %mul3A_964, %add3A_965 : i32
        %get3A_967 = arith.constant 0 : i32
        %get3A_968 = arith.index_cast %get3A_967 : i32 to index
        %get3A_969 = arith.index_cast %add3A_966 : i32 to index
        %get3A_970 = arith.constant 80 : index
        %get3A_971 = tpu.vector_load %arg6[%get3A_968, %get3A_969, %get3A_970] {strides = array<i32>} : memref<10x64x128xf32, #tpu.memory_space<vmem>>, vector<1x1x16xf32>,
        %get3A_972 = vector.shape_cast %get3A_971 : vector<1x1x16xf32> to vector<16xf32>
        %mul3A_973 = arith.constant 11.3137083 : f32
        %mul3A_974 = vector.broadcast %mul3A_973 : f32 to vector<16xf32>
        %mul3A_975 = arith.mulf %get3A_972, %mul3A_974 : vector<16xf32>
        %mul3A_976 = arith.constant 2 : i32
        %mul3A_977 = arith.muli %mul3A_976, %scan3A_844 : i32
        %add3A_978 = arith.constant 0 : i32
        %add3A_979 = arith.addi %mul3A_977, %add3A_978 : i32
        %swap3A_980 = arith.constant 0 : i32
        %swap3A_981 = arith.index_cast %swap3A_980 : i32 to index
        %swap3A_982 = arith.index_cast %add3A_979 : i32 to index
        %swap3A_983 = arith.constant 80 : index
        %swap3A_984 = tpu.vector_load %arg6[%swap3A_981, %swap3A_982, %swap3A_983] {strides = array<i32>} : memref<10x64x128xf32, #tpu.memory_space<vmem>>, vector<1x1x16xf32>,
        %swap3A_985 = vector.shape_cast %swap3A_984 : vector<1x1x16xf32> to vector<16xf32>
        %swap3A_986 = vector.shape_cast %mul3A_975 : vector<16xf32> to vector<1x1x16xf32>
        tpu.vector_store %arg6[%swap3A_981, %swap3A_982, %swap3A_983], %swap3A_986 {strides = array<i32>} : memref<10x64x128xf32, #tpu.memory_space<vmem>>, vector<1x1x16xf32>,
        %mul3A_987 = arith.constant 2 : i32
        %mul3A_988 = arith.muli %mul3A_987, %scan3A_844 : i32
        %add3A_989 = arith.constant 0 : i32
        %add3A_990 = arith.addi %mul3A_988, %add3A_989 : i32
        %get3A_991 = arith.constant 0 : i32
        %get3A_992 = arith.index_cast %get3A_991 : i32 to index
        %get3A_993 = arith.index_cast %add3A_990 : i32 to index
        %get3A_994 = arith.constant 96 : index
        %get3A_995 = tpu.vector_load %arg6[%get3A_992, %get3A_993, %get3A_994] {strides = array<i32>} : memref<10x64x128xf32, #tpu.memory_space<vmem>>, vector<1x1x16xf32>,
        %get3A_996 = vector.shape_cast %get3A_995 : vector<1x1x16xf32> to vector<16xf32>
        %mul3A_997 = arith.constant 11.3137083 : f32
        %mul3A_998 = vector.broadcast %mul3A_997 : f32 to vector<16xf32>
        %mul3A_999 = arith.mulf %get3A_996, %mul3A_998 : vector<16xf32>
        %mul3A_1000 = arith.constant 2 : i32
        %mul3A_1001 = arith.muli %mul3A_1000, %scan3A_844 : i32
        %add3A_1002 = arith.constant 0 : i32
        %add3A_1003 = arith.addi %mul3A_1001, %add3A_1002 : i32
        %swap3A_1004 = arith.constant 0 : i32
        %swap3A_1005 = arith.index_cast %swap3A_1004 : i32 to index
        %swap3A_1006 = arith.index_cast %add3A_1003 : i32 to index
        %swap3A_1007 = arith.constant 96 : index
        %swap3A_1008 = tpu.vector_load %arg6[%swap3A_1005, %swap3A_1006, %swap3A_1007] {strides = array<i32>} : memref<10x64x128xf32, #tpu.memory_space<vmem>>, vector<1x1x16xf32>,
        %swap3A_1009 = vector.shape_cast %swap3A_1008 : vector<1x1x16xf32> to vector<16xf32>
        %swap3A_1010 = vector.shape_cast %mul3A_999 : vector<16xf32> to vector<1x1x16xf32>
        tpu.vector_store %arg6[%swap3A_1005, %swap3A_1006, %swap3A_1007], %swap3A_1010 {strides = array<i32>} : memref<10x64x128xf32, #tpu.memory_space<vmem>>, vector<1x1x16xf32>,
        %mul3A_1011 = arith.constant 2 : i32
        %mul3A_1012 = arith.muli %mul3A_1011, %scan3A_844 : i32
        %add3A_1013 = arith.constant 0 : i32
        %add3A_1014 = arith.addi %mul3A_1012, %add3A_1013 : i32
        %get3A_1015 = arith.constant 0 : i32
        %get3A_1016 = arith.index_cast %get3A_1015 : i32 to index
        %get3A_1017 = arith.index_cast %add3A_1014 : i32 to index
        %get3A_1018 = arith.constant 112 : index
        %get3A_1019 = tpu.vector_load %arg6[%get3A_1016, %get3A_1017, %get3A_1018] {strides = array<i32>} : memref<10x64x128xf32, #tpu.memory_space<vmem>>, vector<1x1x16xf32>,
        %get3A_1020 = vector.shape_cast %get3A_1019 : vector<1x1x16xf32> to vector<16xf32>
        %mul3A_1021 = arith.constant 11.3137083 : f32
        %mul3A_1022 = vector.broadcast %mul3A_1021 : f32 to vector<16xf32>
        %mul3A_1023 = arith.mulf %get3A_1020, %mul3A_1022 : vector<16xf32>
        %mul3A_1024 = arith.constant 2 : i32
        %mul3A_1025 = arith.muli %mul3A_1024, %scan3A_844 : i32
        %add3A_1026 = arith.constant 0 : i32
        %add3A_1027 = arith.addi %mul3A_1025, %add3A_1026 : i32
        %swap3A_1028 = arith.constant 0 : i32
        %swap3A_1029 = arith.index_cast %swap3A_1028 : i32 to index
        %swap3A_1030 = arith.index_cast %add3A_1027 : i32 to index
        %swap3A_1031 = arith.constant 112 : index
        %swap3A_1032 = tpu.vector_load %arg6[%swap3A_1029, %swap3A_1030, %swap3A_1031] {strides = array<i32>} : memref<10x64x128xf32, #tpu.memory_space<vmem>>, vector<1x1x16xf32>,
        %swap3A_1033 = vector.shape_cast %swap3A_1032 : vector<1x1x16xf32> to vector<16xf32>
        %swap3A_1034 = vector.shape_cast %mul3A_1023 : vector<16xf32> to vector<1x1x16xf32>
        tpu.vector_store %arg6[%swap3A_1029, %swap3A_1030, %swap3A_1031], %swap3A_1034 {strides = array<i32>} : memref<10x64x128xf32, #tpu.memory_space<vmem>>, vector<1x1x16xf32>,
        %mul3A_1035 = arith.constant 2 : i32
        %mul3A_1036 = arith.muli %mul3A_1035, %scan3A_844 : i32
        %add3A_1037 = arith.constant 1 : i32
        %add3A_1038 = arith.addi %mul3A_1036, %add3A_1037 : i32
        %get3A_1039 = arith.constant 0 : i32
        %get3A_1040 = arith.index_cast %get3A_1039 : i32 to index
        %get3A_1041 = arith.index_cast %add3A_1038 : i32 to index
        %get3A_1042 = arith.constant 0 : index
        %get3A_1043 = tpu.vector_load %arg6[%get3A_1040, %get3A_1041, %get3A_1042] {strides = array<i32>} : memref<10x64x128xf32, #tpu.memory_space<vmem>>, vector<1x1x16xf32>,
        %get3A_1044 = vector.shape_cast %get3A_1043 : vector<1x1x16xf32> to vector<16xf32>
        %mul3A_1045 = arith.constant 11.3137083 : f32
        %mul3A_1046 = vector.broadcast %mul3A_1045 : f32 to vector<16xf32>
        %mul3A_1047 = arith.mulf %get3A_1044, %mul3A_1046 : vector<16xf32>
        %mul3A_1048 = arith.constant 2 : i32
        %mul3A_1049 = arith.muli %mul3A_1048, %scan3A_844 : i32
        %add3A_1050 = arith.constant 1 : i32
        %add3A_1051 = arith.addi %mul3A_1049, %add3A_1050 : i32
        %swap3A_1052 = arith.constant 0 : i32
        %swap3A_1053 = arith.index_cast %swap3A_1052 : i32 to index
        %swap3A_1054 = arith.index_cast %add3A_1051 : i32 to index
        %swap3A_1055 = arith.constant 0 : index
        %swap3A_1056 = tpu.vector_load %arg6[%swap3A_1053, %swap3A_1054, %swap3A_1055] {strides = array<i32>} : memref<10x64x128xf32, #tpu.memory_space<vmem>>, vector<1x1x16xf32>,
        %swap3A_1057 = vector.shape_cast %swap3A_1056 : vector<1x1x16xf32> to vector<16xf32>
        %swap3A_1058 = vector.shape_cast %mul3A_1047 : vector<16xf32> to vector<1x1x16xf32>
        tpu.vector_store %arg6[%swap3A_1053, %swap3A_1054, %swap3A_1055], %swap3A_1058 {strides = array<i32>} : memref<10x64x128xf32, #tpu.memory_space<vmem>>, vector<1x1x16xf32>,
        %mul3A_1059 = arith.constant 2 : i32
        %mul3A_1060 = arith.muli %mul3A_1059, %scan3A_844 : i32
        %add3A_1061 = arith.constant 1 : i32
        %add3A_1062 = arith.addi %mul3A_1060, %add3A_1061 : i32
        %get3A_1063 = arith.constant 0 : i32
        %get3A_1064 = arith.index_cast %get3A_1063 : i32 to index
        %get3A_1065 = arith.index_cast %add3A_1062 : i32 to index
        %get3A_1066 = arith.constant 16 : index
        %get3A_1067 = tpu.vector_load %arg6[%get3A_1064, %get3A_1065, %get3A_1066] {strides = array<i32>} : memref<10x64x128xf32, #tpu.memory_space<vmem>>, vector<1x1x16xf32>,
        %get3A_1068 = vector.shape_cast %get3A_1067 : vector<1x1x16xf32> to vector<16xf32>
        %mul3A_1069 = arith.constant 11.3137083 : f32
        %mul3A_1070 = vector.broadcast %mul3A_1069 : f32 to vector<16xf32>
        %mul3A_1071 = arith.mulf %get3A_1068, %mul3A_1070 : vector<16xf32>
        %mul3A_1072 = arith.constant 2 : i32
        %mul3A_1073 = arith.muli %mul3A_1072, %scan3A_844 : i32
        %add3A_1074 = arith.constant 1 : i32
        %add3A_1075 = arith.addi %mul3A_1073, %add3A_1074 : i32
        %swap3A_1076 = arith.constant 0 : i32
        %swap3A_1077 = arith.index_cast %swap3A_1076 : i32 to index
        %swap3A_1078 = arith.index_cast %add3A_1075 : i32 to index
        %swap3A_1079 = arith.constant 16 : index
        %swap3A_1080 = tpu.vector_load %arg6[%swap3A_1077, %swap3A_1078, %swap3A_1079] {strides = array<i32>} : memref<10x64x128xf32, #tpu.memory_space<vmem>>, vector<1x1x16xf32>,
        %swap3A_1081 = vector.shape_cast %swap3A_1080 : vector<1x1x16xf32> to vector<16xf32>
        %swap3A_1082 = vector.shape_cast %mul3A_1071 : vector<16xf32> to vector<1x1x16xf32>
        tpu.vector_store %arg6[%swap3A_1077, %swap3A_1078, %swap3A_1079], %swap3A_1082 {strides = array<i32>} : memref<10x64x128xf32, #tpu.memory_space<vmem>>, vector<1x1x16xf32>,
        %mul3A_1083 = arith.constant 2 : i32
        %mul3A_1084 = arith.muli %mul3A_1083, %scan3A_844 : i32
        %add3A_1085 = arith.constant 1 : i32
        %add3A_1086 = arith.addi %mul3A_1084, %add3A_1085 : i32
        %get3A_1087 = arith.constant 0 : i32
        %get3A_1088 = arith.index_cast %get3A_1087 : i32 to index
        %get3A_1089 = arith.index_cast %add3A_1086 : i32 to index
        %get3A_1090 = arith.constant 32 : index
        %get3A_1091 = tpu.vector_load %arg6[%get3A_1088, %get3A_1089, %get3A_1090] {strides = array<i32>} : memref<10x64x128xf32, #tpu.memory_space<vmem>>, vector<1x1x16xf32>,
        %get3A_1092 = vector.shape_cast %get3A_1091 : vector<1x1x16xf32> to vector<16xf32>
        %mul3A_1093 = arith.constant 11.3137083 : f32
        %mul3A_1094 = vector.broadcast %mul3A_1093 : f32 to vector<16xf32>
        %mul3A_1095 = arith.mulf %get3A_1092, %mul3A_1094 : vector<16xf32>
        %mul3A_1096 = arith.constant 2 : i32
        %mul3A_1097 = arith.muli %mul3A_1096, %scan3A_844 : i32
        %add3A_1098 = arith.constant 1 : i32
        %add3A_1099 = arith.addi %mul3A_1097, %add3A_1098 : i32
        %swap3A_1100 = arith.constant 0 : i32
        %swap3A_1101 = arith.index_cast %swap3A_1100 : i32 to index
        %swap3A_1102 = arith.index_cast %add3A_1099 : i32 to index
        %swap3A_1103 = arith.constant 32 : index
        %swap3A_1104 = tpu.vector_load %arg6[%swap3A_1101, %swap3A_1102, %swap3A_1103] {strides = array<i32>} : memref<10x64x128xf32, #tpu.memory_space<vmem>>, vector<1x1x16xf32>,
        %swap3A_1105 = vector.shape_cast %swap3A_1104 : vector<1x1x16xf32> to vector<16xf32>
        %swap3A_1106 = vector.shape_cast %mul3A_1095 : vector<16xf32> to vector<1x1x16xf32>
        tpu.vector_store %arg6[%swap3A_1101, %swap3A_1102, %swap3A_1103], %swap3A_1106 {strides = array<i32>} : memref<10x64x128xf32, #tpu.memory_space<vmem>>, vector<1x1x16xf32>,
        %mul3A_1107 = arith.constant 2 : i32
        %mul3A_1108 = arith.muli %mul3A_1107, %scan3A_844 : i32
        %add3A_1109 = arith.constant 1 : i32
        %add3A_1110 = arith.addi %mul3A_1108, %add3A_1109 : i32
        %get3A_1111 = arith.constant 0 : i32
        %get3A_1112 = arith.index_cast %get3A_1111 : i32 to index
        %get3A_1113 = arith.index_cast %add3A_1110 : i32 to index
        %get3A_1114 = arith.constant 48 : index
        %get3A_1115 = tpu.vector_load %arg6[%get3A_1112, %get3A_1113, %get3A_1114] {strides = array<i32>} : memref<10x64x128xf32, #tpu.memory_space<vmem>>, vector<1x1x16xf32>,
        %get3A_1116 = vector.shape_cast %get3A_1115 : vector<1x1x16xf32> to vector<16xf32>
        %mul3A_1117 = arith.constant 11.3137083 : f32
        %mul3A_1118 = vector.broadcast %mul3A_1117 : f32 to vector<16xf32>
        %mul3A_1119 = arith.mulf %get3A_1116, %mul3A_1118 : vector<16xf32>
        %mul3A_1120 = arith.constant 2 : i32
        %mul3A_1121 = arith.muli %mul3A_1120, %scan3A_844 : i32
        %add3A_1122 = arith.constant 1 : i32
        %add3A_1123 = arith.addi %mul3A_1121, %add3A_1122 : i32
        %swap3A_1124 = arith.constant 0 : i32
        %swap3A_1125 = arith.index_cast %swap3A_1124 : i32 to index
        %swap3A_1126 = arith.index_cast %add3A_1123 : i32 to index
        %swap3A_1127 = arith.constant 48 : index
        %swap3A_1128 = tpu.vector_load %arg6[%swap3A_1125, %swap3A_1126, %swap3A_1127] {strides = array<i32>} : memref<10x64x128xf32, #tpu.memory_space<vmem>>, vector<1x1x16xf32>,
        %swap3A_1129 = vector.shape_cast %swap3A_1128 : vector<1x1x16xf32> to vector<16xf32>
        %swap3A_1130 = vector.shape_cast %mul3A_1119 : vector<16xf32> to vector<1x1x16xf32>
        tpu.vector_store %arg6[%swap3A_1125, %swap3A_1126, %swap3A_1127], %swap3A_1130 {strides = array<i32>} : memref<10x64x128xf32, #tpu.memory_space<vmem>>, vector<1x1x16xf32>,
        %mul3A_1131 = arith.constant 2 : i32
        %mul3A_1132 = arith.muli %mul3A_1131, %scan3A_844 : i32
        %add3A_1133 = arith.constant 1 : i32
        %add3A_1134 = arith.addi %mul3A_1132, %add3A_1133 : i32
        %get3A_1135 = arith.constant 0 : i32
        %get3A_1136 = arith.index_cast %get3A_1135 : i32 to index
        %get3A_1137 = arith.index_cast %add3A_1134 : i32 to index
        %get3A_1138 = arith.constant 64 : index
        %get3A_1139 = tpu.vector_load %arg6[%get3A_1136, %get3A_1137, %get3A_1138] {strides = array<i32>} : memref<10x64x128xf32, #tpu.memory_space<vmem>>, vector<1x1x16xf32>,
        %get3A_1140 = vector.shape_cast %get3A_1139 : vector<1x1x16xf32> to vector<16xf32>
        %mul3A_1141 = arith.constant 11.3137083 : f32
        %mul3A_1142 = vector.broadcast %mul3A_1141 : f32 to vector<16xf32>
        %mul3A_1143 = arith.mulf %get3A_1140, %mul3A_1142 : vector<16xf32>
        %mul3A_1144 = arith.constant 2 : i32
        %mul3A_1145 = arith.muli %mul3A_1144, %scan3A_844 : i32
        %add3A_1146 = arith.constant 1 : i32
        %add3A_1147 = arith.addi %mul3A_1145, %add3A_1146 : i32
        %swap3A_1148 = arith.constant 0 : i32
        %swap3A_1149 = arith.index_cast %swap3A_1148 : i32 to index
        %swap3A_1150 = arith.index_cast %add3A_1147 : i32 to index
        %swap3A_1151 = arith.constant 64 : index
        %swap3A_1152 = tpu.vector_load %arg6[%swap3A_1149, %swap3A_1150, %swap3A_1151] {strides = array<i32>} : memref<10x64x128xf32, #tpu.memory_space<vmem>>, vector<1x1x16xf32>,
        %swap3A_1153 = vector.shape_cast %swap3A_1152 : vector<1x1x16xf32> to vector<16xf32>
        %swap3A_1154 = vector.shape_cast %mul3A_1143 : vector<16xf32> to vector<1x1x16xf32>
        tpu.vector_store %arg6[%swap3A_1149, %swap3A_1150, %swap3A_1151], %swap3A_1154 {strides = array<i32>} : memref<10x64x128xf32, #tpu.memory_space<vmem>>, vector<1x1x16xf32>,
        %mul3A_1155 = arith.constant 2 : i32
        %mul3A_1156 = arith.muli %mul3A_1155, %scan3A_844 : i32
        %add3A_1157 = arith.constant 1 : i32
        %add3A_1158 = arith.addi %mul3A_1156, %add3A_1157 : i32
        %get3A_1159 = arith.constant 0 : i32
        %get3A_1160 = arith.index_cast %get3A_1159 : i32 to index
        %get3A_1161 = arith.index_cast %add3A_1158 : i32 to index
        %get3A_1162 = arith.constant 80 : index
        %get3A_1163 = tpu.vector_load %arg6[%get3A_1160, %get3A_1161, %get3A_1162] {strides = array<i32>} : memref<10x64x128xf32, #tpu.memory_space<vmem>>, vector<1x1x16xf32>,
        %get3A_1164 = vector.shape_cast %get3A_1163 : vector<1x1x16xf32> to vector<16xf32>
        %mul3A_1165 = arith.constant 11.3137083 : f32
        %mul3A_1166 = vector.broadcast %mul3A_1165 : f32 to vector<16xf32>
        %mul3A_1167 = arith.mulf %get3A_1164, %mul3A_1166 : vector<16xf32>
        %mul3A_1168 = arith.constant 2 : i32
        %mul3A_1169 = arith.muli %mul3A_1168, %scan3A_844 : i32
        %add3A_1170 = arith.constant 1 : i32
        %add3A_1171 = arith.addi %mul3A_1169, %add3A_1170 : i32
        %swap3A_1172 = arith.constant 0 : i32
        %swap3A_1173 = arith.index_cast %swap3A_1172 : i32 to index
        %swap3A_1174 = arith.index_cast %add3A_1171 : i32 to index
        %swap3A_1175 = arith.constant 80 : index
        %swap3A_1176 = tpu.vector_load %arg6[%swap3A_1173, %swap3A_1174, %swap3A_1175] {strides = array<i32>} : memref<10x64x128xf32, #tpu.memory_space<vmem>>, vector<1x1x16xf32>,
        %swap3A_1177 = vector.shape_cast %swap3A_1176 : vector<1x1x16xf32> to vector<16xf32>
        %swap3A_1178 = vector.shape_cast %mul3A_1167 : vector<16xf32> to vector<1x1x16xf32>
        tpu.vector_store %arg6[%swap3A_1173, %swap3A_1174, %swap3A_1175], %swap3A_1178 {strides = array<i32>} : memref<10x64x128xf32, #tpu.memory_space<vmem>>, vector<1x1x16xf32>,
        %mul3A_1179 = arith.constant 2 : i32
        %mul3A_1180 = arith.muli %mul3A_1179, %scan3A_844 : i32
        %add3A_1181 = arith.constant 1 : i32
        %add3A_1182 = arith.addi %mul3A_1180, %add3A_1181 : i32
        %get3A_1183 = arith.constant 0 : i32
        %get3A_1184 = arith.index_cast %get3A_1183 : i32 to index
        %get3A_1185 = arith.index_cast %add3A_1182 : i32 to index
        %get3A_1186 = arith.constant 96 : index
        %get3A_1187 = tpu.vector_load %arg6[%get3A_1184, %get3A_1185, %get3A_1186] {strides = array<i32>} : memref<10x64x128xf32, #tpu.memory_space<vmem>>, vector<1x1x16xf32>,
        %get3A_1188 = vector.shape_cast %get3A_1187 : vector<1x1x16xf32> to vector<16xf32>
        %mul3A_1189 = arith.constant 11.3137083 : f32
        %mul3A_1190 = vector.broadcast %mul3A_1189 : f32 to vector<16xf32>
        %mul3A_1191 = arith.mulf %get3A_1188, %mul3A_1190 : vector<16xf32>
        %mul3A_1192 = arith.constant 2 : i32
        %mul3A_1193 = arith.muli %mul3A_1192, %scan3A_844 : i32
        %add3A_1194 = arith.constant 1 : i32
        %add3A_1195 = arith.addi %mul3A_1193, %add3A_1194 : i32
        %swap3A_1196 = arith.constant 0 : i32
        %swap3A_1197 = arith.index_cast %swap3A_1196 : i32 to index
        %swap3A_1198 = arith.index_cast %add3A_1195 : i32 to index
        %swap3A_1199 = arith.constant 96 : index
        %swap3A_1200 = tpu.vector_load %arg6[%swap3A_1197, %swap3A_1198, %swap3A_1199] {strides = array<i32>} : memref<10x64x128xf32, #tpu.memory_space<vmem>>, vector<1x1x16xf32>,
        %swap3A_1201 = vector.shape_cast %swap3A_1200 : vector<1x1x16xf32> to vector<16xf32>
        %swap3A_1202 = vector.shape_cast %mul3A_1191 : vector<16xf32> to vector<1x1x16xf32>
        tpu.vector_store %arg6[%swap3A_1197, %swap3A_1198, %swap3A_1199], %swap3A_1202 {strides = array<i32>} : memref<10x64x128xf32, #tpu.memory_space<vmem>>, vector<1x1x16xf32>,
        %mul3A_1203 = arith.constant 2 : i32
        %mul3A_1204 = arith.muli %mul3A_1203, %scan3A_844 : i32
        %add3A_1205 = arith.constant 1 : i32
        %add3A_1206 = arith.addi %mul3A_1204, %add3A_1205 : i32
        %get3A_1207 = arith.constant 0 : i32
        %get3A_1208 = arith.index_cast %get3A_1207 : i32 to index
        %get3A_1209 = arith.index_cast %add3A_1206 : i32 to index
        %get3A_1210 = arith.constant 112 : index
        %get3A_1211 = tpu.vector_load %arg6[%get3A_1208, %get3A_1209, %get3A_1210] {strides = array<i32>} : memref<10x64x128xf32, #tpu.memory_space<vmem>>, vector<1x1x16xf32>,
        %get3A_1212 = vector.shape_cast %get3A_1211 : vector<1x1x16xf32> to vector<16xf32>
        %mul3A_1213 = arith.constant 11.3137083 : f32
        %mul3A_1214 = vector.broadcast %mul3A_1213 : f32 to vector<16xf32>
        %mul3A_1215 = arith.mulf %get3A_1212, %mul3A_1214 : vector<16xf32>
        %mul3A_1216 = arith.constant 2 : i32
        %mul3A_1217 = arith.muli %mul3A_1216, %scan3A_844 : i32
        %add3A_1218 = arith.constant 1 : i32
        %add3A_1219 = arith.addi %mul3A_1217, %add3A_1218 : i32
        %swap3A_1220 = arith.constant 0 : i32
        %swap3A_1221 = arith.index_cast %swap3A_1220 : i32 to index
        %swap3A_1222 = arith.index_cast %add3A_1219 : i32 to index
        %swap3A_1223 = arith.constant 112 : index
        %swap3A_1224 = tpu.vector_load %arg6[%swap3A_1221, %swap3A_1222, %swap3A_1223] {strides = array<i32>} : memref<10x64x128xf32, #tpu.memory_space<vmem>>, vector<1x1x16xf32>,
        %swap3A_1225 = vector.shape_cast %swap3A_1224 : vector<1x1x16xf32> to vector<16xf32>
        %swap3A_1226 = vector.shape_cast %mul3A_1215 : vector<16xf32> to vector<1x1x16xf32>
        tpu.vector_store %arg6[%swap3A_1221, %swap3A_1222, %swap3A_1223], %swap3A_1226 {strides = array<i32>} : memref<10x64x128xf32, #tpu.memory_space<vmem>>, vector<1x1x16xf32>,
      }
      %scan3A_437 = arith.constant 32 : i32
      %mul3A_438 = arith.constant 64 : i32
      %mul3A_439 = arith.muli %add3A_417, %mul3A_438 : i32
      %add3A_440 = arith.addi %mul3A_2, %mul3A_439 : i32
      %dma_start3A_441 = arith.constant 0 : i32
      %dma_start3A_442 = arith.constant 0 : i32
      %dma_start3A_443 = arith.constant 0 : i32
      %dma_start3A_444 = arith.constant 0 : i32
      %dma_start3A_445 = tpu.memref_slice %arg6[%dma_start3A_441, %dma_start3A_443, %dma_start3A_444] : memref<10x64x128xf32, #tpu.memory_space<vmem>> -> memref<1x64x128xf32, #tpu.memory_space<vmem>>
      %dma_start3A_446 = tpu.memref_squeeze %dma_start3A_445 : memref<1x64x128xf32, #tpu.memory_space<vmem>> -> memref<64x128xf32, #tpu.memory_space<vmem>>
      %dma_start3A_447 = arith.constant 0 : i32
      %dma_start3A_448 = tpu.memref_slice %arg4[%add3A_440, %dma_start3A_447] : memref<204800x128xf32, #tpu.memory_space<hbm>> -> memref<64x128xf32, #tpu.memory_space<hbm>>
      %dma_start3A_449 = tpu.memref_slice %arg8[%dma_start3A_442] : memref<10x!tpu.dma_semaphore, #tpu.memory_space<semaphore_mem>> -> memref<1x!tpu.dma_semaphore, #tpu.memory_space<semaphore_mem>>
      %dma_start3A_450 = tpu.memref_squeeze %dma_start3A_449 : memref<1x!tpu.dma_semaphore, #tpu.memory_space<semaphore_mem>> -> memref<!tpu.dma_semaphore, #tpu.memory_space<semaphore_mem>>
      %dma_start3A_451 = arith.constant 0 : i32
      %dma_start3A_452 = tpu.memref_slice %arg4[%add3A_440, %dma_start3A_451] : memref<204800x128xf32, #tpu.memory_space<hbm>> -> memref<64x128xf32, #tpu.memory_space<hbm>>
      %dma_start3A_453 = arith.constant 0 : i32
      %dma_start3A_454 = arith.constant 0 : i32
      %dma_start3A_455 = tpu.memref_slice %arg6[%dma_start3A_441, %dma_start3A_453, %dma_start3A_454] : memref<10x64x128xf32, #tpu.memory_space<vmem>> -> memref<1x64x128xf32, #tpu.memory_space<vmem>>
      %dma_start3A_456 = tpu.memref_squeeze %dma_start3A_455 : memref<1x64x128xf32, #tpu.memory_space<vmem>> -> memref<64x128xf32, #tpu.memory_space<vmem>>
      tpu.enqueue_dma source(%dma_start3A_456 : memref<64x128xf32, #tpu.memory_space<vmem>>) target(%dma_start3A_452 : memref<64x128xf32, #tpu.memory_space<hbm>>) target_semaphore(%dma_start3A_450 : memref<!tpu.dma_semaphore, #tpu.memory_space<semaphore_mem>>)
      %mul3A_457 = arith.constant 10 : i32
      %mul3A_458 = arith.muli %scan3A_187, %mul3A_457 : i32
      %add3A_459 = arith.constant 1 : i32
      %add3A_460 = arith.addi %mul3A_458, %add3A_459 : i32
      %dma_wait3A_461 = arith.constant 1 : i32
      %dma_wait3A_462 = arith.constant 1 : i32
      %dma_wait3A_463 = arith.constant 0 : i32
      %dma_wait3A_464 = arith.constant 0 : i32
      %dma_wait3A_465 = tpu.memref_slice %arg6[%dma_wait3A_461, %dma_wait3A_463, %dma_wait3A_464] : memref<10x64x128xf32, #tpu.memory_space<vmem>> -> memref<1x64x128xf32, #tpu.memory_space<vmem>>
      %dma_wait3A_466 = tpu.memref_squeeze %dma_wait3A_465 : memref<1x64x128xf32, #tpu.memory_space<vmem>> -> memref<64x128xf32, #tpu.memory_space<vmem>>
      %dma_wait3A_467 = arith.constant 0 : i32
      %dma_wait3A_468 = tpu.memref_slice %arg5[%add3A_460, %dma_wait3A_467] : memref<100x64xi32, #tpu.memory_space<vmem>> -> memref<1x64xi32, #tpu.memory_space<vmem>>
      %dma_wait3A_469 = tpu.memref_squeeze %dma_wait3A_468 : memref<1x64xi32, #tpu.memory_space<vmem>> -> memref<64xi32, #tpu.memory_space<vmem>>
      %dma_wait3A_470 = arith.constant 0 : i32
      %dma_wait3A_471 = arith.constant 0 : i32
      %dma_wait3A_472 = tpu.memref_slice %arg3[%dma_wait3A_470, %dma_wait3A_471] : memref<100000x128xf32, #tpu.memory_space<hbm>> -> memref<100000x128xf32, #tpu.memory_space<hbm>>
      %dma_wait3A_473 = tpu.memref_slice %arg7[%dma_wait3A_462] : memref<10x!tpu.dma_semaphore, #tpu.memory_space<semaphore_mem>> -> memref<1x!tpu.dma_semaphore, #tpu.memory_space<semaphore_mem>>
      %dma_wait3A_474 = tpu.memref_squeeze %dma_wait3A_473 : memref<1x!tpu.dma_semaphore, #tpu.memory_space<semaphore_mem>> -> memref<!tpu.dma_semaphore, #tpu.memory_space<semaphore_mem>>
      tpu.wait_indirect_dma semaphore(%dma_wait3A_474 : memref<!tpu.dma_semaphore, #tpu.memory_space<semaphore_mem>>) src(%dma_wait3A_472 : memref<100000x128xf32, #tpu.memory_space<hbm>>) dst(%dma_wait3A_466 : memref<64x128xf32, #tpu.memory_space<vmem>>)
      %scan3A_475 = arith.constant 0 : i32
      %scan3A_476 = arith.constant 0 : i32
      %scan3A_477 = arith.constant 32 : i32
      %scan3A_478 = arith.addi %scan3A_476, %scan3A_477 : i32
      %scan3A_479 = arith.constant 1 : i32
      scf.for %scan3A_844 = %scan3A_476 to %scan3A_478 step %scan3A_479  : i32 {
        %mul3A_845 = arith.constant 2 : i32
        %mul3A_846 = arith.muli %mul3A_845, %scan3A_844 : i32
        %add3A_847 = arith.constant 0 : i32
        %add3A_848 = arith.addi %mul3A_846, %add3A_847 : i32
        %get3A = arith.constant 1 : i32
        %get3A_849 = arith.index_cast %get3A : i32 to index
        %get3A_850 = arith.index_cast %add3A_848 : i32 to index
        %get3A_851 = arith.constant 0 : index
        %get3A_852 = tpu.vector_load %arg6[%get3A_849, %get3A_850, %get3A_851] {strides = array<i32>} : memref<10x64x128xf32, #tpu.memory_space<vmem>>, vector<1x1x16xf32>,
        %get3A_853 = vector.shape_cast %get3A_852 : vector<1x1x16xf32> to vector<16xf32>
        %mul3A_854 = arith.constant 11.3137083 : f32
        %mul3A_855 = vector.broadcast %mul3A_854 : f32 to vector<16xf32>
        %mul3A_856 = arith.mulf %get3A_853, %mul3A_855 : vector<16xf32>
        %mul3A_857 = arith.constant 2 : i32
        %mul3A_858 = arith.muli %mul3A_857, %scan3A_844 : i32
        %add3A_859 = arith.constant 0 : i32
        %add3A_860 = arith.addi %mul3A_858, %add3A_859 : i32
        %swap3A = arith.constant 1 : i32
        %swap3A_861 = arith.index_cast %swap3A : i32 to index
        %swap3A_862 = arith.index_cast %add3A_860 : i32 to index
        %swap3A_863 = arith.constant 0 : index
        %swap3A_864 = tpu.vector_load %arg6[%swap3A_861, %swap3A_862, %swap3A_863] {strides = array<i32>} : memref<10x64x128xf32, #tpu.memory_space<vmem>>, vector<1x1x16xf32>,
        %swap3A_865 = vector.shape_cast %swap3A_864 : vector<1x1x16xf32> to vector<16xf32>
        %swap3A_866 = vector.shape_cast %mul3A_856 : vector<16xf32> to vector<1x1x16xf32>
        tpu.vector_store %arg6[%swap3A_861, %swap3A_862, %swap3A_863], %swap3A_866 {strides = array<i32>} : memref<10x64x128xf32, #tpu.memory_space<vmem>>, vector<1x1x16xf32>,
        %mul3A_867 = arith.constant 2 : i32
        %mul3A_868 = arith.muli %mul3A_867, %scan3A_844 : i32
        %add3A_869 = arith.constant 0 : i32
        %add3A_870 = arith.addi %mul3A_868, %add3A_869 : i32
        %get3A_871 = arith.constant 1 : i32
        %get3A_872 = arith.index_cast %get3A_871 : i32 to index
        %get3A_873 = arith.index_cast %add3A_870 : i32 to index
        %get3A_874 = arith.constant 16 : index
        %get3A_875 = tpu.vector_load %arg6[%get3A_872, %get3A_873, %get3A_874] {strides = array<i32>} : memref<10x64x128xf32, #tpu.memory_space<vmem>>, vector<1x1x16xf32>,
        %get3A_876 = vector.shape_cast %get3A_875 : vector<1x1x16xf32> to vector<16xf32>
        %mul3A_877 = arith.constant 11.3137083 : f32
        %mul3A_878 = vector.broadcast %mul3A_877 : f32 to vector<16xf32>
        %mul3A_879 = arith.mulf %get3A_876, %mul3A_878 : vector<16xf32>
        %mul3A_880 = arith.constant 2 : i32
        %mul3A_881 = arith.muli %mul3A_880, %scan3A_844 : i32
        %add3A_882 = arith.constant 0 : i32
        %add3A_883 = arith.addi %mul3A_881, %add3A_882 : i32
        %swap3A_884 = arith.constant 1 : i32
        %swap3A_885 = arith.index_cast %swap3A_884 : i32 to index
        %swap3A_886 = arith.index_cast %add3A_883 : i32 to index
        %swap3A_887 = arith.constant 16 : index
        %swap3A_888 = tpu.vector_load %arg6[%swap3A_885, %swap3A_886, %swap3A_887] {strides = array<i32>} : memref<10x64x128xf32, #tpu.memory_space<vmem>>, vector<1x1x16xf32>,
        %swap3A_889 = vector.shape_cast %swap3A_888 : vector<1x1x16xf32> to vector<16xf32>
        %swap3A_890 = vector.shape_cast %mul3A_879 : vector<16xf32> to vector<1x1x16xf32>
        tpu.vector_store %arg6[%swap3A_885, %swap3A_886, %swap3A_887], %swap3A_890 {strides = array<i32>} : memref<10x64x128xf32, #tpu.memory_space<vmem>>, vector<1x1x16xf32>,
        %mul3A_891 = arith.constant 2 : i32
        %mul3A_892 = arith.muli %mul3A_891, %scan3A_844 : i32
        %add3A_893 = arith.constant 0 : i32
        %add3A_894 = arith.addi %mul3A_892, %add3A_893 : i32
        %get3A_895 = arith.constant 1 : i32
        %get3A_896 = arith.index_cast %get3A_895 : i32 to index
        %get3A_897 = arith.index_cast %add3A_894 : i32 to index
        %get3A_898 = arith.constant 32 : index
        %get3A_899 = tpu.vector_load %arg6[%get3A_896, %get3A_897, %get3A_898] {strides = array<i32>} : memref<10x64x128xf32, #tpu.memory_space<vmem>>, vector<1x1x16xf32>,
        %get3A_900 = vector.shape_cast %get3A_899 : vector<1x1x16xf32> to vector<16xf32>
        %mul3A_901 = arith.constant 11.3137083 : f32
        %mul3A_902 = vector.broadcast %mul3A_901 : f32 to vector<16xf32>
        %mul3A_903 = arith.mulf %get3A_900, %mul3A_902 : vector<16xf32>
        %mul3A_904 = arith.constant 2 : i32
        %mul3A_905 = arith.muli %mul3A_904, %scan3A_844 : i32
        %add3A_906 = arith.constant 0 : i32
        %add3A_907 = arith.addi %mul3A_905, %add3A_906 : i32
        %swap3A_908 = arith.constant 1 : i32
        %swap3A_909 = arith.index_cast %swap3A_908 : i32 to index
        %swap3A_910 = arith.index_cast %add3A_907 : i32 to index
        %swap3A_911 = arith.constant 32 : index
        %swap3A_912 = tpu.vector_load %arg6[%swap3A_909, %swap3A_910, %swap3A_911] {strides = array<i32>} : memref<10x64x128xf32, #tpu.memory_space<vmem>>, vector<1x1x16xf32>,
        %swap3A_913 = vector.shape_cast %swap3A_912 : vector<1x1x16xf32> to vector<16xf32>
        %swap3A_914 = vector.shape_cast %mul3A_903 : vector<16xf32> to vector<1x1x16xf32>
        tpu.vector_store %arg6[%swap3A_909, %swap3A_910, %swap3A_911], %swap3A_914 {strides = array<i32>} : memref<10x64x128xf32, #tpu.memory_space<vmem>>, vector<1x1x16xf32>,
        %mul3A_915 = arith.constant 2 : i32
        %mul3A_916 = arith.muli %mul3A_915, %scan3A_844 : i32
        %add3A_917 = arith.constant 0 : i32
        %add3A_918 = arith.addi %mul3A_916, %add3A_917 : i32
        %get3A_919 = arith.constant 1 : i32
        %get3A_920 = arith.index_cast %get3A_919 : i32 to index
        %get3A_921 = arith.index_cast %add3A_918 : i32 to index
        %get3A_922 = arith.constant 48 : index
        %get3A_923 = tpu.vector_load %arg6[%get3A_920, %get3A_921, %get3A_922] {strides = array<i32>} : memref<10x64x128xf32, #tpu.memory_space<vmem>>, vector<1x1x16xf32>,
        %get3A_924 = vector.shape_cast %get3A_923 : vector<1x1x16xf32> to vector<16xf32>
        %mul3A_925 = arith.constant 11.3137083 : f32
        %mul3A_926 = vector.broadcast %mul3A_925 : f32 to vector<16xf32>
        %mul3A_927 = arith.mulf %get3A_924, %mul3A_926 : vector<16xf32>
        %mul3A_928 = arith.constant 2 : i32
        %mul3A_929 = arith.muli %mul3A_928, %scan3A_844 : i32
        %add3A_930 = arith.constant 0 : i32
        %add3A_931 = arith.addi %mul3A_929, %add3A_930 : i32
        %swap3A_932 = arith.constant 1 : i32
        %swap3A_933 = arith.index_cast %swap3A_932 : i32 to index
        %swap3A_934 = arith.index_cast %add3A_931 : i32 to index
        %swap3A_935 = arith.constant 48 : index
        %swap3A_936 = tpu.vector_load %arg6[%swap3A_933, %swap3A_934, %swap3A_935] {strides = array<i32>} : memref<10x64x128xf32, #tpu.memory_space<vmem>>, vector<1x1x16xf32>,
        %swap3A_937 = vector.shape_cast %swap3A_936 : vector<1x1x16xf32> to vector<16xf32>
        %swap3A_938 = vector.shape_cast %mul3A_927 : vector<16xf32> to vector<1x1x16xf32>
        tpu.vector_store %arg6[%swap3A_933, %swap3A_934, %swap3A_935], %swap3A_938 {strides = array<i32>} : memref<10x64x128xf32, #tpu.memory_space<vmem>>, vector<1x1x16xf32>,
        %mul3A_939 = arith.constant 2 : i32
        %mul3A_940 = arith.muli %mul3A_939, %scan3A_844 : i32
        %add3A_941 = arith.constant 0 : i32
        %add3A_942 = arith.addi %mul3A_940, %add3A_941 : i32
        %get3A_943 = arith.constant 1 : i32
        %get3A_944 = arith.index_cast %get3A_943 : i32 to index
        %get3A_945 = arith.index_cast %add3A_942 : i32 to index
        %get3A_946 = arith.constant 64 : index
        %get3A_947 = tpu.vector_load %arg6[%get3A_944, %get3A_945, %get3A_946] {strides = array<i32>} : memref<10x64x128xf32, #tpu.memory_space<vmem>>, vector<1x1x16xf32>,
        %get3A_948 = vector.shape_cast %get3A_947 : vector<1x1x16xf32> to vector<16xf32>
        %mul3A_949 = arith.constant 11.3137083 : f32
        %mul3A_950 = vector.broadcast %mul3A_949 : f32 to vector<16xf32>
        %mul3A_951 = arith.mulf %get3A_948, %mul3A_950 : vector<16xf32>
        %mul3A_952 = arith.constant 2 : i32
        %mul3A_953 = arith.muli %mul3A_952, %scan3A_844 : i32
        %add3A_954 = arith.constant 0 : i32
        %add3A_955 = arith.addi %mul3A_953, %add3A_954 : i32
        %swap3A_956 = arith.constant 1 : i32
        %swap3A_957 = arith.index_cast %swap3A_956 : i32 to index
        %swap3A_958 = arith.index_cast %add3A_955 : i32 to index
        %swap3A_959 = arith.constant 64 : index
        %swap3A_960 = tpu.vector_load %arg6[%swap3A_957, %swap3A_958, %swap3A_959] {strides = array<i32>} : memref<10x64x128xf32, #tpu.memory_space<vmem>>, vector<1x1x16xf32>,
        %swap3A_961 = vector.shape_cast %swap3A_960 : vector<1x1x16xf32> to vector<16xf32>
        %swap3A_962 = vector.shape_cast %mul3A_951 : vector<16xf32> to vector<1x1x16xf32>
        tpu.vector_store %arg6[%swap3A_957, %swap3A_958, %swap3A_959], %swap3A_962 {strides = array<i32>} : memref<10x64x128xf32, #tpu.memory_space<vmem>>, vector<1x1x16xf32>,
        %mul3A_963 = arith.constant 2 : i32
        %mul3A_964 = arith.muli %mul3A_963, %scan3A_844 : i32
        %add3A_965 = arith.constant 0 : i32
        %add3A_966 = arith.addi %mul3A_964, %add3A_965 : i32
        %get3A_967 = arith.constant 1 : i32
        %get3A_968 = arith.index_cast %get3A_967 : i32 to index
        %get3A_969 = arith.index_cast %add3A_966 : i32 to index
        %get3A_970 = arith.constant 80 : index
        %get3A_971 = tpu.vector_load %arg6[%get3A_968, %get3A_969, %get3A_970] {strides = array<i32>} : memref<10x64x128xf32, #tpu.memory_space<vmem>>, vector<1x1x16xf32>,
        %get3A_972 = vector.shape_cast %get3A_971 : vector<1x1x16xf32> to vector<16xf32>
        %mul3A_973 = arith.constant 11.3137083 : f32
        %mul3A_974 = vector.broadcast %mul3A_973 : f32 to vector<16xf32>
        %mul3A_975 = arith.mulf %get3A_972, %mul3A_974 : vector<16xf32>
        %mul3A_976 = arith.constant 2 : i32
        %mul3A_977 = arith.muli %mul3A_976, %scan3A_844 : i32
        %add3A_978 = arith.constant 0 : i32
        %add3A_979 = arith.addi %mul3A_977, %add3A_978 : i32
        %swap3A_980 = arith.constant 1 : i32
        %swap3A_981 = arith.index_cast %swap3A_980 : i32 to index
        %swap3A_982 = arith.index_cast %add3A_979 : i32 to index
        %swap3A_983 = arith.constant 80 : index
        %swap3A_984 = tpu.vector_load %arg6[%swap3A_981, %swap3A_982, %swap3A_983] {strides = array<i32>} : memref<10x64x128xf32, #tpu.memory_space<vmem>>, vector<1x1x16xf32>,
        %swap3A_985 = vector.shape_cast %swap3A_984 : vector<1x1x16xf32> to vector<16xf32>
        %swap3A_986 = vector.shape_cast %mul3A_975 : vector<16xf32> to vector<1x1x16xf32>
        tpu.vector_store %arg6[%swap3A_981, %swap3A_982, %swap3A_983], %swap3A_986 {strides = array<i32>} : memref<10x64x128xf32, #tpu.memory_space<vmem>>, vector<1x1x16xf32>,
        %mul3A_987 = arith.constant 2 : i32
        %mul3A_988 = arith.muli %mul3A_987, %scan3A_844 : i32
        %add3A_989 = arith.constant 0 : i32
        %add3A_990 = arith.addi %mul3A_988, %add3A_989 : i32
        %get3A_991 = arith.constant 1 : i32
        %get3A_992 = arith.index_cast %get3A_991 : i32 to index
        %get3A_993 = arith.index_cast %add3A_990 : i32 to index
        %get3A_994 = arith.constant 96 : index
        %get3A_995 = tpu.vector_load %arg6[%get3A_992, %get3A_993, %get3A_994] {strides = array<i32>} : memref<10x64x128xf32, #tpu.memory_space<vmem>>, vector<1x1x16xf32>,
        %get3A_996 = vector.shape_cast %get3A_995 : vector<1x1x16xf32> to vector<16xf32>
        %mul3A_997 = arith.constant 11.3137083 : f32
        %mul3A_998 = vector.broadcast %mul3A_997 : f32 to vector<16xf32>
        %mul3A_999 = arith.mulf %get3A_996, %mul3A_998 : vector<16xf32>
        %mul3A_1000 = arith.constant 2 : i32
        %mul3A_1001 = arith.muli %mul3A_1000, %scan3A_844 : i32
        %add3A_1002 = arith.constant 0 : i32
        %add3A_1003 = arith.addi %mul3A_1001, %add3A_1002 : i32
        %swap3A_1004 = arith.constant 1 : i32
        %swap3A_1005 = arith.index_cast %swap3A_1004 : i32 to index
        %swap3A_1006 = arith.index_cast %add3A_1003 : i32 to index
        %swap3A_1007 = arith.constant 96 : index
        %swap3A_1008 = tpu.vector_load %arg6[%swap3A_1005, %swap3A_1006, %swap3A_1007] {strides = array<i32>} : memref<10x64x128xf32, #tpu.memory_space<vmem>>, vector<1x1x16xf32>,
        %swap3A_1009 = vector.shape_cast %swap3A_1008 : vector<1x1x16xf32> to vector<16xf32>
        %swap3A_1010 = vector.shape_cast %mul3A_999 : vector<16xf32> to vector<1x1x16xf32>
        tpu.vector_store %arg6[%swap3A_1005, %swap3A_1006, %swap3A_1007], %swap3A_1010 {strides = array<i32>} : memref<10x64x128xf32, #tpu.memory_space<vmem>>, vector<1x1x16xf32>,
        %mul3A_1011 = arith.constant 2 : i32
        %mul3A_1012 = arith.muli %mul3A_1011, %scan3A_844 : i32
        %add3A_1013 = arith.constant 0 : i32
        %add3A_1014 = arith.addi %mul3A_1012, %add3A_1013 : i32
        %get3A_1015 = arith.constant 1 : i32
        %get3A_1016 = arith.index_cast %get3A_1015 : i32 to index
        %get3A_1017 = arith.index_cast %add3A_1014 : i32 to index
        %get3A_1018 = arith.constant 112 : index
        %get3A_1019 = tpu.vector_load %arg6[%get3A_1016, %get3A_1017, %get3A_1018] {strides = array<i32>} : memref<10x64x128xf32, #tpu.memory_space<vmem>>, vector<1x1x16xf32>,
        %get3A_1020 = vector.shape_cast %get3A_1019 : vector<1x1x16xf32> to vector<16xf32>
        %mul3A_1021 = arith.constant 11.3137083 : f32
        %mul3A_1022 = vector.broadcast %mul3A_1021 : f32 to vector<16xf32>
        %mul3A_1023 = arith.mulf %get3A_1020, %mul3A_1022 : vector<16xf32>
        %mul3A_1024 = arith.constant 2 : i32
        %mul3A_1025 = arith.muli %mul3A_1024, %scan3A_844 : i32
        %add3A_1026 = arith.constant 0 : i32
        %add3A_1027 = arith.addi %mul3A_1025, %add3A_1026 : i32
        %swap3A_1028 = arith.constant 1 : i32
        %swap3A_1029 = arith.index_cast %swap3A_1028 : i32 to index
        %swap3A_1030 = arith.index_cast %add3A_1027 : i32 to index
        %swap3A_1031 = arith.constant 112 : index
        %swap3A_1032 = tpu.vector_load %arg6[%swap3A_1029, %swap3A_1030, %swap3A_1031] {strides = array<i32>} : memref<10x64x128xf32, #tpu.memory_space<vmem>>, vector<1x1x16xf32>,
        %swap3A_1033 = vector.shape_cast %swap3A_1032 : vector<1x1x16xf32> to vector<16xf32>
        %swap3A_1034 = vector.shape_cast %mul3A_1023 : vector<16xf32> to vector<1x1x16xf32>
        tpu.vector_store %arg6[%swap3A_1029, %swap3A_1030, %swap3A_1031], %swap3A_1034 {strides = array<i32>} : memref<10x64x128xf32, #tpu.memory_space<vmem>>, vector<1x1x16xf32>,
        %mul3A_1035 = arith.constant 2 : i32
        %mul3A_1036 = arith.muli %mul3A_1035, %scan3A_844 : i32
        %add3A_1037 = arith.constant 1 : i32
        %add3A_1038 = arith.addi %mul3A_1036, %add3A_1037 : i32
        %get3A_1039 = arith.constant 1 : i32
        %get3A_1040 = arith.index_cast %get3A_1039 : i32 to index
        %get3A_1041 = arith.index_cast %add3A_1038 : i32 to index
        %get3A_1042 = arith.constant 0 : index
        %get3A_1043 = tpu.vector_load %arg6[%get3A_1040, %get3A_1041, %get3A_1042] {strides = array<i32>} : memref<10x64x128xf32, #tpu.memory_space<vmem>>, vector<1x1x16xf32>,
        %get3A_1044 = vector.shape_cast %get3A_1043 : vector<1x1x16xf32> to vector<16xf32>
        %mul3A_1045 = arith.constant 11.3137083 : f32
        %mul3A_1046 = vector.broadcast %mul3A_1045 : f32 to vector<16xf32>
        %mul3A_1047 = arith.mulf %get3A_1044, %mul3A_1046 : vector<16xf32>
        %mul3A_1048 = arith.constant 2 : i32
        %mul3A_1049 = arith.muli %mul3A_1048, %scan3A_844 : i32
        %add3A_1050 = arith.constant 1 : i32
        %add3A_1051 = arith.addi %mul3A_1049, %add3A_1050 : i32
        %swap3A_1052 = arith.constant 1 : i32
        %swap3A_1053 = arith.index_cast %swap3A_1052 : i32 to index
        %swap3A_1054 = arith.index_cast %add3A_1051 : i32 to index
        %swap3A_1055 = arith.constant 0 : index
        %swap3A_1056 = tpu.vector_load %arg6[%swap3A_1053, %swap3A_1054, %swap3A_1055] {strides = array<i32>} : memref<10x64x128xf32, #tpu.memory_space<vmem>>, vector<1x1x16xf32>,
        %swap3A_1057 = vector.shape_cast %swap3A_1056 : vector<1x1x16xf32> to vector<16xf32>
        %swap3A_1058 = vector.shape_cast %mul3A_1047 : vector<16xf32> to vector<1x1x16xf32>
        tpu.vector_store %arg6[%swap3A_1053, %swap3A_1054, %swap3A_1055], %swap3A_1058 {strides = array<i32>} : memref<10x64x128xf32, #tpu.memory_space<vmem>>, vector<1x1x16xf32>,
        %mul3A_1059 = arith.constant 2 : i32
        %mul3A_1060 = arith.muli %mul3A_1059, %scan3A_844 : i32
        %add3A_1061 = arith.constant 1 : i32
        %add3A_1062 = arith.addi %mul3A_1060, %add3A_1061 : i32
        %get3A_1063 = arith.constant 1 : i32
        %get3A_1064 = arith.index_cast %get3A_1063 : i32 to index
        %get3A_1065 = arith.index_cast %add3A_1062 : i32 to index
        %get3A_1066 = arith.constant 16 : index
        %get3A_1067 = tpu.vector_load %arg6[%get3A_1064, %get3A_1065, %get3A_1066] {strides = array<i32>} : memref<10x64x128xf32, #tpu.memory_space<vmem>>, vector<1x1x16xf32>,
        %get3A_1068 = vector.shape_cast %get3A_1067 : vector<1x1x16xf32> to vector<16xf32>
        %mul3A_1069 = arith.constant 11.3137083 : f32
        %mul3A_1070 = vector.broadcast %mul3A_1069 : f32 to vector<16xf32>
        %mul3A_1071 = arith.mulf %get3A_1068, %mul3A_1070 : vector<16xf32>
        %mul3A_1072 = arith.constant 2 : i32
        %mul3A_1073 = arith.muli %mul3A_1072, %scan3A_844 : i32
        %add3A_1074 = arith.constant 1 : i32
        %add3A_1075 = arith.addi %mul3A_1073, %add3A_1074 : i32
        %swap3A_1076 = arith.constant 1 : i32
        %swap3A_1077 = arith.index_cast %swap3A_1076 : i32 to index
        %swap3A_1078 = arith.index_cast %add3A_1075 : i32 to index
        %swap3A_1079 = arith.constant 16 : index
        %swap3A_1080 = tpu.vector_load %arg6[%swap3A_1077, %swap3A_1078, %swap3A_1079] {strides = array<i32>} : memref<10x64x128xf32, #tpu.memory_space<vmem>>, vector<1x1x16xf32>,
        %swap3A_1081 = vector.shape_cast %swap3A_1080 : vector<1x1x16xf32> to vector<16xf32>
        %swap3A_1082 = vector.shape_cast %mul3A_1071 : vector<16xf32> to vector<1x1x16xf32>
        tpu.vector_store %arg6[%swap3A_1077, %swap3A_1078, %swap3A_1079], %swap3A_1082 {strides = array<i32>} : memref<10x64x128xf32, #tpu.memory_space<vmem>>, vector<1x1x16xf32>,
        %mul3A_1083 = arith.constant 2 : i32
        %mul3A_1084 = arith.muli %mul3A_1083, %scan3A_844 : i32
        %add3A_1085 = arith.constant 1 : i32
        %add3A_1086 = arith.addi %mul3A_1084, %add3A_1085 : i32
        %get3A_1087 = arith.constant 1 : i32
        %get3A_1088 = arith.index_cast %get3A_1087 : i32 to index
        %get3A_1089 = arith.index_cast %add3A_1086 : i32 to index
        %get3A_1090 = arith.constant 32 : index
        %get3A_1091 = tpu.vector_load %arg6[%get3A_1088, %get3A_1089, %get3A_1090] {strides = array<i32>} : memref<10x64x128xf32, #tpu.memory_space<vmem>>, vector<1x1x16xf32>,
        %get3A_1092 = vector.shape_cast %get3A_1091 : vector<1x1x16xf32> to vector<16xf32>
        %mul3A_1093 = arith.constant 11.3137083 : f32
        %mul3A_1094 = vector.broadcast %mul3A_1093 : f32 to vector<16xf32>
        %mul3A_1095 = arith.mulf %get3A_1092, %mul3A_1094 : vector<16xf32>
        %mul3A_1096 = arith.constant 2 : i32
        %mul3A_1097 = arith.muli %mul3A_1096, %scan3A_844 : i32
        %add3A_1098 = arith.constant 1 : i32
        %add3A_1099 = arith.addi %mul3A_1097, %add3A_1098 : i32
        %swap3A_1100 = arith.constant 1 : i32
        %swap3A_1101 = arith.index_cast %swap3A_1100 : i32 to index
        %swap3A_1102 = arith.index_cast %add3A_1099 : i32 to index
        %swap3A_1103 = arith.constant 32 : index
        %swap3A_1104 = tpu.vector_load %arg6[%swap3A_1101, %swap3A_1102, %swap3A_1103] {strides = array<i32>} : memref<10x64x128xf32, #tpu.memory_space<vmem>>, vector<1x1x16xf32>,
        %swap3A_1105 = vector.shape_cast %swap3A_1104 : vector<1x1x16xf32> to vector<16xf32>
        %swap3A_1106 = vector.shape_cast %mul3A_1095 : vector<16xf32> to vector<1x1x16xf32>
        tpu.vector_store %arg6[%swap3A_1101, %swap3A_1102, %swap3A_1103], %swap3A_1106 {strides = array<i32>} : memref<10x64x128xf32, #tpu.memory_space<vmem>>, vector<1x1x16xf32>,
        %mul3A_1107 = arith.constant 2 : i32
        %mul3A_1108 = arith.muli %mul3A_1107, %scan3A_844 : i32
        %add3A_1109 = arith.constant 1 : i32
        %add3A_1110 = arith.addi %mul3A_1108, %add3A_1109 : i32
        %get3A_1111 = arith.constant 1 : i32
        %get3A_1112 = arith.index_cast %get3A_1111 : i32 to index
        %get3A_1113 = arith.index_cast %add3A_1110 : i32 to index
        %get3A_1114 = arith.constant 48 : index
        %get3A_1115 = tpu.vector_load %arg6[%get3A_1112, %get3A_1113, %get3A_1114] {strides = array<i32>} : memref<10x64x128xf32, #tpu.memory_space<vmem>>, vector<1x1x16xf32>,
        %get3A_1116 = vector.shape_cast %get3A_1115 : vector<1x1x16xf32> to vector<16xf32>
        %mul3A_1117 = arith.constant 11.3137083 : f32
        %mul3A_1118 = vector.broadcast %mul3A_1117 : f32 to vector<16xf32>
        %mul3A_1119 = arith.mulf %get3A_1116, %mul3A_1118 : vector<16xf32>
        %mul3A_1120 = arith.constant 2 : i32
        %mul3A_1121 = arith.muli %mul3A_1120, %scan3A_844 : i32
        %add3A_1122 = arith.constant 1 : i32
        %add3A_1123 = arith.addi %mul3A_1121, %add3A_1122 : i32
        %swap3A_1124 = arith.constant 1 : i32
        %swap3A_1125 = arith.index_cast %swap3A_1124 : i32 to index
        %swap3A_1126 = arith.index_cast %add3A_1123 : i32 to index
        %swap3A_1127 = arith.constant 48 : index
        %swap3A_1128 = tpu.vector_load %arg6[%swap3A_1125, %swap3A_1126, %swap3A_1127] {strides = array<i32>} : memref<10x64x128xf32, #tpu.memory_space<vmem>>, vector<1x1x16xf32>,
        %swap3A_1129 = vector.shape_cast %swap3A_1128 : vector<1x1x16xf32> to vector<16xf32>
        %swap3A_1130 = vector.shape_cast %mul3A_1119 : vector<16xf32> to vector<1x1x16xf32>
        tpu.vector_store %arg6[%swap3A_1125, %swap3A_1126, %swap3A_1127], %swap3A_1130 {strides = array<i32>} : memref<10x64x128xf32, #tpu.memory_space<vmem>>, vector<1x1x16xf32>,
        %mul3A_1131 = arith.constant 2 : i32
        %mul3A_1132 = arith.muli %mul3A_1131, %scan3A_844 : i32
        %add3A_1133 = arith.constant 1 : i32
        %add3A_1134 = arith.addi %mul3A_1132, %add3A_1133 : i32
        %get3A_1135 = arith.constant 1 : i32
        %get3A_1136 = arith.index_cast %get3A_1135 : i32 to index
        %get3A_1137 = arith.index_cast %add3A_1134 : i32 to index
        %get3A_1138 = arith.constant 64 : index
        %get3A_1139 = tpu.vector_load %arg6[%get3A_1136, %get3A_1137, %get3A_1138] {strides = array<i32>} : memref<10x64x128xf32, #tpu.memory_space<vmem>>, vector<1x1x16xf32>,
        %get3A_1140 = vector.shape_cast %get3A_1139 : vector<1x1x16xf32> to vector<16xf32>
        %mul3A_1141 = arith.constant 11.3137083 : f32
        %mul3A_1142 = vector.broadcast %mul3A_1141 : f32 to vector<16xf32>
        %mul3A_1143 = arith.mulf %get3A_1140, %mul3A_1142 : vector<16xf32>
        %mul3A_1144 = arith.constant 2 : i32
        %mul3A_1145 = arith.muli %mul3A_1144, %scan3A_844 : i32
        %add3A_1146 = arith.constant 1 : i32
        %add3A_1147 = arith.addi %mul3A_1145, %add3A_1146 : i32
        %swap3A_1148 = arith.constant 1 : i32
        %swap3A_1149 = arith.index_cast %swap3A_1148 : i32 to index
        %swap3A_1150 = arith.index_cast %add3A_1147 : i32 to index
        %swap3A_1151 = arith.constant 64 : index
        %swap3A_1152 = tpu.vector_load %arg6[%swap3A_1149, %swap3A_1150, %swap3A_1151] {strides = array<i32>} : memref<10x64x128xf32, #tpu.memory_space<vmem>>, vector<1x1x16xf32>,
        %swap3A_1153 = vector.shape_cast %swap3A_1152 : vector<1x1x16xf32> to vector<16xf32>
        %swap3A_1154 = vector.shape_cast %mul3A_1143 : vector<16xf32> to vector<1x1x16xf32>
        tpu.vector_store %arg6[%swap3A_1149, %swap3A_1150, %swap3A_1151], %swap3A_1154 {strides = array<i32>} : memref<10x64x128xf32, #tpu.memory_space<vmem>>, vector<1x1x16xf32>,
        %mul3A_1155 = arith.constant 2 : i32
        %mul3A_1156 = arith.muli %mul3A_1155, %scan3A_844 : i32
        %add3A_1157 = arith.constant 1 : i32
        %add3A_1158 = arith.addi %mul3A_1156, %add3A_1157 : i32
        %get3A_1159 = arith.constant 1 : i32
        %get3A_1160 = arith.index_cast %get3A_1159 : i32 to index
        %get3A_1161 = arith.index_cast %add3A_1158 : i32 to index
        %get3A_1162 = arith.constant 80 : index
        %get3A_1163 = tpu.vector_load %arg6[%get3A_1160, %get3A_1161, %get3A_1162] {strides = array<i32>} : memref<10x64x128xf32, #tpu.memory_space<vmem>>, vector<1x1x16xf32>,
        %get3A_1164 = vector.shape_cast %get3A_1163 : vector<1x1x16xf32> to vector<16xf32>
        %mul3A_1165 = arith.constant 11.3137083 : f32
        %mul3A_1166 = vector.broadcast %mul3A_1165 : f32 to vector<16xf32>
        %mul3A_1167 = arith.mulf %get3A_1164, %mul3A_1166 : vector<16xf32>
        %mul3A_1168 = arith.constant 2 : i32
        %mul3A_1169 = arith.muli %mul3A_1168, %scan3A_844 : i32
        %add3A_1170 = arith.constant 1 : i32
        %add3A_1171 = arith.addi %mul3A_1169, %add3A_1170 : i32
        %swap3A_1172 = arith.constant 1 : i32
        %swap3A_1173 = arith.index_cast %swap3A_1172 : i32 to index
        %swap3A_1174 = arith.index_cast %add3A_1171 : i32 to index
        %swap3A_1175 = arith.constant 80 : index
        %swap3A_1176 = tpu.vector_load %arg6[%swap3A_1173, %swap3A_1174, %swap3A_1175] {strides = array<i32>} : memref<10x64x128xf32, #tpu.memory_space<vmem>>, vector<1x1x16xf32>,
        %swap3A_1177 = vector.shape_cast %swap3A_1176 : vector<1x1x16xf32> to vector<16xf32>
        %swap3A_1178 = vector.shape_cast %mul3A_1167 : vector<16xf32> to vector<1x1x16xf32>
        tpu.vector_store %arg6[%swap3A_1173, %swap3A_1174, %swap3A_1175], %swap3A_1178 {strides = array<i32>} : memref<10x64x128xf32, #tpu.memory_space<vmem>>, vector<1x1x16xf32>,
        %mul3A_1179 = arith.constant 2 : i32
        %mul3A_1180 = arith.muli %mul3A_1179, %scan3A_844 : i32
        %add3A_1181 = arith.constant 1 : i32
        %add3A_1182 = arith.addi %mul3A_1180, %add3A_1181 : i32
        %get3A_1183 = arith.constant 1 : i32
        %get3A_1184 = arith.index_cast %get3A_1183 : i32 to index
        %get3A_1185 = arith.index_cast %add3A_1182 : i32 to index
        %get3A_1186 = arith.constant 96 : index
        %get3A_1187 = tpu.vector_load %arg6[%get3A_1184, %get3A_1185, %get3A_1186] {strides = array<i32>} : memref<10x64x128xf32, #tpu.memory_space<vmem>>, vector<1x1x16xf32>,
        %get3A_1188 = vector.shape_cast %get3A_1187 : vector<1x1x16xf32> to vector<16xf32>
        %mul3A_1189 = arith.constant 11.3137083 : f32
        %mul3A_1190 = vector.broadcast %mul3A_1189 : f32 to vector<16xf32>
        %mul3A_1191 = arith.mulf %get3A_1188, %mul3A_1190 : vector<16xf32>
        %mul3A_1192 = arith.constant 2 : i32
        %mul3A_1193 = arith.muli %mul3A_1192, %scan3A_844 : i32
        %add3A_1194 = arith.constant 1 : i32
        %add3A_1195 = arith.addi %mul3A_1193, %add3A_1194 : i32
        %swap3A_1196 = arith.constant 1 : i32
        %swap3A_1197 = arith.index_cast %swap3A_1196 : i32 to index
        %swap3A_1198 = arith.index_cast %add3A_1195 : i32 to index
        %swap3A_1199 = arith.constant 96 : index
        %swap3A_1200 = tpu.vector_load %arg6[%swap3A_1197, %swap3A_1198, %swap3A_1199] {strides = array<i32>} : memref<10x64x128xf32, #tpu.memory_space<vmem>>, vector<1x1x16xf32>,
        %swap3A_1201 = vector.shape_cast %swap3A_1200 : vector<1x1x16xf32> to vector<16xf32>
        %swap3A_1202 = vector.shape_cast %mul3A_1191 : vector<16xf32> to vector<1x1x16xf32>
        tpu.vector_store %arg6[%swap3A_1197, %swap3A_1198, %swap3A_1199], %swap3A_1202 {strides = array<i32>} : memref<10x64x128xf32, #tpu.memory_space<vmem>>, vector<1x1x16xf32>,
        %mul3A_1203 = arith.constant 2 : i32
        %mul3A_1204 = arith.muli %mul3A_1203, %scan3A_844 : i32
        %add3A_1205 = arith.constant 1 : i32
        %add3A_1206 = arith.addi %mul3A_1204, %add3A_1205 : i32
        %get3A_1207 = arith.constant 1 : i32
        %get3A_1208 = arith.index_cast %get3A_1207 : i32 to index
        %get3A_1209 = arith.index_cast %add3A_1206 : i32 to index
        %get3A_1210 = arith.constant 112 : index
        %get3A_1211 = tpu.vector_load %arg6[%get3A_1208, %get3A_1209, %get3A_1210] {strides = array<i32>} : memref<10x64x128xf32, #tpu.memory_space<vmem>>, vector<1x1x16xf32>,
        %get3A_1212 = vector.shape_cast %get3A_1211 : vector<1x1x16xf32> to vector<16xf32>
        %mul3A_1213 = arith.constant 11.3137083 : f32
        %mul3A_1214 = vector.broadcast %mul3A_1213 : f32 to vector<16xf32>
        %mul3A_1215 = arith.mulf %get3A_1212, %mul3A_1214 : vector<16xf32>
        %mul3A_1216 = arith.constant 2 : i32
        %mul3A_1217 = arith.muli %mul3A_1216, %scan3A_844 : i32
        %add3A_1218 = arith.constant 1 : i32
        %add3A_1219 = arith.addi %mul3A_1217, %add3A_1218 : i32
        %swap3A_1220 = arith.constant 1 : i32
        %swap3A_1221 = arith.index_cast %swap3A_1220 : i32 to index
        %swap3A_1222 = arith.index_cast %add3A_1219 : i32 to index
        %swap3A_1223 = arith.constant 112 : index
        %swap3A_1224 = tpu.vector_load %arg6[%swap3A_1221, %swap3A_1222, %swap3A_1223] {strides = array<i32>} : memref<10x64x128xf32, #tpu.memory_space<vmem>>, vector<1x1x16xf32>,
        %swap3A_1225 = vector.shape_cast %swap3A_1224 : vector<1x1x16xf32> to vector<16xf32>
        %swap3A_1226 = vector.shape_cast %mul3A_1215 : vector<16xf32> to vector<1x1x16xf32>
        tpu.vector_store %arg6[%swap3A_1221, %swap3A_1222, %swap3A_1223], %swap3A_1226 {strides = array<i32>} : memref<10x64x128xf32, #tpu.memory_space<vmem>>, vector<1x1x16xf32>,
      }
      %scan3A_480 = arith.constant 32 : i32
      %mul3A_481 = arith.constant 64 : i32
      %mul3A_482 = arith.muli %add3A_460, %mul3A_481 : i32
      %add3A_483 = arith.addi %mul3A_2, %mul3A_482 : i32
      %dma_start3A_484 = arith.constant 1 : i32
      %dma_start3A_485 = arith.constant 1 : i32
      %dma_start3A_486 = arith.constant 0 : i32
      %dma_start3A_487 = arith.constant 0 : i32
      %dma_start3A_488 = tpu.memref_slice %arg6[%dma_start3A_484, %dma_start3A_486, %dma_start3A_487] : memref<10x64x128xf32, #tpu.memory_space<vmem>> -> memref<1x64x128xf32, #tpu.memory_space<vmem>>
      %dma_start3A_489 = tpu.memref_squeeze %dma_start3A_488 : memref<1x64x128xf32, #tpu.memory_space<vmem>> -> memref<64x128xf32, #tpu.memory_space<vmem>>
      %dma_start3A_490 = arith.constant 0 : i32
      %dma_start3A_491 = tpu.memref_slice %arg4[%add3A_483, %dma_start3A_490] : memref<204800x128xf32, #tpu.memory_space<hbm>> -> memref<64x128xf32, #tpu.memory_space<hbm>>
      %dma_start3A_492 = tpu.memref_slice %arg8[%dma_start3A_485] : memref<10x!tpu.dma_semaphore, #tpu.memory_space<semaphore_mem>> -> memref<1x!tpu.dma_semaphore, #tpu.memory_space<semaphore_mem>>
      %dma_start3A_493 = tpu.memref_squeeze %dma_start3A_492 : memref<1x!tpu.dma_semaphore, #tpu.memory_space<semaphore_mem>> -> memref<!tpu.dma_semaphore, #tpu.memory_space<semaphore_mem>>
      %dma_start3A_494 = arith.constant 0 : i32
      %dma_start3A_495 = tpu.memref_slice %arg4[%add3A_483, %dma_start3A_494] : memref<204800x128xf32, #tpu.memory_space<hbm>> -> memref<64x128xf32, #tpu.memory_space<hbm>>
      %dma_start3A_496 = arith.constant 0 : i32
      %dma_start3A_497 = arith.constant 0 : i32
      %dma_start3A_498 = tpu.memref_slice %arg6[%dma_start3A_484, %dma_start3A_496, %dma_start3A_497] : memref<10x64x128xf32, #tpu.memory_space<vmem>> -> memref<1x64x128xf32, #tpu.memory_space<vmem>>
      %dma_start3A_499 = tpu.memref_squeeze %dma_start3A_498 : memref<1x64x128xf32, #tpu.memory_space<vmem>> -> memref<64x128xf32, #tpu.memory_space<vmem>>
      tpu.enqueue_dma source(%dma_start3A_499 : memref<64x128xf32, #tpu.memory_space<vmem>>) target(%dma_start3A_495 : memref<64x128xf32, #tpu.memory_space<hbm>>) target_semaphore(%dma_start3A_493 : memref<!tpu.dma_semaphore, #tpu.memory_space<semaphore_mem>>)
      %mul3A_500 = arith.constant 10 : i32
      %mul3A_501 = arith.muli %scan3A_187, %mul3A_500 : i32
      %add3A_502 = arith.constant 2 : i32
      %add3A_503 = arith.addi %mul3A_501, %add3A_502 : i32
      %dma_wait3A_504 = arith.constant 2 : i32
      %dma_wait3A_505 = arith.constant 2 : i32
      %dma_wait3A_506 = arith.constant 0 : i32
      %dma_wait3A_507 = arith.constant 0 : i32
      %dma_wait3A_508 = tpu.memref_slice %arg6[%dma_wait3A_504, %dma_wait3A_506, %dma_wait3A_507] : memref<10x64x128xf32, #tpu.memory_space<vmem>> -> memref<1x64x128xf32, #tpu.memory_space<vmem>>
      %dma_wait3A_509 = tpu.memref_squeeze %dma_wait3A_508 : memref<1x64x128xf32, #tpu.memory_space<vmem>> -> memref<64x128xf32, #tpu.memory_space<vmem>>
      %dma_wait3A_510 = arith.constant 0 : i32
      %dma_wait3A_511 = tpu.memref_slice %arg5[%add3A_503, %dma_wait3A_510] : memref<100x64xi32, #tpu.memory_space<vmem>> -> memref<1x64xi32, #tpu.memory_space<vmem>>
      %dma_wait3A_512 = tpu.memref_squeeze %dma_wait3A_511 : memref<1x64xi32, #tpu.memory_space<vmem>> -> memref<64xi32, #tpu.memory_space<vmem>>
      %dma_wait3A_513 = arith.constant 0 : i32
      %dma_wait3A_514 = arith.constant 0 : i32
      %dma_wait3A_515 = tpu.memref_slice %arg3[%dma_wait3A_513, %dma_wait3A_514] : memref<100000x128xf32, #tpu.memory_space<hbm>> -> memref<100000x128xf32, #tpu.memory_space<hbm>>
      %dma_wait3A_516 = tpu.memref_slice %arg7[%dma_wait3A_505] : memref<10x!tpu.dma_semaphore, #tpu.memory_space<semaphore_mem>> -> memref<1x!tpu.dma_semaphore, #tpu.memory_space<semaphore_mem>>
      %dma_wait3A_517 = tpu.memref_squeeze %dma_wait3A_516 : memref<1x!tpu.dma_semaphore, #tpu.memory_space<semaphore_mem>> -> memref<!tpu.dma_semaphore, #tpu.memory_space<semaphore_mem>>
      tpu.wait_indirect_dma semaphore(%dma_wait3A_517 : memref<!tpu.dma_semaphore, #tpu.memory_space<semaphore_mem>>) src(%dma_wait3A_515 : memref<100000x128xf32, #tpu.memory_space<hbm>>) dst(%dma_wait3A_509 : memref<64x128xf32, #tpu.memory_space<vmem>>)
      %scan3A_518 = arith.constant 0 : i32
      %scan3A_519 = arith.constant 0 : i32
      %scan3A_520 = arith.constant 32 : i32
      %scan3A_521 = arith.addi %scan3A_519, %scan3A_520 : i32
      %scan3A_522 = arith.constant 1 : i32
      scf.for %scan3A_844 = %scan3A_519 to %scan3A_521 step %scan3A_522  : i32 {
        %mul3A_845 = arith.constant 2 : i32
        %mul3A_846 = arith.muli %mul3A_845, %scan3A_844 : i32
        %add3A_847 = arith.constant 0 : i32
        %add3A_848 = arith.addi %mul3A_846, %add3A_847 : i32
        %get3A = arith.constant 2 : i32
        %get3A_849 = arith.index_cast %get3A : i32 to index
        %get3A_850 = arith.index_cast %add3A_848 : i32 to index
        %get3A_851 = arith.constant 0 : index
        %get3A_852 = tpu.vector_load %arg6[%get3A_849, %get3A_850, %get3A_851] {strides = array<i32>} : memref<10x64x128xf32, #tpu.memory_space<vmem>>, vector<1x1x16xf32>,
        %get3A_853 = vector.shape_cast %get3A_852 : vector<1x1x16xf32> to vector<16xf32>
        %mul3A_854 = arith.constant 11.3137083 : f32
        %mul3A_855 = vector.broadcast %mul3A_854 : f32 to vector<16xf32>
        %mul3A_856 = arith.mulf %get3A_853, %mul3A_855 : vector<16xf32>
        %mul3A_857 = arith.constant 2 : i32
        %mul3A_858 = arith.muli %mul3A_857, %scan3A_844 : i32
        %add3A_859 = arith.constant 0 : i32
        %add3A_860 = arith.addi %mul3A_858, %add3A_859 : i32
        %swap3A = arith.constant 2 : i32
        %swap3A_861 = arith.index_cast %swap3A : i32 to index
        %swap3A_862 = arith.index_cast %add3A_860 : i32 to index
        %swap3A_863 = arith.constant 0 : index
        %swap3A_864 = tpu.vector_load %arg6[%swap3A_861, %swap3A_862, %swap3A_863] {strides = array<i32>} : memref<10x64x128xf32, #tpu.memory_space<vmem>>, vector<1x1x16xf32>,
        %swap3A_865 = vector.shape_cast %swap3A_864 : vector<1x1x16xf32> to vector<16xf32>
        %swap3A_866 = vector.shape_cast %mul3A_856 : vector<16xf32> to vector<1x1x16xf32>
        tpu.vector_store %arg6[%swap3A_861, %swap3A_862, %swap3A_863], %swap3A_866 {strides = array<i32>} : memref<10x64x128xf32, #tpu.memory_space<vmem>>, vector<1x1x16xf32>,
        %mul3A_867 = arith.constant 2 : i32
        %mul3A_868 = arith.muli %mul3A_867, %scan3A_844 : i32
        %add3A_869 = arith.constant 0 : i32
        %add3A_870 = arith.addi %mul3A_868, %add3A_869 : i32
        %get3A_871 = arith.constant 2 : i32
        %get3A_872 = arith.index_cast %get3A_871 : i32 to index
        %get3A_873 = arith.index_cast %add3A_870 : i32 to index
        %get3A_874 = arith.constant 16 : index
        %get3A_875 = tpu.vector_load %arg6[%get3A_872, %get3A_873, %get3A_874] {strides = array<i32>} : memref<10x64x128xf32, #tpu.memory_space<vmem>>, vector<1x1x16xf32>,
        %get3A_876 = vector.shape_cast %get3A_875 : vector<1x1x16xf32> to vector<16xf32>
        %mul3A_877 = arith.constant 11.3137083 : f32
        %mul3A_878 = vector.broadcast %mul3A_877 : f32 to vector<16xf32>
        %mul3A_879 = arith.mulf %get3A_876, %mul3A_878 : vector<16xf32>
        %mul3A_880 = arith.constant 2 : i32
        %mul3A_881 = arith.muli %mul3A_880, %scan3A_844 : i32
        %add3A_882 = arith.constant 0 : i32
        %add3A_883 = arith.addi %mul3A_881, %add3A_882 : i32
        %swap3A_884 = arith.constant 2 : i32
        %swap3A_885 = arith.index_cast %swap3A_884 : i32 to index
        %swap3A_886 = arith.index_cast %add3A_883 : i32 to index
        %swap3A_887 = arith.constant 16 : index
        %swap3A_888 = tpu.vector_load %arg6[%swap3A_885, %swap3A_886, %swap3A_887] {strides = array<i32>} : memref<10x64x128xf32, #tpu.memory_space<vmem>>, vector<1x1x16xf32>,
        %swap3A_889 = vector.shape_cast %swap3A_888 : vector<1x1x16xf32> to vector<16xf32>
        %swap3A_890 = vector.shape_cast %mul3A_879 : vector<16xf32> to vector<1x1x16xf32>
        tpu.vector_store %arg6[%swap3A_885, %swap3A_886, %swap3A_887], %swap3A_890 {strides = array<i32>} : memref<10x64x128xf32, #tpu.memory_space<vmem>>, vector<1x1x16xf32>,
        %mul3A_891 = arith.constant 2 : i32
        %mul3A_892 = arith.muli %mul3A_891, %scan3A_844 : i32
        %add3A_893 = arith.constant 0 : i32
        %add3A_894 = arith.addi %mul3A_892, %add3A_893 : i32
        %get3A_895 = arith.constant 2 : i32
        %get3A_896 = arith.index_cast %get3A_895 : i32 to index
        %get3A_897 = arith.index_cast %add3A_894 : i32 to index
        %get3A_898 = arith.constant 32 : index
        %get3A_899 = tpu.vector_load %arg6[%get3A_896, %get3A_897, %get3A_898] {strides = array<i32>} : memref<10x64x128xf32, #tpu.memory_space<vmem>>, vector<1x1x16xf32>,
        %get3A_900 = vector.shape_cast %get3A_899 : vector<1x1x16xf32> to vector<16xf32>
        %mul3A_901 = arith.constant 11.3137083 : f32
        %mul3A_902 = vector.broadcast %mul3A_901 : f32 to vector<16xf32>
        %mul3A_903 = arith.mulf %get3A_900, %mul3A_902 : vector<16xf32>
        %mul3A_904 = arith.constant 2 : i32
        %mul3A_905 = arith.muli %mul3A_904, %scan3A_844 : i32
        %add3A_906 = arith.constant 0 : i32
        %add3A_907 = arith.addi %mul3A_905, %add3A_906 : i32
        %swap3A_908 = arith.constant 2 : i32
        %swap3A_909 = arith.index_cast %swap3A_908 : i32 to index
        %swap3A_910 = arith.index_cast %add3A_907 : i32 to index
        %swap3A_911 = arith.constant 32 : index
        %swap3A_912 = tpu.vector_load %arg6[%swap3A_909, %swap3A_910, %swap3A_911] {strides = array<i32>} : memref<10x64x128xf32, #tpu.memory_space<vmem>>, vector<1x1x16xf32>,
        %swap3A_913 = vector.shape_cast %swap3A_912 : vector<1x1x16xf32> to vector<16xf32>
        %swap3A_914 = vector.shape_cast %mul3A_903 : vector<16xf32> to vector<1x1x16xf32>
        tpu.vector_store %arg6[%swap3A_909, %swap3A_910, %swap3A_911], %swap3A_914 {strides = array<i32>} : memref<10x64x128xf32, #tpu.memory_space<vmem>>, vector<1x1x16xf32>,
        %mul3A_915 = arith.constant 2 : i32
        %mul3A_916 = arith.muli %mul3A_915, %scan3A_844 : i32
        %add3A_917 = arith.constant 0 : i32
        %add3A_918 = arith.addi %mul3A_916, %add3A_917 : i32
        %get3A_919 = arith.constant 2 : i32
        %get3A_920 = arith.index_cast %get3A_919 : i32 to index
        %get3A_921 = arith.index_cast %add3A_918 : i32 to index
        %get3A_922 = arith.constant 48 : index
        %get3A_923 = tpu.vector_load %arg6[%get3A_920, %get3A_921, %get3A_922] {strides = array<i32>} : memref<10x64x128xf32, #tpu.memory_space<vmem>>, vector<1x1x16xf32>,
        %get3A_924 = vector.shape_cast %get3A_923 : vector<1x1x16xf32> to vector<16xf32>
        %mul3A_925 = arith.constant 11.3137083 : f32
        %mul3A_926 = vector.broadcast %mul3A_925 : f32 to vector<16xf32>
        %mul3A_927 = arith.mulf %get3A_924, %mul3A_926 : vector<16xf32>
        %mul3A_928 = arith.constant 2 : i32
        %mul3A_929 = arith.muli %mul3A_928, %scan3A_844 : i32
        %add3A_930 = arith.constant 0 : i32
        %add3A_931 = arith.addi %mul3A_929, %add3A_930 : i32
        %swap3A_932 = arith.constant 2 : i32
        %swap3A_933 = arith.index_cast %swap3A_932 : i32 to index
        %swap3A_934 = arith.index_cast %add3A_931 : i32 to index
        %swap3A_935 = arith.constant 48 : index
        %swap3A_936 = tpu.vector_load %arg6[%swap3A_933, %swap3A_934, %swap3A_935] {strides = array<i32>} : memref<10x64x128xf32, #tpu.memory_space<vmem>>, vector<1x1x16xf32>,
        %swap3A_937 = vector.shape_cast %swap3A_936 : vector<1x1x16xf32> to vector<16xf32>
        %swap3A_938 = vector.shape_cast %mul3A_927 : vector<16xf32> to vector<1x1x16xf32>
        tpu.vector_store %arg6[%swap3A_933, %swap3A_934, %swap3A_935], %swap3A_938 {strides = array<i32>} : memref<10x64x128xf32, #tpu.memory_space<vmem>>, vector<1x1x16xf32>,
        %mul3A_939 = arith.constant 2 : i32
        %mul3A_940 = arith.muli %mul3A_939, %scan3A_844 : i32
        %add3A_941 = arith.constant 0 : i32
        %add3A_942 = arith.addi %mul3A_940, %add3A_941 : i32
        %get3A_943 = arith.constant 2 : i32
        %get3A_944 = arith.index_cast %get3A_943 : i32 to index
        %get3A_945 = arith.index_cast %add3A_942 : i32 to index
        %get3A_946 = arith.constant 64 : index
        %get3A_947 = tpu.vector_load %arg6[%get3A_944, %get3A_945, %get3A_946] {strides = array<i32>} : memref<10x64x128xf32, #tpu.memory_space<vmem>>, vector<1x1x16xf32>,
        %get3A_948 = vector.shape_cast %get3A_947 : vector<1x1x16xf32> to vector<16xf32>
        %mul3A_949 = arith.constant 11.3137083 : f32
        %mul3A_950 = vector.broadcast %mul3A_949 : f32 to vector<16xf32>
        %mul3A_951 = arith.mulf %get3A_948, %mul3A_950 : vector<16xf32>
        %mul3A_952 = arith.constant 2 : i32
        %mul3A_953 = arith.muli %mul3A_952, %scan3A_844 : i32
        %add3A_954 = arith.constant 0 : i32
        %add3A_955 = arith.addi %mul3A_953, %add3A_954 : i32
        %swap3A_956 = arith.constant 2 : i32
        %swap3A_957 = arith.index_cast %swap3A_956 : i32 to index
        %swap3A_958 = arith.index_cast %add3A_955 : i32 to index
        %swap3A_959 = arith.constant 64 : index
        %swap3A_960 = tpu.vector_load %arg6[%swap3A_957, %swap3A_958, %swap3A_959] {strides = array<i32>} : memref<10x64x128xf32, #tpu.memory_space<vmem>>, vector<1x1x16xf32>,
        %swap3A_961 = vector.shape_cast %swap3A_960 : vector<1x1x16xf32> to vector<16xf32>
        %swap3A_962 = vector.shape_cast %mul3A_951 : vector<16xf32> to vector<1x1x16xf32>
        tpu.vector_store %arg6[%swap3A_957, %swap3A_958, %swap3A_959], %swap3A_962 {strides = array<i32>} : memref<10x64x128xf32, #tpu.memory_space<vmem>>, vector<1x1x16xf32>,
        %mul3A_963 = arith.constant 2 : i32
        %mul3A_964 = arith.muli %mul3A_963, %scan3A_844 : i32
        %add3A_965 = arith.constant 0 : i32
        %add3A_966 = arith.addi %mul3A_964, %add3A_965 : i32
        %get3A_967 = arith.constant 2 : i32
        %get3A_968 = arith.index_cast %get3A_967 : i32 to index
        %get3A_969 = arith.index_cast %add3A_966 : i32 to index
        %get3A_970 = arith.constant 80 : index
        %get3A_971 = tpu.vector_load %arg6[%get3A_968, %get3A_969, %get3A_970] {strides = array<i32>} : memref<10x64x128xf32, #tpu.memory_space<vmem>>, vector<1x1x16xf32>,
        %get3A_972 = vector.shape_cast %get3A_971 : vector<1x1x16xf32> to vector<16xf32>
        %mul3A_973 = arith.constant 11.3137083 : f32
        %mul3A_974 = vector.broadcast %mul3A_973 : f32 to vector<16xf32>
        %mul3A_975 = arith.mulf %get3A_972, %mul3A_974 : vector<16xf32>
        %mul3A_976 = arith.constant 2 : i32
        %mul3A_977 = arith.muli %mul3A_976, %scan3A_844 : i32
        %add3A_978 = arith.constant 0 : i32
        %add3A_979 = arith.addi %mul3A_977, %add3A_978 : i32
        %swap3A_980 = arith.constant 2 : i32
        %swap3A_981 = arith.index_cast %swap3A_980 : i32 to index
        %swap3A_982 = arith.index_cast %add3A_979 : i32 to index
        %swap3A_983 = arith.constant 80 : index
        %swap3A_984 = tpu.vector_load %arg6[%swap3A_981, %swap3A_982, %swap3A_983] {strides = array<i32>} : memref<10x64x128xf32, #tpu.memory_space<vmem>>, vector<1x1x16xf32>,
        %swap3A_985 = vector.shape_cast %swap3A_984 : vector<1x1x16xf32> to vector<16xf32>
        %swap3A_986 = vector.shape_cast %mul3A_975 : vector<16xf32> to vector<1x1x16xf32>
        tpu.vector_store %arg6[%swap3A_981, %swap3A_982, %swap3A_983], %swap3A_986 {strides = array<i32>} : memref<10x64x128xf32, #tpu.memory_space<vmem>>, vector<1x1x16xf32>,
        %mul3A_987 = arith.constant 2 : i32
        %mul3A_988 = arith.muli %mul3A_987, %scan3A_844 : i32
        %add3A_989 = arith.constant 0 : i32
        %add3A_990 = arith.addi %mul3A_988, %add3A_989 : i32
        %get3A_991 = arith.constant 2 : i32
        %get3A_992 = arith.index_cast %get3A_991 : i32 to index
        %get3A_993 = arith.index_cast %add3A_990 : i32 to index
        %get3A_994 = arith.constant 96 : index
        %get3A_995 = tpu.vector_load %arg6[%get3A_992, %get3A_993, %get3A_994] {strides = array<i32>} : memref<10x64x128xf32, #tpu.memory_space<vmem>>, vector<1x1x16xf32>,
        %get3A_996 = vector.shape_cast %get3A_995 : vector<1x1x16xf32> to vector<16xf32>
        %mul3A_997 = arith.constant 11.3137083 : f32
        %mul3A_998 = vector.broadcast %mul3A_997 : f32 to vector<16xf32>
        %mul3A_999 = arith.mulf %get3A_996, %mul3A_998 : vector<16xf32>
        %mul3A_1000 = arith.constant 2 : i32
        %mul3A_1001 = arith.muli %mul3A_1000, %scan3A_844 : i32
        %add3A_1002 = arith.constant 0 : i32
        %add3A_1003 = arith.addi %mul3A_1001, %add3A_1002 : i32
        %swap3A_1004 = arith.constant 2 : i32
        %swap3A_1005 = arith.index_cast %swap3A_1004 : i32 to index
        %swap3A_1006 = arith.index_cast %add3A_1003 : i32 to index
        %swap3A_1007 = arith.constant 96 : index
        %swap3A_1008 = tpu.vector_load %arg6[%swap3A_1005, %swap3A_1006, %swap3A_1007] {strides = array<i32>} : memref<10x64x128xf32, #tpu.memory_space<vmem>>, vector<1x1x16xf32>,
        %swap3A_1009 = vector.shape_cast %swap3A_1008 : vector<1x1x16xf32> to vector<16xf32>
        %swap3A_1010 = vector.shape_cast %mul3A_999 : vector<16xf32> to vector<1x1x16xf32>
        tpu.vector_store %arg6[%swap3A_1005, %swap3A_1006, %swap3A_1007], %swap3A_1010 {strides = array<i32>} : memref<10x64x128xf32, #tpu.memory_space<vmem>>, vector<1x1x16xf32>,
        %mul3A_1011 = arith.constant 2 : i32
        %mul3A_1012 = arith.muli %mul3A_1011, %scan3A_844 : i32
        %add3A_1013 = arith.constant 0 : i32
        %add3A_1014 = arith.addi %mul3A_1012, %add3A_1013 : i32
        %get3A_1015 = arith.constant 2 : i32
        %get3A_1016 = arith.index_cast %get3A_1015 : i32 to index
        %get3A_1017 = arith.index_cast %add3A_1014 : i32 to index
        %get3A_1018 = arith.constant 112 : index
        %get3A_1019 = tpu.vector_load %arg6[%get3A_1016, %get3A_1017, %get3A_1018] {strides = array<i32>} : memref<10x64x128xf32, #tpu.memory_space<vmem>>, vector<1x1x16xf32>,
        %get3A_1020 = vector.shape_cast %get3A_1019 : vector<1x1x16xf32> to vector<16xf32>
        %mul3A_1021 = arith.constant 11.3137083 : f32
        %mul3A_1022 = vector.broadcast %mul3A_1021 : f32 to vector<16xf32>
        %mul3A_1023 = arith.mulf %get3A_1020, %mul3A_1022 : vector<16xf32>
        %mul3A_1024 = arith.constant 2 : i32
        %mul3A_1025 = arith.muli %mul3A_1024, %scan3A_844 : i32
        %add3A_1026 = arith.constant 0 : i32
        %add3A_1027 = arith.addi %mul3A_1025, %add3A_1026 : i32
        %swap3A_1028 = arith.constant 2 : i32
        %swap3A_1029 = arith.index_cast %swap3A_1028 : i32 to index
        %swap3A_1030 = arith.index_cast %add3A_1027 : i32 to index
        %swap3A_1031 = arith.constant 112 : index
        %swap3A_1032 = tpu.vector_load %arg6[%swap3A_1029, %swap3A_1030, %swap3A_1031] {strides = array<i32>} : memref<10x64x128xf32, #tpu.memory_space<vmem>>, vector<1x1x16xf32>,
        %swap3A_1033 = vector.shape_cast %swap3A_1032 : vector<1x1x16xf32> to vector<16xf32>
        %swap3A_1034 = vector.shape_cast %mul3A_1023 : vector<16xf32> to vector<1x1x16xf32>
        tpu.vector_store %arg6[%swap3A_1029, %swap3A_1030, %swap3A_1031], %swap3A_1034 {strides = array<i32>} : memref<10x64x128xf32, #tpu.memory_space<vmem>>, vector<1x1x16xf32>,
        %mul3A_1035 = arith.constant 2 : i32
        %mul3A_1036 = arith.muli %mul3A_1035, %scan3A_844 : i32
        %add3A_1037 = arith.constant 1 : i32
        %add3A_1038 = arith.addi %mul3A_1036, %add3A_1037 : i32
        %get3A_1039 = arith.constant 2 : i32
        %get3A_1040 = arith.index_cast %get3A_1039 : i32 to index
        %get3A_1041 = arith.index_cast %add3A_1038 : i32 to index
        %get3A_1042 = arith.constant 0 : index
        %get3A_1043 = tpu.vector_load %arg6[%get3A_1040, %get3A_1041, %get3A_1042] {strides = array<i32>} : memref<10x64x128xf32, #tpu.memory_space<vmem>>, vector<1x1x16xf32>,
        %get3A_1044 = vector.shape_cast %get3A_1043 : vector<1x1x16xf32> to vector<16xf32>
        %mul3A_1045 = arith.constant 11.3137083 : f32
        %mul3A_1046 = vector.broadcast %mul3A_1045 : f32 to vector<16xf32>
        %mul3A_1047 = arith.mulf %get3A_1044, %mul3A_1046 : vector<16xf32>
        %mul3A_1048 = arith.constant 2 : i32
        %mul3A_1049 = arith.muli %mul3A_1048, %scan3A_844 : i32
        %add3A_1050 = arith.constant 1 : i32
        %add3A_1051 = arith.addi %mul3A_1049, %add3A_1050 : i32
        %swap3A_1052 = arith.constant 2 : i32
        %swap3A_1053 = arith.index_cast %swap3A_1052 : i32 to index
        %swap3A_1054 = arith.index_cast %add3A_1051 : i32 to index
        %swap3A_1055 = arith.constant 0 : index
        %swap3A_1056 = tpu.vector_load %arg6[%swap3A_1053, %swap3A_1054, %swap3A_1055] {strides = array<i32>} : memref<10x64x128xf32, #tpu.memory_space<vmem>>, vector<1x1x16xf32>,
        %swap3A_1057 = vector.shape_cast %swap3A_1056 : vector<1x1x16xf32> to vector<16xf32>
        %swap3A_1058 = vector.shape_cast %mul3A_1047 : vector<16xf32> to vector<1x1x16xf32>
        tpu.vector_store %arg6[%swap3A_1053, %swap3A_1054, %swap3A_1055], %swap3A_1058 {strides = array<i32>} : memref<10x64x128xf32, #tpu.memory_space<vmem>>, vector<1x1x16xf32>,
        %mul3A_1059 = arith.constant 2 : i32
        %mul3A_1060 = arith.muli %mul3A_1059, %scan3A_844 : i32
        %add3A_1061 = arith.constant 1 : i32
        %add3A_1062 = arith.addi %mul3A_1060, %add3A_1061 : i32
        %get3A_1063 = arith.constant 2 : i32
        %get3A_1064 = arith.index_cast %get3A_1063 : i32 to index
        %get3A_1065 = arith.index_cast %add3A_1062 : i32 to index
        %get3A_1066 = arith.constant 16 : index
        %get3A_1067 = tpu.vector_load %arg6[%get3A_1064, %get3A_1065, %get3A_1066] {strides = array<i32>} : memref<10x64x128xf32, #tpu.memory_space<vmem>>, vector<1x1x16xf32>,
        %get3A_1068 = vector.shape_cast %get3A_1067 : vector<1x1x16xf32> to vector<16xf32>
        %mul3A_1069 = arith.constant 11.3137083 : f32
        %mul3A_1070 = vector.broadcast %mul3A_1069 : f32 to vector<16xf32>
        %mul3A_1071 = arith.mulf %get3A_1068, %mul3A_1070 : vector<16xf32>
        %mul3A_1072 = arith.constant 2 : i32
        %mul3A_1073 = arith.muli %mul3A_1072, %scan3A_844 : i32
        %add3A_1074 = arith.constant 1 : i32
        %add3A_1075 = arith.addi %mul3A_1073, %add3A_1074 : i32
        %swap3A_1076 = arith.constant 2 : i32
        %swap3A_1077 = arith.index_cast %swap3A_1076 : i32 to index
        %swap3A_1078 = arith.index_cast %add3A_1075 : i32 to index
        %swap3A_1079 = arith.constant 16 : index
        %swap3A_1080 = tpu.vector_load %arg6[%swap3A_1077, %swap3A_1078, %swap3A_1079] {strides = array<i32>} : memref<10x64x128xf32, #tpu.memory_space<vmem>>, vector<1x1x16xf32>,
        %swap3A_1081 = vector.shape_cast %swap3A_1080 : vector<1x1x16xf32> to vector<16xf32>
        %swap3A_1082 = vector.shape_cast %mul3A_1071 : vector<16xf32> to vector<1x1x16xf32>
        tpu.vector_store %arg6[%swap3A_1077, %swap3A_1078, %swap3A_1079], %swap3A_1082 {strides = array<i32>} : memref<10x64x128xf32, #tpu.memory_space<vmem>>, vector<1x1x16xf32>,
        %mul3A_1083 = arith.constant 2 : i32
        %mul3A_1084 = arith.muli %mul3A_1083, %scan3A_844 : i32
        %add3A_1085 = arith.constant 1 : i32
        %add3A_1086 = arith.addi %mul3A_1084, %add3A_1085 : i32
        %get3A_1087 = arith.constant 2 : i32
        %get3A_1088 = arith.index_cast %get3A_1087 : i32 to index
        %get3A_1089 = arith.index_cast %add3A_1086 : i32 to index
        %get3A_1090 = arith.constant 32 : index
        %get3A_1091 = tpu.vector_load %arg6[%get3A_1088, %get3A_1089, %get3A_1090] {strides = array<i32>} : memref<10x64x128xf32, #tpu.memory_space<vmem>>, vector<1x1x16xf32>,
        %get3A_1092 = vector.shape_cast %get3A_1091 : vector<1x1x16xf32> to vector<16xf32>
        %mul3A_1093 = arith.constant 11.3137083 : f32
        %mul3A_1094 = vector.broadcast %mul3A_1093 : f32 to vector<16xf32>
        %mul3A_1095 = arith.mulf %get3A_1092, %mul3A_1094 : vector<16xf32>
        %mul3A_1096 = arith.constant 2 : i32
        %mul3A_1097 = arith.muli %mul3A_1096, %scan3A_844 : i32
        %add3A_1098 = arith.constant 1 : i32
        %add3A_1099 = arith.addi %mul3A_1097, %add3A_1098 : i32
        %swap3A_1100 = arith.constant 2 : i32
        %swap3A_1101 = arith.index_cast %swap3A_1100 : i32 to index
        %swap3A_1102 = arith.index_cast %add3A_1099 : i32 to index
        %swap3A_1103 = arith.constant 32 : index
        %swap3A_1104 = tpu.vector_load %arg6[%swap3A_1101, %swap3A_1102, %swap3A_1103] {strides = array<i32>} : memref<10x64x128xf32, #tpu.memory_space<vmem>>, vector<1x1x16xf32>,
        %swap3A_1105 = vector.shape_cast %swap3A_1104 : vector<1x1x16xf32> to vector<16xf32>
        %swap3A_1106 = vector.shape_cast %mul3A_1095 : vector<16xf32> to vector<1x1x16xf32>
        tpu.vector_store %arg6[%swap3A_1101, %swap3A_1102, %swap3A_1103], %swap3A_1106 {strides = array<i32>} : memref<10x64x128xf32, #tpu.memory_space<vmem>>, vector<1x1x16xf32>,
        %mul3A_1107 = arith.constant 2 : i32
        %mul3A_1108 = arith.muli %mul3A_1107, %scan3A_844 : i32
        %add3A_1109 = arith.constant 1 : i32
        %add3A_1110 = arith.addi %mul3A_1108, %add3A_1109 : i32
        %get3A_1111 = arith.constant 2 : i32
        %get3A_1112 = arith.index_cast %get3A_1111 : i32 to index
        %get3A_1113 = arith.index_cast %add3A_1110 : i32 to index
        %get3A_1114 = arith.constant 48 : index
        %get3A_1115 = tpu.vector_load %arg6[%get3A_1112, %get3A_1113, %get3A_1114] {strides = array<i32>} : memref<10x64x128xf32, #tpu.memory_space<vmem>>, vector<1x1x16xf32>,
        %get3A_1116 = vector.shape_cast %get3A_1115 : vector<1x1x16xf32> to vector<16xf32>
        %mul3A_1117 = arith.constant 11.3137083 : f32
        %mul3A_1118 = vector.broadcast %mul3A_1117 : f32 to vector<16xf32>
        %mul3A_1119 = arith.mulf %get3A_1116, %mul3A_1118 : vector<16xf32>
        %mul3A_1120 = arith.constant 2 : i32
        %mul3A_1121 = arith.muli %mul3A_1120, %scan3A_844 : i32
        %add3A_1122 = arith.constant 1 : i32
        %add3A_1123 = arith.addi %mul3A_1121, %add3A_1122 : i32
        %swap3A_1124 = arith.constant 2 : i32
        %swap3A_1125 = arith.index_cast %swap3A_1124 : i32 to index
        %swap3A_1126 = arith.index_cast %add3A_1123 : i32 to index
        %swap3A_1127 = arith.constant 48 : index
        %swap3A_1128 = tpu.vector_load %arg6[%swap3A_1125, %swap3A_1126, %swap3A_1127] {strides = array<i32>} : memref<10x64x128xf32, #tpu.memory_space<vmem>>, vector<1x1x16xf32>,
        %swap3A_1129 = vector.shape_cast %swap3A_1128 : vector<1x1x16xf32> to vector<16xf32>
        %swap3A_1130 = vector.shape_cast %mul3A_1119 : vector<16xf32> to vector<1x1x16xf32>
        tpu.vector_store %arg6[%swap3A_1125, %swap3A_1126, %swap3A_1127], %swap3A_1130 {strides = array<i32>} : memref<10x64x128xf32, #tpu.memory_space<vmem>>, vector<1x1x16xf32>,
        %mul3A_1131 = arith.constant 2 : i32
        %mul3A_1132 = arith.muli %mul3A_1131, %scan3A_844 : i32
        %add3A_1133 = arith.constant 1 : i32
        %add3A_1134 = arith.addi %mul3A_1132, %add3A_1133 : i32
        %get3A_1135 = arith.constant 2 : i32
        %get3A_1136 = arith.index_cast %get3A_1135 : i32 to index
        %get3A_1137 = arith.index_cast %add3A_1134 : i32 to index
        %get3A_1138 = arith.constant 64 : index
        %get3A_1139 = tpu.vector_load %arg6[%get3A_1136, %get3A_1137, %get3A_1138] {strides = array<i32>} : memref<10x64x128xf32, #tpu.memory_space<vmem>>, vector<1x1x16xf32>,
        %get3A_1140 = vector.shape_cast %get3A_1139 : vector<1x1x16xf32> to vector<16xf32>
        %mul3A_1141 = arith.constant 11.3137083 : f32
        %mul3A_1142 = vector.broadcast %mul3A_1141 : f32 to vector<16xf32>
        %mul3A_1143 = arith.mulf %get3A_1140, %mul3A_1142 : vector<16xf32>
        %mul3A_1144 = arith.constant 2 : i32
        %mul3A_1145 = arith.muli %mul3A_1144, %scan3A_844 : i32
        %add3A_1146 = arith.constant 1 : i32
        %add3A_1147 = arith.addi %mul3A_1145, %add3A_1146 : i32
        %swap3A_1148 = arith.constant 2 : i32
        %swap3A_1149 = arith.index_cast %swap3A_1148 : i32 to index
        %swap3A_1150 = arith.index_cast %add3A_1147 : i32 to index
        %swap3A_1151 = arith.constant 64 : index
        %swap3A_1152 = tpu.vector_load %arg6[%swap3A_1149, %swap3A_1150, %swap3A_1151] {strides = array<i32>} : memref<10x64x128xf32, #tpu.memory_space<vmem>>, vector<1x1x16xf32>,
        %swap3A_1153 = vector.shape_cast %swap3A_1152 : vector<1x1x16xf32> to vector<16xf32>
        %swap3A_1154 = vector.shape_cast %mul3A_1143 : vector<16xf32> to vector<1x1x16xf32>
        tpu.vector_store %arg6[%swap3A_1149, %swap3A_1150, %swap3A_1151], %swap3A_1154 {strides = array<i32>} : memref<10x64x128xf32, #tpu.memory_space<vmem>>, vector<1x1x16xf32>,
        %mul3A_1155 = arith.constant 2 : i32
        %mul3A_1156 = arith.muli %mul3A_1155, %scan3A_844 : i32
        %add3A_1157 = arith.constant 1 : i32
        %add3A_1158 = arith.addi %mul3A_1156, %add3A_1157 : i32
        %get3A_1159 = arith.constant 2 : i32
        %get3A_1160 = arith.index_cast %get3A_1159 : i32 to index
        %get3A_1161 = arith.index_cast %add3A_1158 : i32 to index
        %get3A_1162 = arith.constant 80 : index
        %get3A_1163 = tpu.vector_load %arg6[%get3A_1160, %get3A_1161, %get3A_1162] {strides = array<i32>} : memref<10x64x128xf32, #tpu.memory_space<vmem>>, vector<1x1x16xf32>,
        %get3A_1164 = vector.shape_cast %get3A_1163 : vector<1x1x16xf32> to vector<16xf32>
        %mul3A_1165 = arith.constant 11.3137083 : f32
        %mul3A_1166 = vector.broadcast %mul3A_1165 : f32 to vector<16xf32>
        %mul3A_1167 = arith.mulf %get3A_1164, %mul3A_1166 : vector<16xf32>
        %mul3A_1168 = arith.constant 2 : i32
        %mul3A_1169 = arith.muli %mul3A_1168, %scan3A_844 : i32
        %add3A_1170 = arith.constant 1 : i32
        %add3A_1171 = arith.addi %mul3A_1169, %add3A_1170 : i32
        %swap3A_1172 = arith.constant 2 : i32
        %swap3A_1173 = arith.index_cast %swap3A_1172 : i32 to index
        %swap3A_1174 = arith.index_cast %add3A_1171 : i32 to index
        %swap3A_1175 = arith.constant 80 : index
        %swap3A_1176 = tpu.vector_load %arg6[%swap3A_1173, %swap3A_1174, %swap3A_1175] {strides = array<i32>} : memref<10x64x128xf32, #tpu.memory_space<vmem>>, vector<1x1x16xf32>,
        %swap3A_1177 = vector.shape_cast %swap3A_1176 : vector<1x1x16xf32> to vector<16xf32>
        %swap3A_1178 = vector.shape_cast %mul3A_1167 : vector<16xf32> to vector<1x1x16xf32>
        tpu.vector_store %arg6[%swap3A_1173, %swap3A_1174, %swap3A_1175], %swap3A_1178 {strides = array<i32>} : memref<10x64x128xf32, #tpu.memory_space<vmem>>, vector<1x1x16xf32>,
        %mul3A_1179 = arith.constant 2 : i32
        %mul3A_1180 = arith.muli %mul3A_1179, %scan3A_844 : i32
        %add3A_1181 = arith.constant 1 : i32
        %add3A_1182 = arith.addi %mul3A_1180, %add3A_1181 : i32
        %get3A_1183 = arith.constant 2 : i32
        %get3A_1184 = arith.index_cast %get3A_1183 : i32 to index
        %get3A_1185 = arith.index_cast %add3A_1182 : i32 to index
        %get3A_1186 = arith.constant 96 : index
        %get3A_1187 = tpu.vector_load %arg6[%get3A_1184, %get3A_1185, %get3A_1186] {strides = array<i32>} : memref<10x64x128xf32, #tpu.memory_space<vmem>>, vector<1x1x16xf32>,
        %get3A_1188 = vector.shape_cast %get3A_1187 : vector<1x1x16xf32> to vector<16xf32>
        %mul3A_1189 = arith.constant 11.3137083 : f32
        %mul3A_1190 = vector.broadcast %mul3A_1189 : f32 to vector<16xf32>
        %mul3A_1191 = arith.mulf %get3A_1188, %mul3A_1190 : vector<16xf32>
        %mul3A_1192 = arith.constant 2 : i32
        %mul3A_1193 = arith.muli %mul3A_1192, %scan3A_844 : i32
        %add3A_1194 = arith.constant 1 : i32
        %add3A_1195 = arith.addi %mul3A_1193, %add3A_1194 : i32
        %swap3A_1196 = arith.constant 2 : i32
        %swap3A_1197 = arith.index_cast %swap3A_1196 : i32 to index
        %swap3A_1198 = arith.index_cast %add3A_1195 : i32 to index
        %swap3A_1199 = arith.constant 96 : index
        %swap3A_1200 = tpu.vector_load %arg6[%swap3A_1197, %swap3A_1198, %swap3A_1199] {strides = array<i32>} : memref<10x64x128xf32, #tpu.memory_space<vmem>>, vector<1x1x16xf32>,
        %swap3A_1201 = vector.shape_cast %swap3A_1200 : vector<1x1x16xf32> to vector<16xf32>
        %swap3A_1202 = vector.shape_cast %mul3A_1191 : vector<16xf32> to vector<1x1x16xf32>
        tpu.vector_store %arg6[%swap3A_1197, %swap3A_1198, %swap3A_1199], %swap3A_1202 {strides = array<i32>} : memref<10x64x128xf32, #tpu.memory_space<vmem>>, vector<1x1x16xf32>,
        %mul3A_1203 = arith.constant 2 : i32
        %mul3A_1204 = arith.muli %mul3A_1203, %scan3A_844 : i32
        %add3A_1205 = arith.constant 1 : i32
        %add3A_1206 = arith.addi %mul3A_1204, %add3A_1205 : i32
        %get3A_1207 = arith.constant 2 : i32
        %get3A_1208 = arith.index_cast %get3A_1207 : i32 to index
        %get3A_1209 = arith.index_cast %add3A_1206 : i32 to index
        %get3A_1210 = arith.constant 112 : index
        %get3A_1211 = tpu.vector_load %arg6[%get3A_1208, %get3A_1209, %get3A_1210] {strides = array<i32>} : memref<10x64x128xf32, #tpu.memory_space<vmem>>, vector<1x1x16xf32>,
        %get3A_1212 = vector.shape_cast %get3A_1211 : vector<1x1x16xf32> to vector<16xf32>
        %mul3A_1213 = arith.constant 11.3137083 : f32
        %mul3A_1214 = vector.broadcast %mul3A_1213 : f32 to vector<16xf32>
        %mul3A_1215 = arith.mulf %get3A_1212, %mul3A_1214 : vector<16xf32>
        %mul3A_1216 = arith.constant 2 : i32
        %mul3A_1217 = arith.muli %mul3A_1216, %scan3A_844 : i32
        %add3A_1218 = arith.constant 1 : i32
        %add3A_1219 = arith.addi %mul3A_1217, %add3A_1218 : i32
        %swap3A_1220 = arith.constant 2 : i32
        %swap3A_1221 = arith.index_cast %swap3A_1220 : i32 to index
        %swap3A_1222 = arith.index_cast %add3A_1219 : i32 to index
        %swap3A_1223 = arith.constant 112 : index
        %swap3A_1224 = tpu.vector_load %arg6[%swap3A_1221, %swap3A_1222, %swap3A_1223] {strides = array<i32>} : memref<10x64x128xf32, #tpu.memory_space<vmem>>, vector<1x1x16xf32>,
        %swap3A_1225 = vector.shape_cast %swap3A_1224 : vector<1x1x16xf32> to vector<16xf32>
        %swap3A_1226 = vector.shape_cast %mul3A_1215 : vector<16xf32> to vector<1x1x16xf32>
        tpu.vector_store %arg6[%swap3A_1221, %swap3A_1222, %swap3A_1223], %swap3A_1226 {strides = array<i32>} : memref<10x64x128xf32, #tpu.memory_space<vmem>>, vector<1x1x16xf32>,
      }
      %scan3A_523 = arith.constant 32 : i32
      %mul3A_524 = arith.constant 64 : i32
      %mul3A_525 = arith.muli %add3A_503, %mul3A_524 : i32
      %add3A_526 = arith.addi %mul3A_2, %mul3A_525 : i32
      %dma_start3A_527 = arith.constant 2 : i32
      %dma_start3A_528 = arith.constant 2 : i32
      %dma_start3A_529 = arith.constant 0 : i32
      %dma_start3A_530 = arith.constant 0 : i32
      %dma_start3A_531 = tpu.memref_slice %arg6[%dma_start3A_527, %dma_start3A_529, %dma_start3A_530] : memref<10x64x128xf32, #tpu.memory_space<vmem>> -> memref<1x64x128xf32, #tpu.memory_space<vmem>>
      %dma_start3A_532 = tpu.memref_squeeze %dma_start3A_531 : memref<1x64x128xf32, #tpu.memory_space<vmem>> -> memref<64x128xf32, #tpu.memory_space<vmem>>
      %dma_start3A_533 = arith.constant 0 : i32
      %dma_start3A_534 = tpu.memref_slice %arg4[%add3A_526, %dma_start3A_533] : memref<204800x128xf32, #tpu.memory_space<hbm>> -> memref<64x128xf32, #tpu.memory_space<hbm>>
      %dma_start3A_535 = tpu.memref_slice %arg8[%dma_start3A_528] : memref<10x!tpu.dma_semaphore, #tpu.memory_space<semaphore_mem>> -> memref<1x!tpu.dma_semaphore, #tpu.memory_space<semaphore_mem>>
      %dma_start3A_536 = tpu.memref_squeeze %dma_start3A_535 : memref<1x!tpu.dma_semaphore, #tpu.memory_space<semaphore_mem>> -> memref<!tpu.dma_semaphore, #tpu.memory_space<semaphore_mem>>
      %dma_start3A_537 = arith.constant 0 : i32
      %dma_start3A_538 = tpu.memref_slice %arg4[%add3A_526, %dma_start3A_537] : memref<204800x128xf32, #tpu.memory_space<hbm>> -> memref<64x128xf32, #tpu.memory_space<hbm>>
      %dma_start3A_539 = arith.constant 0 : i32
      %dma_start3A_540 = arith.constant 0 : i32
      %dma_start3A_541 = tpu.memref_slice %arg6[%dma_start3A_527, %dma_start3A_539, %dma_start3A_540] : memref<10x64x128xf32, #tpu.memory_space<vmem>> -> memref<1x64x128xf32, #tpu.memory_space<vmem>>
      %dma_start3A_542 = tpu.memref_squeeze %dma_start3A_541 : memref<1x64x128xf32, #tpu.memory_space<vmem>> -> memref<64x128xf32, #tpu.memory_space<vmem>>
      tpu.enqueue_dma source(%dma_start3A_542 : memref<64x128xf32, #tpu.memory_space<vmem>>) target(%dma_start3A_538 : memref<64x128xf32, #tpu.memory_space<hbm>>) target_semaphore(%dma_start3A_536 : memref<!tpu.dma_semaphore, #tpu.memory_space<semaphore_mem>>)
      %mul3A_543 = arith.constant 10 : i32
      %mul3A_544 = arith.muli %scan3A_187, %mul3A_543 : i32
      %add3A_545 = arith.constant 3 : i32
      %add3A_546 = arith.addi %mul3A_544, %add3A_545 : i32
      %dma_wait3A_547 = arith.constant 3 : i32
      %dma_wait3A_548 = arith.constant 3 : i32
      %dma_wait3A_549 = arith.constant 0 : i32
      %dma_wait3A_550 = arith.constant 0 : i32
      %dma_wait3A_551 = tpu.memref_slice %arg6[%dma_wait3A_547, %dma_wait3A_549, %dma_wait3A_550] : memref<10x64x128xf32, #tpu.memory_space<vmem>> -> memref<1x64x128xf32, #tpu.memory_space<vmem>>
      %dma_wait3A_552 = tpu.memref_squeeze %dma_wait3A_551 : memref<1x64x128xf32, #tpu.memory_space<vmem>> -> memref<64x128xf32, #tpu.memory_space<vmem>>
      %dma_wait3A_553 = arith.constant 0 : i32
      %dma_wait3A_554 = tpu.memref_slice %arg5[%add3A_546, %dma_wait3A_553] : memref<100x64xi32, #tpu.memory_space<vmem>> -> memref<1x64xi32, #tpu.memory_space<vmem>>
      %dma_wait3A_555 = tpu.memref_squeeze %dma_wait3A_554 : memref<1x64xi32, #tpu.memory_space<vmem>> -> memref<64xi32, #tpu.memory_space<vmem>>
      %dma_wait3A_556 = arith.constant 0 : i32
      %dma_wait3A_557 = arith.constant 0 : i32
      %dma_wait3A_558 = tpu.memref_slice %arg3[%dma_wait3A_556, %dma_wait3A_557] : memref<100000x128xf32, #tpu.memory_space<hbm>> -> memref<100000x128xf32, #tpu.memory_space<hbm>>
      %dma_wait3A_559 = tpu.memref_slice %arg7[%dma_wait3A_548] : memref<10x!tpu.dma_semaphore, #tpu.memory_space<semaphore_mem>> -> memref<1x!tpu.dma_semaphore, #tpu.memory_space<semaphore_mem>>
      %dma_wait3A_560 = tpu.memref_squeeze %dma_wait3A_559 : memref<1x!tpu.dma_semaphore, #tpu.memory_space<semaphore_mem>> -> memref<!tpu.dma_semaphore, #tpu.memory_space<semaphore_mem>>
      tpu.wait_indirect_dma semaphore(%dma_wait3A_560 : memref<!tpu.dma_semaphore, #tpu.memory_space<semaphore_mem>>) src(%dma_wait3A_558 : memref<100000x128xf32, #tpu.memory_space<hbm>>) dst(%dma_wait3A_552 : memref<64x128xf32, #tpu.memory_space<vmem>>)
      %scan3A_561 = arith.constant 0 : i32
      %scan3A_562 = arith.constant 0 : i32
      %scan3A_563 = arith.constant 32 : i32
      %scan3A_564 = arith.addi %scan3A_562, %scan3A_563 : i32
      %scan3A_565 = arith.constant 1 : i32
      scf.for %scan3A_844 = %scan3A_562 to %scan3A_564 step %scan3A_565  : i32 {
        %mul3A_845 = arith.constant 2 : i32
        %mul3A_846 = arith.muli %mul3A_845, %scan3A_844 : i32
        %add3A_847 = arith.constant 0 : i32
        %add3A_848 = arith.addi %mul3A_846, %add3A_847 : i32
        %get3A = arith.constant 3 : i32
        %get3A_849 = arith.index_cast %get3A : i32 to index
        %get3A_850 = arith.index_cast %add3A_848 : i32 to index
        %get3A_851 = arith.constant 0 : index
        %get3A_852 = tpu.vector_load %arg6[%get3A_849, %get3A_850, %get3A_851] {strides = array<i32>} : memref<10x64x128xf32, #tpu.memory_space<vmem>>, vector<1x1x16xf32>,
        %get3A_853 = vector.shape_cast %get3A_852 : vector<1x1x16xf32> to vector<16xf32>
        %mul3A_854 = arith.constant 11.3137083 : f32
        %mul3A_855 = vector.broadcast %mul3A_854 : f32 to vector<16xf32>
        %mul3A_856 = arith.mulf %get3A_853, %mul3A_855 : vector<16xf32>
        %mul3A_857 = arith.constant 2 : i32
        %mul3A_858 = arith.muli %mul3A_857, %scan3A_844 : i32
        %add3A_859 = arith.constant 0 : i32
        %add3A_860 = arith.addi %mul3A_858, %add3A_859 : i32
        %swap3A = arith.constant 3 : i32
        %swap3A_861 = arith.index_cast %swap3A : i32 to index
        %swap3A_862 = arith.index_cast %add3A_860 : i32 to index
        %swap3A_863 = arith.constant 0 : index
        %swap3A_864 = tpu.vector_load %arg6[%swap3A_861, %swap3A_862, %swap3A_863] {strides = array<i32>} : memref<10x64x128xf32, #tpu.memory_space<vmem>>, vector<1x1x16xf32>,
        %swap3A_865 = vector.shape_cast %swap3A_864 : vector<1x1x16xf32> to vector<16xf32>
        %swap3A_866 = vector.shape_cast %mul3A_856 : vector<16xf32> to vector<1x1x16xf32>
        tpu.vector_store %arg6[%swap3A_861, %swap3A_862, %swap3A_863], %swap3A_866 {strides = array<i32>} : memref<10x64x128xf32, #tpu.memory_space<vmem>>, vector<1x1x16xf32>,
        %mul3A_867 = arith.constant 2 : i32
        %mul3A_868 = arith.muli %mul3A_867, %scan3A_844 : i32
        %add3A_869 = arith.constant 0 : i32
        %add3A_870 = arith.addi %mul3A_868, %add3A_869 : i32
        %get3A_871 = arith.constant 3 : i32
        %get3A_872 = arith.index_cast %get3A_871 : i32 to index
        %get3A_873 = arith.index_cast %add3A_870 : i32 to index
        %get3A_874 = arith.constant 16 : index
        %get3A_875 = tpu.vector_load %arg6[%get3A_872, %get3A_873, %get3A_874] {strides = array<i32>} : memref<10x64x128xf32, #tpu.memory_space<vmem>>, vector<1x1x16xf32>,
        %get3A_876 = vector.shape_cast %get3A_875 : vector<1x1x16xf32> to vector<16xf32>
        %mul3A_877 = arith.constant 11.3137083 : f32
        %mul3A_878 = vector.broadcast %mul3A_877 : f32 to vector<16xf32>
        %mul3A_879 = arith.mulf %get3A_876, %mul3A_878 : vector<16xf32>
        %mul3A_880 = arith.constant 2 : i32
        %mul3A_881 = arith.muli %mul3A_880, %scan3A_844 : i32
        %add3A_882 = arith.constant 0 : i32
        %add3A_883 = arith.addi %mul3A_881, %add3A_882 : i32
        %swap3A_884 = arith.constant 3 : i32
        %swap3A_885 = arith.index_cast %swap3A_884 : i32 to index
        %swap3A_886 = arith.index_cast %add3A_883 : i32 to index
        %swap3A_887 = arith.constant 16 : index
        %swap3A_888 = tpu.vector_load %arg6[%swap3A_885, %swap3A_886, %swap3A_887] {strides = array<i32>} : memref<10x64x128xf32, #tpu.memory_space<vmem>>, vector<1x1x16xf32>,
        %swap3A_889 = vector.shape_cast %swap3A_888 : vector<1x1x16xf32> to vector<16xf32>
        %swap3A_890 = vector.shape_cast %mul3A_879 : vector<16xf32> to vector<1x1x16xf32>
        tpu.vector_store %arg6[%swap3A_885, %swap3A_886, %swap3A_887], %swap3A_890 {strides = array<i32>} : memref<10x64x128xf32, #tpu.memory_space<vmem>>, vector<1x1x16xf32>,
        %mul3A_891 = arith.constant 2 : i32
        %mul3A_892 = arith.muli %mul3A_891, %scan3A_844 : i32
        %add3A_893 = arith.constant 0 : i32
        %add3A_894 = arith.addi %mul3A_892, %add3A_893 : i32
        %get3A_895 = arith.constant 3 : i32
        %get3A_896 = arith.index_cast %get3A_895 : i32 to index
        %get3A_897 = arith.index_cast %add3A_894 : i32 to index
        %get3A_898 = arith.constant 32 : index
        %get3A_899 = tpu.vector_load %arg6[%get3A_896, %get3A_897, %get3A_898] {strides = array<i32>} : memref<10x64x128xf32, #tpu.memory_space<vmem>>, vector<1x1x16xf32>,
        %get3A_900 = vector.shape_cast %get3A_899 : vector<1x1x16xf32> to vector<16xf32>
        %mul3A_901 = arith.constant 11.3137083 : f32
        %mul3A_902 = vector.broadcast %mul3A_901 : f32 to vector<16xf32>
        %mul3A_903 = arith.mulf %get3A_900, %mul3A_902 : vector<16xf32>
        %mul3A_904 = arith.constant 2 : i32
        %mul3A_905 = arith.muli %mul3A_904, %scan3A_844 : i32
        %add3A_906 = arith.constant 0 : i32
        %add3A_907 = arith.addi %mul3A_905, %add3A_906 : i32
        %swap3A_908 = arith.constant 3 : i32
        %swap3A_909 = arith.index_cast %swap3A_908 : i32 to index
        %swap3A_910 = arith.index_cast %add3A_907 : i32 to index
        %swap3A_911 = arith.constant 32 : index
        %swap3A_912 = tpu.vector_load %arg6[%swap3A_909, %swap3A_910, %swap3A_911] {strides = array<i32>} : memref<10x64x128xf32, #tpu.memory_space<vmem>>, vector<1x1x16xf32>,
        %swap3A_913 = vector.shape_cast %swap3A_912 : vector<1x1x16xf32> to vector<16xf32>
        %swap3A_914 = vector.shape_cast %mul3A_903 : vector<16xf32> to vector<1x1x16xf32>
        tpu.vector_store %arg6[%swap3A_909, %swap3A_910, %swap3A_911], %swap3A_914 {strides = array<i32>} : memref<10x64x128xf32, #tpu.memory_space<vmem>>, vector<1x1x16xf32>,
        %mul3A_915 = arith.constant 2 : i32
        %mul3A_916 = arith.muli %mul3A_915, %scan3A_844 : i32
        %add3A_917 = arith.constant 0 : i32
        %add3A_918 = arith.addi %mul3A_916, %add3A_917 : i32
        %get3A_919 = arith.constant 3 : i32
        %get3A_920 = arith.index_cast %get3A_919 : i32 to index
        %get3A_921 = arith.index_cast %add3A_918 : i32 to index
        %get3A_922 = arith.constant 48 : index
        %get3A_923 = tpu.vector_load %arg6[%get3A_920, %get3A_921, %get3A_922] {strides = array<i32>} : memref<10x64x128xf32, #tpu.memory_space<vmem>>, vector<1x1x16xf32>,
        %get3A_924 = vector.shape_cast %get3A_923 : vector<1x1x16xf32> to vector<16xf32>
        %mul3A_925 = arith.constant 11.3137083 : f32
        %mul3A_926 = vector.broadcast %mul3A_925 : f32 to vector<16xf32>
        %mul3A_927 = arith.mulf %get3A_924, %mul3A_926 : vector<16xf32>
        %mul3A_928 = arith.constant 2 : i32
        %mul3A_929 = arith.muli %mul3A_928, %scan3A_844 : i32
        %add3A_930 = arith.constant 0 : i32
        %add3A_931 = arith.addi %mul3A_929, %add3A_930 : i32
        %swap3A_932 = arith.constant 3 : i32
        %swap3A_933 = arith.index_cast %swap3A_932 : i32 to index
        %swap3A_934 = arith.index_cast %add3A_931 : i32 to index
        %swap3A_935 = arith.constant 48 : index
        %swap3A_936 = tpu.vector_load %arg6[%swap3A_933, %swap3A_934, %swap3A_935] {strides = array<i32>} : memref<10x64x128xf32, #tpu.memory_space<vmem>>, vector<1x1x16xf32>,
        %swap3A_937 = vector.shape_cast %swap3A_936 : vector<1x1x16xf32> to vector<16xf32>
        %swap3A_938 = vector.shape_cast %mul3A_927 : vector<16xf32> to vector<1x1x16xf32>
        tpu.vector_store %arg6[%swap3A_933, %swap3A_934, %swap3A_935], %swap3A_938 {strides = array<i32>} : memref<10x64x128xf32, #tpu.memory_space<vmem>>, vector<1x1x16xf32>,
        %mul3A_939 = arith.constant 2 : i32
        %mul3A_940 = arith.muli %mul3A_939, %scan3A_844 : i32
        %add3A_941 = arith.constant 0 : i32
        %add3A_942 = arith.addi %mul3A_940, %add3A_941 : i32
        %get3A_943 = arith.constant 3 : i32
        %get3A_944 = arith.index_cast %get3A_943 : i32 to index
        %get3A_945 = arith.index_cast %add3A_942 : i32 to index
        %get3A_946 = arith.constant 64 : index
        %get3A_947 = tpu.vector_load %arg6[%get3A_944, %get3A_945, %get3A_946] {strides = array<i32>} : memref<10x64x128xf32, #tpu.memory_space<vmem>>, vector<1x1x16xf32>,
        %get3A_948 = vector.shape_cast %get3A_947 : vector<1x1x16xf32> to vector<16xf32>
        %mul3A_949 = arith.constant 11.3137083 : f32
        %mul3A_950 = vector.broadcast %mul3A_949 : f32 to vector<16xf32>
        %mul3A_951 = arith.mulf %get3A_948, %mul3A_950 : vector<16xf32>
        %mul3A_952 = arith.constant 2 : i32
        %mul3A_953 = arith.muli %mul3A_952, %scan3A_844 : i32
        %add3A_954 = arith.constant 0 : i32
        %add3A_955 = arith.addi %mul3A_953, %add3A_954 : i32
        %swap3A_956 = arith.constant 3 : i32
        %swap3A_957 = arith.index_cast %swap3A_956 : i32 to index
        %swap3A_958 = arith.index_cast %add3A_955 : i32 to index
        %swap3A_959 = arith.constant 64 : index
        %swap3A_960 = tpu.vector_load %arg6[%swap3A_957, %swap3A_958, %swap3A_959] {strides = array<i32>} : memref<10x64x128xf32, #tpu.memory_space<vmem>>, vector<1x1x16xf32>,
        %swap3A_961 = vector.shape_cast %swap3A_960 : vector<1x1x16xf32> to vector<16xf32>
        %swap3A_962 = vector.shape_cast %mul3A_951 : vector<16xf32> to vector<1x1x16xf32>
        tpu.vector_store %arg6[%swap3A_957, %swap3A_958, %swap3A_959], %swap3A_962 {strides = array<i32>} : memref<10x64x128xf32, #tpu.memory_space<vmem>>, vector<1x1x16xf32>,
        %mul3A_963 = arith.constant 2 : i32
        %mul3A_964 = arith.muli %mul3A_963, %scan3A_844 : i32
        %add3A_965 = arith.constant 0 : i32
        %add3A_966 = arith.addi %mul3A_964, %add3A_965 : i32
        %get3A_967 = arith.constant 3 : i32
        %get3A_968 = arith.index_cast %get3A_967 : i32 to index
        %get3A_969 = arith.index_cast %add3A_966 : i32 to index
        %get3A_970 = arith.constant 80 : index
        %get3A_971 = tpu.vector_load %arg6[%get3A_968, %get3A_969, %get3A_970] {strides = array<i32>} : memref<10x64x128xf32, #tpu.memory_space<vmem>>, vector<1x1x16xf32>,
        %get3A_972 = vector.shape_cast %get3A_971 : vector<1x1x16xf32> to vector<16xf32>
        %mul3A_973 = arith.constant 11.3137083 : f32
        %mul3A_974 = vector.broadcast %mul3A_973 : f32 to vector<16xf32>
        %mul3A_975 = arith.mulf %get3A_972, %mul3A_974 : vector<16xf32>
        %mul3A_976 = arith.constant 2 : i32
        %mul3A_977 = arith.muli %mul3A_976, %scan3A_844 : i32
        %add3A_978 = arith.constant 0 : i32
        %add3A_979 = arith.addi %mul3A_977, %add3A_978 : i32
        %swap3A_980 = arith.constant 3 : i32
        %swap3A_981 = arith.index_cast %swap3A_980 : i32 to index
        %swap3A_982 = arith.index_cast %add3A_979 : i32 to index
        %swap3A_983 = arith.constant 80 : index
        %swap3A_984 = tpu.vector_load %arg6[%swap3A_981, %swap3A_982, %swap3A_983] {strides = array<i32>} : memref<10x64x128xf32, #tpu.memory_space<vmem>>, vector<1x1x16xf32>,
        %swap3A_985 = vector.shape_cast %swap3A_984 : vector<1x1x16xf32> to vector<16xf32>
        %swap3A_986 = vector.shape_cast %mul3A_975 : vector<16xf32> to vector<1x1x16xf32>
        tpu.vector_store %arg6[%swap3A_981, %swap3A_982, %swap3A_983], %swap3A_986 {strides = array<i32>} : memref<10x64x128xf32, #tpu.memory_space<vmem>>, vector<1x1x16xf32>,
        %mul3A_987 = arith.constant 2 : i32
        %mul3A_988 = arith.muli %mul3A_987, %scan3A_844 : i32
        %add3A_989 = arith.constant 0 : i32
        %add3A_990 = arith.addi %mul3A_988, %add3A_989 : i32
        %get3A_991 = arith.constant 3 : i32
        %get3A_992 = arith.index_cast %get3A_991 : i32 to index
        %get3A_993 = arith.index_cast %add3A_990 : i32 to index
        %get3A_994 = arith.constant 96 : index
        %get3A_995 = tpu.vector_load %arg6[%get3A_992, %get3A_993, %get3A_994] {strides = array<i32>} : memref<10x64x128xf32, #tpu.memory_space<vmem>>, vector<1x1x16xf32>,
        %get3A_996 = vector.shape_cast %get3A_995 : vector<1x1x16xf32> to vector<16xf32>
        %mul3A_997 = arith.constant 11.3137083 : f32
        %mul3A_998 = vector.broadcast %mul3A_997 : f32 to vector<16xf32>
        %mul3A_999 = arith.mulf %get3A_996, %mul3A_998 : vector<16xf32>
        %mul3A_1000 = arith.constant 2 : i32
        %mul3A_1001 = arith.muli %mul3A_1000, %scan3A_844 : i32
        %add3A_1002 = arith.constant 0 : i32
        %add3A_1003 = arith.addi %mul3A_1001, %add3A_1002 : i32
        %swap3A_1004 = arith.constant 3 : i32
        %swap3A_1005 = arith.index_cast %swap3A_1004 : i32 to index
        %swap3A_1006 = arith.index_cast %add3A_1003 : i32 to index
        %swap3A_1007 = arith.constant 96 : index
        %swap3A_1008 = tpu.vector_load %arg6[%swap3A_1005, %swap3A_1006, %swap3A_1007] {strides = array<i32>} : memref<10x64x128xf32, #tpu.memory_space<vmem>>, vector<1x1x16xf32>,
        %swap3A_1009 = vector.shape_cast %swap3A_1008 : vector<1x1x16xf32> to vector<16xf32>
        %swap3A_1010 = vector.shape_cast %mul3A_999 : vector<16xf32> to vector<1x1x16xf32>
        tpu.vector_store %arg6[%swap3A_1005, %swap3A_1006, %swap3A_1007], %swap3A_1010 {strides = array<i32>} : memref<10x64x128xf32, #tpu.memory_space<vmem>>, vector<1x1x16xf32>,
        %mul3A_1011 = arith.constant 2 : i32
        %mul3A_1012 = arith.muli %mul3A_1011, %scan3A_844 : i32
        %add3A_1013 = arith.constant 0 : i32
        %add3A_1014 = arith.addi %mul3A_1012, %add3A_1013 : i32
        %get3A_1015 = arith.constant 3 : i32
        %get3A_1016 = arith.index_cast %get3A_1015 : i32 to index
        %get3A_1017 = arith.index_cast %add3A_1014 : i32 to index
        %get3A_1018 = arith.constant 112 : index
        %get3A_1019 = tpu.vector_load %arg6[%get3A_1016, %get3A_1017, %get3A_1018] {strides = array<i32>} : memref<10x64x128xf32, #tpu.memory_space<vmem>>, vector<1x1x16xf32>,
        %get3A_1020 = vector.shape_cast %get3A_1019 : vector<1x1x16xf32> to vector<16xf32>
        %mul3A_1021 = arith.constant 11.3137083 : f32
        %mul3A_1022 = vector.broadcast %mul3A_1021 : f32 to vector<16xf32>
        %mul3A_1023 = arith.mulf %get3A_1020, %mul3A_1022 : vector<16xf32>
        %mul3A_1024 = arith.constant 2 : i32
        %mul3A_1025 = arith.muli %mul3A_1024, %scan3A_844 : i32
        %add3A_1026 = arith.constant 0 : i32
        %add3A_1027 = arith.addi %mul3A_1025, %add3A_1026 : i32
        %swap3A_1028 = arith.constant 3 : i32
        %swap3A_1029 = arith.index_cast %swap3A_1028 : i32 to index
        %swap3A_1030 = arith.index_cast %add3A_1027 : i32 to index
        %swap3A_1031 = arith.constant 112 : index
        %swap3A_1032 = tpu.vector_load %arg6[%swap3A_1029, %swap3A_1030, %swap3A_1031] {strides = array<i32>} : memref<10x64x128xf32, #tpu.memory_space<vmem>>, vector<1x1x16xf32>,
        %swap3A_1033 = vector.shape_cast %swap3A_1032 : vector<1x1x16xf32> to vector<16xf32>
        %swap3A_1034 = vector.shape_cast %mul3A_1023 : vector<16xf32> to vector<1x1x16xf32>
        tpu.vector_store %arg6[%swap3A_1029, %swap3A_1030, %swap3A_1031], %swap3A_1034 {strides = array<i32>} : memref<10x64x128xf32, #tpu.memory_space<vmem>>, vector<1x1x16xf32>,
        %mul3A_1035 = arith.constant 2 : i32
        %mul3A_1036 = arith.muli %mul3A_1035, %scan3A_844 : i32
        %add3A_1037 = arith.constant 1 : i32
        %add3A_1038 = arith.addi %mul3A_1036, %add3A_1037 : i32
        %get3A_1039 = arith.constant 3 : i32
        %get3A_1040 = arith.index_cast %get3A_1039 : i32 to index
        %get3A_1041 = arith.index_cast %add3A_1038 : i32 to index
        %get3A_1042 = arith.constant 0 : index
        %get3A_1043 = tpu.vector_load %arg6[%get3A_1040, %get3A_1041, %get3A_1042] {strides = array<i32>} : memref<10x64x128xf32, #tpu.memory_space<vmem>>, vector<1x1x16xf32>,
        %get3A_1044 = vector.shape_cast %get3A_1043 : vector<1x1x16xf32> to vector<16xf32>
        %mul3A_1045 = arith.constant 11.3137083 : f32
        %mul3A_1046 = vector.broadcast %mul3A_1045 : f32 to vector<16xf32>
        %mul3A_1047 = arith.mulf %get3A_1044, %mul3A_1046 : vector<16xf32>
        %mul3A_1048 = arith.constant 2 : i32
        %mul3A_1049 = arith.muli %mul3A_1048, %scan3A_844 : i32
        %add3A_1050 = arith.constant 1 : i32
        %add3A_1051 = arith.addi %mul3A_1049, %add3A_1050 : i32
        %swap3A_1052 = arith.constant 3 : i32
        %swap3A_1053 = arith.index_cast %swap3A_1052 : i32 to index
        %swap3A_1054 = arith.index_cast %add3A_1051 : i32 to index
        %swap3A_1055 = arith.constant 0 : index
        %swap3A_1056 = tpu.vector_load %arg6[%swap3A_1053, %swap3A_1054, %swap3A_1055] {strides = array<i32>} : memref<10x64x128xf32, #tpu.memory_space<vmem>>, vector<1x1x16xf32>,
        %swap3A_1057 = vector.shape_cast %swap3A_1056 : vector<1x1x16xf32> to vector<16xf32>
        %swap3A_1058 = vector.shape_cast %mul3A_1047 : vector<16xf32> to vector<1x1x16xf32>
        tpu.vector_store %arg6[%swap3A_1053, %swap3A_1054, %swap3A_1055], %swap3A_1058 {strides = array<i32>} : memref<10x64x128xf32, #tpu.memory_space<vmem>>, vector<1x1x16xf32>,
        %mul3A_1059 = arith.constant 2 : i32
        %mul3A_1060 = arith.muli %mul3A_1059, %scan3A_844 : i32
        %add3A_1061 = arith.constant 1 : i32
        %add3A_1062 = arith.addi %mul3A_1060, %add3A_1061 : i32
        %get3A_1063 = arith.constant 3 : i32
        %get3A_1064 = arith.index_cast %get3A_1063 : i32 to index
        %get3A_1065 = arith.index_cast %add3A_1062 : i32 to index
        %get3A_1066 = arith.constant 16 : index
        %get3A_1067 = tpu.vector_load %arg6[%get3A_1064, %get3A_1065, %get3A_1066] {strides = array<i32>} : memref<10x64x128xf32, #tpu.memory_space<vmem>>, vector<1x1x16xf32>,
        %get3A_1068 = vector.shape_cast %get3A_1067 : vector<1x1x16xf32> to vector<16xf32>
        %mul3A_1069 = arith.constant 11.3137083 : f32
        %mul3A_1070 = vector.broadcast %mul3A_1069 : f32 to vector<16xf32>
        %mul3A_1071 = arith.mulf %get3A_1068, %mul3A_1070 : vector<16xf32>
        %mul3A_1072 = arith.constant 2 : i32
        %mul3A_1073 = arith.muli %mul3A_1072, %scan3A_844 : i32
        %add3A_1074 = arith.constant 1 : i32
        %add3A_1075 = arith.addi %mul3A_1073, %add3A_1074 : i32
        %swap3A_1076 = arith.constant 3 : i32
        %swap3A_1077 = arith.index_cast %swap3A_1076 : i32 to index
        %swap3A_1078 = arith.index_cast %add3A_1075 : i32 to index
        %swap3A_1079 = arith.constant 16 : index
        %swap3A_1080 = tpu.vector_load %arg6[%swap3A_1077, %swap3A_1078, %swap3A_1079] {strides = array<i32>} : memref<10x64x128xf32, #tpu.memory_space<vmem>>, vector<1x1x16xf32>,
        %swap3A_1081 = vector.shape_cast %swap3A_1080 : vector<1x1x16xf32> to vector<16xf32>
        %swap3A_1082 = vector.shape_cast %mul3A_1071 : vector<16xf32> to vector<1x1x16xf32>
        tpu.vector_store %arg6[%swap3A_1077, %swap3A_1078, %swap3A_1079], %swap3A_1082 {strides = array<i32>} : memref<10x64x128xf32, #tpu.memory_space<vmem>>, vector<1x1x16xf32>,
        %mul3A_1083 = arith.constant 2 : i32
        %mul3A_1084 = arith.muli %mul3A_1083, %scan3A_844 : i32
        %add3A_1085 = arith.constant 1 : i32
        %add3A_1086 = arith.addi %mul3A_1084, %add3A_1085 : i32
        %get3A_1087 = arith.constant 3 : i32
        %get3A_1088 = arith.index_cast %get3A_1087 : i32 to index
        %get3A_1089 = arith.index_cast %add3A_1086 : i32 to index
        %get3A_1090 = arith.constant 32 : index
        %get3A_1091 = tpu.vector_load %arg6[%get3A_1088, %get3A_1089, %get3A_1090] {strides = array<i32>} : memref<10x64x128xf32, #tpu.memory_space<vmem>>, vector<1x1x16xf32>,
        %get3A_1092 = vector.shape_cast %get3A_1091 : vector<1x1x16xf32> to vector<16xf32>
        %mul3A_1093 = arith.constant 11.3137083 : f32
        %mul3A_1094 = vector.broadcast %mul3A_1093 : f32 to vector<16xf32>
        %mul3A_1095 = arith.mulf %get3A_1092, %mul3A_1094 : vector<16xf32>
        %mul3A_1096 = arith.constant 2 : i32
        %mul3A_1097 = arith.muli %mul3A_1096, %scan3A_844 : i32
        %add3A_1098 = arith.constant 1 : i32
        %add3A_1099 = arith.addi %mul3A_1097, %add3A_1098 : i32
        %swap3A_1100 = arith.constant 3 : i32
        %swap3A_1101 = arith.index_cast %swap3A_1100 : i32 to index
        %swap3A_1102 = arith.index_cast %add3A_1099 : i32 to index
        %swap3A_1103 = arith.constant 32 : index
        %swap3A_1104 = tpu.vector_load %arg6[%swap3A_1101, %swap3A_1102, %swap3A_1103] {strides = array<i32>} : memref<10x64x128xf32, #tpu.memory_space<vmem>>, vector<1x1x16xf32>,
        %swap3A_1105 = vector.shape_cast %swap3A_1104 : vector<1x1x16xf32> to vector<16xf32>
        %swap3A_1106 = vector.shape_cast %mul3A_1095 : vector<16xf32> to vector<1x1x16xf32>
        tpu.vector_store %arg6[%swap3A_1101, %swap3A_1102, %swap3A_1103], %swap3A_1106 {strides = array<i32>} : memref<10x64x128xf32, #tpu.memory_space<vmem>>, vector<1x1x16xf32>,
        %mul3A_1107 = arith.constant 2 : i32
        %mul3A_1108 = arith.muli %mul3A_1107, %scan3A_844 : i32
        %add3A_1109 = arith.constant 1 : i32
        %add3A_1110 = arith.addi %mul3A_1108, %add3A_1109 : i32
        %get3A_1111 = arith.constant 3 : i32
        %get3A_1112 = arith.index_cast %get3A_1111 : i32 to index
        %get3A_1113 = arith.index_cast %add3A_1110 : i32 to index
        %get3A_1114 = arith.constant 48 : index
        %get3A_1115 = tpu.vector_load %arg6[%get3A_1112, %get3A_1113, %get3A_1114] {strides = array<i32>} : memref<10x64x128xf32, #tpu.memory_space<vmem>>, vector<1x1x16xf32>,
        %get3A_1116 = vector.shape_cast %get3A_1115 : vector<1x1x16xf32> to vector<16xf32>
        %mul3A_1117 = arith.constant 11.3137083 : f32
        %mul3A_1118 = vector.broadcast %mul3A_1117 : f32 to vector<16xf32>
        %mul3A_1119 = arith.mulf %get3A_1116, %mul3A_1118 : vector<16xf32>
        %mul3A_1120 = arith.constant 2 : i32
        %mul3A_1121 = arith.muli %mul3A_1120, %scan3A_844 : i32
        %add3A_1122 = arith.constant 1 : i32
        %add3A_1123 = arith.addi %mul3A_1121, %add3A_1122 : i32
        %swap3A_1124 = arith.constant 3 : i32
        %swap3A_1125 = arith.index_cast %swap3A_1124 : i32 to index
        %swap3A_1126 = arith.index_cast %add3A_1123 : i32 to index
        %swap3A_1127 = arith.constant 48 : index
        %swap3A_1128 = tpu.vector_load %arg6[%swap3A_1125, %swap3A_1126, %swap3A_1127] {strides = array<i32>} : memref<10x64x128xf32, #tpu.memory_space<vmem>>, vector<1x1x16xf32>,
        %swap3A_1129 = vector.shape_cast %swap3A_1128 : vector<1x1x16xf32> to vector<16xf32>
        %swap3A_1130 = vector.shape_cast %mul3A_1119 : vector<16xf32> to vector<1x1x16xf32>
        tpu.vector_store %arg6[%swap3A_1125, %swap3A_1126, %swap3A_1127], %swap3A_1130 {strides = array<i32>} : memref<10x64x128xf32, #tpu.memory_space<vmem>>, vector<1x1x16xf32>,
        %mul3A_1131 = arith.constant 2 : i32
        %mul3A_1132 = arith.muli %mul3A_1131, %scan3A_844 : i32
        %add3A_1133 = arith.constant 1 : i32
        %add3A_1134 = arith.addi %mul3A_1132, %add3A_1133 : i32
        %get3A_1135 = arith.constant 3 : i32
        %get3A_1136 = arith.index_cast %get3A_1135 : i32 to index
        %get3A_1137 = arith.index_cast %add3A_1134 : i32 to index
        %get3A_1138 = arith.constant 64 : index
        %get3A_1139 = tpu.vector_load %arg6[%get3A_1136, %get3A_1137, %get3A_1138] {strides = array<i32>} : memref<10x64x128xf32, #tpu.memory_space<vmem>>, vector<1x1x16xf32>,
        %get3A_1140 = vector.shape_cast %get3A_1139 : vector<1x1x16xf32> to vector<16xf32>
        %mul3A_1141 = arith.constant 11.3137083 : f32
        %mul3A_1142 = vector.broadcast %mul3A_1141 : f32 to vector<16xf32>
        %mul3A_1143 = arith.mulf %get3A_1140, %mul3A_1142 : vector<16xf32>
        %mul3A_1144 = arith.constant 2 : i32
        %mul3A_1145 = arith.muli %mul3A_1144, %scan3A_844 : i32
        %add3A_1146 = arith.constant 1 : i32
        %add3A_1147 = arith.addi %mul3A_1145, %add3A_1146 : i32
        %swap3A_1148 = arith.constant 3 : i32
        %swap3A_1149 = arith.index_cast %swap3A_1148 : i32 to index
        %swap3A_1150 = arith.index_cast %add3A_1147 : i32 to index
        %swap3A_1151 = arith.constant 64 : index
        %swap3A_1152 = tpu.vector_load %arg6[%swap3A_1149, %swap3A_1150, %swap3A_1151] {strides = array<i32>} : memref<10x64x128xf32, #tpu.memory_space<vmem>>, vector<1x1x16xf32>,
        %swap3A_1153 = vector.shape_cast %swap3A_1152 : vector<1x1x16xf32> to vector<16xf32>
        %swap3A_1154 = vector.shape_cast %mul3A_1143 : vector<16xf32> to vector<1x1x16xf32>
        tpu.vector_store %arg6[%swap3A_1149, %swap3A_1150, %swap3A_1151], %swap3A_1154 {strides = array<i32>} : memref<10x64x128xf32, #tpu.memory_space<vmem>>, vector<1x1x16xf32>,
        %mul3A_1155 = arith.constant 2 : i32
        %mul3A_1156 = arith.muli %mul3A_1155, %scan3A_844 : i32
        %add3A_1157 = arith.constant 1 : i32
        %add3A_1158 = arith.addi %mul3A_1156, %add3A_1157 : i32
        %get3A_1159 = arith.constant 3 : i32
        %get3A_1160 = arith.index_cast %get3A_1159 : i32 to index
        %get3A_1161 = arith.index_cast %add3A_1158 : i32 to index
        %get3A_1162 = arith.constant 80 : index
        %get3A_1163 = tpu.vector_load %arg6[%get3A_1160, %get3A_1161, %get3A_1162] {strides = array<i32>} : memref<10x64x128xf32, #tpu.memory_space<vmem>>, vector<1x1x16xf32>,
        %get3A_1164 = vector.shape_cast %get3A_1163 : vector<1x1x16xf32> to vector<16xf32>
        %mul3A_1165 = arith.constant 11.3137083 : f32
        %mul3A_1166 = vector.broadcast %mul3A_1165 : f32 to vector<16xf32>
        %mul3A_1167 = arith.mulf %get3A_1164, %mul3A_1166 : vector<16xf32>
        %mul3A_1168 = arith.constant 2 : i32
        %mul3A_1169 = arith.muli %mul3A_1168, %scan3A_844 : i32
        %add3A_1170 = arith.constant 1 : i32
        %add3A_1171 = arith.addi %mul3A_1169, %add3A_1170 : i32
        %swap3A_1172 = arith.constant 3 : i32
        %swap3A_1173 = arith.index_cast %swap3A_1172 : i32 to index
        %swap3A_1174 = arith.index_cast %add3A_1171 : i32 to index
        %swap3A_1175 = arith.constant 80 : index
        %swap3A_1176 = tpu.vector_load %arg6[%swap3A_1173, %swap3A_1174, %swap3A_1175] {strides = array<i32>} : memref<10x64x128xf32, #tpu.memory_space<vmem>>, vector<1x1x16xf32>,
        %swap3A_1177 = vector.shape_cast %swap3A_1176 : vector<1x1x16xf32> to vector<16xf32>
        %swap3A_1178 = vector.shape_cast %mul3A_1167 : vector<16xf32> to vector<1x1x16xf32>
        tpu.vector_store %arg6[%swap3A_1173, %swap3A_1174, %swap3A_1175], %swap3A_1178 {strides = array<i32>} : memref<10x64x128xf32, #tpu.memory_space<vmem>>, vector<1x1x16xf32>,
        %mul3A_1179 = arith.constant 2 : i32
        %mul3A_1180 = arith.muli %mul3A_1179, %scan3A_844 : i32
        %add3A_1181 = arith.constant 1 : i32
        %add3A_1182 = arith.addi %mul3A_1180, %add3A_1181 : i32
        %get3A_1183 = arith.constant 3 : i32
        %get3A_1184 = arith.index_cast %get3A_1183 : i32 to index
        %get3A_1185 = arith.index_cast %add3A_1182 : i32 to index
        %get3A_1186 = arith.constant 96 : index
        %get3A_1187 = tpu.vector_load %arg6[%get3A_1184, %get3A_1185, %get3A_1186] {strides = array<i32>} : memref<10x64x128xf32, #tpu.memory_space<vmem>>, vector<1x1x16xf32>,
        %get3A_1188 = vector.shape_cast %get3A_1187 : vector<1x1x16xf32> to vector<16xf32>
        %mul3A_1189 = arith.constant 11.3137083 : f32
        %mul3A_1190 = vector.broadcast %mul3A_1189 : f32 to vector<16xf32>
        %mul3A_1191 = arith.mulf %get3A_1188, %mul3A_1190 : vector<16xf32>
        %mul3A_1192 = arith.constant 2 : i32
        %mul3A_1193 = arith.muli %mul3A_1192, %scan3A_844 : i32
        %add3A_1194 = arith.constant 1 : i32
        %add3A_1195 = arith.addi %mul3A_1193, %add3A_1194 : i32
        %swap3A_1196 = arith.constant 3 : i32
        %swap3A_1197 = arith.index_cast %swap3A_1196 : i32 to index
        %swap3A_1198 = arith.index_cast %add3A_1195 : i32 to index
        %swap3A_1199 = arith.constant 96 : index
        %swap3A_1200 = tpu.vector_load %arg6[%swap3A_1197, %swap3A_1198, %swap3A_1199] {strides = array<i32>} : memref<10x64x128xf32, #tpu.memory_space<vmem>>, vector<1x1x16xf32>,
        %swap3A_1201 = vector.shape_cast %swap3A_1200 : vector<1x1x16xf32> to vector<16xf32>
        %swap3A_1202 = vector.shape_cast %mul3A_1191 : vector<16xf32> to vector<1x1x16xf32>
        tpu.vector_store %arg6[%swap3A_1197, %swap3A_1198, %swap3A_1199], %swap3A_1202 {strides = array<i32>} : memref<10x64x128xf32, #tpu.memory_space<vmem>>, vector<1x1x16xf32>,
        %mul3A_1203 = arith.constant 2 : i32
        %mul3A_1204 = arith.muli %mul3A_1203, %scan3A_844 : i32
        %add3A_1205 = arith.constant 1 : i32
        %add3A_1206 = arith.addi %mul3A_1204, %add3A_1205 : i32
        %get3A_1207 = arith.constant 3 : i32
        %get3A_1208 = arith.index_cast %get3A_1207 : i32 to index
        %get3A_1209 = arith.index_cast %add3A_1206 : i32 to index
        %get3A_1210 = arith.constant 112 : index
        %get3A_1211 = tpu.vector_load %arg6[%get3A_1208, %get3A_1209, %get3A_1210] {strides = array<i32>} : memref<10x64x128xf32, #tpu.memory_space<vmem>>, vector<1x1x16xf32>,
        %get3A_1212 = vector.shape_cast %get3A_1211 : vector<1x1x16xf32> to vector<16xf32>
        %mul3A_1213 = arith.constant 11.3137083 : f32
        %mul3A_1214 = vector.broadcast %mul3A_1213 : f32 to vector<16xf32>
        %mul3A_1215 = arith.mulf %get3A_1212, %mul3A_1214 : vector<16xf32>
        %mul3A_1216 = arith.constant 2 : i32
        %mul3A_1217 = arith.muli %mul3A_1216, %scan3A_844 : i32
        %add3A_1218 = arith.constant 1 : i32
        %add3A_1219 = arith.addi %mul3A_1217, %add3A_1218 : i32
        %swap3A_1220 = arith.constant 3 : i32
        %swap3A_1221 = arith.index_cast %swap3A_1220 : i32 to index
        %swap3A_1222 = arith.index_cast %add3A_1219 : i32 to index
        %swap3A_1223 = arith.constant 112 : index
        %swap3A_1224 = tpu.vector_load %arg6[%swap3A_1221, %swap3A_1222, %swap3A_1223] {strides = array<i32>} : memref<10x64x128xf32, #tpu.memory_space<vmem>>, vector<1x1x16xf32>,
        %swap3A_1225 = vector.shape_cast %swap3A_1224 : vector<1x1x16xf32> to vector<16xf32>
        %swap3A_1226 = vector.shape_cast %mul3A_1215 : vector<16xf32> to vector<1x1x16xf32>
        tpu.vector_store %arg6[%swap3A_1221, %swap3A_1222, %swap3A_1223], %swap3A_1226 {strides = array<i32>} : memref<10x64x128xf32, #tpu.memory_space<vmem>>, vector<1x1x16xf32>,
      }
      %scan3A_566 = arith.constant 32 : i32
      %mul3A_567 = arith.constant 64 : i32
      %mul3A_568 = arith.muli %add3A_546, %mul3A_567 : i32
      %add3A_569 = arith.addi %mul3A_2, %mul3A_568 : i32
      %dma_start3A_570 = arith.constant 3 : i32
      %dma_start3A_571 = arith.constant 3 : i32
      %dma_start3A_572 = arith.constant 0 : i32
      %dma_start3A_573 = arith.constant 0 : i32
      %dma_start3A_574 = tpu.memref_slice %arg6[%dma_start3A_570, %dma_start3A_572, %dma_start3A_573] : memref<10x64x128xf32, #tpu.memory_space<vmem>> -> memref<1x64x128xf32, #tpu.memory_space<vmem>>
      %dma_start3A_575 = tpu.memref_squeeze %dma_start3A_574 : memref<1x64x128xf32, #tpu.memory_space<vmem>> -> memref<64x128xf32, #tpu.memory_space<vmem>>
      %dma_start3A_576 = arith.constant 0 : i32
      %dma_start3A_577 = tpu.memref_slice %arg4[%add3A_569, %dma_start3A_576] : memref<204800x128xf32, #tpu.memory_space<hbm>> -> memref<64x128xf32, #tpu.memory_space<hbm>>
      %dma_start3A_578 = tpu.memref_slice %arg8[%dma_start3A_571] : memref<10x!tpu.dma_semaphore, #tpu.memory_space<semaphore_mem>> -> memref<1x!tpu.dma_semaphore, #tpu.memory_space<semaphore_mem>>
      %dma_start3A_579 = tpu.memref_squeeze %dma_start3A_578 : memref<1x!tpu.dma_semaphore, #tpu.memory_space<semaphore_mem>> -> memref<!tpu.dma_semaphore, #tpu.memory_space<semaphore_mem>>
      %dma_start3A_580 = arith.constant 0 : i32
      %dma_start3A_581 = tpu.memref_slice %arg4[%add3A_569, %dma_start3A_580] : memref<204800x128xf32, #tpu.memory_space<hbm>> -> memref<64x128xf32, #tpu.memory_space<hbm>>
      %dma_start3A_582 = arith.constant 0 : i32
      %dma_start3A_583 = arith.constant 0 : i32
      %dma_start3A_584 = tpu.memref_slice %arg6[%dma_start3A_570, %dma_start3A_582, %dma_start3A_583] : memref<10x64x128xf32, #tpu.memory_space<vmem>> -> memref<1x64x128xf32, #tpu.memory_space<vmem>>
      %dma_start3A_585 = tpu.memref_squeeze %dma_start3A_584 : memref<1x64x128xf32, #tpu.memory_space<vmem>> -> memref<64x128xf32, #tpu.memory_space<vmem>>
      tpu.enqueue_dma source(%dma_start3A_585 : memref<64x128xf32, #tpu.memory_space<vmem>>) target(%dma_start3A_581 : memref<64x128xf32, #tpu.memory_space<hbm>>) target_semaphore(%dma_start3A_579 : memref<!tpu.dma_semaphore, #tpu.memory_space<semaphore_mem>>)
      %mul3A_586 = arith.constant 10 : i32
      %mul3A_587 = arith.muli %scan3A_187, %mul3A_586 : i32
      %add3A_588 = arith.constant 4 : i32
      %add3A_589 = arith.addi %mul3A_587, %add3A_588 : i32
      %dma_wait3A_590 = arith.constant 4 : i32
      %dma_wait3A_591 = arith.constant 4 : i32
      %dma_wait3A_592 = arith.constant 0 : i32
      %dma_wait3A_593 = arith.constant 0 : i32
      %dma_wait3A_594 = tpu.memref_slice %arg6[%dma_wait3A_590, %dma_wait3A_592, %dma_wait3A_593] : memref<10x64x128xf32, #tpu.memory_space<vmem>> -> memref<1x64x128xf32, #tpu.memory_space<vmem>>
      %dma_wait3A_595 = tpu.memref_squeeze %dma_wait3A_594 : memref<1x64x128xf32, #tpu.memory_space<vmem>> -> memref<64x128xf32, #tpu.memory_space<vmem>>
      %dma_wait3A_596 = arith.constant 0 : i32
      %dma_wait3A_597 = tpu.memref_slice %arg5[%add3A_589, %dma_wait3A_596] : memref<100x64xi32, #tpu.memory_space<vmem>> -> memref<1x64xi32, #tpu.memory_space<vmem>>
      %dma_wait3A_598 = tpu.memref_squeeze %dma_wait3A_597 : memref<1x64xi32, #tpu.memory_space<vmem>> -> memref<64xi32, #tpu.memory_space<vmem>>
      %dma_wait3A_599 = arith.constant 0 : i32
      %dma_wait3A_600 = arith.constant 0 : i32
      %dma_wait3A_601 = tpu.memref_slice %arg3[%dma_wait3A_599, %dma_wait3A_600] : memref<100000x128xf32, #tpu.memory_space<hbm>> -> memref<100000x128xf32, #tpu.memory_space<hbm>>
      %dma_wait3A_602 = tpu.memref_slice %arg7[%dma_wait3A_591] : memref<10x!tpu.dma_semaphore, #tpu.memory_space<semaphore_mem>> -> memref<1x!tpu.dma_semaphore, #tpu.memory_space<semaphore_mem>>
      %dma_wait3A_603 = tpu.memref_squeeze %dma_wait3A_602 : memref<1x!tpu.dma_semaphore, #tpu.memory_space<semaphore_mem>> -> memref<!tpu.dma_semaphore, #tpu.memory_space<semaphore_mem>>
      tpu.wait_indirect_dma semaphore(%dma_wait3A_603 : memref<!tpu.dma_semaphore, #tpu.memory_space<semaphore_mem>>) src(%dma_wait3A_601 : memref<100000x128xf32, #tpu.memory_space<hbm>>) dst(%dma_wait3A_595 : memref<64x128xf32, #tpu.memory_space<vmem>>)
      %scan3A_604 = arith.constant 0 : i32
      %scan3A_605 = arith.constant 0 : i32
      %scan3A_606 = arith.constant 32 : i32
      %scan3A_607 = arith.addi %scan3A_605, %scan3A_606 : i32
      %scan3A_608 = arith.constant 1 : i32
      scf.for %scan3A_844 = %scan3A_605 to %scan3A_607 step %scan3A_608  : i32 {
        %mul3A_845 = arith.constant 2 : i32
        %mul3A_846 = arith.muli %mul3A_845, %scan3A_844 : i32
        %add3A_847 = arith.constant 0 : i32
        %add3A_848 = arith.addi %mul3A_846, %add3A_847 : i32
        %get3A = arith.constant 4 : i32
        %get3A_849 = arith.index_cast %get3A : i32 to index
        %get3A_850 = arith.index_cast %add3A_848 : i32 to index
        %get3A_851 = arith.constant 0 : index
        %get3A_852 = tpu.vector_load %arg6[%get3A_849, %get3A_850, %get3A_851] {strides = array<i32>} : memref<10x64x128xf32, #tpu.memory_space<vmem>>, vector<1x1x16xf32>,
        %get3A_853 = vector.shape_cast %get3A_852 : vector<1x1x16xf32> to vector<16xf32>
        %mul3A_854 = arith.constant 11.3137083 : f32
        %mul3A_855 = vector.broadcast %mul3A_854 : f32 to vector<16xf32>
        %mul3A_856 = arith.mulf %get3A_853, %mul3A_855 : vector<16xf32>
        %mul3A_857 = arith.constant 2 : i32
        %mul3A_858 = arith.muli %mul3A_857, %scan3A_844 : i32
        %add3A_859 = arith.constant 0 : i32
        %add3A_860 = arith.addi %mul3A_858, %add3A_859 : i32
        %swap3A = arith.constant 4 : i32
        %swap3A_861 = arith.index_cast %swap3A : i32 to index
        %swap3A_862 = arith.index_cast %add3A_860 : i32 to index
        %swap3A_863 = arith.constant 0 : index
        %swap3A_864 = tpu.vector_load %arg6[%swap3A_861, %swap3A_862, %swap3A_863] {strides = array<i32>} : memref<10x64x128xf32, #tpu.memory_space<vmem>>, vector<1x1x16xf32>,
        %swap3A_865 = vector.shape_cast %swap3A_864 : vector<1x1x16xf32> to vector<16xf32>
        %swap3A_866 = vector.shape_cast %mul3A_856 : vector<16xf32> to vector<1x1x16xf32>
        tpu.vector_store %arg6[%swap3A_861, %swap3A_862, %swap3A_863], %swap3A_866 {strides = array<i32>} : memref<10x64x128xf32, #tpu.memory_space<vmem>>, vector<1x1x16xf32>,
        %mul3A_867 = arith.constant 2 : i32
        %mul3A_868 = arith.muli %mul3A_867, %scan3A_844 : i32
        %add3A_869 = arith.constant 0 : i32
        %add3A_870 = arith.addi %mul3A_868, %add3A_869 : i32
        %get3A_871 = arith.constant 4 : i32
        %get3A_872 = arith.index_cast %get3A_871 : i32 to index
        %get3A_873 = arith.index_cast %add3A_870 : i32 to index
        %get3A_874 = arith.constant 16 : index
        %get3A_875 = tpu.vector_load %arg6[%get3A_872, %get3A_873, %get3A_874] {strides = array<i32>} : memref<10x64x128xf32, #tpu.memory_space<vmem>>, vector<1x1x16xf32>,
        %get3A_876 = vector.shape_cast %get3A_875 : vector<1x1x16xf32> to vector<16xf32>
        %mul3A_877 = arith.constant 11.3137083 : f32
        %mul3A_878 = vector.broadcast %mul3A_877 : f32 to vector<16xf32>
        %mul3A_879 = arith.mulf %get3A_876, %mul3A_878 : vector<16xf32>
        %mul3A_880 = arith.constant 2 : i32
        %mul3A_881 = arith.muli %mul3A_880, %scan3A_844 : i32
        %add3A_882 = arith.constant 0 : i32
        %add3A_883 = arith.addi %mul3A_881, %add3A_882 : i32
        %swap3A_884 = arith.constant 4 : i32
        %swap3A_885 = arith.index_cast %swap3A_884 : i32 to index
        %swap3A_886 = arith.index_cast %add3A_883 : i32 to index
        %swap3A_887 = arith.constant 16 : index
        %swap3A_888 = tpu.vector_load %arg6[%swap3A_885, %swap3A_886, %swap3A_887] {strides = array<i32>} : memref<10x64x128xf32, #tpu.memory_space<vmem>>, vector<1x1x16xf32>,
        %swap3A_889 = vector.shape_cast %swap3A_888 : vector<1x1x16xf32> to vector<16xf32>
        %swap3A_890 = vector.shape_cast %mul3A_879 : vector<16xf32> to vector<1x1x16xf32>
        tpu.vector_store %arg6[%swap3A_885, %swap3A_886, %swap3A_887], %swap3A_890 {strides = array<i32>} : memref<10x64x128xf32, #tpu.memory_space<vmem>>, vector<1x1x16xf32>,
        %mul3A_891 = arith.constant 2 : i32
        %mul3A_892 = arith.muli %mul3A_891, %scan3A_844 : i32
        %add3A_893 = arith.constant 0 : i32
        %add3A_894 = arith.addi %mul3A_892, %add3A_893 : i32
        %get3A_895 = arith.constant 4 : i32
        %get3A_896 = arith.index_cast %get3A_895 : i32 to index
        %get3A_897 = arith.index_cast %add3A_894 : i32 to index
        %get3A_898 = arith.constant 32 : index
        %get3A_899 = tpu.vector_load %arg6[%get3A_896, %get3A_897, %get3A_898] {strides = array<i32>} : memref<10x64x128xf32, #tpu.memory_space<vmem>>, vector<1x1x16xf32>,
        %get3A_900 = vector.shape_cast %get3A_899 : vector<1x1x16xf32> to vector<16xf32>
        %mul3A_901 = arith.constant 11.3137083 : f32
        %mul3A_902 = vector.broadcast %mul3A_901 : f32 to vector<16xf32>
        %mul3A_903 = arith.mulf %get3A_900, %mul3A_902 : vector<16xf32>
        %mul3A_904 = arith.constant 2 : i32
        %mul3A_905 = arith.muli %mul3A_904, %scan3A_844 : i32
        %add3A_906 = arith.constant 0 : i32
        %add3A_907 = arith.addi %mul3A_905, %add3A_906 : i32
        %swap3A_908 = arith.constant 4 : i32
        %swap3A_909 = arith.index_cast %swap3A_908 : i32 to index
        %swap3A_910 = arith.index_cast %add3A_907 : i32 to index
        %swap3A_911 = arith.constant 32 : index
        %swap3A_912 = tpu.vector_load %arg6[%swap3A_909, %swap3A_910, %swap3A_911] {strides = array<i32>} : memref<10x64x128xf32, #tpu.memory_space<vmem>>, vector<1x1x16xf32>,
        %swap3A_913 = vector.shape_cast %swap3A_912 : vector<1x1x16xf32> to vector<16xf32>
        %swap3A_914 = vector.shape_cast %mul3A_903 : vector<16xf32> to vector<1x1x16xf32>
        tpu.vector_store %arg6[%swap3A_909, %swap3A_910, %swap3A_911], %swap3A_914 {strides = array<i32>} : memref<10x64x128xf32, #tpu.memory_space<vmem>>, vector<1x1x16xf32>,
        %mul3A_915 = arith.constant 2 : i32
        %mul3A_916 = arith.muli %mul3A_915, %scan3A_844 : i32
        %add3A_917 = arith.constant 0 : i32
        %add3A_918 = arith.addi %mul3A_916, %add3A_917 : i32
        %get3A_919 = arith.constant 4 : i32
        %get3A_920 = arith.index_cast %get3A_919 : i32 to index
        %get3A_921 = arith.index_cast %add3A_918 : i32 to index
        %get3A_922 = arith.constant 48 : index
        %get3A_923 = tpu.vector_load %arg6[%get3A_920, %get3A_921, %get3A_922] {strides = array<i32>} : memref<10x64x128xf32, #tpu.memory_space<vmem>>, vector<1x1x16xf32>,
        %get3A_924 = vector.shape_cast %get3A_923 : vector<1x1x16xf32> to vector<16xf32>
        %mul3A_925 = arith.constant 11.3137083 : f32
        %mul3A_926 = vector.broadcast %mul3A_925 : f32 to vector<16xf32>
        %mul3A_927 = arith.mulf %get3A_924, %mul3A_926 : vector<16xf32>
        %mul3A_928 = arith.constant 2 : i32
        %mul3A_929 = arith.muli %mul3A_928, %scan3A_844 : i32
        %add3A_930 = arith.constant 0 : i32
        %add3A_931 = arith.addi %mul3A_929, %add3A_930 : i32
        %swap3A_932 = arith.constant 4 : i32
        %swap3A_933 = arith.index_cast %swap3A_932 : i32 to index
        %swap3A_934 = arith.index_cast %add3A_931 : i32 to index
        %swap3A_935 = arith.constant 48 : index
        %swap3A_936 = tpu.vector_load %arg6[%swap3A_933, %swap3A_934, %swap3A_935] {strides = array<i32>} : memref<10x64x128xf32, #tpu.memory_space<vmem>>, vector<1x1x16xf32>,
        %swap3A_937 = vector.shape_cast %swap3A_936 : vector<1x1x16xf32> to vector<16xf32>
        %swap3A_938 = vector.shape_cast %mul3A_927 : vector<16xf32> to vector<1x1x16xf32>
        tpu.vector_store %arg6[%swap3A_933, %swap3A_934, %swap3A_935], %swap3A_938 {strides = array<i32>} : memref<10x64x128xf32, #tpu.memory_space<vmem>>, vector<1x1x16xf32>,
        %mul3A_939 = arith.constant 2 : i32
        %mul3A_940 = arith.muli %mul3A_939, %scan3A_844 : i32
        %add3A_941 = arith.constant 0 : i32
        %add3A_942 = arith.addi %mul3A_940, %add3A_941 : i32
        %get3A_943 = arith.constant 4 : i32
        %get3A_944 = arith.index_cast %get3A_943 : i32 to index
        %get3A_945 = arith.index_cast %add3A_942 : i32 to index
        %get3A_946 = arith.constant 64 : index
        %get3A_947 = tpu.vector_load %arg6[%get3A_944, %get3A_945, %get3A_946] {strides = array<i32>} : memref<10x64x128xf32, #tpu.memory_space<vmem>>, vector<1x1x16xf32>,
        %get3A_948 = vector.shape_cast %get3A_947 : vector<1x1x16xf32> to vector<16xf32>
        %mul3A_949 = arith.constant 11.3137083 : f32
        %mul3A_950 = vector.broadcast %mul3A_949 : f32 to vector<16xf32>
        %mul3A_951 = arith.mulf %get3A_948, %mul3A_950 : vector<16xf32>
        %mul3A_952 = arith.constant 2 : i32
        %mul3A_953 = arith.muli %mul3A_952, %scan3A_844 : i32
        %add3A_954 = arith.constant 0 : i32
        %add3A_955 = arith.addi %mul3A_953, %add3A_954 : i32
        %swap3A_956 = arith.constant 4 : i32
        %swap3A_957 = arith.index_cast %swap3A_956 : i32 to index
        %swap3A_958 = arith.index_cast %add3A_955 : i32 to index
        %swap3A_959 = arith.constant 64 : index
        %swap3A_960 = tpu.vector_load %arg6[%swap3A_957, %swap3A_958, %swap3A_959] {strides = array<i32>} : memref<10x64x128xf32, #tpu.memory_space<vmem>>, vector<1x1x16xf32>,
        %swap3A_961 = vector.shape_cast %swap3A_960 : vector<1x1x16xf32> to vector<16xf32>
        %swap3A_962 = vector.shape_cast %mul3A_951 : vector<16xf32> to vector<1x1x16xf32>
        tpu.vector_store %arg6[%swap3A_957, %swap3A_958, %swap3A_959], %swap3A_962 {strides = array<i32>} : memref<10x64x128xf32, #tpu.memory_space<vmem>>, vector<1x1x16xf32>,
        %mul3A_963 = arith.constant 2 : i32
        %mul3A_964 = arith.muli %mul3A_963, %scan3A_844 : i32
        %add3A_965 = arith.constant 0 : i32
        %add3A_966 = arith.addi %mul3A_964, %add3A_965 : i32
        %get3A_967 = arith.constant 4 : i32
        %get3A_968 = arith.index_cast %get3A_967 : i32 to index
        %get3A_969 = arith.index_cast %add3A_966 : i32 to index
        %get3A_970 = arith.constant 80 : index
        %get3A_971 = tpu.vector_load %arg6[%get3A_968, %get3A_969, %get3A_970] {strides = array<i32>} : memref<10x64x128xf32, #tpu.memory_space<vmem>>, vector<1x1x16xf32>,
        %get3A_972 = vector.shape_cast %get3A_971 : vector<1x1x16xf32> to vector<16xf32>
        %mul3A_973 = arith.constant 11.3137083 : f32
        %mul3A_974 = vector.broadcast %mul3A_973 : f32 to vector<16xf32>
        %mul3A_975 = arith.mulf %get3A_972, %mul3A_974 : vector<16xf32>
        %mul3A_976 = arith.constant 2 : i32
        %mul3A_977 = arith.muli %mul3A_976, %scan3A_844 : i32
        %add3A_978 = arith.constant 0 : i32
        %add3A_979 = arith.addi %mul3A_977, %add3A_978 : i32
        %swap3A_980 = arith.constant 4 : i32
        %swap3A_981 = arith.index_cast %swap3A_980 : i32 to index
        %swap3A_982 = arith.index_cast %add3A_979 : i32 to index
        %swap3A_983 = arith.constant 80 : index
        %swap3A_984 = tpu.vector_load %arg6[%swap3A_981, %swap3A_982, %swap3A_983] {strides = array<i32>} : memref<10x64x128xf32, #tpu.memory_space<vmem>>, vector<1x1x16xf32>,
        %swap3A_985 = vector.shape_cast %swap3A_984 : vector<1x1x16xf32> to vector<16xf32>
        %swap3A_986 = vector.shape_cast %mul3A_975 : vector<16xf32> to vector<1x1x16xf32>
        tpu.vector_store %arg6[%swap3A_981, %swap3A_982, %swap3A_983], %swap3A_986 {strides = array<i32>} : memref<10x64x128xf32, #tpu.memory_space<vmem>>, vector<1x1x16xf32>,
        %mul3A_987 = arith.constant 2 : i32
        %mul3A_988 = arith.muli %mul3A_987, %scan3A_844 : i32
        %add3A_989 = arith.constant 0 : i32
        %add3A_990 = arith.addi %mul3A_988, %add3A_989 : i32
        %get3A_991 = arith.constant 4 : i32
        %get3A_992 = arith.index_cast %get3A_991 : i32 to index
        %get3A_993 = arith.index_cast %add3A_990 : i32 to index
        %get3A_994 = arith.constant 96 : index
        %get3A_995 = tpu.vector_load %arg6[%get3A_992, %get3A_993, %get3A_994] {strides = array<i32>} : memref<10x64x128xf32, #tpu.memory_space<vmem>>, vector<1x1x16xf32>,
        %get3A_996 = vector.shape_cast %get3A_995 : vector<1x1x16xf32> to vector<16xf32>
        %mul3A_997 = arith.constant 11.3137083 : f32
        %mul3A_998 = vector.broadcast %mul3A_997 : f32 to vector<16xf32>
        %mul3A_999 = arith.mulf %get3A_996, %mul3A_998 : vector<16xf32>
        %mul3A_1000 = arith.constant 2 : i32
        %mul3A_1001 = arith.muli %mul3A_1000, %scan3A_844 : i32
        %add3A_1002 = arith.constant 0 : i32
        %add3A_1003 = arith.addi %mul3A_1001, %add3A_1002 : i32
        %swap3A_1004 = arith.constant 4 : i32
        %swap3A_1005 = arith.index_cast %swap3A_1004 : i32 to index
        %swap3A_1006 = arith.index_cast %add3A_1003 : i32 to index
        %swap3A_1007 = arith.constant 96 : index
        %swap3A_1008 = tpu.vector_load %arg6[%swap3A_1005, %swap3A_1006, %swap3A_1007] {strides = array<i32>} : memref<10x64x128xf32, #tpu.memory_space<vmem>>, vector<1x1x16xf32>,
        %swap3A_1009 = vector.shape_cast %swap3A_1008 : vector<1x1x16xf32> to vector<16xf32>
        %swap3A_1010 = vector.shape_cast %mul3A_999 : vector<16xf32> to vector<1x1x16xf32>
        tpu.vector_store %arg6[%swap3A_1005, %swap3A_1006, %swap3A_1007], %swap3A_1010 {strides = array<i32>} : memref<10x64x128xf32, #tpu.memory_space<vmem>>, vector<1x1x16xf32>,
        %mul3A_1011 = arith.constant 2 : i32
        %mul3A_1012 = arith.muli %mul3A_1011, %scan3A_844 : i32
        %add3A_1013 = arith.constant 0 : i32
        %add3A_1014 = arith.addi %mul3A_1012, %add3A_1013 : i32
        %get3A_1015 = arith.constant 4 : i32
        %get3A_1016 = arith.index_cast %get3A_1015 : i32 to index
        %get3A_1017 = arith.index_cast %add3A_1014 : i32 to index
        %get3A_1018 = arith.constant 112 : index
        %get3A_1019 = tpu.vector_load %arg6[%get3A_1016, %get3A_1017, %get3A_1018] {strides = array<i32>} : memref<10x64x128xf32, #tpu.memory_space<vmem>>, vector<1x1x16xf32>,
        %get3A_1020 = vector.shape_cast %get3A_1019 : vector<1x1x16xf32> to vector<16xf32>
        %mul3A_1021 = arith.constant 11.3137083 : f32
        %mul3A_1022 = vector.broadcast %mul3A_1021 : f32 to vector<16xf32>
        %mul3A_1023 = arith.mulf %get3A_1020, %mul3A_1022 : vector<16xf32>
        %mul3A_1024 = arith.constant 2 : i32
        %mul3A_1025 = arith.muli %mul3A_1024, %scan3A_844 : i32
        %add3A_1026 = arith.constant 0 : i32
        %add3A_1027 = arith.addi %mul3A_1025, %add3A_1026 : i32
        %swap3A_1028 = arith.constant 4 : i32
        %swap3A_1029 = arith.index_cast %swap3A_1028 : i32 to index
        %swap3A_1030 = arith.index_cast %add3A_1027 : i32 to index
        %swap3A_1031 = arith.constant 112 : index
        %swap3A_1032 = tpu.vector_load %arg6[%swap3A_1029, %swap3A_1030, %swap3A_1031] {strides = array<i32>} : memref<10x64x128xf32, #tpu.memory_space<vmem>>, vector<1x1x16xf32>,
        %swap3A_1033 = vector.shape_cast %swap3A_1032 : vector<1x1x16xf32> to vector<16xf32>
        %swap3A_1034 = vector.shape_cast %mul3A_1023 : vector<16xf32> to vector<1x1x16xf32>
        tpu.vector_store %arg6[%swap3A_1029, %swap3A_1030, %swap3A_1031], %swap3A_1034 {strides = array<i32>} : memref<10x64x128xf32, #tpu.memory_space<vmem>>, vector<1x1x16xf32>,
        %mul3A_1035 = arith.constant 2 : i32
        %mul3A_1036 = arith.muli %mul3A_1035, %scan3A_844 : i32
        %add3A_1037 = arith.constant 1 : i32
        %add3A_1038 = arith.addi %mul3A_1036, %add3A_1037 : i32
        %get3A_1039 = arith.constant 4 : i32
        %get3A_1040 = arith.index_cast %get3A_1039 : i32 to index
        %get3A_1041 = arith.index_cast %add3A_1038 : i32 to index
        %get3A_1042 = arith.constant 0 : index
        %get3A_1043 = tpu.vector_load %arg6[%get3A_1040, %get3A_1041, %get3A_1042] {strides = array<i32>} : memref<10x64x128xf32, #tpu.memory_space<vmem>>, vector<1x1x16xf32>,
        %get3A_1044 = vector.shape_cast %get3A_1043 : vector<1x1x16xf32> to vector<16xf32>
        %mul3A_1045 = arith.constant 11.3137083 : f32
        %mul3A_1046 = vector.broadcast %mul3A_1045 : f32 to vector<16xf32>
        %mul3A_1047 = arith.mulf %get3A_1044, %mul3A_1046 : vector<16xf32>
        %mul3A_1048 = arith.constant 2 : i32
        %mul3A_1049 = arith.muli %mul3A_1048, %scan3A_844 : i32
        %add3A_1050 = arith.constant 1 : i32
        %add3A_1051 = arith.addi %mul3A_1049, %add3A_1050 : i32
        %swap3A_1052 = arith.constant 4 : i32
        %swap3A_1053 = arith.index_cast %swap3A_1052 : i32 to index
        %swap3A_1054 = arith.index_cast %add3A_1051 : i32 to index
        %swap3A_1055 = arith.constant 0 : index
        %swap3A_1056 = tpu.vector_load %arg6[%swap3A_1053, %swap3A_1054, %swap3A_1055] {strides = array<i32>} : memref<10x64x128xf32, #tpu.memory_space<vmem>>, vector<1x1x16xf32>,
        %swap3A_1057 = vector.shape_cast %swap3A_1056 : vector<1x1x16xf32> to vector<16xf32>
        %swap3A_1058 = vector.shape_cast %mul3A_1047 : vector<16xf32> to vector<1x1x16xf32>
        tpu.vector_store %arg6[%swap3A_1053, %swap3A_1054, %swap3A_1055], %swap3A_1058 {strides = array<i32>} : memref<10x64x128xf32, #tpu.memory_space<vmem>>, vector<1x1x16xf32>,
        %mul3A_1059 = arith.constant 2 : i32
        %mul3A_1060 = arith.muli %mul3A_1059, %scan3A_844 : i32
        %add3A_1061 = arith.constant 1 : i32
        %add3A_1062 = arith.addi %mul3A_1060, %add3A_1061 : i32
        %get3A_1063 = arith.constant 4 : i32
        %get3A_1064 = arith.index_cast %get3A_1063 : i32 to index
        %get3A_1065 = arith.index_cast %add3A_1062 : i32 to index
        %get3A_1066 = arith.constant 16 : index
        %get3A_1067 = tpu.vector_load %arg6[%get3A_1064, %get3A_1065, %get3A_1066] {strides = array<i32>} : memref<10x64x128xf32, #tpu.memory_space<vmem>>, vector<1x1x16xf32>,
        %get3A_1068 = vector.shape_cast %get3A_1067 : vector<1x1x16xf32> to vector<16xf32>
        %mul3A_1069 = arith.constant 11.3137083 : f32
        %mul3A_1070 = vector.broadcast %mul3A_1069 : f32 to vector<16xf32>
        %mul3A_1071 = arith.mulf %get3A_1068, %mul3A_1070 : vector<16xf32>
        %mul3A_1072 = arith.constant 2 : i32
        %mul3A_1073 = arith.muli %mul3A_1072, %scan3A_844 : i32
        %add3A_1074 = arith.constant 1 : i32
        %add3A_1075 = arith.addi %mul3A_1073, %add3A_1074 : i32
        %swap3A_1076 = arith.constant 4 : i32
        %swap3A_1077 = arith.index_cast %swap3A_1076 : i32 to index
        %swap3A_1078 = arith.index_cast %add3A_1075 : i32 to index
        %swap3A_1079 = arith.constant 16 : index
        %swap3A_1080 = tpu.vector_load %arg6[%swap3A_1077, %swap3A_1078, %swap3A_1079] {strides = array<i32>} : memref<10x64x128xf32, #tpu.memory_space<vmem>>, vector<1x1x16xf32>,
        %swap3A_1081 = vector.shape_cast %swap3A_1080 : vector<1x1x16xf32> to vector<16xf32>
        %swap3A_1082 = vector.shape_cast %mul3A_1071 : vector<16xf32> to vector<1x1x16xf32>
        tpu.vector_store %arg6[%swap3A_1077, %swap3A_1078, %swap3A_1079], %swap3A_1082 {strides = array<i32>} : memref<10x64x128xf32, #tpu.memory_space<vmem>>, vector<1x1x16xf32>,
        %mul3A_1083 = arith.constant 2 : i32
        %mul3A_1084 = arith.muli %mul3A_1083, %scan3A_844 : i32
        %add3A_1085 = arith.constant 1 : i32
        %add3A_1086 = arith.addi %mul3A_1084, %add3A_1085 : i32
        %get3A_1087 = arith.constant 4 : i32
        %get3A_1088 = arith.index_cast %get3A_1087 : i32 to index
        %get3A_1089 = arith.index_cast %add3A_1086 : i32 to index
        %get3A_1090 = arith.constant 32 : index
        %get3A_1091 = tpu.vector_load %arg6[%get3A_1088, %get3A_1089, %get3A_1090] {strides = array<i32>} : memref<10x64x128xf32, #tpu.memory_space<vmem>>, vector<1x1x16xf32>,
        %get3A_1092 = vector.shape_cast %get3A_1091 : vector<1x1x16xf32> to vector<16xf32>
        %mul3A_1093 = arith.constant 11.3137083 : f32
        %mul3A_1094 = vector.broadcast %mul3A_1093 : f32 to vector<16xf32>
        %mul3A_1095 = arith.mulf %get3A_1092, %mul3A_1094 : vector<16xf32>
        %mul3A_1096 = arith.constant 2 : i32
        %mul3A_1097 = arith.muli %mul3A_1096, %scan3A_844 : i32
        %add3A_1098 = arith.constant 1 : i32
        %add3A_1099 = arith.addi %mul3A_1097, %add3A_1098 : i32
        %swap3A_1100 = arith.constant 4 : i32
        %swap3A_1101 = arith.index_cast %swap3A_1100 : i32 to index
        %swap3A_1102 = arith.index_cast %add3A_1099 : i32 to index
        %swap3A_1103 = arith.constant 32 : index
        %swap3A_1104 = tpu.vector_load %arg6[%swap3A_1101, %swap3A_1102, %swap3A_1103] {strides = array<i32>} : memref<10x64x128xf32, #tpu.memory_space<vmem>>, vector<1x1x16xf32>,
        %swap3A_1105 = vector.shape_cast %swap3A_1104 : vector<1x1x16xf32> to vector<16xf32>
        %swap3A_1106 = vector.shape_cast %mul3A_1095 : vector<16xf32> to vector<1x1x16xf32>
        tpu.vector_store %arg6[%swap3A_1101, %swap3A_1102, %swap3A_1103], %swap3A_1106 {strides = array<i32>} : memref<10x64x128xf32, #tpu.memory_space<vmem>>, vector<1x1x16xf32>,
        %mul3A_1107 = arith.constant 2 : i32
        %mul3A_1108 = arith.muli %mul3A_1107, %scan3A_844 : i32
        %add3A_1109 = arith.constant 1 : i32
        %add3A_1110 = arith.addi %mul3A_1108, %add3A_1109 : i32
        %get3A_1111 = arith.constant 4 : i32
        %get3A_1112 = arith.index_cast %get3A_1111 : i32 to index
        %get3A_1113 = arith.index_cast %add3A_1110 : i32 to index
        %get3A_1114 = arith.constant 48 : index
        %get3A_1115 = tpu.vector_load %arg6[%get3A_1112, %get3A_1113, %get3A_1114] {strides = array<i32>} : memref<10x64x128xf32, #tpu.memory_space<vmem>>, vector<1x1x16xf32>,
        %get3A_1116 = vector.shape_cast %get3A_1115 : vector<1x1x16xf32> to vector<16xf32>
        %mul3A_1117 = arith.constant 11.3137083 : f32
        %mul3A_1118 = vector.broadcast %mul3A_1117 : f32 to vector<16xf32>
        %mul3A_1119 = arith.mulf %get3A_1116, %mul3A_1118 : vector<16xf32>
        %mul3A_1120 = arith.constant 2 : i32
        %mul3A_1121 = arith.muli %mul3A_1120, %scan3A_844 : i32
        %add3A_1122 = arith.constant 1 : i32
        %add3A_1123 = arith.addi %mul3A_1121, %add3A_1122 : i32
        %swap3A_1124 = arith.constant 4 : i32
        %swap3A_1125 = arith.index_cast %swap3A_1124 : i32 to index
        %swap3A_1126 = arith.index_cast %add3A_1123 : i32 to index
        %swap3A_1127 = arith.constant 48 : index
        %swap3A_1128 = tpu.vector_load %arg6[%swap3A_1125, %swap3A_1126, %swap3A_1127] {strides = array<i32>} : memref<10x64x128xf32, #tpu.memory_space<vmem>>, vector<1x1x16xf32>,
        %swap3A_1129 = vector.shape_cast %swap3A_1128 : vector<1x1x16xf32> to vector<16xf32>
        %swap3A_1130 = vector.shape_cast %mul3A_1119 : vector<16xf32> to vector<1x1x16xf32>
        tpu.vector_store %arg6[%swap3A_1125, %swap3A_1126, %swap3A_1127], %swap3A_1130 {strides = array<i32>} : memref<10x64x128xf32, #tpu.memory_space<vmem>>, vector<1x1x16xf32>,
        %mul3A_1131 = arith.constant 2 : i32
        %mul3A_1132 = arith.muli %mul3A_1131, %scan3A_844 : i32
        %add3A_1133 = arith.constant 1 : i32
        %add3A_1134 = arith.addi %mul3A_1132, %add3A_1133 : i32
        %get3A_1135 = arith.constant 4 : i32
        %get3A_1136 = arith.index_cast %get3A_1135 : i32 to index
        %get3A_1137 = arith.index_cast %add3A_1134 : i32 to index
        %get3A_1138 = arith.constant 64 : index
        %get3A_1139 = tpu.vector_load %arg6[%get3A_1136, %get3A_1137, %get3A_1138] {strides = array<i32>} : memref<10x64x128xf32, #tpu.memory_space<vmem>>, vector<1x1x16xf32>,
        %get3A_1140 = vector.shape_cast %get3A_1139 : vector<1x1x16xf32> to vector<16xf32>
        %mul3A_1141 = arith.constant 11.3137083 : f32
        %mul3A_1142 = vector.broadcast %mul3A_1141 : f32 to vector<16xf32>
        %mul3A_1143 = arith.mulf %get3A_1140, %mul3A_1142 : vector<16xf32>
        %mul3A_1144 = arith.constant 2 : i32
        %mul3A_1145 = arith.muli %mul3A_1144, %scan3A_844 : i32
        %add3A_1146 = arith.constant 1 : i32
        %add3A_1147 = arith.addi %mul3A_1145, %add3A_1146 : i32
        %swap3A_1148 = arith.constant 4 : i32
        %swap3A_1149 = arith.index_cast %swap3A_1148 : i32 to index
        %swap3A_1150 = arith.index_cast %add3A_1147 : i32 to index
        %swap3A_1151 = arith.constant 64 : index
        %swap3A_1152 = tpu.vector_load %arg6[%swap3A_1149, %swap3A_1150, %swap3A_1151] {strides = array<i32>} : memref<10x64x128xf32, #tpu.memory_space<vmem>>, vector<1x1x16xf32>,
        %swap3A_1153 = vector.shape_cast %swap3A_1152 : vector<1x1x16xf32> to vector<16xf32>
        %swap3A_1154 = vector.shape_cast %mul3A_1143 : vector<16xf32> to vector<1x1x16xf32>
        tpu.vector_store %arg6[%swap3A_1149, %swap3A_1150, %swap3A_1151], %swap3A_1154 {strides = array<i32>} : memref<10x64x128xf32, #tpu.memory_space<vmem>>, vector<1x1x16xf32>,
        %mul3A_1155 = arith.constant 2 : i32
        %mul3A_1156 = arith.muli %mul3A_1155, %scan3A_844 : i32
        %add3A_1157 = arith.constant 1 : i32
        %add3A_1158 = arith.addi %mul3A_1156, %add3A_1157 : i32
        %get3A_1159 = arith.constant 4 : i32
        %get3A_1160 = arith.index_cast %get3A_1159 : i32 to index
        %get3A_1161 = arith.index_cast %add3A_1158 : i32 to index
        %get3A_1162 = arith.constant 80 : index
        %get3A_1163 = tpu.vector_load %arg6[%get3A_1160, %get3A_1161, %get3A_1162] {strides = array<i32>} : memref<10x64x128xf32, #tpu.memory_space<vmem>>, vector<1x1x16xf32>,
        %get3A_1164 = vector.shape_cast %get3A_1163 : vector<1x1x16xf32> to vector<16xf32>
        %mul3A_1165 = arith.constant 11.3137083 : f32
        %mul3A_1166 = vector.broadcast %mul3A_1165 : f32 to vector<16xf32>
        %mul3A_1167 = arith.mulf %get3A_1164, %mul3A_1166 : vector<16xf32>
        %mul3A_1168 = arith.constant 2 : i32
        %mul3A_1169 = arith.muli %mul3A_1168, %scan3A_844 : i32
        %add3A_1170 = arith.constant 1 : i32
        %add3A_1171 = arith.addi %mul3A_1169, %add3A_1170 : i32
        %swap3A_1172 = arith.constant 4 : i32
        %swap3A_1173 = arith.index_cast %swap3A_1172 : i32 to index
        %swap3A_1174 = arith.index_cast %add3A_1171 : i32 to index
        %swap3A_1175 = arith.constant 80 : index
        %swap3A_1176 = tpu.vector_load %arg6[%swap3A_1173, %swap3A_1174, %swap3A_1175] {strides = array<i32>} : memref<10x64x128xf32, #tpu.memory_space<vmem>>, vector<1x1x16xf32>,
        %swap3A_1177 = vector.shape_cast %swap3A_1176 : vector<1x1x16xf32> to vector<16xf32>
        %swap3A_1178 = vector.shape_cast %mul3A_1167 : vector<16xf32> to vector<1x1x16xf32>
        tpu.vector_store %arg6[%swap3A_1173, %swap3A_1174, %swap3A_1175], %swap3A_1178 {strides = array<i32>} : memref<10x64x128xf32, #tpu.memory_space<vmem>>, vector<1x1x16xf32>,
        %mul3A_1179 = arith.constant 2 : i32
        %mul3A_1180 = arith.muli %mul3A_1179, %scan3A_844 : i32
        %add3A_1181 = arith.constant 1 : i32
        %add3A_1182 = arith.addi %mul3A_1180, %add3A_1181 : i32
        %get3A_1183 = arith.constant 4 : i32
        %get3A_1184 = arith.index_cast %get3A_1183 : i32 to index
        %get3A_1185 = arith.index_cast %add3A_1182 : i32 to index
        %get3A_1186 = arith.constant 96 : index
        %get3A_1187 = tpu.vector_load %arg6[%get3A_1184, %get3A_1185, %get3A_1186] {strides = array<i32>} : memref<10x64x128xf32, #tpu.memory_space<vmem>>, vector<1x1x16xf32>,
        %get3A_1188 = vector.shape_cast %get3A_1187 : vector<1x1x16xf32> to vector<16xf32>
        %mul3A_1189 = arith.constant 11.3137083 : f32
        %mul3A_1190 = vector.broadcast %mul3A_1189 : f32 to vector<16xf32>
        %mul3A_1191 = arith.mulf %get3A_1188, %mul3A_1190 : vector<16xf32>
        %mul3A_1192 = arith.constant 2 : i32
        %mul3A_1193 = arith.muli %mul3A_1192, %scan3A_844 : i32
        %add3A_1194 = arith.constant 1 : i32
        %add3A_1195 = arith.addi %mul3A_1193, %add3A_1194 : i32
        %swap3A_1196 = arith.constant 4 : i32
        %swap3A_1197 = arith.index_cast %swap3A_1196 : i32 to index
        %swap3A_1198 = arith.index_cast %add3A_1195 : i32 to index
        %swap3A_1199 = arith.constant 96 : index
        %swap3A_1200 = tpu.vector_load %arg6[%swap3A_1197, %swap3A_1198, %swap3A_1199] {strides = array<i32>} : memref<10x64x128xf32, #tpu.memory_space<vmem>>, vector<1x1x16xf32>,
        %swap3A_1201 = vector.shape_cast %swap3A_1200 : vector<1x1x16xf32> to vector<16xf32>
        %swap3A_1202 = vector.shape_cast %mul3A_1191 : vector<16xf32> to vector<1x1x16xf32>
        tpu.vector_store %arg6[%swap3A_1197, %swap3A_1198, %swap3A_1199], %swap3A_1202 {strides = array<i32>} : memref<10x64x128xf32, #tpu.memory_space<vmem>>, vector<1x1x16xf32>,
        %mul3A_1203 = arith.constant 2 : i32
        %mul3A_1204 = arith.muli %mul3A_1203, %scan3A_844 : i32
        %add3A_1205 = arith.constant 1 : i32
        %add3A_1206 = arith.addi %mul3A_1204, %add3A_1205 : i32
        %get3A_1207 = arith.constant 4 : i32
        %get3A_1208 = arith.index_cast %get3A_1207 : i32 to index
        %get3A_1209 = arith.index_cast %add3A_1206 : i32 to index
        %get3A_1210 = arith.constant 112 : index
        %get3A_1211 = tpu.vector_load %arg6[%get3A_1208, %get3A_1209, %get3A_1210] {strides = array<i32>} : memref<10x64x128xf32, #tpu.memory_space<vmem>>, vector<1x1x16xf32>,
        %get3A_1212 = vector.shape_cast %get3A_1211 : vector<1x1x16xf32> to vector<16xf32>
        %mul3A_1213 = arith.constant 11.3137083 : f32
        %mul3A_1214 = vector.broadcast %mul3A_1213 : f32 to vector<16xf32>
        %mul3A_1215 = arith.mulf %get3A_1212, %mul3A_1214 : vector<16xf32>
        %mul3A_1216 = arith.constant 2 : i32
        %mul3A_1217 = arith.muli %mul3A_1216, %scan3A_844 : i32
        %add3A_1218 = arith.constant 1 : i32
        %add3A_1219 = arith.addi %mul3A_1217, %add3A_1218 : i32
        %swap3A_1220 = arith.constant 4 : i32
        %swap3A_1221 = arith.index_cast %swap3A_1220 : i32 to index
        %swap3A_1222 = arith.index_cast %add3A_1219 : i32 to index
        %swap3A_1223 = arith.constant 112 : index
        %swap3A_1224 = tpu.vector_load %arg6[%swap3A_1221, %swap3A_1222, %swap3A_1223] {strides = array<i32>} : memref<10x64x128xf32, #tpu.memory_space<vmem>>, vector<1x1x16xf32>,
        %swap3A_1225 = vector.shape_cast %swap3A_1224 : vector<1x1x16xf32> to vector<16xf32>
        %swap3A_1226 = vector.shape_cast %mul3A_1215 : vector<16xf32> to vector<1x1x16xf32>
        tpu.vector_store %arg6[%swap3A_1221, %swap3A_1222, %swap3A_1223], %swap3A_1226 {strides = array<i32>} : memref<10x64x128xf32, #tpu.memory_space<vmem>>, vector<1x1x16xf32>,
      }
      %scan3A_609 = arith.constant 32 : i32
      %mul3A_610 = arith.constant 64 : i32
      %mul3A_611 = arith.muli %add3A_589, %mul3A_610 : i32
      %add3A_612 = arith.addi %mul3A_2, %mul3A_611 : i32
      %dma_start3A_613 = arith.constant 4 : i32
      %dma_start3A_614 = arith.constant 4 : i32
      %dma_start3A_615 = arith.constant 0 : i32
      %dma_start3A_616 = arith.constant 0 : i32
      %dma_start3A_617 = tpu.memref_slice %arg6[%dma_start3A_613, %dma_start3A_615, %dma_start3A_616] : memref<10x64x128xf32, #tpu.memory_space<vmem>> -> memref<1x64x128xf32, #tpu.memory_space<vmem>>
      %dma_start3A_618 = tpu.memref_squeeze %dma_start3A_617 : memref<1x64x128xf32, #tpu.memory_space<vmem>> -> memref<64x128xf32, #tpu.memory_space<vmem>>
      %dma_start3A_619 = arith.constant 0 : i32
      %dma_start3A_620 = tpu.memref_slice %arg4[%add3A_612, %dma_start3A_619] : memref<204800x128xf32, #tpu.memory_space<hbm>> -> memref<64x128xf32, #tpu.memory_space<hbm>>
      %dma_start3A_621 = tpu.memref_slice %arg8[%dma_start3A_614] : memref<10x!tpu.dma_semaphore, #tpu.memory_space<semaphore_mem>> -> memref<1x!tpu.dma_semaphore, #tpu.memory_space<semaphore_mem>>
      %dma_start3A_622 = tpu.memref_squeeze %dma_start3A_621 : memref<1x!tpu.dma_semaphore, #tpu.memory_space<semaphore_mem>> -> memref<!tpu.dma_semaphore, #tpu.memory_space<semaphore_mem>>
      %dma_start3A_623 = arith.constant 0 : i32
      %dma_start3A_624 = tpu.memref_slice %arg4[%add3A_612, %dma_start3A_623] : memref<204800x128xf32, #tpu.memory_space<hbm>> -> memref<64x128xf32, #tpu.memory_space<hbm>>
      %dma_start3A_625 = arith.constant 0 : i32
      %dma_start3A_626 = arith.constant 0 : i32
      %dma_start3A_627 = tpu.memref_slice %arg6[%dma_start3A_613, %dma_start3A_625, %dma_start3A_626] : memref<10x64x128xf32, #tpu.memory_space<vmem>> -> memref<1x64x128xf32, #tpu.memory_space<vmem>>
      %dma_start3A_628 = tpu.memref_squeeze %dma_start3A_627 : memref<1x64x128xf32, #tpu.memory_space<vmem>> -> memref<64x128xf32, #tpu.memory_space<vmem>>
      tpu.enqueue_dma source(%dma_start3A_628 : memref<64x128xf32, #tpu.memory_space<vmem>>) target(%dma_start3A_624 : memref<64x128xf32, #tpu.memory_space<hbm>>) target_semaphore(%dma_start3A_622 : memref<!tpu.dma_semaphore, #tpu.memory_space<semaphore_mem>>)
      %mul3A_629 = arith.constant 10 : i32
      %mul3A_630 = arith.muli %scan3A_187, %mul3A_629 : i32
      %add3A_631 = arith.constant 5 : i32
      %add3A_632 = arith.addi %mul3A_630, %add3A_631 : i32
      %dma_wait3A_633 = arith.constant 5 : i32
      %dma_wait3A_634 = arith.constant 5 : i32
      %dma_wait3A_635 = arith.constant 0 : i32
      %dma_wait3A_636 = arith.constant 0 : i32
      %dma_wait3A_637 = tpu.memref_slice %arg6[%dma_wait3A_633, %dma_wait3A_635, %dma_wait3A_636] : memref<10x64x128xf32, #tpu.memory_space<vmem>> -> memref<1x64x128xf32, #tpu.memory_space<vmem>>
      %dma_wait3A_638 = tpu.memref_squeeze %dma_wait3A_637 : memref<1x64x128xf32, #tpu.memory_space<vmem>> -> memref<64x128xf32, #tpu.memory_space<vmem>>
      %dma_wait3A_639 = arith.constant 0 : i32
      %dma_wait3A_640 = tpu.memref_slice %arg5[%add3A_632, %dma_wait3A_639] : memref<100x64xi32, #tpu.memory_space<vmem>> -> memref<1x64xi32, #tpu.memory_space<vmem>>
      %dma_wait3A_641 = tpu.memref_squeeze %dma_wait3A_640 : memref<1x64xi32, #tpu.memory_space<vmem>> -> memref<64xi32, #tpu.memory_space<vmem>>
      %dma_wait3A_642 = arith.constant 0 : i32
      %dma_wait3A_643 = arith.constant 0 : i32
      %dma_wait3A_644 = tpu.memref_slice %arg3[%dma_wait3A_642, %dma_wait3A_643] : memref<100000x128xf32, #tpu.memory_space<hbm>> -> memref<100000x128xf32, #tpu.memory_space<hbm>>
      %dma_wait3A_645 = tpu.memref_slice %arg7[%dma_wait3A_634] : memref<10x!tpu.dma_semaphore, #tpu.memory_space<semaphore_mem>> -> memref<1x!tpu.dma_semaphore, #tpu.memory_space<semaphore_mem>>
      %dma_wait3A_646 = tpu.memref_squeeze %dma_wait3A_645 : memref<1x!tpu.dma_semaphore, #tpu.memory_space<semaphore_mem>> -> memref<!tpu.dma_semaphore, #tpu.memory_space<semaphore_mem>>
      tpu.wait_indirect_dma semaphore(%dma_wait3A_646 : memref<!tpu.dma_semaphore, #tpu.memory_space<semaphore_mem>>) src(%dma_wait3A_644 : memref<100000x128xf32, #tpu.memory_space<hbm>>) dst(%dma_wait3A_638 : memref<64x128xf32, #tpu.memory_space<vmem>>)
      %scan3A_647 = arith.constant 0 : i32
      %scan3A_648 = arith.constant 0 : i32
      %scan3A_649 = arith.constant 32 : i32
      %scan3A_650 = arith.addi %scan3A_648, %scan3A_649 : i32
      %scan3A_651 = arith.constant 1 : i32
      scf.for %scan3A_844 = %scan3A_648 to %scan3A_650 step %scan3A_651  : i32 {
        %mul3A_845 = arith.constant 2 : i32
        %mul3A_846 = arith.muli %mul3A_845, %scan3A_844 : i32
        %add3A_847 = arith.constant 0 : i32
        %add3A_848 = arith.addi %mul3A_846, %add3A_847 : i32
        %get3A = arith.constant 5 : i32
        %get3A_849 = arith.index_cast %get3A : i32 to index
        %get3A_850 = arith.index_cast %add3A_848 : i32 to index
        %get3A_851 = arith.constant 0 : index
        %get3A_852 = tpu.vector_load %arg6[%get3A_849, %get3A_850, %get3A_851] {strides = array<i32>} : memref<10x64x128xf32, #tpu.memory_space<vmem>>, vector<1x1x16xf32>,
        %get3A_853 = vector.shape_cast %get3A_852 : vector<1x1x16xf32> to vector<16xf32>
        %mul3A_854 = arith.constant 11.3137083 : f32
        %mul3A_855 = vector.broadcast %mul3A_854 : f32 to vector<16xf32>
        %mul3A_856 = arith.mulf %get3A_853, %mul3A_855 : vector<16xf32>
        %mul3A_857 = arith.constant 2 : i32
        %mul3A_858 = arith.muli %mul3A_857, %scan3A_844 : i32
        %add3A_859 = arith.constant 0 : i32
        %add3A_860 = arith.addi %mul3A_858, %add3A_859 : i32
        %swap3A = arith.constant 5 : i32
        %swap3A_861 = arith.index_cast %swap3A : i32 to index
        %swap3A_862 = arith.index_cast %add3A_860 : i32 to index
        %swap3A_863 = arith.constant 0 : index
        %swap3A_864 = tpu.vector_load %arg6[%swap3A_861, %swap3A_862, %swap3A_863] {strides = array<i32>} : memref<10x64x128xf32, #tpu.memory_space<vmem>>, vector<1x1x16xf32>,
        %swap3A_865 = vector.shape_cast %swap3A_864 : vector<1x1x16xf32> to vector<16xf32>
        %swap3A_866 = vector.shape_cast %mul3A_856 : vector<16xf32> to vector<1x1x16xf32>
        tpu.vector_store %arg6[%swap3A_861, %swap3A_862, %swap3A_863], %swap3A_866 {strides = array<i32>} : memref<10x64x128xf32, #tpu.memory_space<vmem>>, vector<1x1x16xf32>,
        %mul3A_867 = arith.constant 2 : i32
        %mul3A_868 = arith.muli %mul3A_867, %scan3A_844 : i32
        %add3A_869 = arith.constant 0 : i32
        %add3A_870 = arith.addi %mul3A_868, %add3A_869 : i32
        %get3A_871 = arith.constant 5 : i32
        %get3A_872 = arith.index_cast %get3A_871 : i32 to index
        %get3A_873 = arith.index_cast %add3A_870 : i32 to index
        %get3A_874 = arith.constant 16 : index
        %get3A_875 = tpu.vector_load %arg6[%get3A_872, %get3A_873, %get3A_874] {strides = array<i32>} : memref<10x64x128xf32, #tpu.memory_space<vmem>>, vector<1x1x16xf32>,
        %get3A_876 = vector.shape_cast %get3A_875 : vector<1x1x16xf32> to vector<16xf32>
        %mul3A_877 = arith.constant 11.3137083 : f32
        %mul3A_878 = vector.broadcast %mul3A_877 : f32 to vector<16xf32>
        %mul3A_879 = arith.mulf %get3A_876, %mul3A_878 : vector<16xf32>
        %mul3A_880 = arith.constant 2 : i32
        %mul3A_881 = arith.muli %mul3A_880, %scan3A_844 : i32
        %add3A_882 = arith.constant 0 : i32
        %add3A_883 = arith.addi %mul3A_881, %add3A_882 : i32
        %swap3A_884 = arith.constant 5 : i32
        %swap3A_885 = arith.index_cast %swap3A_884 : i32 to index
        %swap3A_886 = arith.index_cast %add3A_883 : i32 to index
        %swap3A_887 = arith.constant 16 : index
        %swap3A_888 = tpu.vector_load %arg6[%swap3A_885, %swap3A_886, %swap3A_887] {strides = array<i32>} : memref<10x64x128xf32, #tpu.memory_space<vmem>>, vector<1x1x16xf32>,
        %swap3A_889 = vector.shape_cast %swap3A_888 : vector<1x1x16xf32> to vector<16xf32>
        %swap3A_890 = vector.shape_cast %mul3A_879 : vector<16xf32> to vector<1x1x16xf32>
        tpu.vector_store %arg6[%swap3A_885, %swap3A_886, %swap3A_887], %swap3A_890 {strides = array<i32>} : memref<10x64x128xf32, #tpu.memory_space<vmem>>, vector<1x1x16xf32>,
        %mul3A_891 = arith.constant 2 : i32
        %mul3A_892 = arith.muli %mul3A_891, %scan3A_844 : i32
        %add3A_893 = arith.constant 0 : i32
        %add3A_894 = arith.addi %mul3A_892, %add3A_893 : i32
        %get3A_895 = arith.constant 5 : i32
        %get3A_896 = arith.index_cast %get3A_895 : i32 to index
        %get3A_897 = arith.index_cast %add3A_894 : i32 to index
        %get3A_898 = arith.constant 32 : index
        %get3A_899 = tpu.vector_load %arg6[%get3A_896, %get3A_897, %get3A_898] {strides = array<i32>} : memref<10x64x128xf32, #tpu.memory_space<vmem>>, vector<1x1x16xf32>,
        %get3A_900 = vector.shape_cast %get3A_899 : vector<1x1x16xf32> to vector<16xf32>
        %mul3A_901 = arith.constant 11.3137083 : f32
        %mul3A_902 = vector.broadcast %mul3A_901 : f32 to vector<16xf32>
        %mul3A_903 = arith.mulf %get3A_900, %mul3A_902 : vector<16xf32>
        %mul3A_904 = arith.constant 2 : i32
        %mul3A_905 = arith.muli %mul3A_904, %scan3A_844 : i32
        %add3A_906 = arith.constant 0 : i32
        %add3A_907 = arith.addi %mul3A_905, %add3A_906 : i32
        %swap3A_908 = arith.constant 5 : i32
        %swap3A_909 = arith.index_cast %swap3A_908 : i32 to index
        %swap3A_910 = arith.index_cast %add3A_907 : i32 to index
        %swap3A_911 = arith.constant 32 : index
        %swap3A_912 = tpu.vector_load %arg6[%swap3A_909, %swap3A_910, %swap3A_911] {strides = array<i32>} : memref<10x64x128xf32, #tpu.memory_space<vmem>>, vector<1x1x16xf32>,
        %swap3A_913 = vector.shape_cast %swap3A_912 : vector<1x1x16xf32> to vector<16xf32>
        %swap3A_914 = vector.shape_cast %mul3A_903 : vector<16xf32> to vector<1x1x16xf32>
        tpu.vector_store %arg6[%swap3A_909, %swap3A_910, %swap3A_911], %swap3A_914 {strides = array<i32>} : memref<10x64x128xf32, #tpu.memory_space<vmem>>, vector<1x1x16xf32>,
        %mul3A_915 = arith.constant 2 : i32
        %mul3A_916 = arith.muli %mul3A_915, %scan3A_844 : i32
        %add3A_917 = arith.constant 0 : i32
        %add3A_918 = arith.addi %mul3A_916, %add3A_917 : i32
        %get3A_919 = arith.constant 5 : i32
        %get3A_920 = arith.index_cast %get3A_919 : i32 to index
        %get3A_921 = arith.index_cast %add3A_918 : i32 to index
        %get3A_922 = arith.constant 48 : index
        %get3A_923 = tpu.vector_load %arg6[%get3A_920, %get3A_921, %get3A_922] {strides = array<i32>} : memref<10x64x128xf32, #tpu.memory_space<vmem>>, vector<1x1x16xf32>,
        %get3A_924 = vector.shape_cast %get3A_923 : vector<1x1x16xf32> to vector<16xf32>
        %mul3A_925 = arith.constant 11.3137083 : f32
        %mul3A_926 = vector.broadcast %mul3A_925 : f32 to vector<16xf32>
        %mul3A_927 = arith.mulf %get3A_924, %mul3A_926 : vector<16xf32>
        %mul3A_928 = arith.constant 2 : i32
        %mul3A_929 = arith.muli %mul3A_928, %scan3A_844 : i32
        %add3A_930 = arith.constant 0 : i32
        %add3A_931 = arith.addi %mul3A_929, %add3A_930 : i32
        %swap3A_932 = arith.constant 5 : i32
        %swap3A_933 = arith.index_cast %swap3A_932 : i32 to index
        %swap3A_934 = arith.index_cast %add3A_931 : i32 to index
        %swap3A_935 = arith.constant 48 : index
        %swap3A_936 = tpu.vector_load %arg6[%swap3A_933, %swap3A_934, %swap3A_935] {strides = array<i32>} : memref<10x64x128xf32, #tpu.memory_space<vmem>>, vector<1x1x16xf32>,
        %swap3A_937 = vector.shape_cast %swap3A_936 : vector<1x1x16xf32> to vector<16xf32>
        %swap3A_938 = vector.shape_cast %mul3A_927 : vector<16xf32> to vector<1x1x16xf32>
        tpu.vector_store %arg6[%swap3A_933, %swap3A_934, %swap3A_935], %swap3A_938 {strides = array<i32>} : memref<10x64x128xf32, #tpu.memory_space<vmem>>, vector<1x1x16xf32>,
        %mul3A_939 = arith.constant 2 : i32
        %mul3A_940 = arith.muli %mul3A_939, %scan3A_844 : i32
        %add3A_941 = arith.constant 0 : i32
        %add3A_942 = arith.addi %mul3A_940, %add3A_941 : i32
        %get3A_943 = arith.constant 5 : i32
        %get3A_944 = arith.index_cast %get3A_943 : i32 to index
        %get3A_945 = arith.index_cast %add3A_942 : i32 to index
        %get3A_946 = arith.constant 64 : index
        %get3A_947 = tpu.vector_load %arg6[%get3A_944, %get3A_945, %get3A_946] {strides = array<i32>} : memref<10x64x128xf32, #tpu.memory_space<vmem>>, vector<1x1x16xf32>,
        %get3A_948 = vector.shape_cast %get3A_947 : vector<1x1x16xf32> to vector<16xf32>
        %mul3A_949 = arith.constant 11.3137083 : f32
        %mul3A_950 = vector.broadcast %mul3A_949 : f32 to vector<16xf32>
        %mul3A_951 = arith.mulf %get3A_948, %mul3A_950 : vector<16xf32>
        %mul3A_952 = arith.constant 2 : i32
        %mul3A_953 = arith.muli %mul3A_952, %scan3A_844 : i32
        %add3A_954 = arith.constant 0 : i32
        %add3A_955 = arith.addi %mul3A_953, %add3A_954 : i32
        %swap3A_956 = arith.constant 5 : i32
        %swap3A_957 = arith.index_cast %swap3A_956 : i32 to index
        %swap3A_958 = arith.index_cast %add3A_955 : i32 to index
        %swap3A_959 = arith.constant 64 : index
        %swap3A_960 = tpu.vector_load %arg6[%swap3A_957, %swap3A_958, %swap3A_959] {strides = array<i32>} : memref<10x64x128xf32, #tpu.memory_space<vmem>>, vector<1x1x16xf32>,
        %swap3A_961 = vector.shape_cast %swap3A_960 : vector<1x1x16xf32> to vector<16xf32>
        %swap3A_962 = vector.shape_cast %mul3A_951 : vector<16xf32> to vector<1x1x16xf32>
        tpu.vector_store %arg6[%swap3A_957, %swap3A_958, %swap3A_959], %swap3A_962 {strides = array<i32>} : memref<10x64x128xf32, #tpu.memory_space<vmem>>, vector<1x1x16xf32>,
        %mul3A_963 = arith.constant 2 : i32
        %mul3A_964 = arith.muli %mul3A_963, %scan3A_844 : i32
        %add3A_965 = arith.constant 0 : i32
        %add3A_966 = arith.addi %mul3A_964, %add3A_965 : i32
        %get3A_967 = arith.constant 5 : i32
        %get3A_968 = arith.index_cast %get3A_967 : i32 to index
        %get3A_969 = arith.index_cast %add3A_966 : i32 to index
        %get3A_970 = arith.constant 80 : index
        %get3A_971 = tpu.vector_load %arg6[%get3A_968, %get3A_969, %get3A_970] {strides = array<i32>} : memref<10x64x128xf32, #tpu.memory_space<vmem>>, vector<1x1x16xf32>,
        %get3A_972 = vector.shape_cast %get3A_971 : vector<1x1x16xf32> to vector<16xf32>
        %mul3A_973 = arith.constant 11.3137083 : f32
        %mul3A_974 = vector.broadcast %mul3A_973 : f32 to vector<16xf32>
        %mul3A_975 = arith.mulf %get3A_972, %mul3A_974 : vector<16xf32>
        %mul3A_976 = arith.constant 2 : i32
        %mul3A_977 = arith.muli %mul3A_976, %scan3A_844 : i32
        %add3A_978 = arith.constant 0 : i32
        %add3A_979 = arith.addi %mul3A_977, %add3A_978 : i32
        %swap3A_980 = arith.constant 5 : i32
        %swap3A_981 = arith.index_cast %swap3A_980 : i32 to index
        %swap3A_982 = arith.index_cast %add3A_979 : i32 to index
        %swap3A_983 = arith.constant 80 : index
        %swap3A_984 = tpu.vector_load %arg6[%swap3A_981, %swap3A_982, %swap3A_983] {strides = array<i32>} : memref<10x64x128xf32, #tpu.memory_space<vmem>>, vector<1x1x16xf32>,
        %swap3A_985 = vector.shape_cast %swap3A_984 : vector<1x1x16xf32> to vector<16xf32>
        %swap3A_986 = vector.shape_cast %mul3A_975 : vector<16xf32> to vector<1x1x16xf32>
        tpu.vector_store %arg6[%swap3A_981, %swap3A_982, %swap3A_983], %swap3A_986 {strides = array<i32>} : memref<10x64x128xf32, #tpu.memory_space<vmem>>, vector<1x1x16xf32>,
        %mul3A_987 = arith.constant 2 : i32
        %mul3A_988 = arith.muli %mul3A_987, %scan3A_844 : i32
        %add3A_989 = arith.constant 0 : i32
        %add3A_990 = arith.addi %mul3A_988, %add3A_989 : i32
        %get3A_991 = arith.constant 5 : i32
        %get3A_992 = arith.index_cast %get3A_991 : i32 to index
        %get3A_993 = arith.index_cast %add3A_990 : i32 to index
        %get3A_994 = arith.constant 96 : index
        %get3A_995 = tpu.vector_load %arg6[%get3A_992, %get3A_993, %get3A_994] {strides = array<i32>} : memref<10x64x128xf32, #tpu.memory_space<vmem>>, vector<1x1x16xf32>,
        %get3A_996 = vector.shape_cast %get3A_995 : vector<1x1x16xf32> to vector<16xf32>
        %mul3A_997 = arith.constant 11.3137083 : f32
        %mul3A_998 = vector.broadcast %mul3A_997 : f32 to vector<16xf32>
        %mul3A_999 = arith.mulf %get3A_996, %mul3A_998 : vector<16xf32>
        %mul3A_1000 = arith.constant 2 : i32
        %mul3A_1001 = arith.muli %mul3A_1000, %scan3A_844 : i32
        %add3A_1002 = arith.constant 0 : i32
        %add3A_1003 = arith.addi %mul3A_1001, %add3A_1002 : i32
        %swap3A_1004 = arith.constant 5 : i32
        %swap3A_1005 = arith.index_cast %swap3A_1004 : i32 to index
        %swap3A_1006 = arith.index_cast %add3A_1003 : i32 to index
        %swap3A_1007 = arith.constant 96 : index
        %swap3A_1008 = tpu.vector_load %arg6[%swap3A_1005, %swap3A_1006, %swap3A_1007] {strides = array<i32>} : memref<10x64x128xf32, #tpu.memory_space<vmem>>, vector<1x1x16xf32>,
        %swap3A_1009 = vector.shape_cast %swap3A_1008 : vector<1x1x16xf32> to vector<16xf32>
        %swap3A_1010 = vector.shape_cast %mul3A_999 : vector<16xf32> to vector<1x1x16xf32>
        tpu.vector_store %arg6[%swap3A_1005, %swap3A_1006, %swap3A_1007], %swap3A_1010 {strides = array<i32>} : memref<10x64x128xf32, #tpu.memory_space<vmem>>, vector<1x1x16xf32>,
        %mul3A_1011 = arith.constant 2 : i32
        %mul3A_1012 = arith.muli %mul3A_1011, %scan3A_844 : i32
        %add3A_1013 = arith.constant 0 : i32
        %add3A_1014 = arith.addi %mul3A_1012, %add3A_1013 : i32
        %get3A_1015 = arith.constant 5 : i32
        %get3A_1016 = arith.index_cast %get3A_1015 : i32 to index
        %get3A_1017 = arith.index_cast %add3A_1014 : i32 to index
        %get3A_1018 = arith.constant 112 : index
        %get3A_1019 = tpu.vector_load %arg6[%get3A_1016, %get3A_1017, %get3A_1018] {strides = array<i32>} : memref<10x64x128xf32, #tpu.memory_space<vmem>>, vector<1x1x16xf32>,
        %get3A_1020 = vector.shape_cast %get3A_1019 : vector<1x1x16xf32> to vector<16xf32>
        %mul3A_1021 = arith.constant 11.3137083 : f32
        %mul3A_1022 = vector.broadcast %mul3A_1021 : f32 to vector<16xf32>
        %mul3A_1023 = arith.mulf %get3A_1020, %mul3A_1022 : vector<16xf32>
        %mul3A_1024 = arith.constant 2 : i32
        %mul3A_1025 = arith.muli %mul3A_1024, %scan3A_844 : i32
        %add3A_1026 = arith.constant 0 : i32
        %add3A_1027 = arith.addi %mul3A_1025, %add3A_1026 : i32
        %swap3A_1028 = arith.constant 5 : i32
        %swap3A_1029 = arith.index_cast %swap3A_1028 : i32 to index
        %swap3A_1030 = arith.index_cast %add3A_1027 : i32 to index
        %swap3A_1031 = arith.constant 112 : index
        %swap3A_1032 = tpu.vector_load %arg6[%swap3A_1029, %swap3A_1030, %swap3A_1031] {strides = array<i32>} : memref<10x64x128xf32, #tpu.memory_space<vmem>>, vector<1x1x16xf32>,
        %swap3A_1033 = vector.shape_cast %swap3A_1032 : vector<1x1x16xf32> to vector<16xf32>
        %swap3A_1034 = vector.shape_cast %mul3A_1023 : vector<16xf32> to vector<1x1x16xf32>
        tpu.vector_store %arg6[%swap3A_1029, %swap3A_1030, %swap3A_1031], %swap3A_1034 {strides = array<i32>} : memref<10x64x128xf32, #tpu.memory_space<vmem>>, vector<1x1x16xf32>,
        %mul3A_1035 = arith.constant 2 : i32
        %mul3A_1036 = arith.muli %mul3A_1035, %scan3A_844 : i32
        %add3A_1037 = arith.constant 1 : i32
        %add3A_1038 = arith.addi %mul3A_1036, %add3A_1037 : i32
        %get3A_1039 = arith.constant 5 : i32
        %get3A_1040 = arith.index_cast %get3A_1039 : i32 to index
        %get3A_1041 = arith.index_cast %add3A_1038 : i32 to index
        %get3A_1042 = arith.constant 0 : index
        %get3A_1043 = tpu.vector_load %arg6[%get3A_1040, %get3A_1041, %get3A_1042] {strides = array<i32>} : memref<10x64x128xf32, #tpu.memory_space<vmem>>, vector<1x1x16xf32>,
        %get3A_1044 = vector.shape_cast %get3A_1043 : vector<1x1x16xf32> to vector<16xf32>
        %mul3A_1045 = arith.constant 11.3137083 : f32
        %mul3A_1046 = vector.broadcast %mul3A_1045 : f32 to vector<16xf32>
        %mul3A_1047 = arith.mulf %get3A_1044, %mul3A_1046 : vector<16xf32>
        %mul3A_1048 = arith.constant 2 : i32
        %mul3A_1049 = arith.muli %mul3A_1048, %scan3A_844 : i32
        %add3A_1050 = arith.constant 1 : i32
        %add3A_1051 = arith.addi %mul3A_1049, %add3A_1050 : i32
        %swap3A_1052 = arith.constant 5 : i32
        %swap3A_1053 = arith.index_cast %swap3A_1052 : i32 to index
        %swap3A_1054 = arith.index_cast %add3A_1051 : i32 to index
        %swap3A_1055 = arith.constant 0 : index
        %swap3A_1056 = tpu.vector_load %arg6[%swap3A_1053, %swap3A_1054, %swap3A_1055] {strides = array<i32>} : memref<10x64x128xf32, #tpu.memory_space<vmem>>, vector<1x1x16xf32>,
        %swap3A_1057 = vector.shape_cast %swap3A_1056 : vector<1x1x16xf32> to vector<16xf32>
        %swap3A_1058 = vector.shape_cast %mul3A_1047 : vector<16xf32> to vector<1x1x16xf32>
        tpu.vector_store %arg6[%swap3A_1053, %swap3A_1054, %swap3A_1055], %swap3A_1058 {strides = array<i32>} : memref<10x64x128xf32, #tpu.memory_space<vmem>>, vector<1x1x16xf32>,
        %mul3A_1059 = arith.constant 2 : i32
        %mul3A_1060 = arith.muli %mul3A_1059, %scan3A_844 : i32
        %add3A_1061 = arith.constant 1 : i32
        %add3A_1062 = arith.addi %mul3A_1060, %add3A_1061 : i32
        %get3A_1063 = arith.constant 5 : i32
        %get3A_1064 = arith.index_cast %get3A_1063 : i32 to index
        %get3A_1065 = arith.index_cast %add3A_1062 : i32 to index
        %get3A_1066 = arith.constant 16 : index
        %get3A_1067 = tpu.vector_load %arg6[%get3A_1064, %get3A_1065, %get3A_1066] {strides = array<i32>} : memref<10x64x128xf32, #tpu.memory_space<vmem>>, vector<1x1x16xf32>,
        %get3A_1068 = vector.shape_cast %get3A_1067 : vector<1x1x16xf32> to vector<16xf32>
        %mul3A_1069 = arith.constant 11.3137083 : f32
        %mul3A_1070 = vector.broadcast %mul3A_1069 : f32 to vector<16xf32>
        %mul3A_1071 = arith.mulf %get3A_1068, %mul3A_1070 : vector<16xf32>
        %mul3A_1072 = arith.constant 2 : i32
        %mul3A_1073 = arith.muli %mul3A_1072, %scan3A_844 : i32
        %add3A_1074 = arith.constant 1 : i32
        %add3A_1075 = arith.addi %mul3A_1073, %add3A_1074 : i32
        %swap3A_1076 = arith.constant 5 : i32
        %swap3A_1077 = arith.index_cast %swap3A_1076 : i32 to index
        %swap3A_1078 = arith.index_cast %add3A_1075 : i32 to index
        %swap3A_1079 = arith.constant 16 : index
        %swap3A_1080 = tpu.vector_load %arg6[%swap3A_1077, %swap3A_1078, %swap3A_1079] {strides = array<i32>} : memref<10x64x128xf32, #tpu.memory_space<vmem>>, vector<1x1x16xf32>,
        %swap3A_1081 = vector.shape_cast %swap3A_1080 : vector<1x1x16xf32> to vector<16xf32>
        %swap3A_1082 = vector.shape_cast %mul3A_1071 : vector<16xf32> to vector<1x1x16xf32>
        tpu.vector_store %arg6[%swap3A_1077, %swap3A_1078, %swap3A_1079], %swap3A_1082 {strides = array<i32>} : memref<10x64x128xf32, #tpu.memory_space<vmem>>, vector<1x1x16xf32>,
        %mul3A_1083 = arith.constant 2 : i32
        %mul3A_1084 = arith.muli %mul3A_1083, %scan3A_844 : i32
        %add3A_1085 = arith.constant 1 : i32
        %add3A_1086 = arith.addi %mul3A_1084, %add3A_1085 : i32
        %get3A_1087 = arith.constant 5 : i32
        %get3A_1088 = arith.index_cast %get3A_1087 : i32 to index
        %get3A_1089 = arith.index_cast %add3A_1086 : i32 to index
        %get3A_1090 = arith.constant 32 : index
        %get3A_1091 = tpu.vector_load %arg6[%get3A_1088, %get3A_1089, %get3A_1090] {strides = array<i32>} : memref<10x64x128xf32, #tpu.memory_space<vmem>>, vector<1x1x16xf32>,
        %get3A_1092 = vector.shape_cast %get3A_1091 : vector<1x1x16xf32> to vector<16xf32>
        %mul3A_1093 = arith.constant 11.3137083 : f32
        %mul3A_1094 = vector.broadcast %mul3A_1093 : f32 to vector<16xf32>
        %mul3A_1095 = arith.mulf %get3A_1092, %mul3A_1094 : vector<16xf32>
        %mul3A_1096 = arith.constant 2 : i32
        %mul3A_1097 = arith.muli %mul3A_1096, %scan3A_844 : i32
        %add3A_1098 = arith.constant 1 : i32
        %add3A_1099 = arith.addi %mul3A_1097, %add3A_1098 : i32
        %swap3A_1100 = arith.constant 5 : i32
        %swap3A_1101 = arith.index_cast %swap3A_1100 : i32 to index
        %swap3A_1102 = arith.index_cast %add3A_1099 : i32 to index
        %swap3A_1103 = arith.constant 32 : index
        %swap3A_1104 = tpu.vector_load %arg6[%swap3A_1101, %swap3A_1102, %swap3A_1103] {strides = array<i32>} : memref<10x64x128xf32, #tpu.memory_space<vmem>>, vector<1x1x16xf32>,
        %swap3A_1105 = vector.shape_cast %swap3A_1104 : vector<1x1x16xf32> to vector<16xf32>
        %swap3A_1106 = vector.shape_cast %mul3A_1095 : vector<16xf32> to vector<1x1x16xf32>
        tpu.vector_store %arg6[%swap3A_1101, %swap3A_1102, %swap3A_1103], %swap3A_1106 {strides = array<i32>} : memref<10x64x128xf32, #tpu.memory_space<vmem>>, vector<1x1x16xf32>,
        %mul3A_1107 = arith.constant 2 : i32
        %mul3A_1108 = arith.muli %mul3A_1107, %scan3A_844 : i32
        %add3A_1109 = arith.constant 1 : i32
        %add3A_1110 = arith.addi %mul3A_1108, %add3A_1109 : i32
        %get3A_1111 = arith.constant 5 : i32
        %get3A_1112 = arith.index_cast %get3A_1111 : i32 to index
        %get3A_1113 = arith.index_cast %add3A_1110 : i32 to index
        %get3A_1114 = arith.constant 48 : index
        %get3A_1115 = tpu.vector_load %arg6[%get3A_1112, %get3A_1113, %get3A_1114] {strides = array<i32>} : memref<10x64x128xf32, #tpu.memory_space<vmem>>, vector<1x1x16xf32>,
        %get3A_1116 = vector.shape_cast %get3A_1115 : vector<1x1x16xf32> to vector<16xf32>
        %mul3A_1117 = arith.constant 11.3137083 : f32
        %mul3A_1118 = vector.broadcast %mul3A_1117 : f32 to vector<16xf32>
        %mul3A_1119 = arith.mulf %get3A_1116, %mul3A_1118 : vector<16xf32>
        %mul3A_1120 = arith.constant 2 : i32
        %mul3A_1121 = arith.muli %mul3A_1120, %scan3A_844 : i32
        %add3A_1122 = arith.constant 1 : i32
        %add3A_1123 = arith.addi %mul3A_1121, %add3A_1122 : i32
        %swap3A_1124 = arith.constant 5 : i32
        %swap3A_1125 = arith.index_cast %swap3A_1124 : i32 to index
        %swap3A_1126 = arith.index_cast %add3A_1123 : i32 to index
        %swap3A_1127 = arith.constant 48 : index
        %swap3A_1128 = tpu.vector_load %arg6[%swap3A_1125, %swap3A_1126, %swap3A_1127] {strides = array<i32>} : memref<10x64x128xf32, #tpu.memory_space<vmem>>, vector<1x1x16xf32>,
        %swap3A_1129 = vector.shape_cast %swap3A_1128 : vector<1x1x16xf32> to vector<16xf32>
        %swap3A_1130 = vector.shape_cast %mul3A_1119 : vector<16xf32> to vector<1x1x16xf32>
        tpu.vector_store %arg6[%swap3A_1125, %swap3A_1126, %swap3A_1127], %swap3A_1130 {strides = array<i32>} : memref<10x64x128xf32, #tpu.memory_space<vmem>>, vector<1x1x16xf32>,
        %mul3A_1131 = arith.constant 2 : i32
        %mul3A_1132 = arith.muli %mul3A_1131, %scan3A_844 : i32
        %add3A_1133 = arith.constant 1 : i32
        %add3A_1134 = arith.addi %mul3A_1132, %add3A_1133 : i32
        %get3A_1135 = arith.constant 5 : i32
        %get3A_1136 = arith.index_cast %get3A_1135 : i32 to index
        %get3A_1137 = arith.index_cast %add3A_1134 : i32 to index
        %get3A_1138 = arith.constant 64 : index
        %get3A_1139 = tpu.vector_load %arg6[%get3A_1136, %get3A_1137, %get3A_1138] {strides = array<i32>} : memref<10x64x128xf32, #tpu.memory_space<vmem>>, vector<1x1x16xf32>,
        %get3A_1140 = vector.shape_cast %get3A_1139 : vector<1x1x16xf32> to vector<16xf32>
        %mul3A_1141 = arith.constant 11.3137083 : f32
        %mul3A_1142 = vector.broadcast %mul3A_1141 : f32 to vector<16xf32>
        %mul3A_1143 = arith.mulf %get3A_1140, %mul3A_1142 : vector<16xf32>
        %mul3A_1144 = arith.constant 2 : i32
        %mul3A_1145 = arith.muli %mul3A_1144, %scan3A_844 : i32
        %add3A_1146 = arith.constant 1 : i32
        %add3A_1147 = arith.addi %mul3A_1145, %add3A_1146 : i32
        %swap3A_1148 = arith.constant 5 : i32
        %swap3A_1149 = arith.index_cast %swap3A_1148 : i32 to index
        %swap3A_1150 = arith.index_cast %add3A_1147 : i32 to index
        %swap3A_1151 = arith.constant 64 : index
        %swap3A_1152 = tpu.vector_load %arg6[%swap3A_1149, %swap3A_1150, %swap3A_1151] {strides = array<i32>} : memref<10x64x128xf32, #tpu.memory_space<vmem>>, vector<1x1x16xf32>,
        %swap3A_1153 = vector.shape_cast %swap3A_1152 : vector<1x1x16xf32> to vector<16xf32>
        %swap3A_1154 = vector.shape_cast %mul3A_1143 : vector<16xf32> to vector<1x1x16xf32>
        tpu.vector_store %arg6[%swap3A_1149, %swap3A_1150, %swap3A_1151], %swap3A_1154 {strides = array<i32>} : memref<10x64x128xf32, #tpu.memory_space<vmem>>, vector<1x1x16xf32>,
        %mul3A_1155 = arith.constant 2 : i32
        %mul3A_1156 = arith.muli %mul3A_1155, %scan3A_844 : i32
        %add3A_1157 = arith.constant 1 : i32
        %add3A_1158 = arith.addi %mul3A_1156, %add3A_1157 : i32
        %get3A_1159 = arith.constant 5 : i32
        %get3A_1160 = arith.index_cast %get3A_1159 : i32 to index
        %get3A_1161 = arith.index_cast %add3A_1158 : i32 to index
        %get3A_1162 = arith.constant 80 : index
        %get3A_1163 = tpu.vector_load %arg6[%get3A_1160, %get3A_1161, %get3A_1162] {strides = array<i32>} : memref<10x64x128xf32, #tpu.memory_space<vmem>>, vector<1x1x16xf32>,
        %get3A_1164 = vector.shape_cast %get3A_1163 : vector<1x1x16xf32> to vector<16xf32>
        %mul3A_1165 = arith.constant 11.3137083 : f32
        %mul3A_1166 = vector.broadcast %mul3A_1165 : f32 to vector<16xf32>
        %mul3A_1167 = arith.mulf %get3A_1164, %mul3A_1166 : vector<16xf32>
        %mul3A_1168 = arith.constant 2 : i32
        %mul3A_1169 = arith.muli %mul3A_1168, %scan3A_844 : i32
        %add3A_1170 = arith.constant 1 : i32
        %add3A_1171 = arith.addi %mul3A_1169, %add3A_1170 : i32
        %swap3A_1172 = arith.constant 5 : i32
        %swap3A_1173 = arith.index_cast %swap3A_1172 : i32 to index
        %swap3A_1174 = arith.index_cast %add3A_1171 : i32 to index
        %swap3A_1175 = arith.constant 80 : index
        %swap3A_1176 = tpu.vector_load %arg6[%swap3A_1173, %swap3A_1174, %swap3A_1175] {strides = array<i32>} : memref<10x64x128xf32, #tpu.memory_space<vmem>>, vector<1x1x16xf32>,
        %swap3A_1177 = vector.shape_cast %swap3A_1176 : vector<1x1x16xf32> to vector<16xf32>
        %swap3A_1178 = vector.shape_cast %mul3A_1167 : vector<16xf32> to vector<1x1x16xf32>
        tpu.vector_store %arg6[%swap3A_1173, %swap3A_1174, %swap3A_1175], %swap3A_1178 {strides = array<i32>} : memref<10x64x128xf32, #tpu.memory_space<vmem>>, vector<1x1x16xf32>,
        %mul3A_1179 = arith.constant 2 : i32
        %mul3A_1180 = arith.muli %mul3A_1179, %scan3A_844 : i32
        %add3A_1181 = arith.constant 1 : i32
        %add3A_1182 = arith.addi %mul3A_1180, %add3A_1181 : i32
        %get3A_1183 = arith.constant 5 : i32
        %get3A_1184 = arith.index_cast %get3A_1183 : i32 to index
        %get3A_1185 = arith.index_cast %add3A_1182 : i32 to index
        %get3A_1186 = arith.constant 96 : index
        %get3A_1187 = tpu.vector_load %arg6[%get3A_1184, %get3A_1185, %get3A_1186] {strides = array<i32>} : memref<10x64x128xf32, #tpu.memory_space<vmem>>, vector<1x1x16xf32>,
        %get3A_1188 = vector.shape_cast %get3A_1187 : vector<1x1x16xf32> to vector<16xf32>
        %mul3A_1189 = arith.constant 11.3137083 : f32
        %mul3A_1190 = vector.broadcast %mul3A_1189 : f32 to vector<16xf32>
        %mul3A_1191 = arith.mulf %get3A_1188, %mul3A_1190 : vector<16xf32>
        %mul3A_1192 = arith.constant 2 : i32
        %mul3A_1193 = arith.muli %mul3A_1192, %scan3A_844 : i32
        %add3A_1194 = arith.constant 1 : i32
        %add3A_1195 = arith.addi %mul3A_1193, %add3A_1194 : i32
        %swap3A_1196 = arith.constant 5 : i32
        %swap3A_1197 = arith.index_cast %swap3A_1196 : i32 to index
        %swap3A_1198 = arith.index_cast %add3A_1195 : i32 to index
        %swap3A_1199 = arith.constant 96 : index
        %swap3A_1200 = tpu.vector_load %arg6[%swap3A_1197, %swap3A_1198, %swap3A_1199] {strides = array<i32>} : memref<10x64x128xf32, #tpu.memory_space<vmem>>, vector<1x1x16xf32>,
        %swap3A_1201 = vector.shape_cast %swap3A_1200 : vector<1x1x16xf32> to vector<16xf32>
        %swap3A_1202 = vector.shape_cast %mul3A_1191 : vector<16xf32> to vector<1x1x16xf32>
        tpu.vector_store %arg6[%swap3A_1197, %swap3A_1198, %swap3A_1199], %swap3A_1202 {strides = array<i32>} : memref<10x64x128xf32, #tpu.memory_space<vmem>>, vector<1x1x16xf32>,
        %mul3A_1203 = arith.constant 2 : i32
        %mul3A_1204 = arith.muli %mul3A_1203, %scan3A_844 : i32
        %add3A_1205 = arith.constant 1 : i32
        %add3A_1206 = arith.addi %mul3A_1204, %add3A_1205 : i32
        %get3A_1207 = arith.constant 5 : i32
        %get3A_1208 = arith.index_cast %get3A_1207 : i32 to index
        %get3A_1209 = arith.index_cast %add3A_1206 : i32 to index
        %get3A_1210 = arith.constant 112 : index
        %get3A_1211 = tpu.vector_load %arg6[%get3A_1208, %get3A_1209, %get3A_1210] {strides = array<i32>} : memref<10x64x128xf32, #tpu.memory_space<vmem>>, vector<1x1x16xf32>,
        %get3A_1212 = vector.shape_cast %get3A_1211 : vector<1x1x16xf32> to vector<16xf32>
        %mul3A_1213 = arith.constant 11.3137083 : f32
        %mul3A_1214 = vector.broadcast %mul3A_1213 : f32 to vector<16xf32>
        %mul3A_1215 = arith.mulf %get3A_1212, %mul3A_1214 : vector<16xf32>
        %mul3A_1216 = arith.constant 2 : i32
        %mul3A_1217 = arith.muli %mul3A_1216, %scan3A_844 : i32
        %add3A_1218 = arith.constant 1 : i32
        %add3A_1219 = arith.addi %mul3A_1217, %add3A_1218 : i32
        %swap3A_1220 = arith.constant 5 : i32
        %swap3A_1221 = arith.index_cast %swap3A_1220 : i32 to index
        %swap3A_1222 = arith.index_cast %add3A_1219 : i32 to index
        %swap3A_1223 = arith.constant 112 : index
        %swap3A_1224 = tpu.vector_load %arg6[%swap3A_1221, %swap3A_1222, %swap3A_1223] {strides = array<i32>} : memref<10x64x128xf32, #tpu.memory_space<vmem>>, vector<1x1x16xf32>,
        %swap3A_1225 = vector.shape_cast %swap3A_1224 : vector<1x1x16xf32> to vector<16xf32>
        %swap3A_1226 = vector.shape_cast %mul3A_1215 : vector<16xf32> to vector<1x1x16xf32>
        tpu.vector_store %arg6[%swap3A_1221, %swap3A_1222, %swap3A_1223], %swap3A_1226 {strides = array<i32>} : memref<10x64x128xf32, #tpu.memory_space<vmem>>, vector<1x1x16xf32>,
      }
      %scan3A_652 = arith.constant 32 : i32
      %mul3A_653 = arith.constant 64 : i32
      %mul3A_654 = arith.muli %add3A_632, %mul3A_653 : i32
      %add3A_655 = arith.addi %mul3A_2, %mul3A_654 : i32
      %dma_start3A_656 = arith.constant 5 : i32
      %dma_start3A_657 = arith.constant 5 : i32
      %dma_start3A_658 = arith.constant 0 : i32
      %dma_start3A_659 = arith.constant 0 : i32
      %dma_start3A_660 = tpu.memref_slice %arg6[%dma_start3A_656, %dma_start3A_658, %dma_start3A_659] : memref<10x64x128xf32, #tpu.memory_space<vmem>> -> memref<1x64x128xf32, #tpu.memory_space<vmem>>
      %dma_start3A_661 = tpu.memref_squeeze %dma_start3A_660 : memref<1x64x128xf32, #tpu.memory_space<vmem>> -> memref<64x128xf32, #tpu.memory_space<vmem>>
      %dma_start3A_662 = arith.constant 0 : i32
      %dma_start3A_663 = tpu.memref_slice %arg4[%add3A_655, %dma_start3A_662] : memref<204800x128xf32, #tpu.memory_space<hbm>> -> memref<64x128xf32, #tpu.memory_space<hbm>>
      %dma_start3A_664 = tpu.memref_slice %arg8[%dma_start3A_657] : memref<10x!tpu.dma_semaphore, #tpu.memory_space<semaphore_mem>> -> memref<1x!tpu.dma_semaphore, #tpu.memory_space<semaphore_mem>>
      %dma_start3A_665 = tpu.memref_squeeze %dma_start3A_664 : memref<1x!tpu.dma_semaphore, #tpu.memory_space<semaphore_mem>> -> memref<!tpu.dma_semaphore, #tpu.memory_space<semaphore_mem>>
      %dma_start3A_666 = arith.constant 0 : i32
      %dma_start3A_667 = tpu.memref_slice %arg4[%add3A_655, %dma_start3A_666] : memref<204800x128xf32, #tpu.memory_space<hbm>> -> memref<64x128xf32, #tpu.memory_space<hbm>>
      %dma_start3A_668 = arith.constant 0 : i32
      %dma_start3A_669 = arith.constant 0 : i32
      %dma_start3A_670 = tpu.memref_slice %arg6[%dma_start3A_656, %dma_start3A_668, %dma_start3A_669] : memref<10x64x128xf32, #tpu.memory_space<vmem>> -> memref<1x64x128xf32, #tpu.memory_space<vmem>>
      %dma_start3A_671 = tpu.memref_squeeze %dma_start3A_670 : memref<1x64x128xf32, #tpu.memory_space<vmem>> -> memref<64x128xf32, #tpu.memory_space<vmem>>
      tpu.enqueue_dma source(%dma_start3A_671 : memref<64x128xf32, #tpu.memory_space<vmem>>) target(%dma_start3A_667 : memref<64x128xf32, #tpu.memory_space<hbm>>) target_semaphore(%dma_start3A_665 : memref<!tpu.dma_semaphore, #tpu.memory_space<semaphore_mem>>)
      %mul3A_672 = arith.constant 10 : i32
      %mul3A_673 = arith.muli %scan3A_187, %mul3A_672 : i32
      %add3A_674 = arith.constant 6 : i32
      %add3A_675 = arith.addi %mul3A_673, %add3A_674 : i32
      %dma_wait3A_676 = arith.constant 6 : i32
      %dma_wait3A_677 = arith.constant 6 : i32
      %dma_wait3A_678 = arith.constant 0 : i32
      %dma_wait3A_679 = arith.constant 0 : i32
      %dma_wait3A_680 = tpu.memref_slice %arg6[%dma_wait3A_676, %dma_wait3A_678, %dma_wait3A_679] : memref<10x64x128xf32, #tpu.memory_space<vmem>> -> memref<1x64x128xf32, #tpu.memory_space<vmem>>
      %dma_wait3A_681 = tpu.memref_squeeze %dma_wait3A_680 : memref<1x64x128xf32, #tpu.memory_space<vmem>> -> memref<64x128xf32, #tpu.memory_space<vmem>>
      %dma_wait3A_682 = arith.constant 0 : i32
      %dma_wait3A_683 = tpu.memref_slice %arg5[%add3A_675, %dma_wait3A_682] : memref<100x64xi32, #tpu.memory_space<vmem>> -> memref<1x64xi32, #tpu.memory_space<vmem>>
      %dma_wait3A_684 = tpu.memref_squeeze %dma_wait3A_683 : memref<1x64xi32, #tpu.memory_space<vmem>> -> memref<64xi32, #tpu.memory_space<vmem>>
      %dma_wait3A_685 = arith.constant 0 : i32
      %dma_wait3A_686 = arith.constant 0 : i32
      %dma_wait3A_687 = tpu.memref_slice %arg3[%dma_wait3A_685, %dma_wait3A_686] : memref<100000x128xf32, #tpu.memory_space<hbm>> -> memref<100000x128xf32, #tpu.memory_space<hbm>>
      %dma_wait3A_688 = tpu.memref_slice %arg7[%dma_wait3A_677] : memref<10x!tpu.dma_semaphore, #tpu.memory_space<semaphore_mem>> -> memref<1x!tpu.dma_semaphore, #tpu.memory_space<semaphore_mem>>
      %dma_wait3A_689 = tpu.memref_squeeze %dma_wait3A_688 : memref<1x!tpu.dma_semaphore, #tpu.memory_space<semaphore_mem>> -> memref<!tpu.dma_semaphore, #tpu.memory_space<semaphore_mem>>
      tpu.wait_indirect_dma semaphore(%dma_wait3A_689 : memref<!tpu.dma_semaphore, #tpu.memory_space<semaphore_mem>>) src(%dma_wait3A_687 : memref<100000x128xf32, #tpu.memory_space<hbm>>) dst(%dma_wait3A_681 : memref<64x128xf32, #tpu.memory_space<vmem>>)
      %scan3A_690 = arith.constant 0 : i32
      %scan3A_691 = arith.constant 0 : i32
      %scan3A_692 = arith.constant 32 : i32
      %scan3A_693 = arith.addi %scan3A_691, %scan3A_692 : i32
      %scan3A_694 = arith.constant 1 : i32
      scf.for %scan3A_844 = %scan3A_691 to %scan3A_693 step %scan3A_694  : i32 {
        %mul3A_845 = arith.constant 2 : i32
        %mul3A_846 = arith.muli %mul3A_845, %scan3A_844 : i32
        %add3A_847 = arith.constant 0 : i32
        %add3A_848 = arith.addi %mul3A_846, %add3A_847 : i32
        %get3A = arith.constant 6 : i32
        %get3A_849 = arith.index_cast %get3A : i32 to index
        %get3A_850 = arith.index_cast %add3A_848 : i32 to index
        %get3A_851 = arith.constant 0 : index
        %get3A_852 = tpu.vector_load %arg6[%get3A_849, %get3A_850, %get3A_851] {strides = array<i32>} : memref<10x64x128xf32, #tpu.memory_space<vmem>>, vector<1x1x16xf32>,
        %get3A_853 = vector.shape_cast %get3A_852 : vector<1x1x16xf32> to vector<16xf32>
        %mul3A_854 = arith.constant 11.3137083 : f32
        %mul3A_855 = vector.broadcast %mul3A_854 : f32 to vector<16xf32>
        %mul3A_856 = arith.mulf %get3A_853, %mul3A_855 : vector<16xf32>
        %mul3A_857 = arith.constant 2 : i32
        %mul3A_858 = arith.muli %mul3A_857, %scan3A_844 : i32
        %add3A_859 = arith.constant 0 : i32
        %add3A_860 = arith.addi %mul3A_858, %add3A_859 : i32
        %swap3A = arith.constant 6 : i32
        %swap3A_861 = arith.index_cast %swap3A : i32 to index
        %swap3A_862 = arith.index_cast %add3A_860 : i32 to index
        %swap3A_863 = arith.constant 0 : index
        %swap3A_864 = tpu.vector_load %arg6[%swap3A_861, %swap3A_862, %swap3A_863] {strides = array<i32>} : memref<10x64x128xf32, #tpu.memory_space<vmem>>, vector<1x1x16xf32>,
        %swap3A_865 = vector.shape_cast %swap3A_864 : vector<1x1x16xf32> to vector<16xf32>
        %swap3A_866 = vector.shape_cast %mul3A_856 : vector<16xf32> to vector<1x1x16xf32>
        tpu.vector_store %arg6[%swap3A_861, %swap3A_862, %swap3A_863], %swap3A_866 {strides = array<i32>} : memref<10x64x128xf32, #tpu.memory_space<vmem>>, vector<1x1x16xf32>,
        %mul3A_867 = arith.constant 2 : i32
        %mul3A_868 = arith.muli %mul3A_867, %scan3A_844 : i32
        %add3A_869 = arith.constant 0 : i32
        %add3A_870 = arith.addi %mul3A_868, %add3A_869 : i32
        %get3A_871 = arith.constant 6 : i32
        %get3A_872 = arith.index_cast %get3A_871 : i32 to index
        %get3A_873 = arith.index_cast %add3A_870 : i32 to index
        %get3A_874 = arith.constant 16 : index
        %get3A_875 = tpu.vector_load %arg6[%get3A_872, %get3A_873, %get3A_874] {strides = array<i32>} : memref<10x64x128xf32, #tpu.memory_space<vmem>>, vector<1x1x16xf32>,
        %get3A_876 = vector.shape_cast %get3A_875 : vector<1x1x16xf32> to vector<16xf32>
        %mul3A_877 = arith.constant 11.3137083 : f32
        %mul3A_878 = vector.broadcast %mul3A_877 : f32 to vector<16xf32>
        %mul3A_879 = arith.mulf %get3A_876, %mul3A_878 : vector<16xf32>
        %mul3A_880 = arith.constant 2 : i32
        %mul3A_881 = arith.muli %mul3A_880, %scan3A_844 : i32
        %add3A_882 = arith.constant 0 : i32
        %add3A_883 = arith.addi %mul3A_881, %add3A_882 : i32
        %swap3A_884 = arith.constant 6 : i32
        %swap3A_885 = arith.index_cast %swap3A_884 : i32 to index
        %swap3A_886 = arith.index_cast %add3A_883 : i32 to index
        %swap3A_887 = arith.constant 16 : index
        %swap3A_888 = tpu.vector_load %arg6[%swap3A_885, %swap3A_886, %swap3A_887] {strides = array<i32>} : memref<10x64x128xf32, #tpu.memory_space<vmem>>, vector<1x1x16xf32>,
        %swap3A_889 = vector.shape_cast %swap3A_888 : vector<1x1x16xf32> to vector<16xf32>
        %swap3A_890 = vector.shape_cast %mul3A_879 : vector<16xf32> to vector<1x1x16xf32>
        tpu.vector_store %arg6[%swap3A_885, %swap3A_886, %swap3A_887], %swap3A_890 {strides = array<i32>} : memref<10x64x128xf32, #tpu.memory_space<vmem>>, vector<1x1x16xf32>,
        %mul3A_891 = arith.constant 2 : i32
        %mul3A_892 = arith.muli %mul3A_891, %scan3A_844 : i32
        %add3A_893 = arith.constant 0 : i32
        %add3A_894 = arith.addi %mul3A_892, %add3A_893 : i32
        %get3A_895 = arith.constant 6 : i32
        %get3A_896 = arith.index_cast %get3A_895 : i32 to index
        %get3A_897 = arith.index_cast %add3A_894 : i32 to index
        %get3A_898 = arith.constant 32 : index
        %get3A_899 = tpu.vector_load %arg6[%get3A_896, %get3A_897, %get3A_898] {strides = array<i32>} : memref<10x64x128xf32, #tpu.memory_space<vmem>>, vector<1x1x16xf32>,
        %get3A_900 = vector.shape_cast %get3A_899 : vector<1x1x16xf32> to vector<16xf32>
        %mul3A_901 = arith.constant 11.3137083 : f32
        %mul3A_902 = vector.broadcast %mul3A_901 : f32 to vector<16xf32>
        %mul3A_903 = arith.mulf %get3A_900, %mul3A_902 : vector<16xf32>
        %mul3A_904 = arith.constant 2 : i32
        %mul3A_905 = arith.muli %mul3A_904, %scan3A_844 : i32
        %add3A_906 = arith.constant 0 : i32
        %add3A_907 = arith.addi %mul3A_905, %add3A_906 : i32
        %swap3A_908 = arith.constant 6 : i32
        %swap3A_909 = arith.index_cast %swap3A_908 : i32 to index
        %swap3A_910 = arith.index_cast %add3A_907 : i32 to index
        %swap3A_911 = arith.constant 32 : index
        %swap3A_912 = tpu.vector_load %arg6[%swap3A_909, %swap3A_910, %swap3A_911] {strides = array<i32>} : memref<10x64x128xf32, #tpu.memory_space<vmem>>, vector<1x1x16xf32>,
        %swap3A_913 = vector.shape_cast %swap3A_912 : vector<1x1x16xf32> to vector<16xf32>
        %swap3A_914 = vector.shape_cast %mul3A_903 : vector<16xf32> to vector<1x1x16xf32>
        tpu.vector_store %arg6[%swap3A_909, %swap3A_910, %swap3A_911], %swap3A_914 {strides = array<i32>} : memref<10x64x128xf32, #tpu.memory_space<vmem>>, vector<1x1x16xf32>,
        %mul3A_915 = arith.constant 2 : i32
        %mul3A_916 = arith.muli %mul3A_915, %scan3A_844 : i32
        %add3A_917 = arith.constant 0 : i32
        %add3A_918 = arith.addi %mul3A_916, %add3A_917 : i32
        %get3A_919 = arith.constant 6 : i32
        %get3A_920 = arith.index_cast %get3A_919 : i32 to index
        %get3A_921 = arith.index_cast %add3A_918 : i32 to index
        %get3A_922 = arith.constant 48 : index
        %get3A_923 = tpu.vector_load %arg6[%get3A_920, %get3A_921, %get3A_922] {strides = array<i32>} : memref<10x64x128xf32, #tpu.memory_space<vmem>>, vector<1x1x16xf32>,
        %get3A_924 = vector.shape_cast %get3A_923 : vector<1x1x16xf32> to vector<16xf32>
        %mul3A_925 = arith.constant 11.3137083 : f32
        %mul3A_926 = vector.broadcast %mul3A_925 : f32 to vector<16xf32>
        %mul3A_927 = arith.mulf %get3A_924, %mul3A_926 : vector<16xf32>
        %mul3A_928 = arith.constant 2 : i32
        %mul3A_929 = arith.muli %mul3A_928, %scan3A_844 : i32
        %add3A_930 = arith.constant 0 : i32
        %add3A_931 = arith.addi %mul3A_929, %add3A_930 : i32
        %swap3A_932 = arith.constant 6 : i32
        %swap3A_933 = arith.index_cast %swap3A_932 : i32 to index
        %swap3A_934 = arith.index_cast %add3A_931 : i32 to index
        %swap3A_935 = arith.constant 48 : index
        %swap3A_936 = tpu.vector_load %arg6[%swap3A_933, %swap3A_934, %swap3A_935] {strides = array<i32>} : memref<10x64x128xf32, #tpu.memory_space<vmem>>, vector<1x1x16xf32>,
        %swap3A_937 = vector.shape_cast %swap3A_936 : vector<1x1x16xf32> to vector<16xf32>
        %swap3A_938 = vector.shape_cast %mul3A_927 : vector<16xf32> to vector<1x1x16xf32>
        tpu.vector_store %arg6[%swap3A_933, %swap3A_934, %swap3A_935], %swap3A_938 {strides = array<i32>} : memref<10x64x128xf32, #tpu.memory_space<vmem>>, vector<1x1x16xf32>,
        %mul3A_939 = arith.constant 2 : i32
        %mul3A_940 = arith.muli %mul3A_939, %scan3A_844 : i32
        %add3A_941 = arith.constant 0 : i32
        %add3A_942 = arith.addi %mul3A_940, %add3A_941 : i32
        %get3A_943 = arith.constant 6 : i32
        %get3A_944 = arith.index_cast %get3A_943 : i32 to index
        %get3A_945 = arith.index_cast %add3A_942 : i32 to index
        %get3A_946 = arith.constant 64 : index
        %get3A_947 = tpu.vector_load %arg6[%get3A_944, %get3A_945, %get3A_946] {strides = array<i32>} : memref<10x64x128xf32, #tpu.memory_space<vmem>>, vector<1x1x16xf32>,
        %get3A_948 = vector.shape_cast %get3A_947 : vector<1x1x16xf32> to vector<16xf32>
        %mul3A_949 = arith.constant 11.3137083 : f32
        %mul3A_950 = vector.broadcast %mul3A_949 : f32 to vector<16xf32>
        %mul3A_951 = arith.mulf %get3A_948, %mul3A_950 : vector<16xf32>
        %mul3A_952 = arith.constant 2 : i32
        %mul3A_953 = arith.muli %mul3A_952, %scan3A_844 : i32
        %add3A_954 = arith.constant 0 : i32
        %add3A_955 = arith.addi %mul3A_953, %add3A_954 : i32
        %swap3A_956 = arith.constant 6 : i32
        %swap3A_957 = arith.index_cast %swap3A_956 : i32 to index
        %swap3A_958 = arith.index_cast %add3A_955 : i32 to index
        %swap3A_959 = arith.constant 64 : index
        %swap3A_960 = tpu.vector_load %arg6[%swap3A_957, %swap3A_958, %swap3A_959] {strides = array<i32>} : memref<10x64x128xf32, #tpu.memory_space<vmem>>, vector<1x1x16xf32>,
        %swap3A_961 = vector.shape_cast %swap3A_960 : vector<1x1x16xf32> to vector<16xf32>
        %swap3A_962 = vector.shape_cast %mul3A_951 : vector<16xf32> to vector<1x1x16xf32>
        tpu.vector_store %arg6[%swap3A_957, %swap3A_958, %swap3A_959], %swap3A_962 {strides = array<i32>} : memref<10x64x128xf32, #tpu.memory_space<vmem>>, vector<1x1x16xf32>,
        %mul3A_963 = arith.constant 2 : i32
        %mul3A_964 = arith.muli %mul3A_963, %scan3A_844 : i32
        %add3A_965 = arith.constant 0 : i32
        %add3A_966 = arith.addi %mul3A_964, %add3A_965 : i32
        %get3A_967 = arith.constant 6 : i32
        %get3A_968 = arith.index_cast %get3A_967 : i32 to index
        %get3A_969 = arith.index_cast %add3A_966 : i32 to index
        %get3A_970 = arith.constant 80 : index
        %get3A_971 = tpu.vector_load %arg6[%get3A_968, %get3A_969, %get3A_970] {strides = array<i32>} : memref<10x64x128xf32, #tpu.memory_space<vmem>>, vector<1x1x16xf32>,
        %get3A_972 = vector.shape_cast %get3A_971 : vector<1x1x16xf32> to vector<16xf32>
        %mul3A_973 = arith.constant 11.3137083 : f32
        %mul3A_974 = vector.broadcast %mul3A_973 : f32 to vector<16xf32>
        %mul3A_975 = arith.mulf %get3A_972, %mul3A_974 : vector<16xf32>
        %mul3A_976 = arith.constant 2 : i32
        %mul3A_977 = arith.muli %mul3A_976, %scan3A_844 : i32
        %add3A_978 = arith.constant 0 : i32
        %add3A_979 = arith.addi %mul3A_977, %add3A_978 : i32
        %swap3A_980 = arith.constant 6 : i32
        %swap3A_981 = arith.index_cast %swap3A_980 : i32 to index
        %swap3A_982 = arith.index_cast %add3A_979 : i32 to index
        %swap3A_983 = arith.constant 80 : index
        %swap3A_984 = tpu.vector_load %arg6[%swap3A_981, %swap3A_982, %swap3A_983] {strides = array<i32>} : memref<10x64x128xf32, #tpu.memory_space<vmem>>, vector<1x1x16xf32>,
        %swap3A_985 = vector.shape_cast %swap3A_984 : vector<1x1x16xf32> to vector<16xf32>
        %swap3A_986 = vector.shape_cast %mul3A_975 : vector<16xf32> to vector<1x1x16xf32>
        tpu.vector_store %arg6[%swap3A_981, %swap3A_982, %swap3A_983], %swap3A_986 {strides = array<i32>} : memref<10x64x128xf32, #tpu.memory_space<vmem>>, vector<1x1x16xf32>,
        %mul3A_987 = arith.constant 2 : i32
        %mul3A_988 = arith.muli %mul3A_987, %scan3A_844 : i32
        %add3A_989 = arith.constant 0 : i32
        %add3A_990 = arith.addi %mul3A_988, %add3A_989 : i32
        %get3A_991 = arith.constant 6 : i32
        %get3A_992 = arith.index_cast %get3A_991 : i32 to index
        %get3A_993 = arith.index_cast %add3A_990 : i32 to index
        %get3A_994 = arith.constant 96 : index
        %get3A_995 = tpu.vector_load %arg6[%get3A_992, %get3A_993, %get3A_994] {strides = array<i32>} : memref<10x64x128xf32, #tpu.memory_space<vmem>>, vector<1x1x16xf32>,
        %get3A_996 = vector.shape_cast %get3A_995 : vector<1x1x16xf32> to vector<16xf32>
        %mul3A_997 = arith.constant 11.3137083 : f32
        %mul3A_998 = vector.broadcast %mul3A_997 : f32 to vector<16xf32>
        %mul3A_999 = arith.mulf %get3A_996, %mul3A_998 : vector<16xf32>
        %mul3A_1000 = arith.constant 2 : i32
        %mul3A_1001 = arith.muli %mul3A_1000, %scan3A_844 : i32
        %add3A_1002 = arith.constant 0 : i32
        %add3A_1003 = arith.addi %mul3A_1001, %add3A_1002 : i32
        %swap3A_1004 = arith.constant 6 : i32
        %swap3A_1005 = arith.index_cast %swap3A_1004 : i32 to index
        %swap3A_1006 = arith.index_cast %add3A_1003 : i32 to index
        %swap3A_1007 = arith.constant 96 : index
        %swap3A_1008 = tpu.vector_load %arg6[%swap3A_1005, %swap3A_1006, %swap3A_1007] {strides = array<i32>} : memref<10x64x128xf32, #tpu.memory_space<vmem>>, vector<1x1x16xf32>,
        %swap3A_1009 = vector.shape_cast %swap3A_1008 : vector<1x1x16xf32> to vector<16xf32>
        %swap3A_1010 = vector.shape_cast %mul3A_999 : vector<16xf32> to vector<1x1x16xf32>
        tpu.vector_store %arg6[%swap3A_1005, %swap3A_1006, %swap3A_1007], %swap3A_1010 {strides = array<i32>} : memref<10x64x128xf32, #tpu.memory_space<vmem>>, vector<1x1x16xf32>,
        %mul3A_1011 = arith.constant 2 : i32
        %mul3A_1012 = arith.muli %mul3A_1011, %scan3A_844 : i32
        %add3A_1013 = arith.constant 0 : i32
        %add3A_1014 = arith.addi %mul3A_1012, %add3A_1013 : i32
        %get3A_1015 = arith.constant 6 : i32
        %get3A_1016 = arith.index_cast %get3A_1015 : i32 to index
        %get3A_1017 = arith.index_cast %add3A_1014 : i32 to index
        %get3A_1018 = arith.constant 112 : index
        %get3A_1019 = tpu.vector_load %arg6[%get3A_1016, %get3A_1017, %get3A_1018] {strides = array<i32>} : memref<10x64x128xf32, #tpu.memory_space<vmem>>, vector<1x1x16xf32>,
        %get3A_1020 = vector.shape_cast %get3A_1019 : vector<1x1x16xf32> to vector<16xf32>
        %mul3A_1021 = arith.constant 11.3137083 : f32
        %mul3A_1022 = vector.broadcast %mul3A_1021 : f32 to vector<16xf32>
        %mul3A_1023 = arith.mulf %get3A_1020, %mul3A_1022 : vector<16xf32>
        %mul3A_1024 = arith.constant 2 : i32
        %mul3A_1025 = arith.muli %mul3A_1024, %scan3A_844 : i32
        %add3A_1026 = arith.constant 0 : i32
        %add3A_1027 = arith.addi %mul3A_1025, %add3A_1026 : i32
        %swap3A_1028 = arith.constant 6 : i32
        %swap3A_1029 = arith.index_cast %swap3A_1028 : i32 to index
        %swap3A_1030 = arith.index_cast %add3A_1027 : i32 to index
        %swap3A_1031 = arith.constant 112 : index
        %swap3A_1032 = tpu.vector_load %arg6[%swap3A_1029, %swap3A_1030, %swap3A_1031] {strides = array<i32>} : memref<10x64x128xf32, #tpu.memory_space<vmem>>, vector<1x1x16xf32>,
        %swap3A_1033 = vector.shape_cast %swap3A_1032 : vector<1x1x16xf32> to vector<16xf32>
        %swap3A_1034 = vector.shape_cast %mul3A_1023 : vector<16xf32> to vector<1x1x16xf32>
        tpu.vector_store %arg6[%swap3A_1029, %swap3A_1030, %swap3A_1031], %swap3A_1034 {strides = array<i32>} : memref<10x64x128xf32, #tpu.memory_space<vmem>>, vector<1x1x16xf32>,
        %mul3A_1035 = arith.constant 2 : i32
        %mul3A_1036 = arith.muli %mul3A_1035, %scan3A_844 : i32
        %add3A_1037 = arith.constant 1 : i32
        %add3A_1038 = arith.addi %mul3A_1036, %add3A_1037 : i32
        %get3A_1039 = arith.constant 6 : i32
        %get3A_1040 = arith.index_cast %get3A_1039 : i32 to index
        %get3A_1041 = arith.index_cast %add3A_1038 : i32 to index
        %get3A_1042 = arith.constant 0 : index
        %get3A_1043 = tpu.vector_load %arg6[%get3A_1040, %get3A_1041, %get3A_1042] {strides = array<i32>} : memref<10x64x128xf32, #tpu.memory_space<vmem>>, vector<1x1x16xf32>,
        %get3A_1044 = vector.shape_cast %get3A_1043 : vector<1x1x16xf32> to vector<16xf32>
        %mul3A_1045 = arith.constant 11.3137083 : f32
        %mul3A_1046 = vector.broadcast %mul3A_1045 : f32 to vector<16xf32>
        %mul3A_1047 = arith.mulf %get3A_1044, %mul3A_1046 : vector<16xf32>
        %mul3A_1048 = arith.constant 2 : i32
        %mul3A_1049 = arith.muli %mul3A_1048, %scan3A_844 : i32
        %add3A_1050 = arith.constant 1 : i32
        %add3A_1051 = arith.addi %mul3A_1049, %add3A_1050 : i32
        %swap3A_1052 = arith.constant 6 : i32
        %swap3A_1053 = arith.index_cast %swap3A_1052 : i32 to index
        %swap3A_1054 = arith.index_cast %add3A_1051 : i32 to index
        %swap3A_1055 = arith.constant 0 : index
        %swap3A_1056 = tpu.vector_load %arg6[%swap3A_1053, %swap3A_1054, %swap3A_1055] {strides = array<i32>} : memref<10x64x128xf32, #tpu.memory_space<vmem>>, vector<1x1x16xf32>,
        %swap3A_1057 = vector.shape_cast %swap3A_1056 : vector<1x1x16xf32> to vector<16xf32>
        %swap3A_1058 = vector.shape_cast %mul3A_1047 : vector<16xf32> to vector<1x1x16xf32>
        tpu.vector_store %arg6[%swap3A_1053, %swap3A_1054, %swap3A_1055], %swap3A_1058 {strides = array<i32>} : memref<10x64x128xf32, #tpu.memory_space<vmem>>, vector<1x1x16xf32>,
        %mul3A_1059 = arith.constant 2 : i32
        %mul3A_1060 = arith.muli %mul3A_1059, %scan3A_844 : i32
        %add3A_1061 = arith.constant 1 : i32
        %add3A_1062 = arith.addi %mul3A_1060, %add3A_1061 : i32
        %get3A_1063 = arith.constant 6 : i32
        %get3A_1064 = arith.index_cast %get3A_1063 : i32 to index
        %get3A_1065 = arith.index_cast %add3A_1062 : i32 to index
        %get3A_1066 = arith.constant 16 : index
        %get3A_1067 = tpu.vector_load %arg6[%get3A_1064, %get3A_1065, %get3A_1066] {strides = array<i32>} : memref<10x64x128xf32, #tpu.memory_space<vmem>>, vector<1x1x16xf32>,
        %get3A_1068 = vector.shape_cast %get3A_1067 : vector<1x1x16xf32> to vector<16xf32>
        %mul3A_1069 = arith.constant 11.3137083 : f32
        %mul3A_1070 = vector.broadcast %mul3A_1069 : f32 to vector<16xf32>
        %mul3A_1071 = arith.mulf %get3A_1068, %mul3A_1070 : vector<16xf32>
        %mul3A_1072 = arith.constant 2 : i32
        %mul3A_1073 = arith.muli %mul3A_1072, %scan3A_844 : i32
        %add3A_1074 = arith.constant 1 : i32
        %add3A_1075 = arith.addi %mul3A_1073, %add3A_1074 : i32
        %swap3A_1076 = arith.constant 6 : i32
        %swap3A_1077 = arith.index_cast %swap3A_1076 : i32 to index
        %swap3A_1078 = arith.index_cast %add3A_1075 : i32 to index
        %swap3A_1079 = arith.constant 16 : index
        %swap3A_1080 = tpu.vector_load %arg6[%swap3A_1077, %swap3A_1078, %swap3A_1079] {strides = array<i32>} : memref<10x64x128xf32, #tpu.memory_space<vmem>>, vector<1x1x16xf32>,
        %swap3A_1081 = vector.shape_cast %swap3A_1080 : vector<1x1x16xf32> to vector<16xf32>
        %swap3A_1082 = vector.shape_cast %mul3A_1071 : vector<16xf32> to vector<1x1x16xf32>
        tpu.vector_store %arg6[%swap3A_1077, %swap3A_1078, %swap3A_1079], %swap3A_1082 {strides = array<i32>} : memref<10x64x128xf32, #tpu.memory_space<vmem>>, vector<1x1x16xf32>,
        %mul3A_1083 = arith.constant 2 : i32
        %mul3A_1084 = arith.muli %mul3A_1083, %scan3A_844 : i32
        %add3A_1085 = arith.constant 1 : i32
        %add3A_1086 = arith.addi %mul3A_1084, %add3A_1085 : i32
        %get3A_1087 = arith.constant 6 : i32
        %get3A_1088 = arith.index_cast %get3A_1087 : i32 to index
        %get3A_1089 = arith.index_cast %add3A_1086 : i32 to index
        %get3A_1090 = arith.constant 32 : index
        %get3A_1091 = tpu.vector_load %arg6[%get3A_1088, %get3A_1089, %get3A_1090] {strides = array<i32>} : memref<10x64x128xf32, #tpu.memory_space<vmem>>, vector<1x1x16xf32>,
        %get3A_1092 = vector.shape_cast %get3A_1091 : vector<1x1x16xf32> to vector<16xf32>
        %mul3A_1093 = arith.constant 11.3137083 : f32
        %mul3A_1094 = vector.broadcast %mul3A_1093 : f32 to vector<16xf32>
        %mul3A_1095 = arith.mulf %get3A_1092, %mul3A_1094 : vector<16xf32>
        %mul3A_1096 = arith.constant 2 : i32
        %mul3A_1097 = arith.muli %mul3A_1096, %scan3A_844 : i32
        %add3A_1098 = arith.constant 1 : i32
        %add3A_1099 = arith.addi %mul3A_1097, %add3A_1098 : i32
        %swap3A_1100 = arith.constant 6 : i32
        %swap3A_1101 = arith.index_cast %swap3A_1100 : i32 to index
        %swap3A_1102 = arith.index_cast %add3A_1099 : i32 to index
        %swap3A_1103 = arith.constant 32 : index
        %swap3A_1104 = tpu.vector_load %arg6[%swap3A_1101, %swap3A_1102, %swap3A_1103] {strides = array<i32>} : memref<10x64x128xf32, #tpu.memory_space<vmem>>, vector<1x1x16xf32>,
        %swap3A_1105 = vector.shape_cast %swap3A_1104 : vector<1x1x16xf32> to vector<16xf32>
        %swap3A_1106 = vector.shape_cast %mul3A_1095 : vector<16xf32> to vector<1x1x16xf32>
        tpu.vector_store %arg6[%swap3A_1101, %swap3A_1102, %swap3A_1103], %swap3A_1106 {strides = array<i32>} : memref<10x64x128xf32, #tpu.memory_space<vmem>>, vector<1x1x16xf32>,
        %mul3A_1107 = arith.constant 2 : i32
        %mul3A_1108 = arith.muli %mul3A_1107, %scan3A_844 : i32
        %add3A_1109 = arith.constant 1 : i32
        %add3A_1110 = arith.addi %mul3A_1108, %add3A_1109 : i32
        %get3A_1111 = arith.constant 6 : i32
        %get3A_1112 = arith.index_cast %get3A_1111 : i32 to index
        %get3A_1113 = arith.index_cast %add3A_1110 : i32 to index
        %get3A_1114 = arith.constant 48 : index
        %get3A_1115 = tpu.vector_load %arg6[%get3A_1112, %get3A_1113, %get3A_1114] {strides = array<i32>} : memref<10x64x128xf32, #tpu.memory_space<vmem>>, vector<1x1x16xf32>,
        %get3A_1116 = vector.shape_cast %get3A_1115 : vector<1x1x16xf32> to vector<16xf32>
        %mul3A_1117 = arith.constant 11.3137083 : f32
        %mul3A_1118 = vector.broadcast %mul3A_1117 : f32 to vector<16xf32>
        %mul3A_1119 = arith.mulf %get3A_1116, %mul3A_1118 : vector<16xf32>
        %mul3A_1120 = arith.constant 2 : i32
        %mul3A_1121 = arith.muli %mul3A_1120, %scan3A_844 : i32
        %add3A_1122 = arith.constant 1 : i32
        %add3A_1123 = arith.addi %mul3A_1121, %add3A_1122 : i32
        %swap3A_1124 = arith.constant 6 : i32
        %swap3A_1125 = arith.index_cast %swap3A_1124 : i32 to index
        %swap3A_1126 = arith.index_cast %add3A_1123 : i32 to index
        %swap3A_1127 = arith.constant 48 : index
        %swap3A_1128 = tpu.vector_load %arg6[%swap3A_1125, %swap3A_1126, %swap3A_1127] {strides = array<i32>} : memref<10x64x128xf32, #tpu.memory_space<vmem>>, vector<1x1x16xf32>,
        %swap3A_1129 = vector.shape_cast %swap3A_1128 : vector<1x1x16xf32> to vector<16xf32>
        %swap3A_1130 = vector.shape_cast %mul3A_1119 : vector<16xf32> to vector<1x1x16xf32>
        tpu.vector_store %arg6[%swap3A_1125, %swap3A_1126, %swap3A_1127], %swap3A_1130 {strides = array<i32>} : memref<10x64x128xf32, #tpu.memory_space<vmem>>, vector<1x1x16xf32>,
        %mul3A_1131 = arith.constant 2 : i32
        %mul3A_1132 = arith.muli %mul3A_1131, %scan3A_844 : i32
        %add3A_1133 = arith.constant 1 : i32
        %add3A_1134 = arith.addi %mul3A_1132, %add3A_1133 : i32
        %get3A_1135 = arith.constant 6 : i32
        %get3A_1136 = arith.index_cast %get3A_1135 : i32 to index
        %get3A_1137 = arith.index_cast %add3A_1134 : i32 to index
        %get3A_1138 = arith.constant 64 : index
        %get3A_1139 = tpu.vector_load %arg6[%get3A_1136, %get3A_1137, %get3A_1138] {strides = array<i32>} : memref<10x64x128xf32, #tpu.memory_space<vmem>>, vector<1x1x16xf32>,
        %get3A_1140 = vector.shape_cast %get3A_1139 : vector<1x1x16xf32> to vector<16xf32>
        %mul3A_1141 = arith.constant 11.3137083 : f32
        %mul3A_1142 = vector.broadcast %mul3A_1141 : f32 to vector<16xf32>
        %mul3A_1143 = arith.mulf %get3A_1140, %mul3A_1142 : vector<16xf32>
        %mul3A_1144 = arith.constant 2 : i32
        %mul3A_1145 = arith.muli %mul3A_1144, %scan3A_844 : i32
        %add3A_1146 = arith.constant 1 : i32
        %add3A_1147 = arith.addi %mul3A_1145, %add3A_1146 : i32
        %swap3A_1148 = arith.constant 6 : i32
        %swap3A_1149 = arith.index_cast %swap3A_1148 : i32 to index
        %swap3A_1150 = arith.index_cast %add3A_1147 : i32 to index
        %swap3A_1151 = arith.constant 64 : index
        %swap3A_1152 = tpu.vector_load %arg6[%swap3A_1149, %swap3A_1150, %swap3A_1151] {strides = array<i32>} : memref<10x64x128xf32, #tpu.memory_space<vmem>>, vector<1x1x16xf32>,
        %swap3A_1153 = vector.shape_cast %swap3A_1152 : vector<1x1x16xf32> to vector<16xf32>
        %swap3A_1154 = vector.shape_cast %mul3A_1143 : vector<16xf32> to vector<1x1x16xf32>
        tpu.vector_store %arg6[%swap3A_1149, %swap3A_1150, %swap3A_1151], %swap3A_1154 {strides = array<i32>} : memref<10x64x128xf32, #tpu.memory_space<vmem>>, vector<1x1x16xf32>,
        %mul3A_1155 = arith.constant 2 : i32
        %mul3A_1156 = arith.muli %mul3A_1155, %scan3A_844 : i32
        %add3A_1157 = arith.constant 1 : i32
        %add3A_1158 = arith.addi %mul3A_1156, %add3A_1157 : i32
        %get3A_1159 = arith.constant 6 : i32
        %get3A_1160 = arith.index_cast %get3A_1159 : i32 to index
        %get3A_1161 = arith.index_cast %add3A_1158 : i32 to index
        %get3A_1162 = arith.constant 80 : index
        %get3A_1163 = tpu.vector_load %arg6[%get3A_1160, %get3A_1161, %get3A_1162] {strides = array<i32>} : memref<10x64x128xf32, #tpu.memory_space<vmem>>, vector<1x1x16xf32>,
        %get3A_1164 = vector.shape_cast %get3A_1163 : vector<1x1x16xf32> to vector<16xf32>
        %mul3A_1165 = arith.constant 11.3137083 : f32
        %mul3A_1166 = vector.broadcast %mul3A_1165 : f32 to vector<16xf32>
        %mul3A_1167 = arith.mulf %get3A_1164, %mul3A_1166 : vector<16xf32>
        %mul3A_1168 = arith.constant 2 : i32
        %mul3A_1169 = arith.muli %mul3A_1168, %scan3A_844 : i32
        %add3A_1170 = arith.constant 1 : i32
        %add3A_1171 = arith.addi %mul3A_1169, %add3A_1170 : i32
        %swap3A_1172 = arith.constant 6 : i32
        %swap3A_1173 = arith.index_cast %swap3A_1172 : i32 to index
        %swap3A_1174 = arith.index_cast %add3A_1171 : i32 to index
        %swap3A_1175 = arith.constant 80 : index
        %swap3A_1176 = tpu.vector_load %arg6[%swap3A_1173, %swap3A_1174, %swap3A_1175] {strides = array<i32>} : memref<10x64x128xf32, #tpu.memory_space<vmem>>, vector<1x1x16xf32>,
        %swap3A_1177 = vector.shape_cast %swap3A_1176 : vector<1x1x16xf32> to vector<16xf32>
        %swap3A_1178 = vector.shape_cast %mul3A_1167 : vector<16xf32> to vector<1x1x16xf32>
        tpu.vector_store %arg6[%swap3A_1173, %swap3A_1174, %swap3A_1175], %swap3A_1178 {strides = array<i32>} : memref<10x64x128xf32, #tpu.memory_space<vmem>>, vector<1x1x16xf32>,
        %mul3A_1179 = arith.constant 2 : i32
        %mul3A_1180 = arith.muli %mul3A_1179, %scan3A_844 : i32
        %add3A_1181 = arith.constant 1 : i32
        %add3A_1182 = arith.addi %mul3A_1180, %add3A_1181 : i32
        %get3A_1183 = arith.constant 6 : i32
        %get3A_1184 = arith.index_cast %get3A_1183 : i32 to index
        %get3A_1185 = arith.index_cast %add3A_1182 : i32 to index
        %get3A_1186 = arith.constant 96 : index
        %get3A_1187 = tpu.vector_load %arg6[%get3A_1184, %get3A_1185, %get3A_1186] {strides = array<i32>} : memref<10x64x128xf32, #tpu.memory_space<vmem>>, vector<1x1x16xf32>,
        %get3A_1188 = vector.shape_cast %get3A_1187 : vector<1x1x16xf32> to vector<16xf32>
        %mul3A_1189 = arith.constant 11.3137083 : f32
        %mul3A_1190 = vector.broadcast %mul3A_1189 : f32 to vector<16xf32>
        %mul3A_1191 = arith.mulf %get3A_1188, %mul3A_1190 : vector<16xf32>
        %mul3A_1192 = arith.constant 2 : i32
        %mul3A_1193 = arith.muli %mul3A_1192, %scan3A_844 : i32
        %add3A_1194 = arith.constant 1 : i32
        %add3A_1195 = arith.addi %mul3A_1193, %add3A_1194 : i32
        %swap3A_1196 = arith.constant 6 : i32
        %swap3A_1197 = arith.index_cast %swap3A_1196 : i32 to index
        %swap3A_1198 = arith.index_cast %add3A_1195 : i32 to index
        %swap3A_1199 = arith.constant 96 : index
        %swap3A_1200 = tpu.vector_load %arg6[%swap3A_1197, %swap3A_1198, %swap3A_1199] {strides = array<i32>} : memref<10x64x128xf32, #tpu.memory_space<vmem>>, vector<1x1x16xf32>,
        %swap3A_1201 = vector.shape_cast %swap3A_1200 : vector<1x1x16xf32> to vector<16xf32>
        %swap3A_1202 = vector.shape_cast %mul3A_1191 : vector<16xf32> to vector<1x1x16xf32>
        tpu.vector_store %arg6[%swap3A_1197, %swap3A_1198, %swap3A_1199], %swap3A_1202 {strides = array<i32>} : memref<10x64x128xf32, #tpu.memory_space<vmem>>, vector<1x1x16xf32>,
        %mul3A_1203 = arith.constant 2 : i32
        %mul3A_1204 = arith.muli %mul3A_1203, %scan3A_844 : i32
        %add3A_1205 = arith.constant 1 : i32
        %add3A_1206 = arith.addi %mul3A_1204, %add3A_1205 : i32
        %get3A_1207 = arith.constant 6 : i32
        %get3A_1208 = arith.index_cast %get3A_1207 : i32 to index
        %get3A_1209 = arith.index_cast %add3A_1206 : i32 to index
        %get3A_1210 = arith.constant 112 : index
        %get3A_1211 = tpu.vector_load %arg6[%get3A_1208, %get3A_1209, %get3A_1210] {strides = array<i32>} : memref<10x64x128xf32, #tpu.memory_space<vmem>>, vector<1x1x16xf32>,
        %get3A_1212 = vector.shape_cast %get3A_1211 : vector<1x1x16xf32> to vector<16xf32>
        %mul3A_1213 = arith.constant 11.3137083 : f32
        %mul3A_1214 = vector.broadcast %mul3A_1213 : f32 to vector<16xf32>
        %mul3A_1215 = arith.mulf %get3A_1212, %mul3A_1214 : vector<16xf32>
        %mul3A_1216 = arith.constant 2 : i32
        %mul3A_1217 = arith.muli %mul3A_1216, %scan3A_844 : i32
        %add3A_1218 = arith.constant 1 : i32
        %add3A_1219 = arith.addi %mul3A_1217, %add3A_1218 : i32
        %swap3A_1220 = arith.constant 6 : i32
        %swap3A_1221 = arith.index_cast %swap3A_1220 : i32 to index
        %swap3A_1222 = arith.index_cast %add3A_1219 : i32 to index
        %swap3A_1223 = arith.constant 112 : index
        %swap3A_1224 = tpu.vector_load %arg6[%swap3A_1221, %swap3A_1222, %swap3A_1223] {strides = array<i32>} : memref<10x64x128xf32, #tpu.memory_space<vmem>>, vector<1x1x16xf32>,
        %swap3A_1225 = vector.shape_cast %swap3A_1224 : vector<1x1x16xf32> to vector<16xf32>
        %swap3A_1226 = vector.shape_cast %mul3A_1215 : vector<16xf32> to vector<1x1x16xf32>
        tpu.vector_store %arg6[%swap3A_1221, %swap3A_1222, %swap3A_1223], %swap3A_1226 {strides = array<i32>} : memref<10x64x128xf32, #tpu.memory_space<vmem>>, vector<1x1x16xf32>,
      }
      %scan3A_695 = arith.constant 32 : i32
      %mul3A_696 = arith.constant 64 : i32
      %mul3A_697 = arith.muli %add3A_675, %mul3A_696 : i32
      %add3A_698 = arith.addi %mul3A_2, %mul3A_697 : i32
      %dma_start3A_699 = arith.constant 6 : i32
      %dma_start3A_700 = arith.constant 6 : i32
      %dma_start3A_701 = arith.constant 0 : i32
      %dma_start3A_702 = arith.constant 0 : i32
      %dma_start3A_703 = tpu.memref_slice %arg6[%dma_start3A_699, %dma_start3A_701, %dma_start3A_702] : memref<10x64x128xf32, #tpu.memory_space<vmem>> -> memref<1x64x128xf32, #tpu.memory_space<vmem>>
      %dma_start3A_704 = tpu.memref_squeeze %dma_start3A_703 : memref<1x64x128xf32, #tpu.memory_space<vmem>> -> memref<64x128xf32, #tpu.memory_space<vmem>>
      %dma_start3A_705 = arith.constant 0 : i32
      %dma_start3A_706 = tpu.memref_slice %arg4[%add3A_698, %dma_start3A_705] : memref<204800x128xf32, #tpu.memory_space<hbm>> -> memref<64x128xf32, #tpu.memory_space<hbm>>
      %dma_start3A_707 = tpu.memref_slice %arg8[%dma_start3A_700] : memref<10x!tpu.dma_semaphore, #tpu.memory_space<semaphore_mem>> -> memref<1x!tpu.dma_semaphore, #tpu.memory_space<semaphore_mem>>
      %dma_start3A_708 = tpu.memref_squeeze %dma_start3A_707 : memref<1x!tpu.dma_semaphore, #tpu.memory_space<semaphore_mem>> -> memref<!tpu.dma_semaphore, #tpu.memory_space<semaphore_mem>>
      %dma_start3A_709 = arith.constant 0 : i32
      %dma_start3A_710 = tpu.memref_slice %arg4[%add3A_698, %dma_start3A_709] : memref<204800x128xf32, #tpu.memory_space<hbm>> -> memref<64x128xf32, #tpu.memory_space<hbm>>
      %dma_start3A_711 = arith.constant 0 : i32
      %dma_start3A_712 = arith.constant 0 : i32
      %dma_start3A_713 = tpu.memref_slice %arg6[%dma_start3A_699, %dma_start3A_711, %dma_start3A_712] : memref<10x64x128xf32, #tpu.memory_space<vmem>> -> memref<1x64x128xf32, #tpu.memory_space<vmem>>
      %dma_start3A_714 = tpu.memref_squeeze %dma_start3A_713 : memref<1x64x128xf32, #tpu.memory_space<vmem>> -> memref<64x128xf32, #tpu.memory_space<vmem>>
      tpu.enqueue_dma source(%dma_start3A_714 : memref<64x128xf32, #tpu.memory_space<vmem>>) target(%dma_start3A_710 : memref<64x128xf32, #tpu.memory_space<hbm>>) target_semaphore(%dma_start3A_708 : memref<!tpu.dma_semaphore, #tpu.memory_space<semaphore_mem>>)
      %mul3A_715 = arith.constant 10 : i32
      %mul3A_716 = arith.muli %scan3A_187, %mul3A_715 : i32
      %add3A_717 = arith.constant 7 : i32
      %add3A_718 = arith.addi %mul3A_716, %add3A_717 : i32
      %dma_wait3A_719 = arith.constant 7 : i32
      %dma_wait3A_720 = arith.constant 7 : i32
      %dma_wait3A_721 = arith.constant 0 : i32
      %dma_wait3A_722 = arith.constant 0 : i32
      %dma_wait3A_723 = tpu.memref_slice %arg6[%dma_wait3A_719, %dma_wait3A_721, %dma_wait3A_722] : memref<10x64x128xf32, #tpu.memory_space<vmem>> -> memref<1x64x128xf32, #tpu.memory_space<vmem>>
      %dma_wait3A_724 = tpu.memref_squeeze %dma_wait3A_723 : memref<1x64x128xf32, #tpu.memory_space<vmem>> -> memref<64x128xf32, #tpu.memory_space<vmem>>
      %dma_wait3A_725 = arith.constant 0 : i32
      %dma_wait3A_726 = tpu.memref_slice %arg5[%add3A_718, %dma_wait3A_725] : memref<100x64xi32, #tpu.memory_space<vmem>> -> memref<1x64xi32, #tpu.memory_space<vmem>>
      %dma_wait3A_727 = tpu.memref_squeeze %dma_wait3A_726 : memref<1x64xi32, #tpu.memory_space<vmem>> -> memref<64xi32, #tpu.memory_space<vmem>>
      %dma_wait3A_728 = arith.constant 0 : i32
      %dma_wait3A_729 = arith.constant 0 : i32
      %dma_wait3A_730 = tpu.memref_slice %arg3[%dma_wait3A_728, %dma_wait3A_729] : memref<100000x128xf32, #tpu.memory_space<hbm>> -> memref<100000x128xf32, #tpu.memory_space<hbm>>
      %dma_wait3A_731 = tpu.memref_slice %arg7[%dma_wait3A_720] : memref<10x!tpu.dma_semaphore, #tpu.memory_space<semaphore_mem>> -> memref<1x!tpu.dma_semaphore, #tpu.memory_space<semaphore_mem>>
      %dma_wait3A_732 = tpu.memref_squeeze %dma_wait3A_731 : memref<1x!tpu.dma_semaphore, #tpu.memory_space<semaphore_mem>> -> memref<!tpu.dma_semaphore, #tpu.memory_space<semaphore_mem>>
      tpu.wait_indirect_dma semaphore(%dma_wait3A_732 : memref<!tpu.dma_semaphore, #tpu.memory_space<semaphore_mem>>) src(%dma_wait3A_730 : memref<100000x128xf32, #tpu.memory_space<hbm>>) dst(%dma_wait3A_724 : memref<64x128xf32, #tpu.memory_space<vmem>>)
      %scan3A_733 = arith.constant 0 : i32
      %scan3A_734 = arith.constant 0 : i32
      %scan3A_735 = arith.constant 32 : i32
      %scan3A_736 = arith.addi %scan3A_734, %scan3A_735 : i32
      %scan3A_737 = arith.constant 1 : i32
      scf.for %scan3A_844 = %scan3A_734 to %scan3A_736 step %scan3A_737  : i32 {
        %mul3A_845 = arith.constant 2 : i32
        %mul3A_846 = arith.muli %mul3A_845, %scan3A_844 : i32
        %add3A_847 = arith.constant 0 : i32
        %add3A_848 = arith.addi %mul3A_846, %add3A_847 : i32
        %get3A = arith.constant 7 : i32
        %get3A_849 = arith.index_cast %get3A : i32 to index
        %get3A_850 = arith.index_cast %add3A_848 : i32 to index
        %get3A_851 = arith.constant 0 : index
        %get3A_852 = tpu.vector_load %arg6[%get3A_849, %get3A_850, %get3A_851] {strides = array<i32>} : memref<10x64x128xf32, #tpu.memory_space<vmem>>, vector<1x1x16xf32>,
        %get3A_853 = vector.shape_cast %get3A_852 : vector<1x1x16xf32> to vector<16xf32>
        %mul3A_854 = arith.constant 11.3137083 : f32
        %mul3A_855 = vector.broadcast %mul3A_854 : f32 to vector<16xf32>
        %mul3A_856 = arith.mulf %get3A_853, %mul3A_855 : vector<16xf32>
        %mul3A_857 = arith.constant 2 : i32
        %mul3A_858 = arith.muli %mul3A_857, %scan3A_844 : i32
        %add3A_859 = arith.constant 0 : i32
        %add3A_860 = arith.addi %mul3A_858, %add3A_859 : i32
        %swap3A = arith.constant 7 : i32
        %swap3A_861 = arith.index_cast %swap3A : i32 to index
        %swap3A_862 = arith.index_cast %add3A_860 : i32 to index
        %swap3A_863 = arith.constant 0 : index
        %swap3A_864 = tpu.vector_load %arg6[%swap3A_861, %swap3A_862, %swap3A_863] {strides = array<i32>} : memref<10x64x128xf32, #tpu.memory_space<vmem>>, vector<1x1x16xf32>,
        %swap3A_865 = vector.shape_cast %swap3A_864 : vector<1x1x16xf32> to vector<16xf32>
        %swap3A_866 = vector.shape_cast %mul3A_856 : vector<16xf32> to vector<1x1x16xf32>
        tpu.vector_store %arg6[%swap3A_861, %swap3A_862, %swap3A_863], %swap3A_866 {strides = array<i32>} : memref<10x64x128xf32, #tpu.memory_space<vmem>>, vector<1x1x16xf32>,
        %mul3A_867 = arith.constant 2 : i32
        %mul3A_868 = arith.muli %mul3A_867, %scan3A_844 : i32
        %add3A_869 = arith.constant 0 : i32
        %add3A_870 = arith.addi %mul3A_868, %add3A_869 : i32
        %get3A_871 = arith.constant 7 : i32
        %get3A_872 = arith.index_cast %get3A_871 : i32 to index
        %get3A_873 = arith.index_cast %add3A_870 : i32 to index
        %get3A_874 = arith.constant 16 : index
        %get3A_875 = tpu.vector_load %arg6[%get3A_872, %get3A_873, %get3A_874] {strides = array<i32>} : memref<10x64x128xf32, #tpu.memory_space<vmem>>, vector<1x1x16xf32>,
        %get3A_876 = vector.shape_cast %get3A_875 : vector<1x1x16xf32> to vector<16xf32>
        %mul3A_877 = arith.constant 11.3137083 : f32
        %mul3A_878 = vector.broadcast %mul3A_877 : f32 to vector<16xf32>
        %mul3A_879 = arith.mulf %get3A_876, %mul3A_878 : vector<16xf32>
        %mul3A_880 = arith.constant 2 : i32
        %mul3A_881 = arith.muli %mul3A_880, %scan3A_844 : i32
        %add3A_882 = arith.constant 0 : i32
        %add3A_883 = arith.addi %mul3A_881, %add3A_882 : i32
        %swap3A_884 = arith.constant 7 : i32
        %swap3A_885 = arith.index_cast %swap3A_884 : i32 to index
        %swap3A_886 = arith.index_cast %add3A_883 : i32 to index
        %swap3A_887 = arith.constant 16 : index
        %swap3A_888 = tpu.vector_load %arg6[%swap3A_885, %swap3A_886, %swap3A_887] {strides = array<i32>} : memref<10x64x128xf32, #tpu.memory_space<vmem>>, vector<1x1x16xf32>,
        %swap3A_889 = vector.shape_cast %swap3A_888 : vector<1x1x16xf32> to vector<16xf32>
        %swap3A_890 = vector.shape_cast %mul3A_879 : vector<16xf32> to vector<1x1x16xf32>
        tpu.vector_store %arg6[%swap3A_885, %swap3A_886, %swap3A_887], %swap3A_890 {strides = array<i32>} : memref<10x64x128xf32, #tpu.memory_space<vmem>>, vector<1x1x16xf32>,
        %mul3A_891 = arith.constant 2 : i32
        %mul3A_892 = arith.muli %mul3A_891, %scan3A_844 : i32
        %add3A_893 = arith.constant 0 : i32
        %add3A_894 = arith.addi %mul3A_892, %add3A_893 : i32
        %get3A_895 = arith.constant 7 : i32
        %get3A_896 = arith.index_cast %get3A_895 : i32 to index
        %get3A_897 = arith.index_cast %add3A_894 : i32 to index
        %get3A_898 = arith.constant 32 : index
        %get3A_899 = tpu.vector_load %arg6[%get3A_896, %get3A_897, %get3A_898] {strides = array<i32>} : memref<10x64x128xf32, #tpu.memory_space<vmem>>, vector<1x1x16xf32>,
        %get3A_900 = vector.shape_cast %get3A_899 : vector<1x1x16xf32> to vector<16xf32>
        %mul3A_901 = arith.constant 11.3137083 : f32
        %mul3A_902 = vector.broadcast %mul3A_901 : f32 to vector<16xf32>
        %mul3A_903 = arith.mulf %get3A_900, %mul3A_902 : vector<16xf32>
        %mul3A_904 = arith.constant 2 : i32
        %mul3A_905 = arith.muli %mul3A_904, %scan3A_844 : i32
        %add3A_906 = arith.constant 0 : i32
        %add3A_907 = arith.addi %mul3A_905, %add3A_906 : i32
        %swap3A_908 = arith.constant 7 : i32
        %swap3A_909 = arith.index_cast %swap3A_908 : i32 to index
        %swap3A_910 = arith.index_cast %add3A_907 : i32 to index
        %swap3A_911 = arith.constant 32 : index
        %swap3A_912 = tpu.vector_load %arg6[%swap3A_909, %swap3A_910, %swap3A_911] {strides = array<i32>} : memref<10x64x128xf32, #tpu.memory_space<vmem>>, vector<1x1x16xf32>,
        %swap3A_913 = vector.shape_cast %swap3A_912 : vector<1x1x16xf32> to vector<16xf32>
        %swap3A_914 = vector.shape_cast %mul3A_903 : vector<16xf32> to vector<1x1x16xf32>
        tpu.vector_store %arg6[%swap3A_909, %swap3A_910, %swap3A_911], %swap3A_914 {strides = array<i32>} : memref<10x64x128xf32, #tpu.memory_space<vmem>>, vector<1x1x16xf32>,
        %mul3A_915 = arith.constant 2 : i32
        %mul3A_916 = arith.muli %mul3A_915, %scan3A_844 : i32
        %add3A_917 = arith.constant 0 : i32
        %add3A_918 = arith.addi %mul3A_916, %add3A_917 : i32
        %get3A_919 = arith.constant 7 : i32
        %get3A_920 = arith.index_cast %get3A_919 : i32 to index
        %get3A_921 = arith.index_cast %add3A_918 : i32 to index
        %get3A_922 = arith.constant 48 : index
        %get3A_923 = tpu.vector_load %arg6[%get3A_920, %get3A_921, %get3A_922] {strides = array<i32>} : memref<10x64x128xf32, #tpu.memory_space<vmem>>, vector<1x1x16xf32>,
        %get3A_924 = vector.shape_cast %get3A_923 : vector<1x1x16xf32> to vector<16xf32>
        %mul3A_925 = arith.constant 11.3137083 : f32
        %mul3A_926 = vector.broadcast %mul3A_925 : f32 to vector<16xf32>
        %mul3A_927 = arith.mulf %get3A_924, %mul3A_926 : vector<16xf32>
        %mul3A_928 = arith.constant 2 : i32
        %mul3A_929 = arith.muli %mul3A_928, %scan3A_844 : i32
        %add3A_930 = arith.constant 0 : i32
        %add3A_931 = arith.addi %mul3A_929, %add3A_930 : i32
        %swap3A_932 = arith.constant 7 : i32
        %swap3A_933 = arith.index_cast %swap3A_932 : i32 to index
        %swap3A_934 = arith.index_cast %add3A_931 : i32 to index
        %swap3A_935 = arith.constant 48 : index
        %swap3A_936 = tpu.vector_load %arg6[%swap3A_933, %swap3A_934, %swap3A_935] {strides = array<i32>} : memref<10x64x128xf32, #tpu.memory_space<vmem>>, vector<1x1x16xf32>,
        %swap3A_937 = vector.shape_cast %swap3A_936 : vector<1x1x16xf32> to vector<16xf32>
        %swap3A_938 = vector.shape_cast %mul3A_927 : vector<16xf32> to vector<1x1x16xf32>
        tpu.vector_store %arg6[%swap3A_933, %swap3A_934, %swap3A_935], %swap3A_938 {strides = array<i32>} : memref<10x64x128xf32, #tpu.memory_space<vmem>>, vector<1x1x16xf32>,
        %mul3A_939 = arith.constant 2 : i32
        %mul3A_940 = arith.muli %mul3A_939, %scan3A_844 : i32
        %add3A_941 = arith.constant 0 : i32
        %add3A_942 = arith.addi %mul3A_940, %add3A_941 : i32
        %get3A_943 = arith.constant 7 : i32
        %get3A_944 = arith.index_cast %get3A_943 : i32 to index
        %get3A_945 = arith.index_cast %add3A_942 : i32 to index
        %get3A_946 = arith.constant 64 : index
        %get3A_947 = tpu.vector_load %arg6[%get3A_944, %get3A_945, %get3A_946] {strides = array<i32>} : memref<10x64x128xf32, #tpu.memory_space<vmem>>, vector<1x1x16xf32>,
        %get3A_948 = vector.shape_cast %get3A_947 : vector<1x1x16xf32> to vector<16xf32>
        %mul3A_949 = arith.constant 11.3137083 : f32
        %mul3A_950 = vector.broadcast %mul3A_949 : f32 to vector<16xf32>
        %mul3A_951 = arith.mulf %get3A_948, %mul3A_950 : vector<16xf32>
        %mul3A_952 = arith.constant 2 : i32
        %mul3A_953 = arith.muli %mul3A_952, %scan3A_844 : i32
        %add3A_954 = arith.constant 0 : i32
        %add3A_955 = arith.addi %mul3A_953, %add3A_954 : i32
        %swap3A_956 = arith.constant 7 : i32
        %swap3A_957 = arith.index_cast %swap3A_956 : i32 to index
        %swap3A_958 = arith.index_cast %add3A_955 : i32 to index
        %swap3A_959 = arith.constant 64 : index
        %swap3A_960 = tpu.vector_load %arg6[%swap3A_957, %swap3A_958, %swap3A_959] {strides = array<i32>} : memref<10x64x128xf32, #tpu.memory_space<vmem>>, vector<1x1x16xf32>,
        %swap3A_961 = vector.shape_cast %swap3A_960 : vector<1x1x16xf32> to vector<16xf32>
        %swap3A_962 = vector.shape_cast %mul3A_951 : vector<16xf32> to vector<1x1x16xf32>
        tpu.vector_store %arg6[%swap3A_957, %swap3A_958, %swap3A_959], %swap3A_962 {strides = array<i32>} : memref<10x64x128xf32, #tpu.memory_space<vmem>>, vector<1x1x16xf32>,
        %mul3A_963 = arith.constant 2 : i32
        %mul3A_964 = arith.muli %mul3A_963, %scan3A_844 : i32
        %add3A_965 = arith.constant 0 : i32
        %add3A_966 = arith.addi %mul3A_964, %add3A_965 : i32
        %get3A_967 = arith.constant 7 : i32
        %get3A_968 = arith.index_cast %get3A_967 : i32 to index
        %get3A_969 = arith.index_cast %add3A_966 : i32 to index
        %get3A_970 = arith.constant 80 : index
        %get3A_971 = tpu.vector_load %arg6[%get3A_968, %get3A_969, %get3A_970] {strides = array<i32>} : memref<10x64x128xf32, #tpu.memory_space<vmem>>, vector<1x1x16xf32>,
        %get3A_972 = vector.shape_cast %get3A_971 : vector<1x1x16xf32> to vector<16xf32>
        %mul3A_973 = arith.constant 11.3137083 : f32
        %mul3A_974 = vector.broadcast %mul3A_973 : f32 to vector<16xf32>
        %mul3A_975 = arith.mulf %get3A_972, %mul3A_974 : vector<16xf32>
        %mul3A_976 = arith.constant 2 : i32
        %mul3A_977 = arith.muli %mul3A_976, %scan3A_844 : i32
        %add3A_978 = arith.constant 0 : i32
        %add3A_979 = arith.addi %mul3A_977, %add3A_978 : i32
        %swap3A_980 = arith.constant 7 : i32
        %swap3A_981 = arith.index_cast %swap3A_980 : i32 to index
        %swap3A_982 = arith.index_cast %add3A_979 : i32 to index
        %swap3A_983 = arith.constant 80 : index
        %swap3A_984 = tpu.vector_load %arg6[%swap3A_981, %swap3A_982, %swap3A_983] {strides = array<i32>} : memref<10x64x128xf32, #tpu.memory_space<vmem>>, vector<1x1x16xf32>,
        %swap3A_985 = vector.shape_cast %swap3A_984 : vector<1x1x16xf32> to vector<16xf32>
        %swap3A_986 = vector.shape_cast %mul3A_975 : vector<16xf32> to vector<1x1x16xf32>
        tpu.vector_store %arg6[%swap3A_981, %swap3A_982, %swap3A_983], %swap3A_986 {strides = array<i32>} : memref<10x64x128xf32, #tpu.memory_space<vmem>>, vector<1x1x16xf32>,
        %mul3A_987 = arith.constant 2 : i32
        %mul3A_988 = arith.muli %mul3A_987, %scan3A_844 : i32
        %add3A_989 = arith.constant 0 : i32
        %add3A_990 = arith.addi %mul3A_988, %add3A_989 : i32
        %get3A_991 = arith.constant 7 : i32
        %get3A_992 = arith.index_cast %get3A_991 : i32 to index
        %get3A_993 = arith.index_cast %add3A_990 : i32 to index
        %get3A_994 = arith.constant 96 : index
        %get3A_995 = tpu.vector_load %arg6[%get3A_992, %get3A_993, %get3A_994] {strides = array<i32>} : memref<10x64x128xf32, #tpu.memory_space<vmem>>, vector<1x1x16xf32>,
        %get3A_996 = vector.shape_cast %get3A_995 : vector<1x1x16xf32> to vector<16xf32>
        %mul3A_997 = arith.constant 11.3137083 : f32
        %mul3A_998 = vector.broadcast %mul3A_997 : f32 to vector<16xf32>
        %mul3A_999 = arith.mulf %get3A_996, %mul3A_998 : vector<16xf32>
        %mul3A_1000 = arith.constant 2 : i32
        %mul3A_1001 = arith.muli %mul3A_1000, %scan3A_844 : i32
        %add3A_1002 = arith.constant 0 : i32
        %add3A_1003 = arith.addi %mul3A_1001, %add3A_1002 : i32
        %swap3A_1004 = arith.constant 7 : i32
        %swap3A_1005 = arith.index_cast %swap3A_1004 : i32 to index
        %swap3A_1006 = arith.index_cast %add3A_1003 : i32 to index
        %swap3A_1007 = arith.constant 96 : index
        %swap3A_1008 = tpu.vector_load %arg6[%swap3A_1005, %swap3A_1006, %swap3A_1007] {strides = array<i32>} : memref<10x64x128xf32, #tpu.memory_space<vmem>>, vector<1x1x16xf32>,
        %swap3A_1009 = vector.shape_cast %swap3A_1008 : vector<1x1x16xf32> to vector<16xf32>
        %swap3A_1010 = vector.shape_cast %mul3A_999 : vector<16xf32> to vector<1x1x16xf32>
        tpu.vector_store %arg6[%swap3A_1005, %swap3A_1006, %swap3A_1007], %swap3A_1010 {strides = array<i32>} : memref<10x64x128xf32, #tpu.memory_space<vmem>>, vector<1x1x16xf32>,
        %mul3A_1011 = arith.constant 2 : i32
        %mul3A_1012 = arith.muli %mul3A_1011, %scan3A_844 : i32
        %add3A_1013 = arith.constant 0 : i32
        %add3A_1014 = arith.addi %mul3A_1012, %add3A_1013 : i32
        %get3A_1015 = arith.constant 7 : i32
        %get3A_1016 = arith.index_cast %get3A_1015 : i32 to index
        %get3A_1017 = arith.index_cast %add3A_1014 : i32 to index
        %get3A_1018 = arith.constant 112 : index
        %get3A_1019 = tpu.vector_load %arg6[%get3A_1016, %get3A_1017, %get3A_1018] {strides = array<i32>} : memref<10x64x128xf32, #tpu.memory_space<vmem>>, vector<1x1x16xf32>,
        %get3A_1020 = vector.shape_cast %get3A_1019 : vector<1x1x16xf32> to vector<16xf32>
        %mul3A_1021 = arith.constant 11.3137083 : f32
        %mul3A_1022 = vector.broadcast %mul3A_1021 : f32 to vector<16xf32>
        %mul3A_1023 = arith.mulf %get3A_1020, %mul3A_1022 : vector<16xf32>
        %mul3A_1024 = arith.constant 2 : i32
        %mul3A_1025 = arith.muli %mul3A_1024, %scan3A_844 : i32
        %add3A_1026 = arith.constant 0 : i32
        %add3A_1027 = arith.addi %mul3A_1025, %add3A_1026 : i32
        %swap3A_1028 = arith.constant 7 : i32
        %swap3A_1029 = arith.index_cast %swap3A_1028 : i32 to index
        %swap3A_1030 = arith.index_cast %add3A_1027 : i32 to index
        %swap3A_1031 = arith.constant 112 : index
        %swap3A_1032 = tpu.vector_load %arg6[%swap3A_1029, %swap3A_1030, %swap3A_1031] {strides = array<i32>} : memref<10x64x128xf32, #tpu.memory_space<vmem>>, vector<1x1x16xf32>,
        %swap3A_1033 = vector.shape_cast %swap3A_1032 : vector<1x1x16xf32> to vector<16xf32>
        %swap3A_1034 = vector.shape_cast %mul3A_1023 : vector<16xf32> to vector<1x1x16xf32>
        tpu.vector_store %arg6[%swap3A_1029, %swap3A_1030, %swap3A_1031], %swap3A_1034 {strides = array<i32>} : memref<10x64x128xf32, #tpu.memory_space<vmem>>, vector<1x1x16xf32>,
        %mul3A_1035 = arith.constant 2 : i32
        %mul3A_1036 = arith.muli %mul3A_1035, %scan3A_844 : i32
        %add3A_1037 = arith.constant 1 : i32
        %add3A_1038 = arith.addi %mul3A_1036, %add3A_1037 : i32
        %get3A_1039 = arith.constant 7 : i32
        %get3A_1040 = arith.index_cast %get3A_1039 : i32 to index
        %get3A_1041 = arith.index_cast %add3A_1038 : i32 to index
        %get3A_1042 = arith.constant 0 : index
        %get3A_1043 = tpu.vector_load %arg6[%get3A_1040, %get3A_1041, %get3A_1042] {strides = array<i32>} : memref<10x64x128xf32, #tpu.memory_space<vmem>>, vector<1x1x16xf32>,
        %get3A_1044 = vector.shape_cast %get3A_1043 : vector<1x1x16xf32> to vector<16xf32>
        %mul3A_1045 = arith.constant 11.3137083 : f32
        %mul3A_1046 = vector.broadcast %mul3A_1045 : f32 to vector<16xf32>
        %mul3A_1047 = arith.mulf %get3A_1044, %mul3A_1046 : vector<16xf32>
        %mul3A_1048 = arith.constant 2 : i32
        %mul3A_1049 = arith.muli %mul3A_1048, %scan3A_844 : i32
        %add3A_1050 = arith.constant 1 : i32
        %add3A_1051 = arith.addi %mul3A_1049, %add3A_1050 : i32
        %swap3A_1052 = arith.constant 7 : i32
        %swap3A_1053 = arith.index_cast %swap3A_1052 : i32 to index
        %swap3A_1054 = arith.index_cast %add3A_1051 : i32 to index
        %swap3A_1055 = arith.constant 0 : index
        %swap3A_1056 = tpu.vector_load %arg6[%swap3A_1053, %swap3A_1054, %swap3A_1055] {strides = array<i32>} : memref<10x64x128xf32, #tpu.memory_space<vmem>>, vector<1x1x16xf32>,
        %swap3A_1057 = vector.shape_cast %swap3A_1056 : vector<1x1x16xf32> to vector<16xf32>
        %swap3A_1058 = vector.shape_cast %mul3A_1047 : vector<16xf32> to vector<1x1x16xf32>
        tpu.vector_store %arg6[%swap3A_1053, %swap3A_1054, %swap3A_1055], %swap3A_1058 {strides = array<i32>} : memref<10x64x128xf32, #tpu.memory_space<vmem>>, vector<1x1x16xf32>,
        %mul3A_1059 = arith.constant 2 : i32
        %mul3A_1060 = arith.muli %mul3A_1059, %scan3A_844 : i32
        %add3A_1061 = arith.constant 1 : i32
        %add3A_1062 = arith.addi %mul3A_1060, %add3A_1061 : i32
        %get3A_1063 = arith.constant 7 : i32
        %get3A_1064 = arith.index_cast %get3A_1063 : i32 to index
        %get3A_1065 = arith.index_cast %add3A_1062 : i32 to index
        %get3A_1066 = arith.constant 16 : index
        %get3A_1067 = tpu.vector_load %arg6[%get3A_1064, %get3A_1065, %get3A_1066] {strides = array<i32>} : memref<10x64x128xf32, #tpu.memory_space<vmem>>, vector<1x1x16xf32>,
        %get3A_1068 = vector.shape_cast %get3A_1067 : vector<1x1x16xf32> to vector<16xf32>
        %mul3A_1069 = arith.constant 11.3137083 : f32
        %mul3A_1070 = vector.broadcast %mul3A_1069 : f32 to vector<16xf32>
        %mul3A_1071 = arith.mulf %get3A_1068, %mul3A_1070 : vector<16xf32>
        %mul3A_1072 = arith.constant 2 : i32
        %mul3A_1073 = arith.muli %mul3A_1072, %scan3A_844 : i32
        %add3A_1074 = arith.constant 1 : i32
        %add3A_1075 = arith.addi %mul3A_1073, %add3A_1074 : i32
        %swap3A_1076 = arith.constant 7 : i32
        %swap3A_1077 = arith.index_cast %swap3A_1076 : i32 to index
        %swap3A_1078 = arith.index_cast %add3A_1075 : i32 to index
        %swap3A_1079 = arith.constant 16 : index
        %swap3A_1080 = tpu.vector_load %arg6[%swap3A_1077, %swap3A_1078, %swap3A_1079] {strides = array<i32>} : memref<10x64x128xf32, #tpu.memory_space<vmem>>, vector<1x1x16xf32>,
        %swap3A_1081 = vector.shape_cast %swap3A_1080 : vector<1x1x16xf32> to vector<16xf32>
        %swap3A_1082 = vector.shape_cast %mul3A_1071 : vector<16xf32> to vector<1x1x16xf32>
        tpu.vector_store %arg6[%swap3A_1077, %swap3A_1078, %swap3A_1079], %swap3A_1082 {strides = array<i32>} : memref<10x64x128xf32, #tpu.memory_space<vmem>>, vector<1x1x16xf32>,
        %mul3A_1083 = arith.constant 2 : i32
        %mul3A_1084 = arith.muli %mul3A_1083, %scan3A_844 : i32
        %add3A_1085 = arith.constant 1 : i32
        %add3A_1086 = arith.addi %mul3A_1084, %add3A_1085 : i32
        %get3A_1087 = arith.constant 7 : i32
        %get3A_1088 = arith.index_cast %get3A_1087 : i32 to index
        %get3A_1089 = arith.index_cast %add3A_1086 : i32 to index
        %get3A_1090 = arith.constant 32 : index
        %get3A_1091 = tpu.vector_load %arg6[%get3A_1088, %get3A_1089, %get3A_1090] {strides = array<i32>} : memref<10x64x128xf32, #tpu.memory_space<vmem>>, vector<1x1x16xf32>,
        %get3A_1092 = vector.shape_cast %get3A_1091 : vector<1x1x16xf32> to vector<16xf32>
        %mul3A_1093 = arith.constant 11.3137083 : f32
        %mul3A_1094 = vector.broadcast %mul3A_1093 : f32 to vector<16xf32>
        %mul3A_1095 = arith.mulf %get3A_1092, %mul3A_1094 : vector<16xf32>
        %mul3A_1096 = arith.constant 2 : i32
        %mul3A_1097 = arith.muli %mul3A_1096, %scan3A_844 : i32
        %add3A_1098 = arith.constant 1 : i32
        %add3A_1099 = arith.addi %mul3A_1097, %add3A_1098 : i32
        %swap3A_1100 = arith.constant 7 : i32
        %swap3A_1101 = arith.index_cast %swap3A_1100 : i32 to index
        %swap3A_1102 = arith.index_cast %add3A_1099 : i32 to index
        %swap3A_1103 = arith.constant 32 : index
        %swap3A_1104 = tpu.vector_load %arg6[%swap3A_1101, %swap3A_1102, %swap3A_1103] {strides = array<i32>} : memref<10x64x128xf32, #tpu.memory_space<vmem>>, vector<1x1x16xf32>,
        %swap3A_1105 = vector.shape_cast %swap3A_1104 : vector<1x1x16xf32> to vector<16xf32>
        %swap3A_1106 = vector.shape_cast %mul3A_1095 : vector<16xf32> to vector<1x1x16xf32>
        tpu.vector_store %arg6[%swap3A_1101, %swap3A_1102, %swap3A_1103], %swap3A_1106 {strides = array<i32>} : memref<10x64x128xf32, #tpu.memory_space<vmem>>, vector<1x1x16xf32>,
        %mul3A_1107 = arith.constant 2 : i32
        %mul3A_1108 = arith.muli %mul3A_1107, %scan3A_844 : i32
        %add3A_1109 = arith.constant 1 : i32
        %add3A_1110 = arith.addi %mul3A_1108, %add3A_1109 : i32
        %get3A_1111 = arith.constant 7 : i32
        %get3A_1112 = arith.index_cast %get3A_1111 : i32 to index
        %get3A_1113 = arith.index_cast %add3A_1110 : i32 to index
        %get3A_1114 = arith.constant 48 : index
        %get3A_1115 = tpu.vector_load %arg6[%get3A_1112, %get3A_1113, %get3A_1114] {strides = array<i32>} : memref<10x64x128xf32, #tpu.memory_space<vmem>>, vector<1x1x16xf32>,
        %get3A_1116 = vector.shape_cast %get3A_1115 : vector<1x1x16xf32> to vector<16xf32>
        %mul3A_1117 = arith.constant 11.3137083 : f32
        %mul3A_1118 = vector.broadcast %mul3A_1117 : f32 to vector<16xf32>
        %mul3A_1119 = arith.mulf %get3A_1116, %mul3A_1118 : vector<16xf32>
        %mul3A_1120 = arith.constant 2 : i32
        %mul3A_1121 = arith.muli %mul3A_1120, %scan3A_844 : i32
        %add3A_1122 = arith.constant 1 : i32
        %add3A_1123 = arith.addi %mul3A_1121, %add3A_1122 : i32
        %swap3A_1124 = arith.constant 7 : i32
        %swap3A_1125 = arith.index_cast %swap3A_1124 : i32 to index
        %swap3A_1126 = arith.index_cast %add3A_1123 : i32 to index
        %swap3A_1127 = arith.constant 48 : index
        %swap3A_1128 = tpu.vector_load %arg6[%swap3A_1125, %swap3A_1126, %swap3A_1127] {strides = array<i32>} : memref<10x64x128xf32, #tpu.memory_space<vmem>>, vector<1x1x16xf32>,
        %swap3A_1129 = vector.shape_cast %swap3A_1128 : vector<1x1x16xf32> to vector<16xf32>
        %swap3A_1130 = vector.shape_cast %mul3A_1119 : vector<16xf32> to vector<1x1x16xf32>
        tpu.vector_store %arg6[%swap3A_1125, %swap3A_1126, %swap3A_1127], %swap3A_1130 {strides = array<i32>} : memref<10x64x128xf32, #tpu.memory_space<vmem>>, vector<1x1x16xf32>,
        %mul3A_1131 = arith.constant 2 : i32
        %mul3A_1132 = arith.muli %mul3A_1131, %scan3A_844 : i32
        %add3A_1133 = arith.constant 1 : i32
        %add3A_1134 = arith.addi %mul3A_1132, %add3A_1133 : i32
        %get3A_1135 = arith.constant 7 : i32
        %get3A_1136 = arith.index_cast %get3A_1135 : i32 to index
        %get3A_1137 = arith.index_cast %add3A_1134 : i32 to index
        %get3A_1138 = arith.constant 64 : index
        %get3A_1139 = tpu.vector_load %arg6[%get3A_1136, %get3A_1137, %get3A_1138] {strides = array<i32>} : memref<10x64x128xf32, #tpu.memory_space<vmem>>, vector<1x1x16xf32>,
        %get3A_1140 = vector.shape_cast %get3A_1139 : vector<1x1x16xf32> to vector<16xf32>
        %mul3A_1141 = arith.constant 11.3137083 : f32
        %mul3A_1142 = vector.broadcast %mul3A_1141 : f32 to vector<16xf32>
        %mul3A_1143 = arith.mulf %get3A_1140, %mul3A_1142 : vector<16xf32>
        %mul3A_1144 = arith.constant 2 : i32
        %mul3A_1145 = arith.muli %mul3A_1144, %scan3A_844 : i32
        %add3A_1146 = arith.constant 1 : i32
        %add3A_1147 = arith.addi %mul3A_1145, %add3A_1146 : i32
        %swap3A_1148 = arith.constant 7 : i32
        %swap3A_1149 = arith.index_cast %swap3A_1148 : i32 to index
        %swap3A_1150 = arith.index_cast %add3A_1147 : i32 to index
        %swap3A_1151 = arith.constant 64 : index
        %swap3A_1152 = tpu.vector_load %arg6[%swap3A_1149, %swap3A_1150, %swap3A_1151] {strides = array<i32>} : memref<10x64x128xf32, #tpu.memory_space<vmem>>, vector<1x1x16xf32>,
        %swap3A_1153 = vector.shape_cast %swap3A_1152 : vector<1x1x16xf32> to vector<16xf32>
        %swap3A_1154 = vector.shape_cast %mul3A_1143 : vector<16xf32> to vector<1x1x16xf32>
        tpu.vector_store %arg6[%swap3A_1149, %swap3A_1150, %swap3A_1151], %swap3A_1154 {strides = array<i32>} : memref<10x64x128xf32, #tpu.memory_space<vmem>>, vector<1x1x16xf32>,
        %mul3A_1155 = arith.constant 2 : i32
        %mul3A_1156 = arith.muli %mul3A_1155, %scan3A_844 : i32
        %add3A_1157 = arith.constant 1 : i32
        %add3A_1158 = arith.addi %mul3A_1156, %add3A_1157 : i32
        %get3A_1159 = arith.constant 7 : i32
        %get3A_1160 = arith.index_cast %get3A_1159 : i32 to index
        %get3A_1161 = arith.index_cast %add3A_1158 : i32 to index
        %get3A_1162 = arith.constant 80 : index
        %get3A_1163 = tpu.vector_load %arg6[%get3A_1160, %get3A_1161, %get3A_1162] {strides = array<i32>} : memref<10x64x128xf32, #tpu.memory_space<vmem>>, vector<1x1x16xf32>,
        %get3A_1164 = vector.shape_cast %get3A_1163 : vector<1x1x16xf32> to vector<16xf32>
        %mul3A_1165 = arith.constant 11.3137083 : f32
        %mul3A_1166 = vector.broadcast %mul3A_1165 : f32 to vector<16xf32>
        %mul3A_1167 = arith.mulf %get3A_1164, %mul3A_1166 : vector<16xf32>
        %mul3A_1168 = arith.constant 2 : i32
        %mul3A_1169 = arith.muli %mul3A_1168, %scan3A_844 : i32
        %add3A_1170 = arith.constant 1 : i32
        %add3A_1171 = arith.addi %mul3A_1169, %add3A_1170 : i32
        %swap3A_1172 = arith.constant 7 : i32
        %swap3A_1173 = arith.index_cast %swap3A_1172 : i32 to index
        %swap3A_1174 = arith.index_cast %add3A_1171 : i32 to index
        %swap3A_1175 = arith.constant 80 : index
        %swap3A_1176 = tpu.vector_load %arg6[%swap3A_1173, %swap3A_1174, %swap3A_1175] {strides = array<i32>} : memref<10x64x128xf32, #tpu.memory_space<vmem>>, vector<1x1x16xf32>,
        %swap3A_1177 = vector.shape_cast %swap3A_1176 : vector<1x1x16xf32> to vector<16xf32>
        %swap3A_1178 = vector.shape_cast %mul3A_1167 : vector<16xf32> to vector<1x1x16xf32>
        tpu.vector_store %arg6[%swap3A_1173, %swap3A_1174, %swap3A_1175], %swap3A_1178 {strides = array<i32>} : memref<10x64x128xf32, #tpu.memory_space<vmem>>, vector<1x1x16xf32>,
        %mul3A_1179 = arith.constant 2 : i32
        %mul3A_1180 = arith.muli %mul3A_1179, %scan3A_844 : i32
        %add3A_1181 = arith.constant 1 : i32
        %add3A_1182 = arith.addi %mul3A_1180, %add3A_1181 : i32
        %get3A_1183 = arith.constant 7 : i32
        %get3A_1184 = arith.index_cast %get3A_1183 : i32 to index
        %get3A_1185 = arith.index_cast %add3A_1182 : i32 to index
        %get3A_1186 = arith.constant 96 : index
        %get3A_1187 = tpu.vector_load %arg6[%get3A_1184, %get3A_1185, %get3A_1186] {strides = array<i32>} : memref<10x64x128xf32, #tpu.memory_space<vmem>>, vector<1x1x16xf32>,
        %get3A_1188 = vector.shape_cast %get3A_1187 : vector<1x1x16xf32> to vector<16xf32>
        %mul3A_1189 = arith.constant 11.3137083 : f32
        %mul3A_1190 = vector.broadcast %mul3A_1189 : f32 to vector<16xf32>
        %mul3A_1191 = arith.mulf %get3A_1188, %mul3A_1190 : vector<16xf32>
        %mul3A_1192 = arith.constant 2 : i32
        %mul3A_1193 = arith.muli %mul3A_1192, %scan3A_844 : i32
        %add3A_1194 = arith.constant 1 : i32
        %add3A_1195 = arith.addi %mul3A_1193, %add3A_1194 : i32
        %swap3A_1196 = arith.constant 7 : i32
        %swap3A_1197 = arith.index_cast %swap3A_1196 : i32 to index
        %swap3A_1198 = arith.index_cast %add3A_1195 : i32 to index
        %swap3A_1199 = arith.constant 96 : index
        %swap3A_1200 = tpu.vector_load %arg6[%swap3A_1197, %swap3A_1198, %swap3A_1199] {strides = array<i32>} : memref<10x64x128xf32, #tpu.memory_space<vmem>>, vector<1x1x16xf32>,
        %swap3A_1201 = vector.shape_cast %swap3A_1200 : vector<1x1x16xf32> to vector<16xf32>
        %swap3A_1202 = vector.shape_cast %mul3A_1191 : vector<16xf32> to vector<1x1x16xf32>
        tpu.vector_store %arg6[%swap3A_1197, %swap3A_1198, %swap3A_1199], %swap3A_1202 {strides = array<i32>} : memref<10x64x128xf32, #tpu.memory_space<vmem>>, vector<1x1x16xf32>,
        %mul3A_1203 = arith.constant 2 : i32
        %mul3A_1204 = arith.muli %mul3A_1203, %scan3A_844 : i32
        %add3A_1205 = arith.constant 1 : i32
        %add3A_1206 = arith.addi %mul3A_1204, %add3A_1205 : i32
        %get3A_1207 = arith.constant 7 : i32
        %get3A_1208 = arith.index_cast %get3A_1207 : i32 to index
        %get3A_1209 = arith.index_cast %add3A_1206 : i32 to index
        %get3A_1210 = arith.constant 112 : index
        %get3A_1211 = tpu.vector_load %arg6[%get3A_1208, %get3A_1209, %get3A_1210] {strides = array<i32>} : memref<10x64x128xf32, #tpu.memory_space<vmem>>, vector<1x1x16xf32>,
        %get3A_1212 = vector.shape_cast %get3A_1211 : vector<1x1x16xf32> to vector<16xf32>
        %mul3A_1213 = arith.constant 11.3137083 : f32
        %mul3A_1214 = vector.broadcast %mul3A_1213 : f32 to vector<16xf32>
        %mul3A_1215 = arith.mulf %get3A_1212, %mul3A_1214 : vector<16xf32>
        %mul3A_1216 = arith.constant 2 : i32
        %mul3A_1217 = arith.muli %mul3A_1216, %scan3A_844 : i32
        %add3A_1218 = arith.constant 1 : i32
        %add3A_1219 = arith.addi %mul3A_1217, %add3A_1218 : i32
        %swap3A_1220 = arith.constant 7 : i32
        %swap3A_1221 = arith.index_cast %swap3A_1220 : i32 to index
        %swap3A_1222 = arith.index_cast %add3A_1219 : i32 to index
        %swap3A_1223 = arith.constant 112 : index
        %swap3A_1224 = tpu.vector_load %arg6[%swap3A_1221, %swap3A_1222, %swap3A_1223] {strides = array<i32>} : memref<10x64x128xf32, #tpu.memory_space<vmem>>, vector<1x1x16xf32>,
        %swap3A_1225 = vector.shape_cast %swap3A_1224 : vector<1x1x16xf32> to vector<16xf32>
        %swap3A_1226 = vector.shape_cast %mul3A_1215 : vector<16xf32> to vector<1x1x16xf32>
        tpu.vector_store %arg6[%swap3A_1221, %swap3A_1222, %swap3A_1223], %swap3A_1226 {strides = array<i32>} : memref<10x64x128xf32, #tpu.memory_space<vmem>>, vector<1x1x16xf32>,
      }
      %scan3A_738 = arith.constant 32 : i32
      %mul3A_739 = arith.constant 64 : i32
      %mul3A_740 = arith.muli %add3A_718, %mul3A_739 : i32
      %add3A_741 = arith.addi %mul3A_2, %mul3A_740 : i32
      %dma_start3A_742 = arith.constant 7 : i32
      %dma_start3A_743 = arith.constant 7 : i32
      %dma_start3A_744 = arith.constant 0 : i32
      %dma_start3A_745 = arith.constant 0 : i32
      %dma_start3A_746 = tpu.memref_slice %arg6[%dma_start3A_742, %dma_start3A_744, %dma_start3A_745] : memref<10x64x128xf32, #tpu.memory_space<vmem>> -> memref<1x64x128xf32, #tpu.memory_space<vmem>>
      %dma_start3A_747 = tpu.memref_squeeze %dma_start3A_746 : memref<1x64x128xf32, #tpu.memory_space<vmem>> -> memref<64x128xf32, #tpu.memory_space<vmem>>
      %dma_start3A_748 = arith.constant 0 : i32
      %dma_start3A_749 = tpu.memref_slice %arg4[%add3A_741, %dma_start3A_748] : memref<204800x128xf32, #tpu.memory_space<hbm>> -> memref<64x128xf32, #tpu.memory_space<hbm>>
      %dma_start3A_750 = tpu.memref_slice %arg8[%dma_start3A_743] : memref<10x!tpu.dma_semaphore, #tpu.memory_space<semaphore_mem>> -> memref<1x!tpu.dma_semaphore, #tpu.memory_space<semaphore_mem>>
      %dma_start3A_751 = tpu.memref_squeeze %dma_start3A_750 : memref<1x!tpu.dma_semaphore, #tpu.memory_space<semaphore_mem>> -> memref<!tpu.dma_semaphore, #tpu.memory_space<semaphore_mem>>
      %dma_start3A_752 = arith.constant 0 : i32
      %dma_start3A_753 = tpu.memref_slice %arg4[%add3A_741, %dma_start3A_752] : memref<204800x128xf32, #tpu.memory_space<hbm>> -> memref<64x128xf32, #tpu.memory_space<hbm>>
      %dma_start3A_754 = arith.constant 0 : i32
      %dma_start3A_755 = arith.constant 0 : i32
      %dma_start3A_756 = tpu.memref_slice %arg6[%dma_start3A_742, %dma_start3A_754, %dma_start3A_755] : memref<10x64x128xf32, #tpu.memory_space<vmem>> -> memref<1x64x128xf32, #tpu.memory_space<vmem>>
      %dma_start3A_757 = tpu.memref_squeeze %dma_start3A_756 : memref<1x64x128xf32, #tpu.memory_space<vmem>> -> memref<64x128xf32, #tpu.memory_space<vmem>>
      tpu.enqueue_dma source(%dma_start3A_757 : memref<64x128xf32, #tpu.memory_space<vmem>>) target(%dma_start3A_753 : memref<64x128xf32, #tpu.memory_space<hbm>>) target_semaphore(%dma_start3A_751 : memref<!tpu.dma_semaphore, #tpu.memory_space<semaphore_mem>>)
      %mul3A_758 = arith.constant 10 : i32
      %mul3A_759 = arith.muli %scan3A_187, %mul3A_758 : i32
      %add3A_760 = arith.constant 8 : i32
      %add3A_761 = arith.addi %mul3A_759, %add3A_760 : i32
      %dma_wait3A_762 = arith.constant 8 : i32
      %dma_wait3A_763 = arith.constant 8 : i32
      %dma_wait3A_764 = arith.constant 0 : i32
      %dma_wait3A_765 = arith.constant 0 : i32
      %dma_wait3A_766 = tpu.memref_slice %arg6[%dma_wait3A_762, %dma_wait3A_764, %dma_wait3A_765] : memref<10x64x128xf32, #tpu.memory_space<vmem>> -> memref<1x64x128xf32, #tpu.memory_space<vmem>>
      %dma_wait3A_767 = tpu.memref_squeeze %dma_wait3A_766 : memref<1x64x128xf32, #tpu.memory_space<vmem>> -> memref<64x128xf32, #tpu.memory_space<vmem>>
      %dma_wait3A_768 = arith.constant 0 : i32
      %dma_wait3A_769 = tpu.memref_slice %arg5[%add3A_761, %dma_wait3A_768] : memref<100x64xi32, #tpu.memory_space<vmem>> -> memref<1x64xi32, #tpu.memory_space<vmem>>
      %dma_wait3A_770 = tpu.memref_squeeze %dma_wait3A_769 : memref<1x64xi32, #tpu.memory_space<vmem>> -> memref<64xi32, #tpu.memory_space<vmem>>
      %dma_wait3A_771 = arith.constant 0 : i32
      %dma_wait3A_772 = arith.constant 0 : i32
      %dma_wait3A_773 = tpu.memref_slice %arg3[%dma_wait3A_771, %dma_wait3A_772] : memref<100000x128xf32, #tpu.memory_space<hbm>> -> memref<100000x128xf32, #tpu.memory_space<hbm>>
      %dma_wait3A_774 = tpu.memref_slice %arg7[%dma_wait3A_763] : memref<10x!tpu.dma_semaphore, #tpu.memory_space<semaphore_mem>> -> memref<1x!tpu.dma_semaphore, #tpu.memory_space<semaphore_mem>>
      %dma_wait3A_775 = tpu.memref_squeeze %dma_wait3A_774 : memref<1x!tpu.dma_semaphore, #tpu.memory_space<semaphore_mem>> -> memref<!tpu.dma_semaphore, #tpu.memory_space<semaphore_mem>>
      tpu.wait_indirect_dma semaphore(%dma_wait3A_775 : memref<!tpu.dma_semaphore, #tpu.memory_space<semaphore_mem>>) src(%dma_wait3A_773 : memref<100000x128xf32, #tpu.memory_space<hbm>>) dst(%dma_wait3A_767 : memref<64x128xf32, #tpu.memory_space<vmem>>)
      %scan3A_776 = arith.constant 0 : i32
      %scan3A_777 = arith.constant 0 : i32
      %scan3A_778 = arith.constant 32 : i32
      %scan3A_779 = arith.addi %scan3A_777, %scan3A_778 : i32
      %scan3A_780 = arith.constant 1 : i32
      scf.for %scan3A_844 = %scan3A_777 to %scan3A_779 step %scan3A_780  : i32 {
        %mul3A_845 = arith.constant 2 : i32
        %mul3A_846 = arith.muli %mul3A_845, %scan3A_844 : i32
        %add3A_847 = arith.constant 0 : i32
        %add3A_848 = arith.addi %mul3A_846, %add3A_847 : i32
        %get3A = arith.constant 8 : i32
        %get3A_849 = arith.index_cast %get3A : i32 to index
        %get3A_850 = arith.index_cast %add3A_848 : i32 to index
        %get3A_851 = arith.constant 0 : index
        %get3A_852 = tpu.vector_load %arg6[%get3A_849, %get3A_850, %get3A_851] {strides = array<i32>} : memref<10x64x128xf32, #tpu.memory_space<vmem>>, vector<1x1x16xf32>,
        %get3A_853 = vector.shape_cast %get3A_852 : vector<1x1x16xf32> to vector<16xf32>
        %mul3A_854 = arith.constant 11.3137083 : f32
        %mul3A_855 = vector.broadcast %mul3A_854 : f32 to vector<16xf32>
        %mul3A_856 = arith.mulf %get3A_853, %mul3A_855 : vector<16xf32>
        %mul3A_857 = arith.constant 2 : i32
        %mul3A_858 = arith.muli %mul3A_857, %scan3A_844 : i32
        %add3A_859 = arith.constant 0 : i32
        %add3A_860 = arith.addi %mul3A_858, %add3A_859 : i32
        %swap3A = arith.constant 8 : i32
        %swap3A_861 = arith.index_cast %swap3A : i32 to index
        %swap3A_862 = arith.index_cast %add3A_860 : i32 to index
        %swap3A_863 = arith.constant 0 : index
        %swap3A_864 = tpu.vector_load %arg6[%swap3A_861, %swap3A_862, %swap3A_863] {strides = array<i32>} : memref<10x64x128xf32, #tpu.memory_space<vmem>>, vector<1x1x16xf32>,
        %swap3A_865 = vector.shape_cast %swap3A_864 : vector<1x1x16xf32> to vector<16xf32>
        %swap3A_866 = vector.shape_cast %mul3A_856 : vector<16xf32> to vector<1x1x16xf32>
        tpu.vector_store %arg6[%swap3A_861, %swap3A_862, %swap3A_863], %swap3A_866 {strides = array<i32>} : memref<10x64x128xf32, #tpu.memory_space<vmem>>, vector<1x1x16xf32>,
        %mul3A_867 = arith.constant 2 : i32
        %mul3A_868 = arith.muli %mul3A_867, %scan3A_844 : i32
        %add3A_869 = arith.constant 0 : i32
        %add3A_870 = arith.addi %mul3A_868, %add3A_869 : i32
        %get3A_871 = arith.constant 8 : i32
        %get3A_872 = arith.index_cast %get3A_871 : i32 to index
        %get3A_873 = arith.index_cast %add3A_870 : i32 to index
        %get3A_874 = arith.constant 16 : index
        %get3A_875 = tpu.vector_load %arg6[%get3A_872, %get3A_873, %get3A_874] {strides = array<i32>} : memref<10x64x128xf32, #tpu.memory_space<vmem>>, vector<1x1x16xf32>,
        %get3A_876 = vector.shape_cast %get3A_875 : vector<1x1x16xf32> to vector<16xf32>
        %mul3A_877 = arith.constant 11.3137083 : f32
        %mul3A_878 = vector.broadcast %mul3A_877 : f32 to vector<16xf32>
        %mul3A_879 = arith.mulf %get3A_876, %mul3A_878 : vector<16xf32>
        %mul3A_880 = arith.constant 2 : i32
        %mul3A_881 = arith.muli %mul3A_880, %scan3A_844 : i32
        %add3A_882 = arith.constant 0 : i32
        %add3A_883 = arith.addi %mul3A_881, %add3A_882 : i32
        %swap3A_884 = arith.constant 8 : i32
        %swap3A_885 = arith.index_cast %swap3A_884 : i32 to index
        %swap3A_886 = arith.index_cast %add3A_883 : i32 to index
        %swap3A_887 = arith.constant 16 : index
        %swap3A_888 = tpu.vector_load %arg6[%swap3A_885, %swap3A_886, %swap3A_887] {strides = array<i32>} : memref<10x64x128xf32, #tpu.memory_space<vmem>>, vector<1x1x16xf32>,
        %swap3A_889 = vector.shape_cast %swap3A_888 : vector<1x1x16xf32> to vector<16xf32>
        %swap3A_890 = vector.shape_cast %mul3A_879 : vector<16xf32> to vector<1x1x16xf32>
        tpu.vector_store %arg6[%swap3A_885, %swap3A_886, %swap3A_887], %swap3A_890 {strides = array<i32>} : memref<10x64x128xf32, #tpu.memory_space<vmem>>, vector<1x1x16xf32>,
        %mul3A_891 = arith.constant 2 : i32
        %mul3A_892 = arith.muli %mul3A_891, %scan3A_844 : i32
        %add3A_893 = arith.constant 0 : i32
        %add3A_894 = arith.addi %mul3A_892, %add3A_893 : i32
        %get3A_895 = arith.constant 8 : i32
        %get3A_896 = arith.index_cast %get3A_895 : i32 to index
        %get3A_897 = arith.index_cast %add3A_894 : i32 to index
        %get3A_898 = arith.constant 32 : index
        %get3A_899 = tpu.vector_load %arg6[%get3A_896, %get3A_897, %get3A_898] {strides = array<i32>} : memref<10x64x128xf32, #tpu.memory_space<vmem>>, vector<1x1x16xf32>,
        %get3A_900 = vector.shape_cast %get3A_899 : vector<1x1x16xf32> to vector<16xf32>
        %mul3A_901 = arith.constant 11.3137083 : f32
        %mul3A_902 = vector.broadcast %mul3A_901 : f32 to vector<16xf32>
        %mul3A_903 = arith.mulf %get3A_900, %mul3A_902 : vector<16xf32>
        %mul3A_904 = arith.constant 2 : i32
        %mul3A_905 = arith.muli %mul3A_904, %scan3A_844 : i32
        %add3A_906 = arith.constant 0 : i32
        %add3A_907 = arith.addi %mul3A_905, %add3A_906 : i32
        %swap3A_908 = arith.constant 8 : i32
        %swap3A_909 = arith.index_cast %swap3A_908 : i32 to index
        %swap3A_910 = arith.index_cast %add3A_907 : i32 to index
        %swap3A_911 = arith.constant 32 : index
        %swap3A_912 = tpu.vector_load %arg6[%swap3A_909, %swap3A_910, %swap3A_911] {strides = array<i32>} : memref<10x64x128xf32, #tpu.memory_space<vmem>>, vector<1x1x16xf32>,
        %swap3A_913 = vector.shape_cast %swap3A_912 : vector<1x1x16xf32> to vector<16xf32>
        %swap3A_914 = vector.shape_cast %mul3A_903 : vector<16xf32> to vector<1x1x16xf32>
        tpu.vector_store %arg6[%swap3A_909, %swap3A_910, %swap3A_911], %swap3A_914 {strides = array<i32>} : memref<10x64x128xf32, #tpu.memory_space<vmem>>, vector<1x1x16xf32>,
        %mul3A_915 = arith.constant 2 : i32
        %mul3A_916 = arith.muli %mul3A_915, %scan3A_844 : i32
        %add3A_917 = arith.constant 0 : i32
        %add3A_918 = arith.addi %mul3A_916, %add3A_917 : i32
        %get3A_919 = arith.constant 8 : i32
        %get3A_920 = arith.index_cast %get3A_919 : i32 to index
        %get3A_921 = arith.index_cast %add3A_918 : i32 to index
        %get3A_922 = arith.constant 48 : index
        %get3A_923 = tpu.vector_load %arg6[%get3A_920, %get3A_921, %get3A_922] {strides = array<i32>} : memref<10x64x128xf32, #tpu.memory_space<vmem>>, vector<1x1x16xf32>,
        %get3A_924 = vector.shape_cast %get3A_923 : vector<1x1x16xf32> to vector<16xf32>
        %mul3A_925 = arith.constant 11.3137083 : f32
        %mul3A_926 = vector.broadcast %mul3A_925 : f32 to vector<16xf32>
        %mul3A_927 = arith.mulf %get3A_924, %mul3A_926 : vector<16xf32>
        %mul3A_928 = arith.constant 2 : i32
        %mul3A_929 = arith.muli %mul3A_928, %scan3A_844 : i32
        %add3A_930 = arith.constant 0 : i32
        %add3A_931 = arith.addi %mul3A_929, %add3A_930 : i32
        %swap3A_932 = arith.constant 8 : i32
        %swap3A_933 = arith.index_cast %swap3A_932 : i32 to index
        %swap3A_934 = arith.index_cast %add3A_931 : i32 to index
        %swap3A_935 = arith.constant 48 : index
        %swap3A_936 = tpu.vector_load %arg6[%swap3A_933, %swap3A_934, %swap3A_935] {strides = array<i32>} : memref<10x64x128xf32, #tpu.memory_space<vmem>>, vector<1x1x16xf32>,
        %swap3A_937 = vector.shape_cast %swap3A_936 : vector<1x1x16xf32> to vector<16xf32>
        %swap3A_938 = vector.shape_cast %mul3A_927 : vector<16xf32> to vector<1x1x16xf32>
        tpu.vector_store %arg6[%swap3A_933, %swap3A_934, %swap3A_935], %swap3A_938 {strides = array<i32>} : memref<10x64x128xf32, #tpu.memory_space<vmem>>, vector<1x1x16xf32>,
        %mul3A_939 = arith.constant 2 : i32
        %mul3A_940 = arith.muli %mul3A_939, %scan3A_844 : i32
        %add3A_941 = arith.constant 0 : i32
        %add3A_942 = arith.addi %mul3A_940, %add3A_941 : i32
        %get3A_943 = arith.constant 8 : i32
        %get3A_944 = arith.index_cast %get3A_943 : i32 to index
        %get3A_945 = arith.index_cast %add3A_942 : i32 to index
        %get3A_946 = arith.constant 64 : index
        %get3A_947 = tpu.vector_load %arg6[%get3A_944, %get3A_945, %get3A_946] {strides = array<i32>} : memref<10x64x128xf32, #tpu.memory_space<vmem>>, vector<1x1x16xf32>,
        %get3A_948 = vector.shape_cast %get3A_947 : vector<1x1x16xf32> to vector<16xf32>
        %mul3A_949 = arith.constant 11.3137083 : f32
        %mul3A_950 = vector.broadcast %mul3A_949 : f32 to vector<16xf32>
        %mul3A_951 = arith.mulf %get3A_948, %mul3A_950 : vector<16xf32>
        %mul3A_952 = arith.constant 2 : i32
        %mul3A_953 = arith.muli %mul3A_952, %scan3A_844 : i32
        %add3A_954 = arith.constant 0 : i32
        %add3A_955 = arith.addi %mul3A_953, %add3A_954 : i32
        %swap3A_956 = arith.constant 8 : i32
        %swap3A_957 = arith.index_cast %swap3A_956 : i32 to index
        %swap3A_958 = arith.index_cast %add3A_955 : i32 to index
        %swap3A_959 = arith.constant 64 : index
        %swap3A_960 = tpu.vector_load %arg6[%swap3A_957, %swap3A_958, %swap3A_959] {strides = array<i32>} : memref<10x64x128xf32, #tpu.memory_space<vmem>>, vector<1x1x16xf32>,
        %swap3A_961 = vector.shape_cast %swap3A_960 : vector<1x1x16xf32> to vector<16xf32>
        %swap3A_962 = vector.shape_cast %mul3A_951 : vector<16xf32> to vector<1x1x16xf32>
        tpu.vector_store %arg6[%swap3A_957, %swap3A_958, %swap3A_959], %swap3A_962 {strides = array<i32>} : memref<10x64x128xf32, #tpu.memory_space<vmem>>, vector<1x1x16xf32>,
        %mul3A_963 = arith.constant 2 : i32
        %mul3A_964 = arith.muli %mul3A_963, %scan3A_844 : i32
        %add3A_965 = arith.constant 0 : i32
        %add3A_966 = arith.addi %mul3A_964, %add3A_965 : i32
        %get3A_967 = arith.constant 8 : i32
        %get3A_968 = arith.index_cast %get3A_967 : i32 to index
        %get3A_969 = arith.index_cast %add3A_966 : i32 to index
        %get3A_970 = arith.constant 80 : index
        %get3A_971 = tpu.vector_load %arg6[%get3A_968, %get3A_969, %get3A_970] {strides = array<i32>} : memref<10x64x128xf32, #tpu.memory_space<vmem>>, vector<1x1x16xf32>,
        %get3A_972 = vector.shape_cast %get3A_971 : vector<1x1x16xf32> to vector<16xf32>
        %mul3A_973 = arith.constant 11.3137083 : f32
        %mul3A_974 = vector.broadcast %mul3A_973 : f32 to vector<16xf32>
        %mul3A_975 = arith.mulf %get3A_972, %mul3A_974 : vector<16xf32>
        %mul3A_976 = arith.constant 2 : i32
        %mul3A_977 = arith.muli %mul3A_976, %scan3A_844 : i32
        %add3A_978 = arith.constant 0 : i32
        %add3A_979 = arith.addi %mul3A_977, %add3A_978 : i32
        %swap3A_980 = arith.constant 8 : i32
        %swap3A_981 = arith.index_cast %swap3A_980 : i32 to index
        %swap3A_982 = arith.index_cast %add3A_979 : i32 to index
        %swap3A_983 = arith.constant 80 : index
        %swap3A_984 = tpu.vector_load %arg6[%swap3A_981, %swap3A_982, %swap3A_983] {strides = array<i32>} : memref<10x64x128xf32, #tpu.memory_space<vmem>>, vector<1x1x16xf32>,
        %swap3A_985 = vector.shape_cast %swap3A_984 : vector<1x1x16xf32> to vector<16xf32>
        %swap3A_986 = vector.shape_cast %mul3A_975 : vector<16xf32> to vector<1x1x16xf32>
        tpu.vector_store %arg6[%swap3A_981, %swap3A_982, %swap3A_983], %swap3A_986 {strides = array<i32>} : memref<10x64x128xf32, #tpu.memory_space<vmem>>, vector<1x1x16xf32>,
        %mul3A_987 = arith.constant 2 : i32
        %mul3A_988 = arith.muli %mul3A_987, %scan3A_844 : i32
        %add3A_989 = arith.constant 0 : i32
        %add3A_990 = arith.addi %mul3A_988, %add3A_989 : i32
        %get3A_991 = arith.constant 8 : i32
        %get3A_992 = arith.index_cast %get3A_991 : i32 to index
        %get3A_993 = arith.index_cast %add3A_990 : i32 to index
        %get3A_994 = arith.constant 96 : index
        %get3A_995 = tpu.vector_load %arg6[%get3A_992, %get3A_993, %get3A_994] {strides = array<i32>} : memref<10x64x128xf32, #tpu.memory_space<vmem>>, vector<1x1x16xf32>,
        %get3A_996 = vector.shape_cast %get3A_995 : vector<1x1x16xf32> to vector<16xf32>
        %mul3A_997 = arith.constant 11.3137083 : f32
        %mul3A_998 = vector.broadcast %mul3A_997 : f32 to vector<16xf32>
        %mul3A_999 = arith.mulf %get3A_996, %mul3A_998 : vector<16xf32>
        %mul3A_1000 = arith.constant 2 : i32
        %mul3A_1001 = arith.muli %mul3A_1000, %scan3A_844 : i32
        %add3A_1002 = arith.constant 0 : i32
        %add3A_1003 = arith.addi %mul3A_1001, %add3A_1002 : i32
        %swap3A_1004 = arith.constant 8 : i32
        %swap3A_1005 = arith.index_cast %swap3A_1004 : i32 to index
        %swap3A_1006 = arith.index_cast %add3A_1003 : i32 to index
        %swap3A_1007 = arith.constant 96 : index
        %swap3A_1008 = tpu.vector_load %arg6[%swap3A_1005, %swap3A_1006, %swap3A_1007] {strides = array<i32>} : memref<10x64x128xf32, #tpu.memory_space<vmem>>, vector<1x1x16xf32>,
        %swap3A_1009 = vector.shape_cast %swap3A_1008 : vector<1x1x16xf32> to vector<16xf32>
        %swap3A_1010 = vector.shape_cast %mul3A_999 : vector<16xf32> to vector<1x1x16xf32>
        tpu.vector_store %arg6[%swap3A_1005, %swap3A_1006, %swap3A_1007], %swap3A_1010 {strides = array<i32>} : memref<10x64x128xf32, #tpu.memory_space<vmem>>, vector<1x1x16xf32>,
        %mul3A_1011 = arith.constant 2 : i32
        %mul3A_1012 = arith.muli %mul3A_1011, %scan3A_844 : i32
        %add3A_1013 = arith.constant 0 : i32
        %add3A_1014 = arith.addi %mul3A_1012, %add3A_1013 : i32
        %get3A_1015 = arith.constant 8 : i32
        %get3A_1016 = arith.index_cast %get3A_1015 : i32 to index
        %get3A_1017 = arith.index_cast %add3A_1014 : i32 to index
        %get3A_1018 = arith.constant 112 : index
        %get3A_1019 = tpu.vector_load %arg6[%get3A_1016, %get3A_1017, %get3A_1018] {strides = array<i32>} : memref<10x64x128xf32, #tpu.memory_space<vmem>>, vector<1x1x16xf32>,
        %get3A_1020 = vector.shape_cast %get3A_1019 : vector<1x1x16xf32> to vector<16xf32>
        %mul3A_1021 = arith.constant 11.3137083 : f32
        %mul3A_1022 = vector.broadcast %mul3A_1021 : f32 to vector<16xf32>
        %mul3A_1023 = arith.mulf %get3A_1020, %mul3A_1022 : vector<16xf32>
        %mul3A_1024 = arith.constant 2 : i32
        %mul3A_1025 = arith.muli %mul3A_1024, %scan3A_844 : i32
        %add3A_1026 = arith.constant 0 : i32
        %add3A_1027 = arith.addi %mul3A_1025, %add3A_1026 : i32
        %swap3A_1028 = arith.constant 8 : i32
        %swap3A_1029 = arith.index_cast %swap3A_1028 : i32 to index
        %swap3A_1030 = arith.index_cast %add3A_1027 : i32 to index
        %swap3A_1031 = arith.constant 112 : index
        %swap3A_1032 = tpu.vector_load %arg6[%swap3A_1029, %swap3A_1030, %swap3A_1031] {strides = array<i32>} : memref<10x64x128xf32, #tpu.memory_space<vmem>>, vector<1x1x16xf32>,
        %swap3A_1033 = vector.shape_cast %swap3A_1032 : vector<1x1x16xf32> to vector<16xf32>
        %swap3A_1034 = vector.shape_cast %mul3A_1023 : vector<16xf32> to vector<1x1x16xf32>
        tpu.vector_store %arg6[%swap3A_1029, %swap3A_1030, %swap3A_1031], %swap3A_1034 {strides = array<i32>} : memref<10x64x128xf32, #tpu.memory_space<vmem>>, vector<1x1x16xf32>,
        %mul3A_1035 = arith.constant 2 : i32
        %mul3A_1036 = arith.muli %mul3A_1035, %scan3A_844 : i32
        %add3A_1037 = arith.constant 1 : i32
        %add3A_1038 = arith.addi %mul3A_1036, %add3A_1037 : i32
        %get3A_1039 = arith.constant 8 : i32
        %get3A_1040 = arith.index_cast %get3A_1039 : i32 to index
        %get3A_1041 = arith.index_cast %add3A_1038 : i32 to index
        %get3A_1042 = arith.constant 0 : index
        %get3A_1043 = tpu.vector_load %arg6[%get3A_1040, %get3A_1041, %get3A_1042] {strides = array<i32>} : memref<10x64x128xf32, #tpu.memory_space<vmem>>, vector<1x1x16xf32>,
        %get3A_1044 = vector.shape_cast %get3A_1043 : vector<1x1x16xf32> to vector<16xf32>
        %mul3A_1045 = arith.constant 11.3137083 : f32
        %mul3A_1046 = vector.broadcast %mul3A_1045 : f32 to vector<16xf32>
        %mul3A_1047 = arith.mulf %get3A_1044, %mul3A_1046 : vector<16xf32>
        %mul3A_1048 = arith.constant 2 : i32
        %mul3A_1049 = arith.muli %mul3A_1048, %scan3A_844 : i32
        %add3A_1050 = arith.constant 1 : i32
        %add3A_1051 = arith.addi %mul3A_1049, %add3A_1050 : i32
        %swap3A_1052 = arith.constant 8 : i32
        %swap3A_1053 = arith.index_cast %swap3A_1052 : i32 to index
        %swap3A_1054 = arith.index_cast %add3A_1051 : i32 to index
        %swap3A_1055 = arith.constant 0 : index
        %swap3A_1056 = tpu.vector_load %arg6[%swap3A_1053, %swap3A_1054, %swap3A_1055] {strides = array<i32>} : memref<10x64x128xf32, #tpu.memory_space<vmem>>, vector<1x1x16xf32>,
        %swap3A_1057 = vector.shape_cast %swap3A_1056 : vector<1x1x16xf32> to vector<16xf32>
        %swap3A_1058 = vector.shape_cast %mul3A_1047 : vector<16xf32> to vector<1x1x16xf32>
        tpu.vector_store %arg6[%swap3A_1053, %swap3A_1054, %swap3A_1055], %swap3A_1058 {strides = array<i32>} : memref<10x64x128xf32, #tpu.memory_space<vmem>>, vector<1x1x16xf32>,
        %mul3A_1059 = arith.constant 2 : i32
        %mul3A_1060 = arith.muli %mul3A_1059, %scan3A_844 : i32
        %add3A_1061 = arith.constant 1 : i32
        %add3A_1062 = arith.addi %mul3A_1060, %add3A_1061 : i32
        %get3A_1063 = arith.constant 8 : i32
        %get3A_1064 = arith.index_cast %get3A_1063 : i32 to index
        %get3A_1065 = arith.index_cast %add3A_1062 : i32 to index
        %get3A_1066 = arith.constant 16 : index
        %get3A_1067 = tpu.vector_load %arg6[%get3A_1064, %get3A_1065, %get3A_1066] {strides = array<i32>} : memref<10x64x128xf32, #tpu.memory_space<vmem>>, vector<1x1x16xf32>,
        %get3A_1068 = vector.shape_cast %get3A_1067 : vector<1x1x16xf32> to vector<16xf32>
        %mul3A_1069 = arith.constant 11.3137083 : f32
        %mul3A_1070 = vector.broadcast %mul3A_1069 : f32 to vector<16xf32>
        %mul3A_1071 = arith.mulf %get3A_1068, %mul3A_1070 : vector<16xf32>
        %mul3A_1072 = arith.constant 2 : i32
        %mul3A_1073 = arith.muli %mul3A_1072, %scan3A_844 : i32
        %add3A_1074 = arith.constant 1 : i32
        %add3A_1075 = arith.addi %mul3A_1073, %add3A_1074 : i32
        %swap3A_1076 = arith.constant 8 : i32
        %swap3A_1077 = arith.index_cast %swap3A_1076 : i32 to index
        %swap3A_1078 = arith.index_cast %add3A_1075 : i32 to index
        %swap3A_1079 = arith.constant 16 : index
        %swap3A_1080 = tpu.vector_load %arg6[%swap3A_1077, %swap3A_1078, %swap3A_1079] {strides = array<i32>} : memref<10x64x128xf32, #tpu.memory_space<vmem>>, vector<1x1x16xf32>,
        %swap3A_1081 = vector.shape_cast %swap3A_1080 : vector<1x1x16xf32> to vector<16xf32>
        %swap3A_1082 = vector.shape_cast %mul3A_1071 : vector<16xf32> to vector<1x1x16xf32>
        tpu.vector_store %arg6[%swap3A_1077, %swap3A_1078, %swap3A_1079], %swap3A_1082 {strides = array<i32>} : memref<10x64x128xf32, #tpu.memory_space<vmem>>, vector<1x1x16xf32>,
        %mul3A_1083 = arith.constant 2 : i32
        %mul3A_1084 = arith.muli %mul3A_1083, %scan3A_844 : i32
        %add3A_1085 = arith.constant 1 : i32
        %add3A_1086 = arith.addi %mul3A_1084, %add3A_1085 : i32
        %get3A_1087 = arith.constant 8 : i32
        %get3A_1088 = arith.index_cast %get3A_1087 : i32 to index
        %get3A_1089 = arith.index_cast %add3A_1086 : i32 to index
        %get3A_1090 = arith.constant 32 : index
        %get3A_1091 = tpu.vector_load %arg6[%get3A_1088, %get3A_1089, %get3A_1090] {strides = array<i32>} : memref<10x64x128xf32, #tpu.memory_space<vmem>>, vector<1x1x16xf32>,
        %get3A_1092 = vector.shape_cast %get3A_1091 : vector<1x1x16xf32> to vector<16xf32>
        %mul3A_1093 = arith.constant 11.3137083 : f32
        %mul3A_1094 = vector.broadcast %mul3A_1093 : f32 to vector<16xf32>
        %mul3A_1095 = arith.mulf %get3A_1092, %mul3A_1094 : vector<16xf32>
        %mul3A_1096 = arith.constant 2 : i32
        %mul3A_1097 = arith.muli %mul3A_1096, %scan3A_844 : i32
        %add3A_1098 = arith.constant 1 : i32
        %add3A_1099 = arith.addi %mul3A_1097, %add3A_1098 : i32
        %swap3A_1100 = arith.constant 8 : i32
        %swap3A_1101 = arith.index_cast %swap3A_1100 : i32 to index
        %swap3A_1102 = arith.index_cast %add3A_1099 : i32 to index
        %swap3A_1103 = arith.constant 32 : index
        %swap3A_1104 = tpu.vector_load %arg6[%swap3A_1101, %swap3A_1102, %swap3A_1103] {strides = array<i32>} : memref<10x64x128xf32, #tpu.memory_space<vmem>>, vector<1x1x16xf32>,
        %swap3A_1105 = vector.shape_cast %swap3A_1104 : vector<1x1x16xf32> to vector<16xf32>
        %swap3A_1106 = vector.shape_cast %mul3A_1095 : vector<16xf32> to vector<1x1x16xf32>
        tpu.vector_store %arg6[%swap3A_1101, %swap3A_1102, %swap3A_1103], %swap3A_1106 {strides = array<i32>} : memref<10x64x128xf32, #tpu.memory_space<vmem>>, vector<1x1x16xf32>,
        %mul3A_1107 = arith.constant 2 : i32
        %mul3A_1108 = arith.muli %mul3A_1107, %scan3A_844 : i32
        %add3A_1109 = arith.constant 1 : i32
        %add3A_1110 = arith.addi %mul3A_1108, %add3A_1109 : i32
        %get3A_1111 = arith.constant 8 : i32
        %get3A_1112 = arith.index_cast %get3A_1111 : i32 to index
        %get3A_1113 = arith.index_cast %add3A_1110 : i32 to index
        %get3A_1114 = arith.constant 48 : index
        %get3A_1115 = tpu.vector_load %arg6[%get3A_1112, %get3A_1113, %get3A_1114] {strides = array<i32>} : memref<10x64x128xf32, #tpu.memory_space<vmem>>, vector<1x1x16xf32>,
        %get3A_1116 = vector.shape_cast %get3A_1115 : vector<1x1x16xf32> to vector<16xf32>
        %mul3A_1117 = arith.constant 11.3137083 : f32
        %mul3A_1118 = vector.broadcast %mul3A_1117 : f32 to vector<16xf32>
        %mul3A_1119 = arith.mulf %get3A_1116, %mul3A_1118 : vector<16xf32>
        %mul3A_1120 = arith.constant 2 : i32
        %mul3A_1121 = arith.muli %mul3A_1120, %scan3A_844 : i32
        %add3A_1122 = arith.constant 1 : i32
        %add3A_1123 = arith.addi %mul3A_1121, %add3A_1122 : i32
        %swap3A_1124 = arith.constant 8 : i32
        %swap3A_1125 = arith.index_cast %swap3A_1124 : i32 to index
        %swap3A_1126 = arith.index_cast %add3A_1123 : i32 to index
        %swap3A_1127 = arith.constant 48 : index
        %swap3A_1128 = tpu.vector_load %arg6[%swap3A_1125, %swap3A_1126, %swap3A_1127] {strides = array<i32>} : memref<10x64x128xf32, #tpu.memory_space<vmem>>, vector<1x1x16xf32>,
        %swap3A_1129 = vector.shape_cast %swap3A_1128 : vector<1x1x16xf32> to vector<16xf32>
        %swap3A_1130 = vector.shape_cast %mul3A_1119 : vector<16xf32> to vector<1x1x16xf32>
        tpu.vector_store %arg6[%swap3A_1125, %swap3A_1126, %swap3A_1127], %swap3A_1130 {strides = array<i32>} : memref<10x64x128xf32, #tpu.memory_space<vmem>>, vector<1x1x16xf32>,
        %mul3A_1131 = arith.constant 2 : i32
        %mul3A_1132 = arith.muli %mul3A_1131, %scan3A_844 : i32
        %add3A_1133 = arith.constant 1 : i32
        %add3A_1134 = arith.addi %mul3A_1132, %add3A_1133 : i32
        %get3A_1135 = arith.constant 8 : i32
        %get3A_1136 = arith.index_cast %get3A_1135 : i32 to index
        %get3A_1137 = arith.index_cast %add3A_1134 : i32 to index
        %get3A_1138 = arith.constant 64 : index
        %get3A_1139 = tpu.vector_load %arg6[%get3A_1136, %get3A_1137, %get3A_1138] {strides = array<i32>} : memref<10x64x128xf32, #tpu.memory_space<vmem>>, vector<1x1x16xf32>,
        %get3A_1140 = vector.shape_cast %get3A_1139 : vector<1x1x16xf32> to vector<16xf32>
        %mul3A_1141 = arith.constant 11.3137083 : f32
        %mul3A_1142 = vector.broadcast %mul3A_1141 : f32 to vector<16xf32>
        %mul3A_1143 = arith.mulf %get3A_1140, %mul3A_1142 : vector<16xf32>
        %mul3A_1144 = arith.constant 2 : i32
        %mul3A_1145 = arith.muli %mul3A_1144, %scan3A_844 : i32
        %add3A_1146 = arith.constant 1 : i32
        %add3A_1147 = arith.addi %mul3A_1145, %add3A_1146 : i32
        %swap3A_1148 = arith.constant 8 : i32
        %swap3A_1149 = arith.index_cast %swap3A_1148 : i32 to index
        %swap3A_1150 = arith.index_cast %add3A_1147 : i32 to index
        %swap3A_1151 = arith.constant 64 : index
        %swap3A_1152 = tpu.vector_load %arg6[%swap3A_1149, %swap3A_1150, %swap3A_1151] {strides = array<i32>} : memref<10x64x128xf32, #tpu.memory_space<vmem>>, vector<1x1x16xf32>,
        %swap3A_1153 = vector.shape_cast %swap3A_1152 : vector<1x1x16xf32> to vector<16xf32>
        %swap3A_1154 = vector.shape_cast %mul3A_1143 : vector<16xf32> to vector<1x1x16xf32>
        tpu.vector_store %arg6[%swap3A_1149, %swap3A_1150, %swap3A_1151], %swap3A_1154 {strides = array<i32>} : memref<10x64x128xf32, #tpu.memory_space<vmem>>, vector<1x1x16xf32>,
        %mul3A_1155 = arith.constant 2 : i32
        %mul3A_1156 = arith.muli %mul3A_1155, %scan3A_844 : i32
        %add3A_1157 = arith.constant 1 : i32
        %add3A_1158 = arith.addi %mul3A_1156, %add3A_1157 : i32
        %get3A_1159 = arith.constant 8 : i32
        %get3A_1160 = arith.index_cast %get3A_1159 : i32 to index
        %get3A_1161 = arith.index_cast %add3A_1158 : i32 to index
        %get3A_1162 = arith.constant 80 : index
        %get3A_1163 = tpu.vector_load %arg6[%get3A_1160, %get3A_1161, %get3A_1162] {strides = array<i32>} : memref<10x64x128xf32, #tpu.memory_space<vmem>>, vector<1x1x16xf32>,
        %get3A_1164 = vector.shape_cast %get3A_1163 : vector<1x1x16xf32> to vector<16xf32>
        %mul3A_1165 = arith.constant 11.3137083 : f32
        %mul3A_1166 = vector.broadcast %mul3A_1165 : f32 to vector<16xf32>
        %mul3A_1167 = arith.mulf %get3A_1164, %mul3A_1166 : vector<16xf32>
        %mul3A_1168 = arith.constant 2 : i32
        %mul3A_1169 = arith.muli %mul3A_1168, %scan3A_844 : i32
        %add3A_1170 = arith.constant 1 : i32
        %add3A_1171 = arith.addi %mul3A_1169, %add3A_1170 : i32
        %swap3A_1172 = arith.constant 8 : i32
        %swap3A_1173 = arith.index_cast %swap3A_1172 : i32 to index
        %swap3A_1174 = arith.index_cast %add3A_1171 : i32 to index
        %swap3A_1175 = arith.constant 80 : index
        %swap3A_1176 = tpu.vector_load %arg6[%swap3A_1173, %swap3A_1174, %swap3A_1175] {strides = array<i32>} : memref<10x64x128xf32, #tpu.memory_space<vmem>>, vector<1x1x16xf32>,
        %swap3A_1177 = vector.shape_cast %swap3A_1176 : vector<1x1x16xf32> to vector<16xf32>
        %swap3A_1178 = vector.shape_cast %mul3A_1167 : vector<16xf32> to vector<1x1x16xf32>
        tpu.vector_store %arg6[%swap3A_1173, %swap3A_1174, %swap3A_1175], %swap3A_1178 {strides = array<i32>} : memref<10x64x128xf32, #tpu.memory_space<vmem>>, vector<1x1x16xf32>,
        %mul3A_1179 = arith.constant 2 : i32
        %mul3A_1180 = arith.muli %mul3A_1179, %scan3A_844 : i32
        %add3A_1181 = arith.constant 1 : i32
        %add3A_1182 = arith.addi %mul3A_1180, %add3A_1181 : i32
        %get3A_1183 = arith.constant 8 : i32
        %get3A_1184 = arith.index_cast %get3A_1183 : i32 to index
        %get3A_1185 = arith.index_cast %add3A_1182 : i32 to index
        %get3A_1186 = arith.constant 96 : index
        %get3A_1187 = tpu.vector_load %arg6[%get3A_1184, %get3A_1185, %get3A_1186] {strides = array<i32>} : memref<10x64x128xf32, #tpu.memory_space<vmem>>, vector<1x1x16xf32>,
        %get3A_1188 = vector.shape_cast %get3A_1187 : vector<1x1x16xf32> to vector<16xf32>
        %mul3A_1189 = arith.constant 11.3137083 : f32
        %mul3A_1190 = vector.broadcast %mul3A_1189 : f32 to vector<16xf32>
        %mul3A_1191 = arith.mulf %get3A_1188, %mul3A_1190 : vector<16xf32>
        %mul3A_1192 = arith.constant 2 : i32
        %mul3A_1193 = arith.muli %mul3A_1192, %scan3A_844 : i32
        %add3A_1194 = arith.constant 1 : i32
        %add3A_1195 = arith.addi %mul3A_1193, %add3A_1194 : i32
        %swap3A_1196 = arith.constant 8 : i32
        %swap3A_1197 = arith.index_cast %swap3A_1196 : i32 to index
        %swap3A_1198 = arith.index_cast %add3A_1195 : i32 to index
        %swap3A_1199 = arith.constant 96 : index
        %swap3A_1200 = tpu.vector_load %arg6[%swap3A_1197, %swap3A_1198, %swap3A_1199] {strides = array<i32>} : memref<10x64x128xf32, #tpu.memory_space<vmem>>, vector<1x1x16xf32>,
        %swap3A_1201 = vector.shape_cast %swap3A_1200 : vector<1x1x16xf32> to vector<16xf32>
        %swap3A_1202 = vector.shape_cast %mul3A_1191 : vector<16xf32> to vector<1x1x16xf32>
        tpu.vector_store %arg6[%swap3A_1197, %swap3A_1198, %swap3A_1199], %swap3A_1202 {strides = array<i32>} : memref<10x64x128xf32, #tpu.memory_space<vmem>>, vector<1x1x16xf32>,
        %mul3A_1203 = arith.constant 2 : i32
        %mul3A_1204 = arith.muli %mul3A_1203, %scan3A_844 : i32
        %add3A_1205 = arith.constant 1 : i32
        %add3A_1206 = arith.addi %mul3A_1204, %add3A_1205 : i32
        %get3A_1207 = arith.constant 8 : i32
        %get3A_1208 = arith.index_cast %get3A_1207 : i32 to index
        %get3A_1209 = arith.index_cast %add3A_1206 : i32 to index
        %get3A_1210 = arith.constant 112 : index
        %get3A_1211 = tpu.vector_load %arg6[%get3A_1208, %get3A_1209, %get3A_1210] {strides = array<i32>} : memref<10x64x128xf32, #tpu.memory_space<vmem>>, vector<1x1x16xf32>,
        %get3A_1212 = vector.shape_cast %get3A_1211 : vector<1x1x16xf32> to vector<16xf32>
        %mul3A_1213 = arith.constant 11.3137083 : f32
        %mul3A_1214 = vector.broadcast %mul3A_1213 : f32 to vector<16xf32>
        %mul3A_1215 = arith.mulf %get3A_1212, %mul3A_1214 : vector<16xf32>
        %mul3A_1216 = arith.constant 2 : i32
        %mul3A_1217 = arith.muli %mul3A_1216, %scan3A_844 : i32
        %add3A_1218 = arith.constant 1 : i32
        %add3A_1219 = arith.addi %mul3A_1217, %add3A_1218 : i32
        %swap3A_1220 = arith.constant 8 : i32
        %swap3A_1221 = arith.index_cast %swap3A_1220 : i32 to index
        %swap3A_1222 = arith.index_cast %add3A_1219 : i32 to index
        %swap3A_1223 = arith.constant 112 : index
        %swap3A_1224 = tpu.vector_load %arg6[%swap3A_1221, %swap3A_1222, %swap3A_1223] {strides = array<i32>} : memref<10x64x128xf32, #tpu.memory_space<vmem>>, vector<1x1x16xf32>,
        %swap3A_1225 = vector.shape_cast %swap3A_1224 : vector<1x1x16xf32> to vector<16xf32>
        %swap3A_1226 = vector.shape_cast %mul3A_1215 : vector<16xf32> to vector<1x1x16xf32>
        tpu.vector_store %arg6[%swap3A_1221, %swap3A_1222, %swap3A_1223], %swap3A_1226 {strides = array<i32>} : memref<10x64x128xf32, #tpu.memory_space<vmem>>, vector<1x1x16xf32>,
      }
      %scan3A_781 = arith.constant 32 : i32
      %mul3A_782 = arith.constant 64 : i32
      %mul3A_783 = arith.muli %add3A_761, %mul3A_782 : i32
      %add3A_784 = arith.addi %mul3A_2, %mul3A_783 : i32
      %dma_start3A_785 = arith.constant 8 : i32
      %dma_start3A_786 = arith.constant 8 : i32
      %dma_start3A_787 = arith.constant 0 : i32
      %dma_start3A_788 = arith.constant 0 : i32
      %dma_start3A_789 = tpu.memref_slice %arg6[%dma_start3A_785, %dma_start3A_787, %dma_start3A_788] : memref<10x64x128xf32, #tpu.memory_space<vmem>> -> memref<1x64x128xf32, #tpu.memory_space<vmem>>
      %dma_start3A_790 = tpu.memref_squeeze %dma_start3A_789 : memref<1x64x128xf32, #tpu.memory_space<vmem>> -> memref<64x128xf32, #tpu.memory_space<vmem>>
      %dma_start3A_791 = arith.constant 0 : i32
      %dma_start3A_792 = tpu.memref_slice %arg4[%add3A_784, %dma_start3A_791] : memref<204800x128xf32, #tpu.memory_space<hbm>> -> memref<64x128xf32, #tpu.memory_space<hbm>>
      %dma_start3A_793 = tpu.memref_slice %arg8[%dma_start3A_786] : memref<10x!tpu.dma_semaphore, #tpu.memory_space<semaphore_mem>> -> memref<1x!tpu.dma_semaphore, #tpu.memory_space<semaphore_mem>>
      %dma_start3A_794 = tpu.memref_squeeze %dma_start3A_793 : memref<1x!tpu.dma_semaphore, #tpu.memory_space<semaphore_mem>> -> memref<!tpu.dma_semaphore, #tpu.memory_space<semaphore_mem>>
      %dma_start3A_795 = arith.constant 0 : i32
      %dma_start3A_796 = tpu.memref_slice %arg4[%add3A_784, %dma_start3A_795] : memref<204800x128xf32, #tpu.memory_space<hbm>> -> memref<64x128xf32, #tpu.memory_space<hbm>>
      %dma_start3A_797 = arith.constant 0 : i32
      %dma_start3A_798 = arith.constant 0 : i32
      %dma_start3A_799 = tpu.memref_slice %arg6[%dma_start3A_785, %dma_start3A_797, %dma_start3A_798] : memref<10x64x128xf32, #tpu.memory_space<vmem>> -> memref<1x64x128xf32, #tpu.memory_space<vmem>>
      %dma_start3A_800 = tpu.memref_squeeze %dma_start3A_799 : memref<1x64x128xf32, #tpu.memory_space<vmem>> -> memref<64x128xf32, #tpu.memory_space<vmem>>
      tpu.enqueue_dma source(%dma_start3A_800 : memref<64x128xf32, #tpu.memory_space<vmem>>) target(%dma_start3A_796 : memref<64x128xf32, #tpu.memory_space<hbm>>) target_semaphore(%dma_start3A_794 : memref<!tpu.dma_semaphore, #tpu.memory_space<semaphore_mem>>)
      %mul3A_801 = arith.constant 10 : i32
      %mul3A_802 = arith.muli %scan3A_187, %mul3A_801 : i32
      %add3A_803 = arith.constant 9 : i32
      %add3A_804 = arith.addi %mul3A_802, %add3A_803 : i32
      %dma_wait3A_805 = arith.constant 9 : i32
      %dma_wait3A_806 = arith.constant 9 : i32
      %dma_wait3A_807 = arith.constant 0 : i32
      %dma_wait3A_808 = arith.constant 0 : i32
      %dma_wait3A_809 = tpu.memref_slice %arg6[%dma_wait3A_805, %dma_wait3A_807, %dma_wait3A_808] : memref<10x64x128xf32, #tpu.memory_space<vmem>> -> memref<1x64x128xf32, #tpu.memory_space<vmem>>
      %dma_wait3A_810 = tpu.memref_squeeze %dma_wait3A_809 : memref<1x64x128xf32, #tpu.memory_space<vmem>> -> memref<64x128xf32, #tpu.memory_space<vmem>>
      %dma_wait3A_811 = arith.constant 0 : i32
      %dma_wait3A_812 = tpu.memref_slice %arg5[%add3A_804, %dma_wait3A_811] : memref<100x64xi32, #tpu.memory_space<vmem>> -> memref<1x64xi32, #tpu.memory_space<vmem>>
      %dma_wait3A_813 = tpu.memref_squeeze %dma_wait3A_812 : memref<1x64xi32, #tpu.memory_space<vmem>> -> memref<64xi32, #tpu.memory_space<vmem>>
      %dma_wait3A_814 = arith.constant 0 : i32
      %dma_wait3A_815 = arith.constant 0 : i32
      %dma_wait3A_816 = tpu.memref_slice %arg3[%dma_wait3A_814, %dma_wait3A_815] : memref<100000x128xf32, #tpu.memory_space<hbm>> -> memref<100000x128xf32, #tpu.memory_space<hbm>>
      %dma_wait3A_817 = tpu.memref_slice %arg7[%dma_wait3A_806] : memref<10x!tpu.dma_semaphore, #tpu.memory_space<semaphore_mem>> -> memref<1x!tpu.dma_semaphore, #tpu.memory_space<semaphore_mem>>
      %dma_wait3A_818 = tpu.memref_squeeze %dma_wait3A_817 : memref<1x!tpu.dma_semaphore, #tpu.memory_space<semaphore_mem>> -> memref<!tpu.dma_semaphore, #tpu.memory_space<semaphore_mem>>
      tpu.wait_indirect_dma semaphore(%dma_wait3A_818 : memref<!tpu.dma_semaphore, #tpu.memory_space<semaphore_mem>>) src(%dma_wait3A_816 : memref<100000x128xf32, #tpu.memory_space<hbm>>) dst(%dma_wait3A_810 : memref<64x128xf32, #tpu.memory_space<vmem>>)
      %scan3A_819 = arith.constant 0 : i32
      %scan3A_820 = arith.constant 0 : i32
      %scan3A_821 = arith.constant 32 : i32
      %scan3A_822 = arith.addi %scan3A_820, %scan3A_821 : i32
      %scan3A_823 = arith.constant 1 : i32
      scf.for %scan3A_844 = %scan3A_820 to %scan3A_822 step %scan3A_823  : i32 {
        %mul3A_845 = arith.constant 2 : i32
        %mul3A_846 = arith.muli %mul3A_845, %scan3A_844 : i32
        %add3A_847 = arith.constant 0 : i32
        %add3A_848 = arith.addi %mul3A_846, %add3A_847 : i32
        %get3A = arith.constant 9 : i32
        %get3A_849 = arith.index_cast %get3A : i32 to index
        %get3A_850 = arith.index_cast %add3A_848 : i32 to index
        %get3A_851 = arith.constant 0 : index
        %get3A_852 = tpu.vector_load %arg6[%get3A_849, %get3A_850, %get3A_851] {strides = array<i32>} : memref<10x64x128xf32, #tpu.memory_space<vmem>>, vector<1x1x16xf32>,
        %get3A_853 = vector.shape_cast %get3A_852 : vector<1x1x16xf32> to vector<16xf32>
        %mul3A_854 = arith.constant 11.3137083 : f32
        %mul3A_855 = vector.broadcast %mul3A_854 : f32 to vector<16xf32>
        %mul3A_856 = arith.mulf %get3A_853, %mul3A_855 : vector<16xf32>
        %mul3A_857 = arith.constant 2 : i32
        %mul3A_858 = arith.muli %mul3A_857, %scan3A_844 : i32
        %add3A_859 = arith.constant 0 : i32
        %add3A_860 = arith.addi %mul3A_858, %add3A_859 : i32
        %swap3A = arith.constant 9 : i32
        %swap3A_861 = arith.index_cast %swap3A : i32 to index
        %swap3A_862 = arith.index_cast %add3A_860 : i32 to index
        %swap3A_863 = arith.constant 0 : index
        %swap3A_864 = tpu.vector_load %arg6[%swap3A_861, %swap3A_862, %swap3A_863] {strides = array<i32>} : memref<10x64x128xf32, #tpu.memory_space<vmem>>, vector<1x1x16xf32>,
        %swap3A_865 = vector.shape_cast %swap3A_864 : vector<1x1x16xf32> to vector<16xf32>
        %swap3A_866 = vector.shape_cast %mul3A_856 : vector<16xf32> to vector<1x1x16xf32>
        tpu.vector_store %arg6[%swap3A_861, %swap3A_862, %swap3A_863], %swap3A_866 {strides = array<i32>} : memref<10x64x128xf32, #tpu.memory_space<vmem>>, vector<1x1x16xf32>,
        %mul3A_867 = arith.constant 2 : i32
        %mul3A_868 = arith.muli %mul3A_867, %scan3A_844 : i32
        %add3A_869 = arith.constant 0 : i32
        %add3A_870 = arith.addi %mul3A_868, %add3A_869 : i32
        %get3A_871 = arith.constant 9 : i32
        %get3A_872 = arith.index_cast %get3A_871 : i32 to index
        %get3A_873 = arith.index_cast %add3A_870 : i32 to index
        %get3A_874 = arith.constant 16 : index
        %get3A_875 = tpu.vector_load %arg6[%get3A_872, %get3A_873, %get3A_874] {strides = array<i32>} : memref<10x64x128xf32, #tpu.memory_space<vmem>>, vector<1x1x16xf32>,
        %get3A_876 = vector.shape_cast %get3A_875 : vector<1x1x16xf32> to vector<16xf32>
        %mul3A_877 = arith.constant 11.3137083 : f32
        %mul3A_878 = vector.broadcast %mul3A_877 : f32 to vector<16xf32>
        %mul3A_879 = arith.mulf %get3A_876, %mul3A_878 : vector<16xf32>
        %mul3A_880 = arith.constant 2 : i32
        %mul3A_881 = arith.muli %mul3A_880, %scan3A_844 : i32
        %add3A_882 = arith.constant 0 : i32
        %add3A_883 = arith.addi %mul3A_881, %add3A_882 : i32
        %swap3A_884 = arith.constant 9 : i32
        %swap3A_885 = arith.index_cast %swap3A_884 : i32 to index
        %swap3A_886 = arith.index_cast %add3A_883 : i32 to index
        %swap3A_887 = arith.constant 16 : index
        %swap3A_888 = tpu.vector_load %arg6[%swap3A_885, %swap3A_886, %swap3A_887] {strides = array<i32>} : memref<10x64x128xf32, #tpu.memory_space<vmem>>, vector<1x1x16xf32>,
        %swap3A_889 = vector.shape_cast %swap3A_888 : vector<1x1x16xf32> to vector<16xf32>
        %swap3A_890 = vector.shape_cast %mul3A_879 : vector<16xf32> to vector<1x1x16xf32>
        tpu.vector_store %arg6[%swap3A_885, %swap3A_886, %swap3A_887], %swap3A_890 {strides = array<i32>} : memref<10x64x128xf32, #tpu.memory_space<vmem>>, vector<1x1x16xf32>,
        %mul3A_891 = arith.constant 2 : i32
        %mul3A_892 = arith.muli %mul3A_891, %scan3A_844 : i32
        %add3A_893 = arith.constant 0 : i32
        %add3A_894 = arith.addi %mul3A_892, %add3A_893 : i32
        %get3A_895 = arith.constant 9 : i32
        %get3A_896 = arith.index_cast %get3A_895 : i32 to index
        %get3A_897 = arith.index_cast %add3A_894 : i32 to index
        %get3A_898 = arith.constant 32 : index
        %get3A_899 = tpu.vector_load %arg6[%get3A_896, %get3A_897, %get3A_898] {strides = array<i32>} : memref<10x64x128xf32, #tpu.memory_space<vmem>>, vector<1x1x16xf32>,
        %get3A_900 = vector.shape_cast %get3A_899 : vector<1x1x16xf32> to vector<16xf32>
        %mul3A_901 = arith.constant 11.3137083 : f32
        %mul3A_902 = vector.broadcast %mul3A_901 : f32 to vector<16xf32>
        %mul3A_903 = arith.mulf %get3A_900, %mul3A_902 : vector<16xf32>
        %mul3A_904 = arith.constant 2 : i32
        %mul3A_905 = arith.muli %mul3A_904, %scan3A_844 : i32
        %add3A_906 = arith.constant 0 : i32
        %add3A_907 = arith.addi %mul3A_905, %add3A_906 : i32
        %swap3A_908 = arith.constant 9 : i32
        %swap3A_909 = arith.index_cast %swap3A_908 : i32 to index
        %swap3A_910 = arith.index_cast %add3A_907 : i32 to index
        %swap3A_911 = arith.constant 32 : index
        %swap3A_912 = tpu.vector_load %arg6[%swap3A_909, %swap3A_910, %swap3A_911] {strides = array<i32>} : memref<10x64x128xf32, #tpu.memory_space<vmem>>, vector<1x1x16xf32>,
        %swap3A_913 = vector.shape_cast %swap3A_912 : vector<1x1x16xf32> to vector<16xf32>
        %swap3A_914 = vector.shape_cast %mul3A_903 : vector<16xf32> to vector<1x1x16xf32>
        tpu.vector_store %arg6[%swap3A_909, %swap3A_910, %swap3A_911], %swap3A_914 {strides = array<i32>} : memref<10x64x128xf32, #tpu.memory_space<vmem>>, vector<1x1x16xf32>,
        %mul3A_915 = arith.constant 2 : i32
        %mul3A_916 = arith.muli %mul3A_915, %scan3A_844 : i32
        %add3A_917 = arith.constant 0 : i32
        %add3A_918 = arith.addi %mul3A_916, %add3A_917 : i32
        %get3A_919 = arith.constant 9 : i32
        %get3A_920 = arith.index_cast %get3A_919 : i32 to index
        %get3A_921 = arith.index_cast %add3A_918 : i32 to index
        %get3A_922 = arith.constant 48 : index
        %get3A_923 = tpu.vector_load %arg6[%get3A_920, %get3A_921, %get3A_922] {strides = array<i32>} : memref<10x64x128xf32, #tpu.memory_space<vmem>>, vector<1x1x16xf32>,
        %get3A_924 = vector.shape_cast %get3A_923 : vector<1x1x16xf32> to vector<16xf32>
        %mul3A_925 = arith.constant 11.3137083 : f32
        %mul3A_926 = vector.broadcast %mul3A_925 : f32 to vector<16xf32>
        %mul3A_927 = arith.mulf %get3A_924, %mul3A_926 : vector<16xf32>
        %mul3A_928 = arith.constant 2 : i32
        %mul3A_929 = arith.muli %mul3A_928, %scan3A_844 : i32
        %add3A_930 = arith.constant 0 : i32
        %add3A_931 = arith.addi %mul3A_929, %add3A_930 : i32
        %swap3A_932 = arith.constant 9 : i32
        %swap3A_933 = arith.index_cast %swap3A_932 : i32 to index
        %swap3A_934 = arith.index_cast %add3A_931 : i32 to index
        %swap3A_935 = arith.constant 48 : index
        %swap3A_936 = tpu.vector_load %arg6[%swap3A_933, %swap3A_934, %swap3A_935] {strides = array<i32>} : memref<10x64x128xf32, #tpu.memory_space<vmem>>, vector<1x1x16xf32>,
        %swap3A_937 = vector.shape_cast %swap3A_936 : vector<1x1x16xf32> to vector<16xf32>
        %swap3A_938 = vector.shape_cast %mul3A_927 : vector<16xf32> to vector<1x1x16xf32>
        tpu.vector_store %arg6[%swap3A_933, %swap3A_934, %swap3A_935], %swap3A_938 {strides = array<i32>} : memref<10x64x128xf32, #tpu.memory_space<vmem>>, vector<1x1x16xf32>,
        %mul3A_939 = arith.constant 2 : i32
        %mul3A_940 = arith.muli %mul3A_939, %scan3A_844 : i32
        %add3A_941 = arith.constant 0 : i32
        %add3A_942 = arith.addi %mul3A_940, %add3A_941 : i32
        %get3A_943 = arith.constant 9 : i32
        %get3A_944 = arith.index_cast %get3A_943 : i32 to index
        %get3A_945 = arith.index_cast %add3A_942 : i32 to index
        %get3A_946 = arith.constant 64 : index
        %get3A_947 = tpu.vector_load %arg6[%get3A_944, %get3A_945, %get3A_946] {strides = array<i32>} : memref<10x64x128xf32, #tpu.memory_space<vmem>>, vector<1x1x16xf32>,
        %get3A_948 = vector.shape_cast %get3A_947 : vector<1x1x16xf32> to vector<16xf32>
        %mul3A_949 = arith.constant 11.3137083 : f32
        %mul3A_950 = vector.broadcast %mul3A_949 : f32 to vector<16xf32>
        %mul3A_951 = arith.mulf %get3A_948, %mul3A_950 : vector<16xf32>
        %mul3A_952 = arith.constant 2 : i32
        %mul3A_953 = arith.muli %mul3A_952, %scan3A_844 : i32
        %add3A_954 = arith.constant 0 : i32
        %add3A_955 = arith.addi %mul3A_953, %add3A_954 : i32
        %swap3A_956 = arith.constant 9 : i32
        %swap3A_957 = arith.index_cast %swap3A_956 : i32 to index
        %swap3A_958 = arith.index_cast %add3A_955 : i32 to index
        %swap3A_959 = arith.constant 64 : index
        %swap3A_960 = tpu.vector_load %arg6[%swap3A_957, %swap3A_958, %swap3A_959] {strides = array<i32>} : memref<10x64x128xf32, #tpu.memory_space<vmem>>, vector<1x1x16xf32>,
        %swap3A_961 = vector.shape_cast %swap3A_960 : vector<1x1x16xf32> to vector<16xf32>
        %swap3A_962 = vector.shape_cast %mul3A_951 : vector<16xf32> to vector<1x1x16xf32>
        tpu.vector_store %arg6[%swap3A_957, %swap3A_958, %swap3A_959], %swap3A_962 {strides = array<i32>} : memref<10x64x128xf32, #tpu.memory_space<vmem>>, vector<1x1x16xf32>,
        %mul3A_963 = arith.constant 2 : i32
        %mul3A_964 = arith.muli %mul3A_963, %scan3A_844 : i32
        %add3A_965 = arith.constant 0 : i32
        %add3A_966 = arith.addi %mul3A_964, %add3A_965 : i32
        %get3A_967 = arith.constant 9 : i32
        %get3A_968 = arith.index_cast %get3A_967 : i32 to index
        %get3A_969 = arith.index_cast %add3A_966 : i32 to index
        %get3A_970 = arith.constant 80 : index
        %get3A_971 = tpu.vector_load %arg6[%get3A_968, %get3A_969, %get3A_970] {strides = array<i32>} : memref<10x64x128xf32, #tpu.memory_space<vmem>>, vector<1x1x16xf32>,
        %get3A_972 = vector.shape_cast %get3A_971 : vector<1x1x16xf32> to vector<16xf32>
        %mul3A_973 = arith.constant 11.3137083 : f32
        %mul3A_974 = vector.broadcast %mul3A_973 : f32 to vector<16xf32>
        %mul3A_975 = arith.mulf %get3A_972, %mul3A_974 : vector<16xf32>
        %mul3A_976 = arith.constant 2 : i32
        %mul3A_977 = arith.muli %mul3A_976, %scan3A_844 : i32
        %add3A_978 = arith.constant 0 : i32
        %add3A_979 = arith.addi %mul3A_977, %add3A_978 : i32
        %swap3A_980 = arith.constant 9 : i32
        %swap3A_981 = arith.index_cast %swap3A_980 : i32 to index
        %swap3A_982 = arith.index_cast %add3A_979 : i32 to index
        %swap3A_983 = arith.constant 80 : index
        %swap3A_984 = tpu.vector_load %arg6[%swap3A_981, %swap3A_982, %swap3A_983] {strides = array<i32>} : memref<10x64x128xf32, #tpu.memory_space<vmem>>, vector<1x1x16xf32>,
        %swap3A_985 = vector.shape_cast %swap3A_984 : vector<1x1x16xf32> to vector<16xf32>
        %swap3A_986 = vector.shape_cast %mul3A_975 : vector<16xf32> to vector<1x1x16xf32>
        tpu.vector_store %arg6[%swap3A_981, %swap3A_982, %swap3A_983], %swap3A_986 {strides = array<i32>} : memref<10x64x128xf32, #tpu.memory_space<vmem>>, vector<1x1x16xf32>,
        %mul3A_987 = arith.constant 2 : i32
        %mul3A_988 = arith.muli %mul3A_987, %scan3A_844 : i32
        %add3A_989 = arith.constant 0 : i32
        %add3A_990 = arith.addi %mul3A_988, %add3A_989 : i32
        %get3A_991 = arith.constant 9 : i32
        %get3A_992 = arith.index_cast %get3A_991 : i32 to index
        %get3A_993 = arith.index_cast %add3A_990 : i32 to index
        %get3A_994 = arith.constant 96 : index
        %get3A_995 = tpu.vector_load %arg6[%get3A_992, %get3A_993, %get3A_994] {strides = array<i32>} : memref<10x64x128xf32, #tpu.memory_space<vmem>>, vector<1x1x16xf32>,
        %get3A_996 = vector.shape_cast %get3A_995 : vector<1x1x16xf32> to vector<16xf32>
        %mul3A_997 = arith.constant 11.3137083 : f32
        %mul3A_998 = vector.broadcast %mul3A_997 : f32 to vector<16xf32>
        %mul3A_999 = arith.mulf %get3A_996, %mul3A_998 : vector<16xf32>
        %mul3A_1000 = arith.constant 2 : i32
        %mul3A_1001 = arith.muli %mul3A_1000, %scan3A_844 : i32
        %add3A_1002 = arith.constant 0 : i32
        %add3A_1003 = arith.addi %mul3A_1001, %add3A_1002 : i32
        %swap3A_1004 = arith.constant 9 : i32
        %swap3A_1005 = arith.index_cast %swap3A_1004 : i32 to index
        %swap3A_1006 = arith.index_cast %add3A_1003 : i32 to index
        %swap3A_1007 = arith.constant 96 : index
        %swap3A_1008 = tpu.vector_load %arg6[%swap3A_1005, %swap3A_1006, %swap3A_1007] {strides = array<i32>} : memref<10x64x128xf32, #tpu.memory_space<vmem>>, vector<1x1x16xf32>,
        %swap3A_1009 = vector.shape_cast %swap3A_1008 : vector<1x1x16xf32> to vector<16xf32>
        %swap3A_1010 = vector.shape_cast %mul3A_999 : vector<16xf32> to vector<1x1x16xf32>
        tpu.vector_store %arg6[%swap3A_1005, %swap3A_1006, %swap3A_1007], %swap3A_1010 {strides = array<i32>} : memref<10x64x128xf32, #tpu.memory_space<vmem>>, vector<1x1x16xf32>,
        %mul3A_1011 = arith.constant 2 : i32
        %mul3A_1012 = arith.muli %mul3A_1011, %scan3A_844 : i32
        %add3A_1013 = arith.constant 0 : i32
        %add3A_1014 = arith.addi %mul3A_1012, %add3A_1013 : i32
        %get3A_1015 = arith.constant 9 : i32
        %get3A_1016 = arith.index_cast %get3A_1015 : i32 to index
        %get3A_1017 = arith.index_cast %add3A_1014 : i32 to index
        %get3A_1018 = arith.constant 112 : index
        %get3A_1019 = tpu.vector_load %arg6[%get3A_1016, %get3A_1017, %get3A_1018] {strides = array<i32>} : memref<10x64x128xf32, #tpu.memory_space<vmem>>, vector<1x1x16xf32>,
        %get3A_1020 = vector.shape_cast %get3A_1019 : vector<1x1x16xf32> to vector<16xf32>
        %mul3A_1021 = arith.constant 11.3137083 : f32
        %mul3A_1022 = vector.broadcast %mul3A_1021 : f32 to vector<16xf32>
        %mul3A_1023 = arith.mulf %get3A_1020, %mul3A_1022 : vector<16xf32>
        %mul3A_1024 = arith.constant 2 : i32
        %mul3A_1025 = arith.muli %mul3A_1024, %scan3A_844 : i32
        %add3A_1026 = arith.constant 0 : i32
        %add3A_1027 = arith.addi %mul3A_1025, %add3A_1026 : i32
        %swap3A_1028 = arith.constant 9 : i32
        %swap3A_1029 = arith.index_cast %swap3A_1028 : i32 to index
        %swap3A_1030 = arith.index_cast %add3A_1027 : i32 to index
        %swap3A_1031 = arith.constant 112 : index
        %swap3A_1032 = tpu.vector_load %arg6[%swap3A_1029, %swap3A_1030, %swap3A_1031] {strides = array<i32>} : memref<10x64x128xf32, #tpu.memory_space<vmem>>, vector<1x1x16xf32>,
        %swap3A_1033 = vector.shape_cast %swap3A_1032 : vector<1x1x16xf32> to vector<16xf32>
        %swap3A_1034 = vector.shape_cast %mul3A_1023 : vector<16xf32> to vector<1x1x16xf32>
        tpu.vector_store %arg6[%swap3A_1029, %swap3A_1030, %swap3A_1031], %swap3A_1034 {strides = array<i32>} : memref<10x64x128xf32, #tpu.memory_space<vmem>>, vector<1x1x16xf32>,
        %mul3A_1035 = arith.constant 2 : i32
        %mul3A_1036 = arith.muli %mul3A_1035, %scan3A_844 : i32
        %add3A_1037 = arith.constant 1 : i32
        %add3A_1038 = arith.addi %mul3A_1036, %add3A_1037 : i32
        %get3A_1039 = arith.constant 9 : i32
        %get3A_1040 = arith.index_cast %get3A_1039 : i32 to index
        %get3A_1041 = arith.index_cast %add3A_1038 : i32 to index
        %get3A_1042 = arith.constant 0 : index
        %get3A_1043 = tpu.vector_load %arg6[%get3A_1040, %get3A_1041, %get3A_1042] {strides = array<i32>} : memref<10x64x128xf32, #tpu.memory_space<vmem>>, vector<1x1x16xf32>,
        %get3A_1044 = vector.shape_cast %get3A_1043 : vector<1x1x16xf32> to vector<16xf32>
        %mul3A_1045 = arith.constant 11.3137083 : f32
        %mul3A_1046 = vector.broadcast %mul3A_1045 : f32 to vector<16xf32>
        %mul3A_1047 = arith.mulf %get3A_1044, %mul3A_1046 : vector<16xf32>
        %mul3A_1048 = arith.constant 2 : i32
        %mul3A_1049 = arith.muli %mul3A_1048, %scan3A_844 : i32
        %add3A_1050 = arith.constant 1 : i32
        %add3A_1051 = arith.addi %mul3A_1049, %add3A_1050 : i32
        %swap3A_1052 = arith.constant 9 : i32
        %swap3A_1053 = arith.index_cast %swap3A_1052 : i32 to index
        %swap3A_1054 = arith.index_cast %add3A_1051 : i32 to index
        %swap3A_1055 = arith.constant 0 : index
        %swap3A_1056 = tpu.vector_load %arg6[%swap3A_1053, %swap3A_1054, %swap3A_1055] {strides = array<i32>} : memref<10x64x128xf32, #tpu.memory_space<vmem>>, vector<1x1x16xf32>,
        %swap3A_1057 = vector.shape_cast %swap3A_1056 : vector<1x1x16xf32> to vector<16xf32>
        %swap3A_1058 = vector.shape_cast %mul3A_1047 : vector<16xf32> to vector<1x1x16xf32>
        tpu.vector_store %arg6[%swap3A_1053, %swap3A_1054, %swap3A_1055], %swap3A_1058 {strides = array<i32>} : memref<10x64x128xf32, #tpu.memory_space<vmem>>, vector<1x1x16xf32>,
        %mul3A_1059 = arith.constant 2 : i32
        %mul3A_1060 = arith.muli %mul3A_1059, %scan3A_844 : i32
        %add3A_1061 = arith.constant 1 : i32
        %add3A_1062 = arith.addi %mul3A_1060, %add3A_1061 : i32
        %get3A_1063 = arith.constant 9 : i32
        %get3A_1064 = arith.index_cast %get3A_1063 : i32 to index
        %get3A_1065 = arith.index_cast %add3A_1062 : i32 to index
        %get3A_1066 = arith.constant 16 : index
        %get3A_1067 = tpu.vector_load %arg6[%get3A_1064, %get3A_1065, %get3A_1066] {strides = array<i32>} : memref<10x64x128xf32, #tpu.memory_space<vmem>>, vector<1x1x16xf32>,
        %get3A_1068 = vector.shape_cast %get3A_1067 : vector<1x1x16xf32> to vector<16xf32>
        %mul3A_1069 = arith.constant 11.3137083 : f32
        %mul3A_1070 = vector.broadcast %mul3A_1069 : f32 to vector<16xf32>
        %mul3A_1071 = arith.mulf %get3A_1068, %mul3A_1070 : vector<16xf32>
        %mul3A_1072 = arith.constant 2 : i32
        %mul3A_1073 = arith.muli %mul3A_1072, %scan3A_844 : i32
        %add3A_1074 = arith.constant 1 : i32
        %add3A_1075 = arith.addi %mul3A_1073, %add3A_1074 : i32
        %swap3A_1076 = arith.constant 9 : i32
        %swap3A_1077 = arith.index_cast %swap3A_1076 : i32 to index
        %swap3A_1078 = arith.index_cast %add3A_1075 : i32 to index
        %swap3A_1079 = arith.constant 16 : index
        %swap3A_1080 = tpu.vector_load %arg6[%swap3A_1077, %swap3A_1078, %swap3A_1079] {strides = array<i32>} : memref<10x64x128xf32, #tpu.memory_space<vmem>>, vector<1x1x16xf32>,
        %swap3A_1081 = vector.shape_cast %swap3A_1080 : vector<1x1x16xf32> to vector<16xf32>
        %swap3A_1082 = vector.shape_cast %mul3A_1071 : vector<16xf32> to vector<1x1x16xf32>
        tpu.vector_store %arg6[%swap3A_1077, %swap3A_1078, %swap3A_1079], %swap3A_1082 {strides = array<i32>} : memref<10x64x128xf32, #tpu.memory_space<vmem>>, vector<1x1x16xf32>,
        %mul3A_1083 = arith.constant 2 : i32
        %mul3A_1084 = arith.muli %mul3A_1083, %scan3A_844 : i32
        %add3A_1085 = arith.constant 1 : i32
        %add3A_1086 = arith.addi %mul3A_1084, %add3A_1085 : i32
        %get3A_1087 = arith.constant 9 : i32
        %get3A_1088 = arith.index_cast %get3A_1087 : i32 to index
        %get3A_1089 = arith.index_cast %add3A_1086 : i32 to index
        %get3A_1090 = arith.constant 32 : index
        %get3A_1091 = tpu.vector_load %arg6[%get3A_1088, %get3A_1089, %get3A_1090] {strides = array<i32>} : memref<10x64x128xf32, #tpu.memory_space<vmem>>, vector<1x1x16xf32>,
        %get3A_1092 = vector.shape_cast %get3A_1091 : vector<1x1x16xf32> to vector<16xf32>
        %mul3A_1093 = arith.constant 11.3137083 : f32
        %mul3A_1094 = vector.broadcast %mul3A_1093 : f32 to vector<16xf32>
        %mul3A_1095 = arith.mulf %get3A_1092, %mul3A_1094 : vector<16xf32>
        %mul3A_1096 = arith.constant 2 : i32
        %mul3A_1097 = arith.muli %mul3A_1096, %scan3A_844 : i32
        %add3A_1098 = arith.constant 1 : i32
        %add3A_1099 = arith.addi %mul3A_1097, %add3A_1098 : i32
        %swap3A_1100 = arith.constant 9 : i32
        %swap3A_1101 = arith.index_cast %swap3A_1100 : i32 to index
        %swap3A_1102 = arith.index_cast %add3A_1099 : i32 to index
        %swap3A_1103 = arith.constant 32 : index
        %swap3A_1104 = tpu.vector_load %arg6[%swap3A_1101, %swap3A_1102, %swap3A_1103] {strides = array<i32>} : memref<10x64x128xf32, #tpu.memory_space<vmem>>, vector<1x1x16xf32>,
        %swap3A_1105 = vector.shape_cast %swap3A_1104 : vector<1x1x16xf32> to vector<16xf32>
        %swap3A_1106 = vector.shape_cast %mul3A_1095 : vector<16xf32> to vector<1x1x16xf32>
        tpu.vector_store %arg6[%swap3A_1101, %swap3A_1102, %swap3A_1103], %swap3A_1106 {strides = array<i32>} : memref<10x64x128xf32, #tpu.memory_space<vmem>>, vector<1x1x16xf32>,
        %mul3A_1107 = arith.constant 2 : i32
        %mul3A_1108 = arith.muli %mul3A_1107, %scan3A_844 : i32
        %add3A_1109 = arith.constant 1 : i32
        %add3A_1110 = arith.addi %mul3A_1108, %add3A_1109 : i32
        %get3A_1111 = arith.constant 9 : i32
        %get3A_1112 = arith.index_cast %get3A_1111 : i32 to index
        %get3A_1113 = arith.index_cast %add3A_1110 : i32 to index
        %get3A_1114 = arith.constant 48 : index
        %get3A_1115 = tpu.vector_load %arg6[%get3A_1112, %get3A_1113, %get3A_1114] {strides = array<i32>} : memref<10x64x128xf32, #tpu.memory_space<vmem>>, vector<1x1x16xf32>,
        %get3A_1116 = vector.shape_cast %get3A_1115 : vector<1x1x16xf32> to vector<16xf32>
        %mul3A_1117 = arith.constant 11.3137083 : f32
        %mul3A_1118 = vector.broadcast %mul3A_1117 : f32 to vector<16xf32>
        %mul3A_1119 = arith.mulf %get3A_1116, %mul3A_1118 : vector<16xf32>
        %mul3A_1120 = arith.constant 2 : i32
        %mul3A_1121 = arith.muli %mul3A_1120, %scan3A_844 : i32
        %add3A_1122 = arith.constant 1 : i32
        %add3A_1123 = arith.addi %mul3A_1121, %add3A_1122 : i32
        %swap3A_1124 = arith.constant 9 : i32
        %swap3A_1125 = arith.index_cast %swap3A_1124 : i32 to index
        %swap3A_1126 = arith.index_cast %add3A_1123 : i32 to index
        %swap3A_1127 = arith.constant 48 : index
        %swap3A_1128 = tpu.vector_load %arg6[%swap3A_1125, %swap3A_1126, %swap3A_1127] {strides = array<i32>} : memref<10x64x128xf32, #tpu.memory_space<vmem>>, vector<1x1x16xf32>,
        %swap3A_1129 = vector.shape_cast %swap3A_1128 : vector<1x1x16xf32> to vector<16xf32>
        %swap3A_1130 = vector.shape_cast %mul3A_1119 : vector<16xf32> to vector<1x1x16xf32>
        tpu.vector_store %arg6[%swap3A_1125, %swap3A_1126, %swap3A_1127], %swap3A_1130 {strides = array<i32>} : memref<10x64x128xf32, #tpu.memory_space<vmem>>, vector<1x1x16xf32>,
        %mul3A_1131 = arith.constant 2 : i32
        %mul3A_1132 = arith.muli %mul3A_1131, %scan3A_844 : i32
        %add3A_1133 = arith.constant 1 : i32
        %add3A_1134 = arith.addi %mul3A_1132, %add3A_1133 : i32
        %get3A_1135 = arith.constant 9 : i32
        %get3A_1136 = arith.index_cast %get3A_1135 : i32 to index
        %get3A_1137 = arith.index_cast %add3A_1134 : i32 to index
        %get3A_1138 = arith.constant 64 : index
        %get3A_1139 = tpu.vector_load %arg6[%get3A_1136, %get3A_1137, %get3A_1138] {strides = array<i32>} : memref<10x64x128xf32, #tpu.memory_space<vmem>>, vector<1x1x16xf32>,
        %get3A_1140 = vector.shape_cast %get3A_1139 : vector<1x1x16xf32> to vector<16xf32>
        %mul3A_1141 = arith.constant 11.3137083 : f32
        %mul3A_1142 = vector.broadcast %mul3A_1141 : f32 to vector<16xf32>
        %mul3A_1143 = arith.mulf %get3A_1140, %mul3A_1142 : vector<16xf32>
        %mul3A_1144 = arith.constant 2 : i32
        %mul3A_1145 = arith.muli %mul3A_1144, %scan3A_844 : i32
        %add3A_1146 = arith.constant 1 : i32
        %add3A_1147 = arith.addi %mul3A_1145, %add3A_1146 : i32
        %swap3A_1148 = arith.constant 9 : i32
        %swap3A_1149 = arith.index_cast %swap3A_1148 : i32 to index
        %swap3A_1150 = arith.index_cast %add3A_1147 : i32 to index
        %swap3A_1151 = arith.constant 64 : index
        %swap3A_1152 = tpu.vector_load %arg6[%swap3A_1149, %swap3A_1150, %swap3A_1151] {strides = array<i32>} : memref<10x64x128xf32, #tpu.memory_space<vmem>>, vector<1x1x16xf32>,
        %swap3A_1153 = vector.shape_cast %swap3A_1152 : vector<1x1x16xf32> to vector<16xf32>
        %swap3A_1154 = vector.shape_cast %mul3A_1143 : vector<16xf32> to vector<1x1x16xf32>
        tpu.vector_store %arg6[%swap3A_1149, %swap3A_1150, %swap3A_1151], %swap3A_1154 {strides = array<i32>} : memref<10x64x128xf32, #tpu.memory_space<vmem>>, vector<1x1x16xf32>,
        %mul3A_1155 = arith.constant 2 : i32
        %mul3A_1156 = arith.muli %mul3A_1155, %scan3A_844 : i32
        %add3A_1157 = arith.constant 1 : i32
        %add3A_1158 = arith.addi %mul3A_1156, %add3A_1157 : i32
        %get3A_1159 = arith.constant 9 : i32
        %get3A_1160 = arith.index_cast %get3A_1159 : i32 to index
        %get3A_1161 = arith.index_cast %add3A_1158 : i32 to index
        %get3A_1162 = arith.constant 80 : index
        %get3A_1163 = tpu.vector_load %arg6[%get3A_1160, %get3A_1161, %get3A_1162] {strides = array<i32>} : memref<10x64x128xf32, #tpu.memory_space<vmem>>, vector<1x1x16xf32>,
        %get3A_1164 = vector.shape_cast %get3A_1163 : vector<1x1x16xf32> to vector<16xf32>
        %mul3A_1165 = arith.constant 11.3137083 : f32
        %mul3A_1166 = vector.broadcast %mul3A_1165 : f32 to vector<16xf32>
        %mul3A_1167 = arith.mulf %get3A_1164, %mul3A_1166 : vector<16xf32>
        %mul3A_1168 = arith.constant 2 : i32
        %mul3A_1169 = arith.muli %mul3A_1168, %scan3A_844 : i32
        %add3A_1170 = arith.constant 1 : i32
        %add3A_1171 = arith.addi %mul3A_1169, %add3A_1170 : i32
        %swap3A_1172 = arith.constant 9 : i32
        %swap3A_1173 = arith.index_cast %swap3A_1172 : i32 to index
        %swap3A_1174 = arith.index_cast %add3A_1171 : i32 to index
        %swap3A_1175 = arith.constant 80 : index
        %swap3A_1176 = tpu.vector_load %arg6[%swap3A_1173, %swap3A_1174, %swap3A_1175] {strides = array<i32>} : memref<10x64x128xf32, #tpu.memory_space<vmem>>, vector<1x1x16xf32>,
        %swap3A_1177 = vector.shape_cast %swap3A_1176 : vector<1x1x16xf32> to vector<16xf32>
        %swap3A_1178 = vector.shape_cast %mul3A_1167 : vector<16xf32> to vector<1x1x16xf32>
        tpu.vector_store %arg6[%swap3A_1173, %swap3A_1174, %swap3A_1175], %swap3A_1178 {strides = array<i32>} : memref<10x64x128xf32, #tpu.memory_space<vmem>>, vector<1x1x16xf32>,
        %mul3A_1179 = arith.constant 2 : i32
        %mul3A_1180 = arith.muli %mul3A_1179, %scan3A_844 : i32
        %add3A_1181 = arith.constant 1 : i32
        %add3A_1182 = arith.addi %mul3A_1180, %add3A_1181 : i32
        %get3A_1183 = arith.constant 9 : i32
        %get3A_1184 = arith.index_cast %get3A_1183 : i32 to index
        %get3A_1185 = arith.index_cast %add3A_1182 : i32 to index
        %get3A_1186 = arith.constant 96 : index
        %get3A_1187 = tpu.vector_load %arg6[%get3A_1184, %get3A_1185, %get3A_1186] {strides = array<i32>} : memref<10x64x128xf32, #tpu.memory_space<vmem>>, vector<1x1x16xf32>,
        %get3A_1188 = vector.shape_cast %get3A_1187 : vector<1x1x16xf32> to vector<16xf32>
        %mul3A_1189 = arith.constant 11.3137083 : f32
        %mul3A_1190 = vector.broadcast %mul3A_1189 : f32 to vector<16xf32>
        %mul3A_1191 = arith.mulf %get3A_1188, %mul3A_1190 : vector<16xf32>
        %mul3A_1192 = arith.constant 2 : i32
        %mul3A_1193 = arith.muli %mul3A_1192, %scan3A_844 : i32
        %add3A_1194 = arith.constant 1 : i32
        %add3A_1195 = arith.addi %mul3A_1193, %add3A_1194 : i32
        %swap3A_1196 = arith.constant 9 : i32
        %swap3A_1197 = arith.index_cast %swap3A_1196 : i32 to index
        %swap3A_1198 = arith.index_cast %add3A_1195 : i32 to index
        %swap3A_1199 = arith.constant 96 : index
        %swap3A_1200 = tpu.vector_load %arg6[%swap3A_1197, %swap3A_1198, %swap3A_1199] {strides = array<i32>} : memref<10x64x128xf32, #tpu.memory_space<vmem>>, vector<1x1x16xf32>,
        %swap3A_1201 = vector.shape_cast %swap3A_1200 : vector<1x1x16xf32> to vector<16xf32>
        %swap3A_1202 = vector.shape_cast %mul3A_1191 : vector<16xf32> to vector<1x1x16xf32>
        tpu.vector_store %arg6[%swap3A_1197, %swap3A_1198, %swap3A_1199], %swap3A_1202 {strides = array<i32>} : memref<10x64x128xf32, #tpu.memory_space<vmem>>, vector<1x1x16xf32>,
        %mul3A_1203 = arith.constant 2 : i32
        %mul3A_1204 = arith.muli %mul3A_1203, %scan3A_844 : i32
        %add3A_1205 = arith.constant 1 : i32
        %add3A_1206 = arith.addi %mul3A_1204, %add3A_1205 : i32
        %get3A_1207 = arith.constant 9 : i32
        %get3A_1208 = arith.index_cast %get3A_1207 : i32 to index
        %get3A_1209 = arith.index_cast %add3A_1206 : i32 to index
        %get3A_1210 = arith.constant 112 : index
        %get3A_1211 = tpu.vector_load %arg6[%get3A_1208, %get3A_1209, %get3A_1210] {strides = array<i32>} : memref<10x64x128xf32, #tpu.memory_space<vmem>>, vector<1x1x16xf32>,
        %get3A_1212 = vector.shape_cast %get3A_1211 : vector<1x1x16xf32> to vector<16xf32>
        %mul3A_1213 = arith.constant 11.3137083 : f32
        %mul3A_1214 = vector.broadcast %mul3A_1213 : f32 to vector<16xf32>
        %mul3A_1215 = arith.mulf %get3A_1212, %mul3A_1214 : vector<16xf32>
        %mul3A_1216 = arith.constant 2 : i32
        %mul3A_1217 = arith.muli %mul3A_1216, %scan3A_844 : i32
        %add3A_1218 = arith.constant 1 : i32
        %add3A_1219 = arith.addi %mul3A_1217, %add3A_1218 : i32
        %swap3A_1220 = arith.constant 9 : i32
        %swap3A_1221 = arith.index_cast %swap3A_1220 : i32 to index
        %swap3A_1222 = arith.index_cast %add3A_1219 : i32 to index
        %swap3A_1223 = arith.constant 112 : index
        %swap3A_1224 = tpu.vector_load %arg6[%swap3A_1221, %swap3A_1222, %swap3A_1223] {strides = array<i32>} : memref<10x64x128xf32, #tpu.memory_space<vmem>>, vector<1x1x16xf32>,
        %swap3A_1225 = vector.shape_cast %swap3A_1224 : vector<1x1x16xf32> to vector<16xf32>
        %swap3A_1226 = vector.shape_cast %mul3A_1215 : vector<16xf32> to vector<1x1x16xf32>
        tpu.vector_store %arg6[%swap3A_1221, %swap3A_1222, %swap3A_1223], %swap3A_1226 {strides = array<i32>} : memref<10x64x128xf32, #tpu.memory_space<vmem>>, vector<1x1x16xf32>,
      }
      %scan3A_824 = arith.constant 32 : i32
      %mul3A_825 = arith.constant 64 : i32
      %mul3A_826 = arith.muli %add3A_804, %mul3A_825 : i32
      %add3A_827 = arith.addi %mul3A_2, %mul3A_826 : i32
      %dma_start3A_828 = arith.constant 9 : i32
      %dma_start3A_829 = arith.constant 9 : i32
      %dma_start3A_830 = arith.constant 0 : i32
      %dma_start3A_831 = arith.constant 0 : i32
      %dma_start3A_832 = tpu.memref_slice %arg6[%dma_start3A_828, %dma_start3A_830, %dma_start3A_831] : memref<10x64x128xf32, #tpu.memory_space<vmem>> -> memref<1x64x128xf32, #tpu.memory_space<vmem>>
      %dma_start3A_833 = tpu.memref_squeeze %dma_start3A_832 : memref<1x64x128xf32, #tpu.memory_space<vmem>> -> memref<64x128xf32, #tpu.memory_space<vmem>>
      %dma_start3A_834 = arith.constant 0 : i32
      %dma_start3A_835 = tpu.memref_slice %arg4[%add3A_827, %dma_start3A_834] : memref<204800x128xf32, #tpu.memory_space<hbm>> -> memref<64x128xf32, #tpu.memory_space<hbm>>
      %dma_start3A_836 = tpu.memref_slice %arg8[%dma_start3A_829] : memref<10x!tpu.dma_semaphore, #tpu.memory_space<semaphore_mem>> -> memref<1x!tpu.dma_semaphore, #tpu.memory_space<semaphore_mem>>
      %dma_start3A_837 = tpu.memref_squeeze %dma_start3A_836 : memref<1x!tpu.dma_semaphore, #tpu.memory_space<semaphore_mem>> -> memref<!tpu.dma_semaphore, #tpu.memory_space<semaphore_mem>>
      %dma_start3A_838 = arith.constant 0 : i32
      %dma_start3A_839 = tpu.memref_slice %arg4[%add3A_827, %dma_start3A_838] : memref<204800x128xf32, #tpu.memory_space<hbm>> -> memref<64x128xf32, #tpu.memory_space<hbm>>
      %dma_start3A_840 = arith.constant 0 : i32
      %dma_start3A_841 = arith.constant 0 : i32
      %dma_start3A_842 = tpu.memref_slice %arg6[%dma_start3A_828, %dma_start3A_840, %dma_start3A_841] : memref<10x64x128xf32, #tpu.memory_space<vmem>> -> memref<1x64x128xf32, #tpu.memory_space<vmem>>
      %dma_start3A_843 = tpu.memref_squeeze %dma_start3A_842 : memref<1x64x128xf32, #tpu.memory_space<vmem>> -> memref<64x128xf32, #tpu.memory_space<vmem>>
      tpu.enqueue_dma source(%dma_start3A_843 : memref<64x128xf32, #tpu.memory_space<vmem>>) target(%dma_start3A_839 : memref<64x128xf32, #tpu.memory_space<hbm>>) target_semaphore(%dma_start3A_837 : memref<!tpu.dma_semaphore, #tpu.memory_space<semaphore_mem>>)
    }
    %scan3A_7 = arith.constant 10 : i32
    %add3A_8 = arith.constant 5760 : i32
    %add3A_9 = arith.addi %mul3A_2, %add3A_8 : i32
    %dma_wait3A = arith.constant 0 : i32
    %dma_wait3A_10 = arith.constant 0 : i32
    %dma_wait3A_11 = arith.constant 0 : i32
    %dma_wait3A_12 = arith.constant 0 : i32
    %dma_wait3A_13 = tpu.memref_slice %arg6[%dma_wait3A, %dma_wait3A_11, %dma_wait3A_12] : memref<10x64x128xf32, #tpu.memory_space<vmem>> -> memref<1x64x128xf32, #tpu.memory_space<vmem>>
    %dma_wait3A_14 = tpu.memref_squeeze %dma_wait3A_13 : memref<1x64x128xf32, #tpu.memory_space<vmem>> -> memref<64x128xf32, #tpu.memory_space<vmem>>
    %dma_wait3A_15 = arith.constant 0 : i32
    %dma_wait3A_16 = tpu.memref_slice %arg4[%add3A_9, %dma_wait3A_15] : memref<204800x128xf32, #tpu.memory_space<hbm>> -> memref<64x128xf32, #tpu.memory_space<hbm>>
    %dma_wait3A_17 = tpu.memref_slice %arg8[%dma_wait3A_10] : memref<10x!tpu.dma_semaphore, #tpu.memory_space<semaphore_mem>> -> memref<1x!tpu.dma_semaphore, #tpu.memory_space<semaphore_mem>>
    %dma_wait3A_18 = tpu.memref_squeeze %dma_wait3A_17 : memref<1x!tpu.dma_semaphore, #tpu.memory_space<semaphore_mem>> -> memref<!tpu.dma_semaphore, #tpu.memory_space<semaphore_mem>>
    %dma_wait3A_19 = arith.constant 0 : i32
    %dma_wait3A_20 = tpu.memref_slice %arg4[%add3A_9, %dma_wait3A_19] : memref<204800x128xf32, #tpu.memory_space<hbm>> -> memref<64x128xf32, #tpu.memory_space<hbm>>
    %dma_wait3A_21 = arith.constant 0 : i32
    %dma_wait3A_22 = arith.constant 0 : i32
    %dma_wait3A_23 = tpu.memref_slice %arg6[%dma_wait3A, %dma_wait3A_21, %dma_wait3A_22] : memref<10x64x128xf32, #tpu.memory_space<vmem>> -> memref<1x64x128xf32, #tpu.memory_space<vmem>>
    %dma_wait3A_24 = tpu.memref_squeeze %dma_wait3A_23 : memref<1x64x128xf32, #tpu.memory_space<vmem>> -> memref<64x128xf32, #tpu.memory_space<vmem>>
    tpu.wait_dma2 semaphore(%dma_wait3A_18 : memref<!tpu.dma_semaphore, #tpu.memory_space<semaphore_mem>>) src(%dma_wait3A_24 : memref<64x128xf32, #tpu.memory_space<vmem>>) dst(%dma_wait3A_20 : memref<64x128xf32, #tpu.memory_space<hbm>>)
    %add3A_25 = arith.constant 5824 : i32
    %add3A_26 = arith.addi %mul3A_2, %add3A_25 : i32
    %dma_wait3A_27 = arith.constant 1 : i32
    %dma_wait3A_28 = arith.constant 1 : i32
    %dma_wait3A_29 = arith.constant 0 : i32
    %dma_wait3A_30 = arith.constant 0 : i32
    %dma_wait3A_31 = tpu.memref_slice %arg6[%dma_wait3A_27, %dma_wait3A_29, %dma_wait3A_30] : memref<10x64x128xf32, #tpu.memory_space<vmem>> -> memref<1x64x128xf32, #tpu.memory_space<vmem>>
    %dma_wait3A_32 = tpu.memref_squeeze %dma_wait3A_31 : memref<1x64x128xf32, #tpu.memory_space<vmem>> -> memref<64x128xf32, #tpu.memory_space<vmem>>
    %dma_wait3A_33 = arith.constant 0 : i32
    %dma_wait3A_34 = tpu.memref_slice %arg4[%add3A_26, %dma_wait3A_33] : memref<204800x128xf32, #tpu.memory_space<hbm>> -> memref<64x128xf32, #tpu.memory_space<hbm>>
    %dma_wait3A_35 = tpu.memref_slice %arg8[%dma_wait3A_28] : memref<10x!tpu.dma_semaphore, #tpu.memory_space<semaphore_mem>> -> memref<1x!tpu.dma_semaphore, #tpu.memory_space<semaphore_mem>>
    %dma_wait3A_36 = tpu.memref_squeeze %dma_wait3A_35 : memref<1x!tpu.dma_semaphore, #tpu.memory_space<semaphore_mem>> -> memref<!tpu.dma_semaphore, #tpu.memory_space<semaphore_mem>>
    %dma_wait3A_37 = arith.constant 0 : i32
    %dma_wait3A_38 = tpu.memref_slice %arg4[%add3A_26, %dma_wait3A_37] : memref<204800x128xf32, #tpu.memory_space<hbm>> -> memref<64x128xf32, #tpu.memory_space<hbm>>
    %dma_wait3A_39 = arith.constant 0 : i32
    %dma_wait3A_40 = arith.constant 0 : i32
    %dma_wait3A_41 = tpu.memref_slice %arg6[%dma_wait3A_27, %dma_wait3A_39, %dma_wait3A_40] : memref<10x64x128xf32, #tpu.memory_space<vmem>> -> memref<1x64x128xf32, #tpu.memory_space<vmem>>
    %dma_wait3A_42 = tpu.memref_squeeze %dma_wait3A_41 : memref<1x64x128xf32, #tpu.memory_space<vmem>> -> memref<64x128xf32, #tpu.memory_space<vmem>>
    tpu.wait_dma2 semaphore(%dma_wait3A_36 : memref<!tpu.dma_semaphore, #tpu.memory_space<semaphore_mem>>) src(%dma_wait3A_42 : memref<64x128xf32, #tpu.memory_space<vmem>>) dst(%dma_wait3A_38 : memref<64x128xf32, #tpu.memory_space<hbm>>)
    %add3A_43 = arith.constant 5888 : i32
    %add3A_44 = arith.addi %mul3A_2, %add3A_43 : i32
    %dma_wait3A_45 = arith.constant 2 : i32
    %dma_wait3A_46 = arith.constant 2 : i32
    %dma_wait3A_47 = arith.constant 0 : i32
    %dma_wait3A_48 = arith.constant 0 : i32
    %dma_wait3A_49 = tpu.memref_slice %arg6[%dma_wait3A_45, %dma_wait3A_47, %dma_wait3A_48] : memref<10x64x128xf32, #tpu.memory_space<vmem>> -> memref<1x64x128xf32, #tpu.memory_space<vmem>>
    %dma_wait3A_50 = tpu.memref_squeeze %dma_wait3A_49 : memref<1x64x128xf32, #tpu.memory_space<vmem>> -> memref<64x128xf32, #tpu.memory_space<vmem>>
    %dma_wait3A_51 = arith.constant 0 : i32
    %dma_wait3A_52 = tpu.memref_slice %arg4[%add3A_44, %dma_wait3A_51] : memref<204800x128xf32, #tpu.memory_space<hbm>> -> memref<64x128xf32, #tpu.memory_space<hbm>>
    %dma_wait3A_53 = tpu.memref_slice %arg8[%dma_wait3A_46] : memref<10x!tpu.dma_semaphore, #tpu.memory_space<semaphore_mem>> -> memref<1x!tpu.dma_semaphore, #tpu.memory_space<semaphore_mem>>
    %dma_wait3A_54 = tpu.memref_squeeze %dma_wait3A_53 : memref<1x!tpu.dma_semaphore, #tpu.memory_space<semaphore_mem>> -> memref<!tpu.dma_semaphore, #tpu.memory_space<semaphore_mem>>
    %dma_wait3A_55 = arith.constant 0 : i32
    %dma_wait3A_56 = tpu.memref_slice %arg4[%add3A_44, %dma_wait3A_55] : memref<204800x128xf32, #tpu.memory_space<hbm>> -> memref<64x128xf32, #tpu.memory_space<hbm>>
    %dma_wait3A_57 = arith.constant 0 : i32
    %dma_wait3A_58 = arith.constant 0 : i32
    %dma_wait3A_59 = tpu.memref_slice %arg6[%dma_wait3A_45, %dma_wait3A_57, %dma_wait3A_58] : memref<10x64x128xf32, #tpu.memory_space<vmem>> -> memref<1x64x128xf32, #tpu.memory_space<vmem>>
    %dma_wait3A_60 = tpu.memref_squeeze %dma_wait3A_59 : memref<1x64x128xf32, #tpu.memory_space<vmem>> -> memref<64x128xf32, #tpu.memory_space<vmem>>
    tpu.wait_dma2 semaphore(%dma_wait3A_54 : memref<!tpu.dma_semaphore, #tpu.memory_space<semaphore_mem>>) src(%dma_wait3A_60 : memref<64x128xf32, #tpu.memory_space<vmem>>) dst(%dma_wait3A_56 : memref<64x128xf32, #tpu.memory_space<hbm>>)
    %add3A_61 = arith.constant 5952 : i32
    %add3A_62 = arith.addi %mul3A_2, %add3A_61 : i32
    %dma_wait3A_63 = arith.constant 3 : i32
    %dma_wait3A_64 = arith.constant 3 : i32
    %dma_wait3A_65 = arith.constant 0 : i32
    %dma_wait3A_66 = arith.constant 0 : i32
    %dma_wait3A_67 = tpu.memref_slice %arg6[%dma_wait3A_63, %dma_wait3A_65, %dma_wait3A_66] : memref<10x64x128xf32, #tpu.memory_space<vmem>> -> memref<1x64x128xf32, #tpu.memory_space<vmem>>
    %dma_wait3A_68 = tpu.memref_squeeze %dma_wait3A_67 : memref<1x64x128xf32, #tpu.memory_space<vmem>> -> memref<64x128xf32, #tpu.memory_space<vmem>>
    %dma_wait3A_69 = arith.constant 0 : i32
    %dma_wait3A_70 = tpu.memref_slice %arg4[%add3A_62, %dma_wait3A_69] : memref<204800x128xf32, #tpu.memory_space<hbm>> -> memref<64x128xf32, #tpu.memory_space<hbm>>
    %dma_wait3A_71 = tpu.memref_slice %arg8[%dma_wait3A_64] : memref<10x!tpu.dma_semaphore, #tpu.memory_space<semaphore_mem>> -> memref<1x!tpu.dma_semaphore, #tpu.memory_space<semaphore_mem>>
    %dma_wait3A_72 = tpu.memref_squeeze %dma_wait3A_71 : memref<1x!tpu.dma_semaphore, #tpu.memory_space<semaphore_mem>> -> memref<!tpu.dma_semaphore, #tpu.memory_space<semaphore_mem>>
    %dma_wait3A_73 = arith.constant 0 : i32
    %dma_wait3A_74 = tpu.memref_slice %arg4[%add3A_62, %dma_wait3A_73] : memref<204800x128xf32, #tpu.memory_space<hbm>> -> memref<64x128xf32, #tpu.memory_space<hbm>>
    %dma_wait3A_75 = arith.constant 0 : i32
    %dma_wait3A_76 = arith.constant 0 : i32
    %dma_wait3A_77 = tpu.memref_slice %arg6[%dma_wait3A_63, %dma_wait3A_75, %dma_wait3A_76] : memref<10x64x128xf32, #tpu.memory_space<vmem>> -> memref<1x64x128xf32, #tpu.memory_space<vmem>>
    %dma_wait3A_78 = tpu.memref_squeeze %dma_wait3A_77 : memref<1x64x128xf32, #tpu.memory_space<vmem>> -> memref<64x128xf32, #tpu.memory_space<vmem>>
    tpu.wait_dma2 semaphore(%dma_wait3A_72 : memref<!tpu.dma_semaphore, #tpu.memory_space<semaphore_mem>>) src(%dma_wait3A_78 : memref<64x128xf32, #tpu.memory_space<vmem>>) dst(%dma_wait3A_74 : memref<64x128xf32, #tpu.memory_space<hbm>>)
    %add3A_79 = arith.constant 6016 : i32
    %add3A_80 = arith.addi %mul3A_2, %add3A_79 : i32
    %dma_wait3A_81 = arith.constant 4 : i32
    %dma_wait3A_82 = arith.constant 4 : i32
    %dma_wait3A_83 = arith.constant 0 : i32
    %dma_wait3A_84 = arith.constant 0 : i32
    %dma_wait3A_85 = tpu.memref_slice %arg6[%dma_wait3A_81, %dma_wait3A_83, %dma_wait3A_84] : memref<10x64x128xf32, #tpu.memory_space<vmem>> -> memref<1x64x128xf32, #tpu.memory_space<vmem>>
    %dma_wait3A_86 = tpu.memref_squeeze %dma_wait3A_85 : memref<1x64x128xf32, #tpu.memory_space<vmem>> -> memref<64x128xf32, #tpu.memory_space<vmem>>
    %dma_wait3A_87 = arith.constant 0 : i32
    %dma_wait3A_88 = tpu.memref_slice %arg4[%add3A_80, %dma_wait3A_87] : memref<204800x128xf32, #tpu.memory_space<hbm>> -> memref<64x128xf32, #tpu.memory_space<hbm>>
    %dma_wait3A_89 = tpu.memref_slice %arg8[%dma_wait3A_82] : memref<10x!tpu.dma_semaphore, #tpu.memory_space<semaphore_mem>> -> memref<1x!tpu.dma_semaphore, #tpu.memory_space<semaphore_mem>>
    %dma_wait3A_90 = tpu.memref_squeeze %dma_wait3A_89 : memref<1x!tpu.dma_semaphore, #tpu.memory_space<semaphore_mem>> -> memref<!tpu.dma_semaphore, #tpu.memory_space<semaphore_mem>>
    %dma_wait3A_91 = arith.constant 0 : i32
    %dma_wait3A_92 = tpu.memref_slice %arg4[%add3A_80, %dma_wait3A_91] : memref<204800x128xf32, #tpu.memory_space<hbm>> -> memref<64x128xf32, #tpu.memory_space<hbm>>
    %dma_wait3A_93 = arith.constant 0 : i32
    %dma_wait3A_94 = arith.constant 0 : i32
    %dma_wait3A_95 = tpu.memref_slice %arg6[%dma_wait3A_81, %dma_wait3A_93, %dma_wait3A_94] : memref<10x64x128xf32, #tpu.memory_space<vmem>> -> memref<1x64x128xf32, #tpu.memory_space<vmem>>
    %dma_wait3A_96 = tpu.memref_squeeze %dma_wait3A_95 : memref<1x64x128xf32, #tpu.memory_space<vmem>> -> memref<64x128xf32, #tpu.memory_space<vmem>>
    tpu.wait_dma2 semaphore(%dma_wait3A_90 : memref<!tpu.dma_semaphore, #tpu.memory_space<semaphore_mem>>) src(%dma_wait3A_96 : memref<64x128xf32, #tpu.memory_space<vmem>>) dst(%dma_wait3A_92 : memref<64x128xf32, #tpu.memory_space<hbm>>)
    %add3A_97 = arith.constant 6080 : i32
    %add3A_98 = arith.addi %mul3A_2, %add3A_97 : i32
    %dma_wait3A_99 = arith.constant 5 : i32
    %dma_wait3A_100 = arith.constant 5 : i32
    %dma_wait3A_101 = arith.constant 0 : i32
    %dma_wait3A_102 = arith.constant 0 : i32
    %dma_wait3A_103 = tpu.memref_slice %arg6[%dma_wait3A_99, %dma_wait3A_101, %dma_wait3A_102] : memref<10x64x128xf32, #tpu.memory_space<vmem>> -> memref<1x64x128xf32, #tpu.memory_space<vmem>>
    %dma_wait3A_104 = tpu.memref_squeeze %dma_wait3A_103 : memref<1x64x128xf32, #tpu.memory_space<vmem>> -> memref<64x128xf32, #tpu.memory_space<vmem>>
    %dma_wait3A_105 = arith.constant 0 : i32
    %dma_wait3A_106 = tpu.memref_slice %arg4[%add3A_98, %dma_wait3A_105] : memref<204800x128xf32, #tpu.memory_space<hbm>> -> memref<64x128xf32, #tpu.memory_space<hbm>>
    %dma_wait3A_107 = tpu.memref_slice %arg8[%dma_wait3A_100] : memref<10x!tpu.dma_semaphore, #tpu.memory_space<semaphore_mem>> -> memref<1x!tpu.dma_semaphore, #tpu.memory_space<semaphore_mem>>
    %dma_wait3A_108 = tpu.memref_squeeze %dma_wait3A_107 : memref<1x!tpu.dma_semaphore, #tpu.memory_space<semaphore_mem>> -> memref<!tpu.dma_semaphore, #tpu.memory_space<semaphore_mem>>
    %dma_wait3A_109 = arith.constant 0 : i32
    %dma_wait3A_110 = tpu.memref_slice %arg4[%add3A_98, %dma_wait3A_109] : memref<204800x128xf32, #tpu.memory_space<hbm>> -> memref<64x128xf32, #tpu.memory_space<hbm>>
    %dma_wait3A_111 = arith.constant 0 : i32
    %dma_wait3A_112 = arith.constant 0 : i32
    %dma_wait3A_113 = tpu.memref_slice %arg6[%dma_wait3A_99, %dma_wait3A_111, %dma_wait3A_112] : memref<10x64x128xf32, #tpu.memory_space<vmem>> -> memref<1x64x128xf32, #tpu.memory_space<vmem>>
    %dma_wait3A_114 = tpu.memref_squeeze %dma_wait3A_113 : memref<1x64x128xf32, #tpu.memory_space<vmem>> -> memref<64x128xf32, #tpu.memory_space<vmem>>
    tpu.wait_dma2 semaphore(%dma_wait3A_108 : memref<!tpu.dma_semaphore, #tpu.memory_space<semaphore_mem>>) src(%dma_wait3A_114 : memref<64x128xf32, #tpu.memory_space<vmem>>) dst(%dma_wait3A_110 : memref<64x128xf32, #tpu.memory_space<hbm>>)
    %add3A_115 = arith.constant 6144 : i32
    %add3A_116 = arith.addi %mul3A_2, %add3A_115 : i32
    %dma_wait3A_117 = arith.constant 6 : i32
    %dma_wait3A_118 = arith.constant 6 : i32
    %dma_wait3A_119 = arith.constant 0 : i32
    %dma_wait3A_120 = arith.constant 0 : i32
    %dma_wait3A_121 = tpu.memref_slice %arg6[%dma_wait3A_117, %dma_wait3A_119, %dma_wait3A_120] : memref<10x64x128xf32, #tpu.memory_space<vmem>> -> memref<1x64x128xf32, #tpu.memory_space<vmem>>
    %dma_wait3A_122 = tpu.memref_squeeze %dma_wait3A_121 : memref<1x64x128xf32, #tpu.memory_space<vmem>> -> memref<64x128xf32, #tpu.memory_space<vmem>>
    %dma_wait3A_123 = arith.constant 0 : i32
    %dma_wait3A_124 = tpu.memref_slice %arg4[%add3A_116, %dma_wait3A_123] : memref<204800x128xf32, #tpu.memory_space<hbm>> -> memref<64x128xf32, #tpu.memory_space<hbm>>
    %dma_wait3A_125 = tpu.memref_slice %arg8[%dma_wait3A_118] : memref<10x!tpu.dma_semaphore, #tpu.memory_space<semaphore_mem>> -> memref<1x!tpu.dma_semaphore, #tpu.memory_space<semaphore_mem>>
    %dma_wait3A_126 = tpu.memref_squeeze %dma_wait3A_125 : memref<1x!tpu.dma_semaphore, #tpu.memory_space<semaphore_mem>> -> memref<!tpu.dma_semaphore, #tpu.memory_space<semaphore_mem>>
    %dma_wait3A_127 = arith.constant 0 : i32
    %dma_wait3A_128 = tpu.memref_slice %arg4[%add3A_116, %dma_wait3A_127] : memref<204800x128xf32, #tpu.memory_space<hbm>> -> memref<64x128xf32, #tpu.memory_space<hbm>>
    %dma_wait3A_129 = arith.constant 0 : i32
    %dma_wait3A_130 = arith.constant 0 : i32
    %dma_wait3A_131 = tpu.memref_slice %arg6[%dma_wait3A_117, %dma_wait3A_129, %dma_wait3A_130] : memref<10x64x128xf32, #tpu.memory_space<vmem>> -> memref<1x64x128xf32, #tpu.memory_space<vmem>>
    %dma_wait3A_132 = tpu.memref_squeeze %dma_wait3A_131 : memref<1x64x128xf32, #tpu.memory_space<vmem>> -> memref<64x128xf32, #tpu.memory_space<vmem>>
    tpu.wait_dma2 semaphore(%dma_wait3A_126 : memref<!tpu.dma_semaphore, #tpu.memory_space<semaphore_mem>>) src(%dma_wait3A_132 : memref<64x128xf32, #tpu.memory_space<vmem>>) dst(%dma_wait3A_128 : memref<64x128xf32, #tpu.memory_space<hbm>>)
    %add3A_133 = arith.constant 6208 : i32
    %add3A_134 = arith.addi %mul3A_2, %add3A_133 : i32
    %dma_wait3A_135 = arith.constant 7 : i32
    %dma_wait3A_136 = arith.constant 7 : i32
    %dma_wait3A_137 = arith.constant 0 : i32
    %dma_wait3A_138 = arith.constant 0 : i32
    %dma_wait3A_139 = tpu.memref_slice %arg6[%dma_wait3A_135, %dma_wait3A_137, %dma_wait3A_138] : memref<10x64x128xf32, #tpu.memory_space<vmem>> -> memref<1x64x128xf32, #tpu.memory_space<vmem>>
    %dma_wait3A_140 = tpu.memref_squeeze %dma_wait3A_139 : memref<1x64x128xf32, #tpu.memory_space<vmem>> -> memref<64x128xf32, #tpu.memory_space<vmem>>
    %dma_wait3A_141 = arith.constant 0 : i32
    %dma_wait3A_142 = tpu.memref_slice %arg4[%add3A_134, %dma_wait3A_141] : memref<204800x128xf32, #tpu.memory_space<hbm>> -> memref<64x128xf32, #tpu.memory_space<hbm>>
    %dma_wait3A_143 = tpu.memref_slice %arg8[%dma_wait3A_136] : memref<10x!tpu.dma_semaphore, #tpu.memory_space<semaphore_mem>> -> memref<1x!tpu.dma_semaphore, #tpu.memory_space<semaphore_mem>>
    %dma_wait3A_144 = tpu.memref_squeeze %dma_wait3A_143 : memref<1x!tpu.dma_semaphore, #tpu.memory_space<semaphore_mem>> -> memref<!tpu.dma_semaphore, #tpu.memory_space<semaphore_mem>>
    %dma_wait3A_145 = arith.constant 0 : i32
    %dma_wait3A_146 = tpu.memref_slice %arg4[%add3A_134, %dma_wait3A_145] : memref<204800x128xf32, #tpu.memory_space<hbm>> -> memref<64x128xf32, #tpu.memory_space<hbm>>
    %dma_wait3A_147 = arith.constant 0 : i32
    %dma_wait3A_148 = arith.constant 0 : i32
    %dma_wait3A_149 = tpu.memref_slice %arg6[%dma_wait3A_135, %dma_wait3A_147, %dma_wait3A_148] : memref<10x64x128xf32, #tpu.memory_space<vmem>> -> memref<1x64x128xf32, #tpu.memory_space<vmem>>
    %dma_wait3A_150 = tpu.memref_squeeze %dma_wait3A_149 : memref<1x64x128xf32, #tpu.memory_space<vmem>> -> memref<64x128xf32, #tpu.memory_space<vmem>>
    tpu.wait_dma2 semaphore(%dma_wait3A_144 : memref<!tpu.dma_semaphore, #tpu.memory_space<semaphore_mem>>) src(%dma_wait3A_150 : memref<64x128xf32, #tpu.memory_space<vmem>>) dst(%dma_wait3A_146 : memref<64x128xf32, #tpu.memory_space<hbm>>)
    %add3A_151 = arith.constant 6272 : i32
    %add3A_152 = arith.addi %mul3A_2, %add3A_151 : i32
    %dma_wait3A_153 = arith.constant 8 : i32
    %dma_wait3A_154 = arith.constant 8 : i32
    %dma_wait3A_155 = arith.constant 0 : i32
    %dma_wait3A_156 = arith.constant 0 : i32
    %dma_wait3A_157 = tpu.memref_slice %arg6[%dma_wait3A_153, %dma_wait3A_155, %dma_wait3A_156] : memref<10x64x128xf32, #tpu.memory_space<vmem>> -> memref<1x64x128xf32, #tpu.memory_space<vmem>>
    %dma_wait3A_158 = tpu.memref_squeeze %dma_wait3A_157 : memref<1x64x128xf32, #tpu.memory_space<vmem>> -> memref<64x128xf32, #tpu.memory_space<vmem>>
    %dma_wait3A_159 = arith.constant 0 : i32
    %dma_wait3A_160 = tpu.memref_slice %arg4[%add3A_152, %dma_wait3A_159] : memref<204800x128xf32, #tpu.memory_space<hbm>> -> memref<64x128xf32, #tpu.memory_space<hbm>>
    %dma_wait3A_161 = tpu.memref_slice %arg8[%dma_wait3A_154] : memref<10x!tpu.dma_semaphore, #tpu.memory_space<semaphore_mem>> -> memref<1x!tpu.dma_semaphore, #tpu.memory_space<semaphore_mem>>
    %dma_wait3A_162 = tpu.memref_squeeze %dma_wait3A_161 : memref<1x!tpu.dma_semaphore, #tpu.memory_space<semaphore_mem>> -> memref<!tpu.dma_semaphore, #tpu.memory_space<semaphore_mem>>
    %dma_wait3A_163 = arith.constant 0 : i32
    %dma_wait3A_164 = tpu.memref_slice %arg4[%add3A_152, %dma_wait3A_163] : memref<204800x128xf32, #tpu.memory_space<hbm>> -> memref<64x128xf32, #tpu.memory_space<hbm>>
    %dma_wait3A_165 = arith.constant 0 : i32
    %dma_wait3A_166 = arith.constant 0 : i32
    %dma_wait3A_167 = tpu.memref_slice %arg6[%dma_wait3A_153, %dma_wait3A_165, %dma_wait3A_166] : memref<10x64x128xf32, #tpu.memory_space<vmem>> -> memref<1x64x128xf32, #tpu.memory_space<vmem>>
    %dma_wait3A_168 = tpu.memref_squeeze %dma_wait3A_167 : memref<1x64x128xf32, #tpu.memory_space<vmem>> -> memref<64x128xf32, #tpu.memory_space<vmem>>
    tpu.wait_dma2 semaphore(%dma_wait3A_162 : memref<!tpu.dma_semaphore, #tpu.memory_space<semaphore_mem>>) src(%dma_wait3A_168 : memref<64x128xf32, #tpu.memory_space<vmem>>) dst(%dma_wait3A_164 : memref<64x128xf32, #tpu.memory_space<hbm>>)
    %add3A_169 = arith.constant 6336 : i32
    %add3A_170 = arith.addi %mul3A_2, %add3A_169 : i32
    %dma_wait3A_171 = arith.constant 9 : i32
    %dma_wait3A_172 = arith.constant 9 : i32
    %dma_wait3A_173 = arith.constant 0 : i32
    %dma_wait3A_174 = arith.constant 0 : i32
    %dma_wait3A_175 = tpu.memref_slice %arg6[%dma_wait3A_171, %dma_wait3A_173, %dma_wait3A_174] : memref<10x64x128xf32, #tpu.memory_space<vmem>> -> memref<1x64x128xf32, #tpu.memory_space<vmem>>
    %dma_wait3A_176 = tpu.memref_squeeze %dma_wait3A_175 : memref<1x64x128xf32, #tpu.memory_space<vmem>> -> memref<64x128xf32, #tpu.memory_space<vmem>>
    %dma_wait3A_177 = arith.constant 0 : i32
    %dma_wait3A_178 = tpu.memref_slice %arg4[%add3A_170, %dma_wait3A_177] : memref<204800x128xf32, #tpu.memory_space<hbm>> -> memref<64x128xf32, #tpu.memory_space<hbm>>
    %dma_wait3A_179 = tpu.memref_slice %arg8[%dma_wait3A_172] : memref<10x!tpu.dma_semaphore, #tpu.memory_space<semaphore_mem>> -> memref<1x!tpu.dma_semaphore, #tpu.memory_space<semaphore_mem>>
    %dma_wait3A_180 = tpu.memref_squeeze %dma_wait3A_179 : memref<1x!tpu.dma_semaphore, #tpu.memory_space<semaphore_mem>> -> memref<!tpu.dma_semaphore, #tpu.memory_space<semaphore_mem>>
    %dma_wait3A_181 = arith.constant 0 : i32
    %dma_wait3A_182 = tpu.memref_slice %arg4[%add3A_170, %dma_wait3A_181] : memref<204800x128xf32, #tpu.memory_space<hbm>> -> memref<64x128xf32, #tpu.memory_space<hbm>>
    %dma_wait3A_183 = arith.constant 0 : i32
    %dma_wait3A_184 = arith.constant 0 : i32
    %dma_wait3A_185 = tpu.memref_slice %arg6[%dma_wait3A_171, %dma_wait3A_183, %dma_wait3A_184] : memref<10x64x128xf32, #tpu.memory_space<vmem>> -> memref<1x64x128xf32, #tpu.memory_space<vmem>>
    %dma_wait3A_186 = tpu.memref_squeeze %dma_wait3A_185 : memref<1x64x128xf32, #tpu.memory_space<vmem>> -> memref<64x128xf32, #tpu.memory_space<vmem>>
    tpu.wait_dma2 semaphore(%dma_wait3A_180 : memref<!tpu.dma_semaphore, #tpu.memory_space<semaphore_mem>>) src(%dma_wait3A_186 : memref<64x128xf32, #tpu.memory_space<vmem>>) dst(%dma_wait3A_182 : memref<64x128xf32, #tpu.memory_space<hbm>>)
    return
  }
}

</mosaic_0001>

<sc_bundles>
// kernel: kernel.3.cloned.1.call-start
scs
__scs_entry_jumppad:
0x0: {  	(pc) =	sbr.rel $0x88, $3  }
0x1: {  	(tag) =	ssettag $0x0;
	lr =	simm.s32 $0x1  }
0x2: {  	[smem:$0x3F9F] =	sst lr;
	_ =	strace $0xD0000000  }
0x3: {  	_ = 	snop  }
0x4: {  	_ = 	snop  }
0x5: {  	_ = 	snop  }
0x6: {  	_ = 	snop  }
0x7: {  	_ = 	snop  }
__scs_overlays_trampoline_lowered:
0x8: {  	[smem:$0x3FAE] =	sst s0  }
0x9: {  	[smem:$0x3FAF] =	sst s1  }
0xa: {  	[smem:$0x3FB0] =	sst s2  }
0xb: {  	[smem:$0x3FB1] =	sst s3  }
0xc: {  	[smem:$0x3FB2] =	sst s4  }
0xd: {  	[smem:$0x3FB3] =	sst s5  }
0xe: {  	[smem:$0x3FB4] =	sst s6  }
0xf: {  	[smem:$0x3FB5] =	sst s7  }
0x10: {  	[smem:$0x3FB6] =	sst s8  }
0x11: {  	[smem:$0x3FB7] =	sst s9;
	s0 =	simm.s32 @!p0 $0x0  }
0x12: {  	s1 =	sld [smem:$0x3F9D];
	s0 =	simm.s32 @p0 $0x1  }
0x13: {  	[smem:$0x3FB8] =	sst s0;
	s0 =	simm.s32 @!p1 $0x0  }
0x14: {  	s2 =	sld [smem:$0x3F9C];
	s0 =	simm.s32 @p1 $0x1  }
0x15: {  	[smem:$0x3FB9] =	sst s0;
	s0 =	simm.s32 @!p2 $0x0  }
0x16: {  	s3 =	sld [smem:$0x3FDB];
	s0 =	simm.s32 @p2 $0x1  }
0x17: {  	s4 =	simm.s32 $0x1BF5;
	[smem:$0x3FBB] =	sst s0  }
0x18: {  	s0 =	sld [smem:$0x3F9E];
	_ =	swait.ge [sflag:s4], $0x0  }
0x19: {  	s7 =	sld [smem:$0x3F9F]  }
0x1a: {  	s8 =	sadd.s32 $0xFFFFE003, lr  }
0x1b: {  	s9 =	sadd.s32 $0xFFFFFEF7, lr;
	s5 =	simm.s32 $0xFFFFFFFF;
	p2 =	slt.u32 s8, $0xFFFFF086  }
0x1c: {  	p1 =	slt.u32 s9, $0xF7A;
	s5 =	simm.s32 @!p2 $0x0  }
0x1d: {  	s5 =	simm.s32 @p1 $0x1;
	p0 =	seq.s32 s7, s2  }
0x1e: {  	s7 =	smul.u32 @!p0 $0xF7A, s2;
	p2 =	seq.s32 @!p0 s5, $0x0  }
0x1f: {  	s9 =	smul.u32 $0xF7A, s1;
	s8 =	simm.s32 @!p0 $0x1BF5;
	p2 =	por !p2, p0  }
0x20: {  	[sflag:s8] =	ssyncset.s32 @!p0 $0xFFFFF086;
	s6 =	sadd.s32 @!p0 s3, s7;
	s7 =	simm.s32 @!p0 $0x108  }
0x21: {  	s3 =	sadd.s32 s3, s9;
	s6 =	sadd.s32 @!p0 $0x88, s6;
	s7 =	simm.s32 @p2 $0x1082  }
0x22: {  	[simem:s7], [sflag:s8] =	dma.local @!p0 [hbm:s6], $0xF7A  }
0x23: {  	s9 =	sor.u32 $0xD0000000, s2;
	s6 =	simm.s32 $0x108;
	_ =	swait.ge @!p0 [sflag:s8], $0x0  }
0x24: {  	s3 =	sadd.s32 $0x88, s3;
	s6 =	simm.s32 @!p1 $0x1082;
	[sflag:s4] =	ssyncset.s32 $0xFFFFF086  }
0x25: {  	[simem:s6], [sflag:s4] =	dma.local [hbm:s3], $0xF7A  }
0x26: {  	[smem:$0x3F9F] =	sst s1;
	(tag) =	ssettag s2;
	_ =	strace s9  }
0x27: {  	s1 =	sld [smem:$0x3FAF]  }
0x28: {  	s2 =	sld [smem:$0x3FB0]  }
0x29: {  	s4 =	sld [smem:$0x3FB2]  }
0x2a: {  	p0 =	seq.s32 s5, $0x0;
	s5 =	sld [smem:$0x3FB3]  }
0x2b: {  	s6 =	sld [smem:$0x3FB4]  }
0x2c: {  	s7 =	sld [smem:$0x3FB5]  }
0x2d: {  	s3 =	simm.s32 $0x108;
	s8 =	sld [smem:$0x3FB6]  }
0x2e: {  	s3 =	simm.s32 @!p0 $0x1082;
	s9 =	sld [smem:$0x3FB7]  }
0x2f: {  	lr =	sadd.s32 s0, s3;
	s0 =	sld [smem:$0x3FAE]  }
0x30: {  	s3 =	sld [smem:$0x3FB1]  }
0x31: {  	[smem:$0x3FBA] =	sst s10  }
0x32: {  	s10 =	sld [smem:$0x3FB8];
	_ =	sdelay $0x3  }
0x33: {  	p0 =	seq.s32 s10, $0x1;
	s10 =	sld [smem:$0x3FBA];
	_ =	sdelay $0x3  }
0x34: {  	[smem:$0x3FBA] =	sst s10  }
0x35: {  	s10 =	sld [smem:$0x3FB9];
	_ =	sdelay $0x3  }
0x36: {  	p1 =	seq.s32 s10, $0x1;
	s10 =	sld [smem:$0x3FBA];
	_ =	sdelay $0x3  }
0x37: {  	[smem:$0x3FBA] =	sst s10  }
0x38: {  	s10 =	sld [smem:$0x3FBB]  }
0x39: {  	_ = 	snop;
	(pc) =	sbr.ind lr, $3  }
0x3a: {  	_ = 	snop  }
0x3b: {  	_ = 	snop  }
0x3c: {  	p2 =	seq.s32 s10, $0x1;
	s10 =	sld [smem:$0x3FBA]  }
0x3d: {  	_ =	shalt  }
0x3e: {  	_ =	shalt  }
0x3f: {  	_ =	shalt  }
0x40: {  	_ =	shalt  }
0x41: {  	_ =	shalt  }
0x42: {  	_ =	shalt  }
0x43: {  	_ =	shalt  }
0x44: {  	_ =	shalt  }
0x45: {  	_ =	shalt  }
0x46: {  	_ =	shalt  }
0x47: {  	_ =	shalt  }
0x48: {  	_ =	shalt  }
0x49: {  	_ =	shalt  }
0x4a: {  	_ =	shalt  }
0x4b: {  	_ =	shalt  }
0x4c: {  	_ =	shalt  }
0x4d: {  	_ =	shalt  }
0x4e: {  	_ =	shalt  }
0x4f: {  	_ =	shalt  }
0x50: {  	_ =	shalt  }
0x51: {  	_ =	shalt  }
0x52: {  	_ =	shalt  }
0x53: {  	_ =	shalt  }
0x54: {  	_ =	shalt  }
0x55: {  	_ =	shalt  }
0x56: {  	_ =	shalt  }
0x57: {  	_ =	shalt  }
0x58: {  	_ =	shalt  }
0x59: {  	_ =	shalt  }
0x5a: {  	_ =	shalt  }
0x5b: {  	_ =	shalt  }
0x5c: {  	_ =	shalt  }
0x5d: {  	_ =	shalt  }
0x5e: {  	_ =	shalt  }
0x5f: {  	_ =	shalt  }
0x60: {  	_ =	shalt  }
0x61: {  	_ =	shalt  }
0x62: {  	_ =	shalt  }
0x63: {  	_ =	shalt  }
0x64: {  	_ =	shalt  }
0x65: {  	_ =	shalt  }
0x66: {  	_ =	shalt  }
0x67: {  	_ =	shalt  }
0x68: {  	_ =	shalt  }
0x69: {  	_ =	shalt  }
0x6a: {  	_ =	shalt  }
0x6b: {  	_ =	shalt  }
0x6c: {  	_ =	shalt  }
0x6d: {  	_ =	shalt  }
0x6e: {  	_ =	shalt  }
0x6f: {  	_ =	shalt  }
0x70: {  	_ =	shalt  }
0x71: {  	_ =	shalt  }
0x72: {  	_ =	shalt  }
0x73: {  	_ =	shalt  }
0x74: {  	_ =	shalt  }
0x75: {  	_ =	shalt  }
0x76: {  	_ =	shalt  }
0x77: {  	_ =	shalt  }
0x78: {  	_ =	shalt  }
0x79: {  	_ =	shalt  }
0x7a: {  	_ =	shalt  }
0x7b: {  	_ =	shalt  }
0x7c: {  	_ =	shalt  }
0x7d: {  	_ =	shalt  }
0x7e: {  	_ =	shalt  }
0x7f: {  	_ =	shalt  }
0x80: {  	_ =	shalt  }
0x81: {  	_ =	shalt  }
0x82: {  	_ =	shalt  }
0x83: {  	_ =	shalt  }
0x84: {  	_ =	shalt  }
0x85: {  	_ =	shalt  }
0x86: {  	_ =	shalt  }
0x87: {  	_ =	shalt  }
.Lfunc_end0:
.L_simem_size_0:
called_computation_lowered:
.L_overlay_start_0:
0x88: {  	s2 =	sld [smem:$0x3FD9]  }
0x89: {  	s3 =	sld [smem:$0x3FFE];
	_ =	sdelay $0x1  }
0x8a: {  	s1 =	srdreg.scid  }
0x8b: {  	s0 =	sand.u32 $0x1, s1  }
0x8c: {  	s17 =	sshll.u32 s0, $0xA;
	s2 =	sadd.s32 s3, s2  }
0x8d: {  	s2 =	sadd.s32 s2, s17  }
0x8e: {  	[smem:$0x3FC6] =	sst s2  }
0x8f: {  	_ = 	snop  }
0x90: {  	s2 =	sld [smem:$0x3FC8]  }
0x91: {  	s18 =	sld [smem:$0x3FD0];
	(tm) =	ssettm $0x1  }
0x92: {  	s4 =	sld [smem:$0x3FFB];
	_ =	sdelay $0x3  }
0x93: {  	_ =	strace s4  }
0x94: {  	s4 =	sld [smem:$0x3FFC];
	_ =	sdelay $0x3  }
0x95: {  	_ =	strace s4  }
0x96: {  	s4 =	sld [smem:$0x3FFD];
	_ =	sdelay $0x3  }
0x97: {  	_ =	strace s4  }
0x98: {  	_ =	strace $0x8FFFFFFF  }
0x99: {  	s19 =	sld [smem:$0x3FDB];
	_ =	sdelay $0x1  }
0x9a: {  	s5 =	simm.s32 $_scs_section_size  }
0x9b: {  	s6 =	simm.s32 $_size__tile_overlayer_lowered;
	s7 =	simm.s32 $_tile_overlayer_lowered  }
0x9c: {  	s22 =	simm.s32 $0x1BFF;
	s21 =	sshll.u32 s7, $0x1;
	s4 =	sadd.s32 s5, s19  }
0x9d: {  	s8 =	simm.s32 $0x0;
	s20 =	sshll.u32 s6, $0x1;
	s6 =	sadd.s32 s21, s4  }
0x9e: {  	[timem:s8], [sflag:s22] =	dma.local [hbm:s6], s20  }
0x9f: {  	_ =	swait.ge [sflag:s22], s20  }
0xa0: {  	s5 =	ssub.s32 $0x0, s20;
	[sflag:s22] =	ssyncset.done $0x0  }
0xa1: {  	[sflag:s22] =	ssyncadd.s32 s5;
	_ =	sdelay $0x1  }
0xa2: {  	s23 =	simm.s32 $0x1B8B  }
0xa3: {  	_ =	swait.ge [sflag:s23], $0x1  }
0xa4: {  	[sflag:s23] =	ssyncset.done $0x0  }
0xa5: {  	s25 =	simm.s32 $0x1B8E;
	s24 =	sld [smem:$0x3FFE];
	[sflag:s23] =	ssyncadd.s32 $0xFFFFFFFF  }
0xa6: {  	s26 =	simm.s32 $execute0_lowered;
	[smem:$0x3FD2] =	sst s25  }
0xa7: {  	s6 =	sshll.u32 s26, $0x1;
	_ =	strace $0x80000046;
	[dreg:$0x1] =	wrdreg $0xFFFFFFFF  }
0xa8: {  	s28 =	simm.s32 $_size_execute0_lowered;
	s4 =	sadd.s32 s4, s6;
	[dreg:$0x0] =	wrdreg $0x0  }
0xa9: {  	s6 =	sshll.u32 s28, $0x1;
	[dreg:$0x2] =	wrdreg s4  }
0xaa: {  	[dreg:$0x3] =	wrdreg s6  }
0xab: {  	[dreg:$0x4] =	wrdreg $0xC0  }
0xac: {  	_ =	task [dreg:s8], $0x5FFFF  }
0xad: {  	[dreg:$0x1] =	wrdreg $0xFFFFFFFF  }
0xae: {  	[dreg:$0x0] =	wrdreg $0x60  }
0xaf: {  	[dreg:$0x2] =	wrdreg s24  }
0xb0: {  	[dreg:$0x3] =	wrdreg s2  }
0xb1: {  	[dreg:$0x4] =	wrdreg s18  }
0xb2: {  	[dreg:$0x5] =	wrdreg $0x9  }
0xb3: {  	_ =	task.clear_ibuf [dreg:s8], $0x6FFFF;
	_ =	strace $0x90000046  }
0xb4: {  	s29 =	simm.s32 $0x9;
	_ =	strace $0x80000048  }
0xb5: {  	_ =	swait.ge [sflag:s29], $0x1  }
0xb6: {  	[sflag:s29] =	ssyncadd.s32 $0xFFFFFFFF  }
0xb7: {  	_ =	strace $0x90000048  }
0xb8: {  	_ =	sfence  }
0xb9: {  	s30 =	sld [smem:$0x0];
	_ =	sdelay $0x2  }
0xba: {  	s31 =	sshll.u32 s1, $0xD;
	s1 =	sshrl.u32 s1, $0x2  }
0xbb: {  	s3 =	sand.u32 $0x4000, s31;
	s1 =	sadd.s32 s1, s30  }
0xbc: {  	s0 =	sor.u32 s3, s0;
	s1 =	sshll.u32 s1, $0x11  }
0xbd: {  	s0 =	sor.u32 s1, s0  }
0xbe: {  	s0 =	sadd.s32 $0x8F2B, s0  }
0xbf: {  	[sflag:s0] =	ssyncadd.remote.s32 $0x1  }
0xc0: {  	_ =	sfence.sel $0xFFFF  }
0xc1: {  	[dreg:$0x0] =	wrdreg $0xFFFFFFFF;
	(pc) =	sbr.abs _section_cstart, $3  }
0xc2: {  	[dreg:$0x1] =	wrdreg $0xFFFFFFFF  }
0xc3: {  	_ =	task.clear_ibuf [dreg:s8], $0x2FFFF;
	_ =	strace $0x9FFFFFFF  }
0xc4: {  	(tm) =	ssettm $0x7FFFFFFF  }
0xc5: {  	_ =	shalt  }
tec
execute0_lowered:
.L_overlay_start_1:
0x0: {  	(tag) =	ssettag $0x1  }
0x1: {  	s0 =	rddreg [dreg:$0x0]  }
0x2: {  	s2 =	rddreg [dreg:$0x1]  }
0x3: {  	s1 =	srdreg.scid;
	s4 =	stileid.u32  }
0x4: {  	s3 =	rddreg [dreg:$0x2];
	s15 =	simm.s32 $0x0;
	s10 =	simm.s32 $0x40  }
0x5: {  	s23 =	simm.s32 $0x5400;
	s21 =	simm.s32 $0x7400;
	s13 =	simm.s32 $0x9400  }
0x6: {  	s24 =	simm.s32 $0xF400;
	s28 =	simm.s32 $0x13400;
	s29 =	simm.s32 $0x15400  }
0x7: {  	s30 =	simm.s32 $0x1;
	s31 =	simm.s32 $0x2;
	s8 =	simm.s32 $0x6  }
0x8: {  	s9 =	simm.s32 $0x7;
	s1 =	sand.u32 $0x1, s1;
	s4 =	sshll.u32 s4, $0x1  }
0x9: {  	s12 =	simm.s32 $0x8;
	s14 =	simm.s32 $0x9;
	s4 =	sor.u32 s1, s4  }
0xa: {  	s16 =	simm.s32 $0xA;
	s11 =	simm.s32 $0x0;
	s5 =	smul.u32 $0x680, s4  }
0xb: {  	[smem:$0x7FF] =	sst s15;
	s1 =	ssub.s32 $0x2, s1;
	s6 =	smul.u32 $0x1900, s4  }
0xc: {  	_ =	strace $0x80000047;
	s25 =	sshrl.u32 s1, $0x1;
	s7 =	smul.u32 $0xC8000, s4  }
0xd: {  	s1 =	ssub.s32 s1, s25;
	s25 =	simm.s32 $0x11400;
	s0 =	sadd.s32 s5, s0  }
0xe: {  	[dreg:$0x4] =	wrdreg s6;
	s26 =	smax.u32 s1, $0x1;
	s1 =	simm.s32 $0x3  }
0xf: {  	s6 =	simm.s32 $0x5;
	s0 =	sadd.s32 $0x400, s0;
	[dreg:$0x6] =	wrdreg s26  }
0x10: {  	s26 =	simm.s32 $0xB400;
	[dreg:$0x5] =	wrdreg s0;
	s0 =	simm.s32 $0x4  }
.LBB2_1:
0x11: {  	[dreg:$0x7] =	wrdreg s11  }
0x12: {  	s4 =	rddreg [dreg:$0x5];
	s22 =	simm.s32 $0x15  }
0x13: {  	[tilespmem:s15], [sflag:$0x15] =	stream.linear.gather [hbm4b:s4+s15], $0x3200, $0x38;
	[tilespmem:$0x17400] =	vst v63  }
0x14: {  	_ =	swait.ge [sflag:s22], $0x3200  }
0x15: {  	[sflag:s22] =	ssyncset.done $0x0  }
0x16: {  	s18 =	simm.s32 $0x0;
	[sflag:s22] =	ssyncadd.s32 $0xFFFFCE00  }
.LBB2_2:
0x17: {  	p0 =	sne.s32 s18, $0x0  }
.Ltmp0:
0x18: {  	_ = 	snop;
	(pc) =	sbr.rel @!p0 .LBB2_3-.Ltmp0, $1  }
0x19: {  	_ =	sdelay $0x3  }
0x1a: {  	s11 =	simm.s32 $0xB  }
0x1b: {  	s4 =	smul.u32 $0x1400, s18;
	_ =	swait.ge [sflag:s11], $0x2000  }
0x1c: {  	s5 =	smul.u32 $0xA, s18;
	s17 =	simm.s32 $0x3400;
	[sflag:s11] =	ssyncset.done $0x0  }
0x1d: {  	s15 =	simm.s32 $0xC;
	s4 =	sshra.s32 s4, $0x2;
	[sflag:s11] =	ssyncadd.s32 $0xFFFFE000  }
0x1e: {  	[tilespmem:s17], [sflag:$0x1] =	stream.indirect.gather [hbm4b:s2+s10], $0x80, s4, s10, $0xb8;
	[tilespmem:$0x17400] =	vst v63  }
0x1f: {  	s4 =	sor.u32 $0x1, s5;
	_ =	swait.ge [sflag:s15], $0x2000  }
0x20: {  	s19 =	sshll.u32 s4, $0x7;
	[sflag:s15] =	ssyncset.done $0x0  }
0x21: {  	s20 =	simm.s32 $0xD;
	s11 =	sand.u32 $0x3FFFFF80, s19;
	[sflag:s15] =	ssyncadd.s32 $0xFFFFE000  }
0x22: {  	[tilespmem:s23], [sflag:$0x2] =	stream.indirect.gather [hbm4b:s2+s10], $0x80, s11, s10, $0xb8;
	[tilespmem:$0x17400] =	vst v63  }
0x23: {  	s11 =	sadd.s32 $0x2, s5;
	_ =	swait.ge [sflag:s20], $0x2000  }
0x24: {  	s17 =	sshll.u32 s11, $0x7;
	[sflag:s20] =	ssyncset.done $0x0  }
0x25: {  	s17 =	sand.u32 $0x3FFFFF00, s17;
	[sflag:s20] =	ssyncadd.s32 $0xFFFFE000  }
0x26: {  	[tilespmem:s21], [sflag:$0x3] =	stream.indirect.gather [hbm4b:s2+s10], $0x80, s17, s10, $0xb8;
	[tilespmem:$0x17400] =	vst v63  }
0x27: {  	s21 =	simm.s32 $0xE  }
0x28: {  	s17 =	sadd.s32 $0x3, s5;
	_ =	swait.ge [sflag:s21], $0x2000  }
0x29: {  	s19 =	sshll.u32 s17, $0x7;
	[sflag:s21] =	ssyncset.done $0x0  }
0x2a: {  	s22 =	simm.s32 $0xF;
	s19 =	sand.u32 $0x3FFFFF80, s19;
	[sflag:s21] =	ssyncadd.s32 $0xFFFFE000  }
0x2b: {  	[tilespmem:s13], [sflag:$0x4] =	stream.indirect.gather [hbm4b:s2+s10], $0x80, s19, s10, $0xb8;
	[tilespmem:$0x17400] =	vst v63  }
0x2c: {  	s19 =	sadd.s32 $0x4, s5;
	_ =	swait.ge [sflag:s22], $0x2000  }
0x2d: {  	s20 =	sshll.u32 s19, $0x7;
	[sflag:s22] =	ssyncset.done $0x0  }
0x2e: {  	s23 =	simm.s32 $0x10;
	s20 =	sand.u32 $0x3FFFFF00, s20;
	[sflag:s22] =	ssyncadd.s32 $0xFFFFE000  }
0x2f: {  	[tilespmem:s26], [sflag:$0x5] =	stream.indirect.gather [hbm4b:s2+s10], $0x80, s20, s10, $0xb8;
	[tilespmem:$0x17400] =	vst v63  }
0x30: {  	s22 =	sadd.s32 $0x5, s5;
	_ =	swait.ge [sflag:s23], $0x2000  }
0x31: {  	s26 =	sshll.u32 s22, $0x7;
	[sflag:s23] =	ssyncset.done $0x0  }
0x32: {  	s15 =	simm.s32 $0xD400;
	s20 =	sand.u32 $0x3FFFFF80, s26;
	[sflag:s23] =	ssyncadd.s32 $0xFFFFE000  }
0x33: {  	[tilespmem:s15], [sflag:$0x6] =	stream.indirect.gather [hbm4b:s2+s10], $0x80, s20, s10, $0xb8;
	[tilespmem:$0x17400] =	vst v63  }
0x34: {  	s20 =	simm.s32 $0x11  }
0x35: {  	s23 =	sadd.s32 $0x6, s5;
	_ =	swait.ge [sflag:s20], $0x2000  }
0x36: {  	s21 =	sshll.u32 s23, $0x7;
	[sflag:s20] =	ssyncset.done $0x0  }
0x37: {  	[sflag:s20] =	ssyncadd.s32 $0xFFFFE000;
	s20 =	sand.u32 $0x3FFFFF00, s21  }
0x38: {  	[tilespmem:s24], [sflag:$0x7] =	stream.indirect.gather [hbm4b:s2+s10], $0x80, s20, s10, $0xb8;
	[tilespmem:$0x17400] =	vst v63  }
0x39: {  	s24 =	simm.s32 $0x12  }
0x3a: {  	s13 =	sadd.s32 $0x7, s5;
	_ =	swait.ge [sflag:s24], $0x2000  }
0x3b: {  	s26 =	sshll.u32 s13, $0x7;
	[sflag:s24] =	ssyncset.done $0x0  }
0x3c: {  	s20 =	sand.u32 $0x3FFFFF80, s26;
	[sflag:s24] =	ssyncadd.s32 $0xFFFFE000  }
0x3d: {  	[tilespmem:s25], [sflag:$0x8] =	stream.indirect.gather [hbm4b:s2+s10], $0x80, s20, s10, $0xb8;
	[tilespmem:$0x17400] =	vst v63  }
0x3e: {  	s20 =	simm.s32 $0x13  }
0x3f: {  	s15 =	sadd.s32 $0x8, s5;
	_ =	swait.ge [sflag:s20], $0x2000  }
0x40: {  	s24 =	sshll.u32 s15, $0x7;
	[sflag:s20] =	ssyncset.done $0x0  }
0x41: {  	[sflag:s20] =	ssyncadd.s32 $0xFFFFE000;
	s20 =	sand.u32 $0x3FFFFF00, s24  }
0x42: {  	[tilespmem:s28], [sflag:$0x9] =	stream.indirect.gather [hbm4b:s2+s10], $0x80, s20, s10, $0xb8;
	[tilespmem:$0x17400] =	vst v63  }
.Ltmp1:
0x43: {  	s21 =	sshll.u32 s11, $0xD;
	s26 =	simm.s32 $0x14;
	(pc) =	sbr.rel .LBB2_5-.Ltmp1, $4  }
0x44: {  	s24 =	sshll.u32 s23, $0xD;
	s20 =	sadd.s32 $0x9, s5;
	_ =	swait.ge [sflag:s26], $0x2000  }
0x45: {  	s5 =	sshll.u32 s4, $0xD;
	s4 =	sshll.u32 s17, $0xD;
	[sflag:s26] =	ssyncset.done $0x0  }
0x46: {  	s17 =	sshll.u32 s15, $0xD;
	s15 =	simm.s32 $0x0;
	[sflag:s26] =	ssyncadd.s32 $0xFFFFE000  }
0x47: {  	s26 =	sshll.u32 s19, $0xD;
	s19 =	sshll.u32 s22, $0xD;
	s22 =	sshll.u32 s13, $0xD  }
.LBB2_3:
0x48: {  	s4 =	simm.s32 $0x3400  }
0x49: {  	[tilespmem:s4], [sflag:$0x1] =	stream.indirect.gather [hbm4b:s2+s10], $0x80, s15, s10, $0xb8;
	[tilespmem:$0x17400] =	vst v63  }
0x4a: {  	s17 =	simm.s32 $0x80  }
0x4b: {  	[tilespmem:s23], [sflag:$0x2] =	stream.indirect.gather [hbm4b:s2+s10], $0x80, s17, s10, $0xb8;
	[tilespmem:$0x17400] =	vst v63  }
0x4c: {  	s19 =	simm.s32 $0x100  }
0x4d: {  	[tilespmem:s21], [sflag:$0x3] =	stream.indirect.gather [hbm4b:s2+s10], $0x80, s19, s10, $0xb8;
	[tilespmem:$0x17400] =	vst v63  }
0x4e: {  	s20 =	simm.s32 $0x180  }
0x4f: {  	[tilespmem:s13], [sflag:$0x4] =	stream.indirect.gather [hbm4b:s2+s10], $0x80, s20, s10, $0xb8;
	[tilespmem:$0x17400] =	vst v63  }
0x50: {  	s21 =	simm.s32 $0x200  }
0x51: {  	[tilespmem:s26], [sflag:$0x5] =	stream.indirect.gather [hbm4b:s2+s10], $0x80, s21, s10, $0xb8;
	[tilespmem:$0x17400] =	vst v63  }
0x52: {  	s22 =	simm.s32 $0x280;
	s5 =	simm.s32 $0xD400  }
0x53: {  	[tilespmem:s5], [sflag:$0x6] =	stream.indirect.gather [hbm4b:s2+s10], $0x80, s22, s10, $0xb8;
	[tilespmem:$0x17400] =	vst v63  }
0x54: {  	s4 =	simm.s32 $0x6000;
	s23 =	simm.s32 $0x300;
	s17 =	simm.s32 $0x10000  }
0x55: {  	[tilespmem:s24], [sflag:$0x7] =	stream.indirect.gather [hbm4b:s2+s10], $0x80, s23, s10, $0xb8;
	[tilespmem:$0x17400] =	vst v63  }
0x56: {  	s19 =	simm.s32 $0xA000;
	s20 =	simm.s32 $0x9;
	s24 =	simm.s32 $0x380  }
0x57: {  	[tilespmem:s25], [sflag:$0x8] =	stream.indirect.gather [hbm4b:s2+s10], $0x80, s24, s10, $0xb8;
	[tilespmem:$0x17400] =	vst v63  }
0x58: {  	s26 =	simm.s32 $0x400;
	s21 =	simm.s32 $0x4000;
	s5 =	simm.s32 $0x2000  }
0x59: {  	[tilespmem:s28], [sflag:$0x9] =	stream.indirect.gather [hbm4b:s2+s10], $0x80, s26, s10, $0xb8;
	[tilespmem:$0x17400] =	vst v63  }
0x5a: {  	s22 =	simm.s32 $0xE000;
	s24 =	simm.s32 $0xC000;
	s26 =	simm.s32 $0x8000  }
.LBB2_5:
0x5b: {  	s11 =	sshll.u32 s20, $0x7  }
0x5c: {  	s11 =	sand.u32 $0x3FFFFF80, s11  }
0x5d: {  	[tilespmem:s29], [sflag:$0xA] =	stream.indirect.gather [hbm4b:s2+s10], $0x80, s11, s10, $0xb8;
	[tilespmem:$0x17400] =	vst v63  }
0x5e: {  	_ =	swait.ge [sflag:s30], $0x2000  }
0x5f: {  	[sflag:s30] =	ssyncset.done $0x0  }
0x60: {  	s11 =	simm.s32 $0x0;
	[sflag:s30] =	ssyncadd.s32 $0xFFFFE000  }
0x61: {  	v0 =	vld [tilespmem:s11+$0x3400]  }
0x62: {  	v1 =	vld [tilespmem:s11+$0x3410]  }
0x63: {  	v2 =	vld [tilespmem:s11+$0x3420]  }
0x64: {  	v3 =	vld [tilespmem:s11+$0x3430]  }
0x65: {  	v4 =	vld [tilespmem:s11+$0x3440]  }
0x66: {  	v5 =	vld [tilespmem:s11+$0x3450];
	v0 =	vmul.f32 $1.131370830e+01, v0  }
0x67: {  	v6 =	vld [tilespmem:s11+$0x3460];
	v1 =	vmul.f32 $1.131370830e+01, v1  }
0x68: {  	v7 =	vld [tilespmem:s11+$0x3470];
	[tilespmem:s11+$0x3400] =	vst v0;
	v0 =	vmul.f32 $1.131370830e+01, v2  }
0x69: {  	v8 =	vld [tilespmem:s11+$0x3480];
	[tilespmem:s11+$0x3410] =	vst v1;
	v1 =	vmul.f32 $1.131370830e+01, v3  }
0x6a: {  	v9 =	vld [tilespmem:s11+$0x3490];
	[tilespmem:s11+$0x3420] =	vst v0;
	v0 =	vmul.f32 $1.131370830e+01, v4  }
0x6b: {  	v2 =	vmul.f32 $1.131370830e+01, v5;
	[tilespmem:s11+$0x3430] =	vst v1;
	v1 =	vld [tilespmem:s11+$0x34A0]  }
0x6c: {  	v3 =	vmul.f32 $1.131370830e+01, v6;
	[tilespmem:s11+$0x3440] =	vst v0;
	v0 =	vld [tilespmem:s11+$0x34B0]  }
0x6d: {  	[tilespmem:s11+$0x3450] =	vst v2;
	v2 =	vld [tilespmem:s11+$0x34C0];
	v4 =	vmul.f32 $1.131370830e+01, v7  }
0x6e: {  	v6 =	vmul.f32 $1.131370830e+01, v8;
	[tilespmem:s11+$0x3460] =	vst v3;
	v3 =	vld [tilespmem:s11+$0x34D0]  }
0x6f: {  	s23 =	simm.s32 $0x400;
	v5 =	vmul.f32 $1.131370830e+01, v9;
	[tilespmem:s11+$0x3470] =	vst v4;
	v4 =	vld [tilespmem:s11+$0x34E0]  }
.LBB2_6:
0x70: {  	s13 =	sshra.s32 s23, $0x2;
	p0 =	sne.s32 s23, $0x7C00;
	[tilespmem:s11+$0x3480] =	vst v6;
	v1 =	vmul.f32 $1.131370830e+01, v1;
	v6 =	vld [tilespmem:s11+$0x34F0]  }
0x71: {  	v7 =	vld [tilespmem:s13+$0x3400];
	[tilespmem:s11+$0x3490] =	vst v5;
	v0 =	vmul.f32 $1.131370830e+01, v0  }
0x72: {  	v5 =	vld [tilespmem:s13+$0x3410];
	[tilespmem:s11+$0x34A0] =	vst v1;
	v1 =	vmul.f32 $1.131370830e+01, v2  }
0x73: {  	v2 =	vld [tilespmem:s13+$0x3420];
	[tilespmem:s11+$0x34B0] =	vst v0;
	v0 =	vmul.f32 $1.131370830e+01, v3  }
0x74: {  	v3 =	vld [tilespmem:s13+$0x3430];
	[tilespmem:s11+$0x34C0] =	vst v1;
	v1 =	vmul.f32 $1.131370830e+01, v4  }
0x75: {  	v4 =	vld [tilespmem:s13+$0x3440];
	[tilespmem:s11+$0x34D0] =	vst v0;
	v0 =	vmul.f32 $1.131370830e+01, v6  }
0x76: {  	v6 =	vmul.f32 $1.131370830e+01, v7;
	v7 =	vld [tilespmem:s13+$0x3450];
	[tilespmem:s11+$0x34E0] =	vst v1  }
0x77: {  	v1 =	vmul.f32 $1.131370830e+01, v5;
	v5 =	vld [tilespmem:s13+$0x3460];
	[tilespmem:s11+$0x34F0] =	vst v0;
	s11 =	smov.u32 s13  }
0x78: {  	[tilespmem:s11+$0x3400] =	vst v6;
	v0 =	vmul.f32 $1.131370830e+01, v2;
	v2 =	vld [tilespmem:s11+$0x3470]  }
0x79: {  	[tilespmem:s11+$0x3410] =	vst v1;
	v1 =	vmul.f32 $1.131370830e+01, v3;
	v3 =	vld [tilespmem:s11+$0x3480]  }
0x7a: {  	[tilespmem:s11+$0x3420] =	vst v0;
	v0 =	vmul.f32 $1.131370830e+01, v4;
	v4 =	vld [tilespmem:s11+$0x3490]  }
.Ltmp2:
0x7b: {  	[tilespmem:s11+$0x3430] =	vst v1;
	v6 =	vmul.f32 $1.131370830e+01, v7;
	v1 =	vld [tilespmem:s11+$0x34A0];
	(pc) =	sbr.rel @p0 .LBB2_6-.Ltmp2, $4  }
0x7c: {  	[tilespmem:s11+$0x3440] =	vst v0;
	v5 =	vmul.f32 $1.131370830e+01, v5;
	v0 =	vld [tilespmem:s11+$0x34B0]  }
0x7d: {  	[tilespmem:s11+$0x3450] =	vst v6;
	v7 =	vmul.f32 $1.131370830e+01, v2;
	v2 =	vld [tilespmem:s11+$0x34C0]  }
0x7e: {  	[tilespmem:s11+$0x3460] =	vst v5;
	v6 =	vmul.f32 $1.131370830e+01, v3;
	v3 =	vld [tilespmem:s11+$0x34D0]  }
0x7f: {  	s23 =	sadd.s32 $0x400, s23;
	[tilespmem:s11+$0x3470] =	vst v7;
	v5 =	vmul.f32 $1.131370830e+01, v4;
	v4 =	vld [tilespmem:s11+$0x34E0]  }
0x80: {  	[tilespmem:s11+$0x3480] =	vst v6;
	v1 =	vmul.f32 $1.131370830e+01, v1;
	v6 =	vld [tilespmem:s11+$0x34F0]  }
0x81: {  	[tilespmem:s11+$0x3490] =	vst v5;
	v0 =	vmul.f32 $1.131370830e+01, v0  }
0x82: {  	[tilespmem:s11+$0x34A0] =	vst v1;
	v1 =	vmul.f32 $1.131370830e+01, v2  }
0x83: {  	s13 =	smul.u32 $0x280, s18;
	[tilespmem:s11+$0x34B0] =	vst v0;
	v0 =	vmul.f32 $1.131370830e+01, v3  }
0x84: {  	s23 =	rddreg [dreg:$0x4];
	[tilespmem:s11+$0x34C0] =	vst v1;
	v1 =	vmul.f32 $1.131370830e+01, v4  }
0x85: {  	s13 =	sadd.s32 s23, s13;
	[tilespmem:s11+$0x34D0] =	vst v0;
	v0 =	vmul.f32 $1.131370830e+01, v6  }
0x86: {  	s13 =	sshll.u32 s13, $0x4;
	[tilespmem:s11+$0x34E0] =	vst v1  }
0x87: {  	s23 =	simm.s32 $0x3400;
	[tilespmem:s11+$0x34F0] =	vst v0;
	s11 =	sadd.s32 s3, s13;
	s13 =	simm.s32 $0x0  }
0x88: {  	[hbm4b:s11+s13] =	stream.linear.scatter [tilespmem:s23], [sflag:$0xB], $0x2000, $0x38;
	[tilespmem:$0x17400] =	vst v63  }
0x89: {  	_ =	swait.ge [sflag:s31], $0x2000  }
0x8a: {  	[sflag:s31] =	ssyncset.done $0x0  }
0x8b: {  	s11 =	simm.s32 $0x0;
	[sflag:s31] =	ssyncadd.s32 $0xFFFFE000  }
0x8c: {  	v0 =	vld [tilespmem:s11+$0x5400]  }
0x8d: {  	v1 =	vld [tilespmem:s11+$0x5410]  }
0x8e: {  	v2 =	vld [tilespmem:s11+$0x5420]  }
0x8f: {  	v3 =	vld [tilespmem:s11+$0x5430]  }
0x90: {  	v4 =	vld [tilespmem:s11+$0x5440]  }
0x91: {  	v5 =	vld [tilespmem:s11+$0x5450];
	v0 =	vmul.f32 $1.131370830e+01, v0  }
0x92: {  	v6 =	vld [tilespmem:s11+$0x5460];
	v1 =	vmul.f32 $1.131370830e+01, v1  }
0x93: {  	v7 =	vld [tilespmem:s11+$0x5470];
	[tilespmem:s11+$0x5400] =	vst v0;
	v0 =	vmul.f32 $1.131370830e+01, v2  }
0x94: {  	v8 =	vld [tilespmem:s11+$0x5480];
	[tilespmem:s11+$0x5410] =	vst v1;
	v1 =	vmul.f32 $1.131370830e+01, v3  }
0x95: {  	v9 =	vld [tilespmem:s11+$0x5490];
	[tilespmem:s11+$0x5420] =	vst v0;
	v0 =	vmul.f32 $1.131370830e+01, v4  }
0x96: {  	v2 =	vmul.f32 $1.131370830e+01, v5;
	[tilespmem:s11+$0x5430] =	vst v1;
	v1 =	vld [tilespmem:s11+$0x54A0]  }
0x97: {  	v3 =	vmul.f32 $1.131370830e+01, v6;
	[tilespmem:s11+$0x5440] =	vst v0;
	v0 =	vld [tilespmem:s11+$0x54B0]  }
0x98: {  	[tilespmem:s11+$0x5450] =	vst v2;
	v2 =	vld [tilespmem:s11+$0x54C0];
	v4 =	vmul.f32 $1.131370830e+01, v7  }
0x99: {  	v6 =	vmul.f32 $1.131370830e+01, v8;
	[tilespmem:s11+$0x5460] =	vst v3;
	v3 =	vld [tilespmem:s11+$0x54D0]  }
0x9a: {  	s23 =	simm.s32 $0x400;
	v5 =	vmul.f32 $1.131370830e+01, v9;
	[tilespmem:s11+$0x5470] =	vst v4;
	v4 =	vld [tilespmem:s11+$0x54E0]  }
.LBB2_8:
0x9b: {  	s13 =	sshra.s32 s23, $0x2;
	p0 =	sne.s32 s23, $0x7C00;
	[tilespmem:s11+$0x5480] =	vst v6;
	v1 =	vmul.f32 $1.131370830e+01, v1;
	v6 =	vld [tilespmem:s11+$0x54F0]  }
0x9c: {  	v7 =	vld [tilespmem:s13+$0x5400];
	[tilespmem:s11+$0x5490] =	vst v5;
	v0 =	vmul.f32 $1.131370830e+01, v0  }
0x9d: {  	v5 =	vld [tilespmem:s13+$0x5410];
	[tilespmem:s11+$0x54A0] =	vst v1;
	v1 =	vmul.f32 $1.131370830e+01, v2  }
0x9e: {  	v2 =	vld [tilespmem:s13+$0x5420];
	[tilespmem:s11+$0x54B0] =	vst v0;
	v0 =	vmul.f32 $1.131370830e+01, v3  }
0x9f: {  	v3 =	vld [tilespmem:s13+$0x5430];
	[tilespmem:s11+$0x54C0] =	vst v1;
	v1 =	vmul.f32 $1.131370830e+01, v4  }
0xa0: {  	v4 =	vld [tilespmem:s13+$0x5440];
	[tilespmem:s11+$0x54D0] =	vst v0;
	v0 =	vmul.f32 $1.131370830e+01, v6  }
0xa1: {  	v6 =	vmul.f32 $1.131370830e+01, v7;
	v7 =	vld [tilespmem:s13+$0x5450];
	[tilespmem:s11+$0x54E0] =	vst v1  }
0xa2: {  	v1 =	vmul.f32 $1.131370830e+01, v5;
	v5 =	vld [tilespmem:s13+$0x5460];
	[tilespmem:s11+$0x54F0] =	vst v0;
	s11 =	smov.u32 s13  }
0xa3: {  	[tilespmem:s11+$0x5400] =	vst v6;
	v0 =	vmul.f32 $1.131370830e+01, v2;
	v2 =	vld [tilespmem:s11+$0x5470]  }
0xa4: {  	[tilespmem:s11+$0x5410] =	vst v1;
	v1 =	vmul.f32 $1.131370830e+01, v3;
	v3 =	vld [tilespmem:s11+$0x5480]  }
0xa5: {  	[tilespmem:s11+$0x5420] =	vst v0;
	v0 =	vmul.f32 $1.131370830e+01, v4;
	v4 =	vld [tilespmem:s11+$0x5490]  }
.Ltmp3:
0xa6: {  	[tilespmem:s11+$0x5430] =	vst v1;
	v6 =	vmul.f32 $1.131370830e+01, v7;
	v1 =	vld [tilespmem:s11+$0x54A0];
	(pc) =	sbr.rel @p0 .LBB2_8-.Ltmp3, $4  }
0xa7: {  	[tilespmem:s11+$0x5440] =	vst v0;
	v5 =	vmul.f32 $1.131370830e+01, v5;
	v0 =	vld [tilespmem:s11+$0x54B0]  }
0xa8: {  	[tilespmem:s11+$0x5450] =	vst v6;
	v7 =	vmul.f32 $1.131370830e+01, v2;
	v2 =	vld [tilespmem:s11+$0x54C0]  }
0xa9: {  	[tilespmem:s11+$0x5460] =	vst v5;
	v6 =	vmul.f32 $1.131370830e+01, v3;
	v3 =	vld [tilespmem:s11+$0x54D0]  }
0xaa: {  	s23 =	sadd.s32 $0x400, s23;
	[tilespmem:s11+$0x5470] =	vst v7;
	v5 =	vmul.f32 $1.131370830e+01, v4;
	v4 =	vld [tilespmem:s11+$0x54E0]  }
0xab: {  	[tilespmem:s11+$0x5480] =	vst v6;
	v1 =	vmul.f32 $1.131370830e+01, v1;
	v6 =	vld [tilespmem:s11+$0x54F0]  }
0xac: {  	[tilespmem:s11+$0x5490] =	vst v5;
	v0 =	vmul.f32 $1.131370830e+01, v0  }
0xad: {  	[tilespmem:s11+$0x54A0] =	vst v1;
	v1 =	vmul.f32 $1.131370830e+01, v2  }
0xae: {  	[tilespmem:s11+$0x54B0] =	vst v0;
	v0 =	vmul.f32 $1.131370830e+01, v3  }
0xaf: {  	[tilespmem:s11+$0x54C0] =	vst v1;
	v1 =	vmul.f32 $1.131370830e+01, v4  }
0xb0: {  	s5 =	sadd.s32 s7, s5;
	[tilespmem:s11+$0x54D0] =	vst v0;
	v0 =	vmul.f32 $1.131370830e+01, v6  }
0xb1: {  	s5 =	sshrl.u32 s5, $0x3;
	[tilespmem:s11+$0x54E0] =	vst v1  }
0xb2: {  	s13 =	simm.s32 $0x0;
	s23 =	simm.s32 $0x5400;
	s5 =	sadd.s32 s3, s5;
	[tilespmem:s11+$0x54F0] =	vst v0  }
0xb3: {  	[hbm4b:s5+s13] =	stream.linear.scatter [tilespmem:s23], [sflag:$0xC], $0x2000, $0x38;
	[tilespmem:$0x17400] =	vst v63  }
0xb4: {  	_ =	swait.ge [sflag:s1], $0x2000  }
0xb5: {  	[sflag:s1] =	ssyncset.done $0x0  }
0xb6: {  	s5 =	simm.s32 $0x0;
	[sflag:s1] =	ssyncadd.s32 $0xFFFFE000  }
0xb7: {  	v0 =	vld [tilespmem:s5+$0x7400]  }
0xb8: {  	v1 =	vld [tilespmem:s5+$0x7410]  }
0xb9: {  	v2 =	vld [tilespmem:s5+$0x7420]  }
0xba: {  	v3 =	vld [tilespmem:s5+$0x7430]  }
0xbb: {  	v4 =	vld [tilespmem:s5+$0x7440]  }
0xbc: {  	v5 =	vld [tilespmem:s5+$0x7450];
	v0 =	vmul.f32 $1.131370830e+01, v0  }
0xbd: {  	v6 =	vld [tilespmem:s5+$0x7460];
	v1 =	vmul.f32 $1.131370830e+01, v1  }
0xbe: {  	v7 =	vld [tilespmem:s5+$0x7470];
	[tilespmem:s5+$0x7400] =	vst v0;
	v0 =	vmul.f32 $1.131370830e+01, v2  }
0xbf: {  	v8 =	vld [tilespmem:s5+$0x7480];
	[tilespmem:s5+$0x7410] =	vst v1;
	v1 =	vmul.f32 $1.131370830e+01, v3  }
0xc0: {  	v9 =	vld [tilespmem:s5+$0x7490];
	[tilespmem:s5+$0x7420] =	vst v0;
	v0 =	vmul.f32 $1.131370830e+01, v4  }
0xc1: {  	v2 =	vmul.f32 $1.131370830e+01, v5;
	[tilespmem:s5+$0x7430] =	vst v1;
	v1 =	vld [tilespmem:s5+$0x74A0]  }
0xc2: {  	v3 =	vmul.f32 $1.131370830e+01, v6;
	[tilespmem:s5+$0x7440] =	vst v0;
	v0 =	vld [tilespmem:s5+$0x74B0]  }
0xc3: {  	[tilespmem:s5+$0x7450] =	vst v2;
	v2 =	vld [tilespmem:s5+$0x74C0];
	v4 =	vmul.f32 $1.131370830e+01, v7  }
0xc4: {  	v6 =	vmul.f32 $1.131370830e+01, v8;
	[tilespmem:s5+$0x7460] =	vst v3;
	v3 =	vld [tilespmem:s5+$0x74D0]  }
0xc5: {  	s11 =	simm.s32 $0x400;
	v5 =	vmul.f32 $1.131370830e+01, v9;
	[tilespmem:s5+$0x7470] =	vst v4;
	v4 =	vld [tilespmem:s5+$0x74E0]  }
.LBB2_10:
0xc6: {  	s13 =	sshra.s32 s11, $0x2;
	p0 =	sne.s32 s11, $0x7C00;
	[tilespmem:s5+$0x7480] =	vst v6;
	v1 =	vmul.f32 $1.131370830e+01, v1;
	v6 =	vld [tilespmem:s5+$0x74F0]  }
0xc7: {  	v7 =	vld [tilespmem:s13+$0x7400];
	[tilespmem:s5+$0x7490] =	vst v5;
	v0 =	vmul.f32 $1.131370830e+01, v0  }
0xc8: {  	v5 =	vld [tilespmem:s13+$0x7410];
	[tilespmem:s5+$0x74A0] =	vst v1;
	v1 =	vmul.f32 $1.131370830e+01, v2  }
0xc9: {  	v2 =	vld [tilespmem:s13+$0x7420];
	[tilespmem:s5+$0x74B0] =	vst v0;
	v0 =	vmul.f32 $1.131370830e+01, v3  }
0xca: {  	v3 =	vld [tilespmem:s13+$0x7430];
	[tilespmem:s5+$0x74C0] =	vst v1;
	v1 =	vmul.f32 $1.131370830e+01, v4  }
0xcb: {  	v4 =	vld [tilespmem:s13+$0x7440];
	[tilespmem:s5+$0x74D0] =	vst v0;
	v0 =	vmul.f32 $1.131370830e+01, v6  }
0xcc: {  	v6 =	vmul.f32 $1.131370830e+01, v7;
	v7 =	vld [tilespmem:s13+$0x7450];
	[tilespmem:s5+$0x74E0] =	vst v1  }
0xcd: {  	v1 =	vmul.f32 $1.131370830e+01, v5;
	v5 =	vld [tilespmem:s13+$0x7460];
	[tilespmem:s5+$0x74F0] =	vst v0;
	s5 =	smov.u32 s13  }
0xce: {  	[tilespmem:s5+$0x7400] =	vst v6;
	v0 =	vmul.f32 $1.131370830e+01, v2;
	v2 =	vld [tilespmem:s5+$0x7470]  }
0xcf: {  	[tilespmem:s5+$0x7410] =	vst v1;
	v1 =	vmul.f32 $1.131370830e+01, v3;
	v3 =	vld [tilespmem:s5+$0x7480]  }
0xd0: {  	[tilespmem:s5+$0x7420] =	vst v0;
	v0 =	vmul.f32 $1.131370830e+01, v4;
	v4 =	vld [tilespmem:s5+$0x7490]  }
.Ltmp4:
0xd1: {  	[tilespmem:s5+$0x7430] =	vst v1;
	v6 =	vmul.f32 $1.131370830e+01, v7;
	v1 =	vld [tilespmem:s5+$0x74A0];
	(pc) =	sbr.rel @p0 .LBB2_10-.Ltmp4, $4  }
0xd2: {  	[tilespmem:s5+$0x7440] =	vst v0;
	v5 =	vmul.f32 $1.131370830e+01, v5;
	v0 =	vld [tilespmem:s5+$0x74B0]  }
0xd3: {  	[tilespmem:s5+$0x7450] =	vst v6;
	v7 =	vmul.f32 $1.131370830e+01, v2;
	v2 =	vld [tilespmem:s5+$0x74C0]  }
0xd4: {  	[tilespmem:s5+$0x7460] =	vst v5;
	v6 =	vmul.f32 $1.131370830e+01, v3;
	v3 =	vld [tilespmem:s5+$0x74D0]  }
0xd5: {  	s11 =	sadd.s32 $0x400, s11;
	[tilespmem:s5+$0x7470] =	vst v7;
	v5 =	vmul.f32 $1.131370830e+01, v4;
	v4 =	vld [tilespmem:s5+$0x74E0]  }
0xd6: {  	[tilespmem:s5+$0x7480] =	vst v6;
	v1 =	vmul.f32 $1.131370830e+01, v1;
	v6 =	vld [tilespmem:s5+$0x74F0]  }
0xd7: {  	[tilespmem:s5+$0x7490] =	vst v5;
	v0 =	vmul.f32 $1.131370830e+01, v0  }
0xd8: {  	[tilespmem:s5+$0x74A0] =	vst v1;
	v1 =	vmul.f32 $1.131370830e+01, v2  }
0xd9: {  	[tilespmem:s5+$0x74B0] =	vst v0;
	v0 =	vmul.f32 $1.131370830e+01, v3  }
0xda: {  	[tilespmem:s5+$0x74C0] =	vst v1;
	v1 =	vmul.f32 $1.131370830e+01, v4  }
0xdb: {  	s11 =	sadd.s32 s7, s21;
	[tilespmem:s5+$0x74D0] =	vst v0;
	v0 =	vmul.f32 $1.131370830e+01, v6  }
0xdc: {  	s11 =	sshrl.u32 s11, $0x3;
	[tilespmem:s5+$0x74E0] =	vst v1  }
0xdd: {  	s13 =	simm.s32 $0x0;
	s21 =	simm.s32 $0x7400;
	s11 =	sadd.s32 s3, s11;
	[tilespmem:s5+$0x74F0] =	vst v0  }
0xde: {  	[hbm4b:s11+s13] =	stream.linear.scatter [tilespmem:s21], [sflag:$0xD], $0x2000, $0x38;
	[tilespmem:$0x17400] =	vst v63  }
0xdf: {  	_ =	swait.ge [sflag:s0], $0x2000  }
0xe0: {  	[sflag:s0] =	ssyncset.done $0x0  }
0xe1: {  	s5 =	simm.s32 $0x0;
	[sflag:s0] =	ssyncadd.s32 $0xFFFFE000  }
0xe2: {  	v0 =	vld [tilespmem:s5+$0x9400]  }
0xe3: {  	v1 =	vld [tilespmem:s5+$0x9410]  }
0xe4: {  	v2 =	vld [tilespmem:s5+$0x9420]  }
0xe5: {  	v3 =	vld [tilespmem:s5+$0x9430]  }
0xe6: {  	v4 =	vld [tilespmem:s5+$0x9440]  }
0xe7: {  	v5 =	vld [tilespmem:s5+$0x9450];
	v0 =	vmul.f32 $1.131370830e+01, v0  }
0xe8: {  	v6 =	vld [tilespmem:s5+$0x9460];
	v1 =	vmul.f32 $1.131370830e+01, v1  }
0xe9: {  	v7 =	vld [tilespmem:s5+$0x9470];
	[tilespmem:s5+$0x9400] =	vst v0;
	v0 =	vmul.f32 $1.131370830e+01, v2  }
0xea: {  	v8 =	vld [tilespmem:s5+$0x9480];
	[tilespmem:s5+$0x9410] =	vst v1;
	v1 =	vmul.f32 $1.131370830e+01, v3  }
0xeb: {  	v9 =	vld [tilespmem:s5+$0x9490];
	[tilespmem:s5+$0x9420] =	vst v0;
	v0 =	vmul.f32 $1.131370830e+01, v4  }
0xec: {  	v2 =	vmul.f32 $1.131370830e+01, v5;
	[tilespmem:s5+$0x9430] =	vst v1;
	v1 =	vld [tilespmem:s5+$0x94A0]  }
0xed: {  	v3 =	vmul.f32 $1.131370830e+01, v6;
	[tilespmem:s5+$0x9440] =	vst v0;
	v0 =	vld [tilespmem:s5+$0x94B0]  }
0xee: {  	[tilespmem:s5+$0x9450] =	vst v2;
	v2 =	vld [tilespmem:s5+$0x94C0];
	v4 =	vmul.f32 $1.131370830e+01, v7  }
0xef: {  	v6 =	vmul.f32 $1.131370830e+01, v8;
	[tilespmem:s5+$0x9460] =	vst v3;
	v3 =	vld [tilespmem:s5+$0x94D0]  }
0xf0: {  	s11 =	simm.s32 $0x400;
	v5 =	vmul.f32 $1.131370830e+01, v9;
	[tilespmem:s5+$0x9470] =	vst v4;
	v4 =	vld [tilespmem:s5+$0x94E0]  }
.LBB2_12:
0xf1: {  	s13 =	sshra.s32 s11, $0x2;
	p0 =	sne.s32 s11, $0x7C00;
	[tilespmem:s5+$0x9480] =	vst v6;
	v1 =	vmul.f32 $1.131370830e+01, v1;
	v6 =	vld [tilespmem:s5+$0x94F0]  }
0xf2: {  	v7 =	vld [tilespmem:s13+$0x9400];
	[tilespmem:s5+$0x9490] =	vst v5;
	v0 =	vmul.f32 $1.131370830e+01, v0  }
0xf3: {  	v5 =	vld [tilespmem:s13+$0x9410];
	[tilespmem:s5+$0x94A0] =	vst v1;
	v1 =	vmul.f32 $1.131370830e+01, v2  }
0xf4: {  	v2 =	vld [tilespmem:s13+$0x9420];
	[tilespmem:s5+$0x94B0] =	vst v0;
	v0 =	vmul.f32 $1.131370830e+01, v3  }
0xf5: {  	v3 =	vld [tilespmem:s13+$0x9430];
	[tilespmem:s5+$0x94C0] =	vst v1;
	v1 =	vmul.f32 $1.131370830e+01, v4  }
0xf6: {  	v4 =	vld [tilespmem:s13+$0x9440];
	[tilespmem:s5+$0x94D0] =	vst v0;
	v0 =	vmul.f32 $1.131370830e+01, v6  }
0xf7: {  	v6 =	vmul.f32 $1.131370830e+01, v7;
	v7 =	vld [tilespmem:s13+$0x9450];
	[tilespmem:s5+$0x94E0] =	vst v1  }
0xf8: {  	v1 =	vmul.f32 $1.131370830e+01, v5;
	v5 =	vld [tilespmem:s13+$0x9460];
	[tilespmem:s5+$0x94F0] =	vst v0;
	s5 =	smov.u32 s13  }
0xf9: {  	[tilespmem:s5+$0x9400] =	vst v6;
	v0 =	vmul.f32 $1.131370830e+01, v2;
	v2 =	vld [tilespmem:s5+$0x9470]  }
0xfa: {  	[tilespmem:s5+$0x9410] =	vst v1;
	v1 =	vmul.f32 $1.131370830e+01, v3;
	v3 =	vld [tilespmem:s5+$0x9480]  }
0xfb: {  	[tilespmem:s5+$0x9420] =	vst v0;
	v0 =	vmul.f32 $1.131370830e+01, v4;
	v4 =	vld [tilespmem:s5+$0x9490]  }
.Ltmp5:
0xfc: {  	[tilespmem:s5+$0x9430] =	vst v1;
	v6 =	vmul.f32 $1.131370830e+01, v7;
	v1 =	vld [tilespmem:s5+$0x94A0];
	(pc) =	sbr.rel @p0 .LBB2_12-.Ltmp5, $4  }
0xfd: {  	[tilespmem:s5+$0x9440] =	vst v0;
	v5 =	vmul.f32 $1.131370830e+01, v5;
	v0 =	vld [tilespmem:s5+$0x94B0]  }
0xfe: {  	[tilespmem:s5+$0x9450] =	vst v6;
	v7 =	vmul.f32 $1.131370830e+01, v2;
	v2 =	vld [tilespmem:s5+$0x94C0]  }
0xff: {  	[tilespmem:s5+$0x9460] =	vst v5;
	v6 =	vmul.f32 $1.131370830e+01, v3;
	v3 =	vld [tilespmem:s5+$0x94D0]  }
0x100: {  	s11 =	sadd.s32 $0x400, s11;
	[tilespmem:s5+$0x9470] =	vst v7;
	v5 =	vmul.f32 $1.131370830e+01, v4;
	v4 =	vld [tilespmem:s5+$0x94E0]  }
0x101: {  	[tilespmem:s5+$0x9480] =	vst v6;
	v1 =	vmul.f32 $1.131370830e+01, v1;
	v6 =	vld [tilespmem:s5+$0x94F0]  }
0x102: {  	[tilespmem:s5+$0x9490] =	vst v5;
	v0 =	vmul.f32 $1.131370830e+01, v0  }
0x103: {  	[tilespmem:s5+$0x94A0] =	vst v1;
	v1 =	vmul.f32 $1.131370830e+01, v2  }
0x104: {  	[tilespmem:s5+$0x94B0] =	vst v0;
	v0 =	vmul.f32 $1.131370830e+01, v3  }
0x105: {  	[tilespmem:s5+$0x94C0] =	vst v1;
	v1 =	vmul.f32 $1.131370830e+01, v4  }
0x106: {  	s4 =	sadd.s32 s7, s4;
	[tilespmem:s5+$0x94D0] =	vst v0;
	v0 =	vmul.f32 $1.131370830e+01, v6  }
0x107: {  	s4 =	sshrl.u32 s4, $0x3;
	[tilespmem:s5+$0x94E0] =	vst v1  }
0x108: {  	s11 =	simm.s32 $0x0;
	s13 =	simm.s32 $0x9400;
	s4 =	sadd.s32 s3, s4;
	[tilespmem:s5+$0x94F0] =	vst v0  }
0x109: {  	[hbm4b:s4+s11] =	stream.linear.scatter [tilespmem:s13], [sflag:$0xE], $0x2000, $0x38;
	[tilespmem:$0x17400] =	vst v63  }
0x10a: {  	_ =	swait.ge [sflag:s6], $0x2000  }
0x10b: {  	[sflag:s6] =	ssyncset.done $0x0  }
0x10c: {  	s4 =	simm.s32 $0x0;
	[sflag:s6] =	ssyncadd.s32 $0xFFFFE000  }
0x10d: {  	v0 =	vld [tilespmem:s4+$0xB400]  }
0x10e: {  	v1 =	vld [tilespmem:s4+$0xB410]  }
0x10f: {  	v2 =	vld [tilespmem:s4+$0xB420]  }
0x110: {  	v3 =	vld [tilespmem:s4+$0xB430]  }
0x111: {  	v4 =	vld [tilespmem:s4+$0xB440]  }
0x112: {  	v5 =	vld [tilespmem:s4+$0xB450];
	v0 =	vmul.f32 $1.131370830e+01, v0  }
0x113: {  	v6 =	vld [tilespmem:s4+$0xB460];
	v1 =	vmul.f32 $1.131370830e+01, v1  }
0x114: {  	v7 =	vld [tilespmem:s4+$0xB470];
	[tilespmem:s4+$0xB400] =	vst v0;
	v0 =	vmul.f32 $1.131370830e+01, v2  }
0x115: {  	v8 =	vld [tilespmem:s4+$0xB480];
	[tilespmem:s4+$0xB410] =	vst v1;
	v1 =	vmul.f32 $1.131370830e+01, v3  }
0x116: {  	v9 =	vld [tilespmem:s4+$0xB490];
	[tilespmem:s4+$0xB420] =	vst v0;
	v0 =	vmul.f32 $1.131370830e+01, v4  }
0x117: {  	v2 =	vmul.f32 $1.131370830e+01, v5;
	[tilespmem:s4+$0xB430] =	vst v1;
	v1 =	vld [tilespmem:s4+$0xB4A0]  }
0x118: {  	v3 =	vmul.f32 $1.131370830e+01, v6;
	[tilespmem:s4+$0xB440] =	vst v0;
	v0 =	vld [tilespmem:s4+$0xB4B0]  }
0x119: {  	[tilespmem:s4+$0xB450] =	vst v2;
	v2 =	vld [tilespmem:s4+$0xB4C0];
	v4 =	vmul.f32 $1.131370830e+01, v7  }
0x11a: {  	v6 =	vmul.f32 $1.131370830e+01, v8;
	[tilespmem:s4+$0xB460] =	vst v3;
	v3 =	vld [tilespmem:s4+$0xB4D0]  }
0x11b: {  	s5 =	simm.s32 $0x400;
	v5 =	vmul.f32 $1.131370830e+01, v9;
	[tilespmem:s4+$0xB470] =	vst v4;
	v4 =	vld [tilespmem:s4+$0xB4E0]  }
.LBB2_14:
0x11c: {  	s11 =	sshra.s32 s5, $0x2;
	p0 =	sne.s32 s5, $0x7C00;
	[tilespmem:s4+$0xB480] =	vst v6;
	v1 =	vmul.f32 $1.131370830e+01, v1;
	v6 =	vld [tilespmem:s4+$0xB4F0]  }
0x11d: {  	v7 =	vld [tilespmem:s11+$0xB400];
	[tilespmem:s4+$0xB490] =	vst v5;
	v0 =	vmul.f32 $1.131370830e+01, v0  }
0x11e: {  	v5 =	vld [tilespmem:s11+$0xB410];
	[tilespmem:s4+$0xB4A0] =	vst v1;
	v1 =	vmul.f32 $1.131370830e+01, v2  }
0x11f: {  	v2 =	vld [tilespmem:s11+$0xB420];
	[tilespmem:s4+$0xB4B0] =	vst v0;
	v0 =	vmul.f32 $1.131370830e+01, v3  }
0x120: {  	v3 =	vld [tilespmem:s11+$0xB430];
	[tilespmem:s4+$0xB4C0] =	vst v1;
	v1 =	vmul.f32 $1.131370830e+01, v4  }
0x121: {  	v4 =	vld [tilespmem:s11+$0xB440];
	[tilespmem:s4+$0xB4D0] =	vst v0;
	v0 =	vmul.f32 $1.131370830e+01, v6  }
0x122: {  	v6 =	vmul.f32 $1.131370830e+01, v7;
	v7 =	vld [tilespmem:s11+$0xB450];
	[tilespmem:s4+$0xB4E0] =	vst v1  }
0x123: {  	v1 =	vmul.f32 $1.131370830e+01, v5;
	v5 =	vld [tilespmem:s11+$0xB460];
	[tilespmem:s4+$0xB4F0] =	vst v0;
	s4 =	smov.u32 s11  }
0x124: {  	[tilespmem:s4+$0xB400] =	vst v6;
	v0 =	vmul.f32 $1.131370830e+01, v2;
	v2 =	vld [tilespmem:s4+$0xB470]  }
0x125: {  	[tilespmem:s4+$0xB410] =	vst v1;
	v1 =	vmul.f32 $1.131370830e+01, v3;
	v3 =	vld [tilespmem:s4+$0xB480]  }
0x126: {  	[tilespmem:s4+$0xB420] =	vst v0;
	v0 =	vmul.f32 $1.131370830e+01, v4;
	v4 =	vld [tilespmem:s4+$0xB490]  }
.Ltmp6:
0x127: {  	[tilespmem:s4+$0xB430] =	vst v1;
	v6 =	vmul.f32 $1.131370830e+01, v7;
	v1 =	vld [tilespmem:s4+$0xB4A0];
	(pc) =	sbr.rel @p0 .LBB2_14-.Ltmp6, $4  }
0x128: {  	[tilespmem:s4+$0xB440] =	vst v0;
	v5 =	vmul.f32 $1.131370830e+01, v5;
	v0 =	vld [tilespmem:s4+$0xB4B0]  }
0x129: {  	[tilespmem:s4+$0xB450] =	vst v6;
	v7 =	vmul.f32 $1.131370830e+01, v2;
	v2 =	vld [tilespmem:s4+$0xB4C0]  }
0x12a: {  	[tilespmem:s4+$0xB460] =	vst v5;
	v6 =	vmul.f32 $1.131370830e+01, v3;
	v3 =	vld [tilespmem:s4+$0xB4D0]  }
0x12b: {  	s5 =	sadd.s32 $0x400, s5;
	[tilespmem:s4+$0xB470] =	vst v7;
	v5 =	vmul.f32 $1.131370830e+01, v4;
	v4 =	vld [tilespmem:s4+$0xB4E0]  }
0x12c: {  	[tilespmem:s4+$0xB480] =	vst v6;
	v1 =	vmul.f32 $1.131370830e+01, v1;
	v6 =	vld [tilespmem:s4+$0xB4F0]  }
0x12d: {  	[tilespmem:s4+$0xB490] =	vst v5;
	v0 =	vmul.f32 $1.131370830e+01, v0  }
0x12e: {  	[tilespmem:s4+$0xB4A0] =	vst v1;
	v1 =	vmul.f32 $1.131370830e+01, v2  }
0x12f: {  	[tilespmem:s4+$0xB4B0] =	vst v0;
	v0 =	vmul.f32 $1.131370830e+01, v3  }
0x130: {  	[tilespmem:s4+$0xB4C0] =	vst v1;
	v1 =	vmul.f32 $1.131370830e+01, v4  }
0x131: {  	s5 =	sadd.s32 s7, s26;
	[tilespmem:s4+$0xB4D0] =	vst v0;
	v0 =	vmul.f32 $1.131370830e+01, v6  }
0x132: {  	s5 =	sshrl.u32 s5, $0x3;
	[tilespmem:s4+$0xB4E0] =	vst v1  }
0x133: {  	s11 =	simm.s32 $0x0;
	s26 =	simm.s32 $0xB400;
	s5 =	sadd.s32 s3, s5;
	[tilespmem:s4+$0xB4F0] =	vst v0  }
0x134: {  	[hbm4b:s5+s11] =	stream.linear.scatter [tilespmem:s26], [sflag:$0xF], $0x2000, $0x38;
	[tilespmem:$0x17400] =	vst v63  }
0x135: {  	_ =	swait.ge [sflag:s8], $0x2000  }
0x136: {  	[sflag:s8] =	ssyncset.done $0x0  }
0x137: {  	s4 =	simm.s32 $0x0;
	[sflag:s8] =	ssyncadd.s32 $0xFFFFE000  }
0x138: {  	v0 =	vld [tilespmem:s4+$0xD400]  }
0x139: {  	v1 =	vld [tilespmem:s4+$0xD410]  }
0x13a: {  	v2 =	vld [tilespmem:s4+$0xD420]  }
0x13b: {  	v3 =	vld [tilespmem:s4+$0xD430]  }
0x13c: {  	v4 =	vld [tilespmem:s4+$0xD440]  }
0x13d: {  	v5 =	vld [tilespmem:s4+$0xD450];
	v0 =	vmul.f32 $1.131370830e+01, v0  }
0x13e: {  	v6 =	vld [tilespmem:s4+$0xD460];
	v1 =	vmul.f32 $1.131370830e+01, v1  }
0x13f: {  	v7 =	vld [tilespmem:s4+$0xD470];
	[tilespmem:s4+$0xD400] =	vst v0;
	v0 =	vmul.f32 $1.131370830e+01, v2  }
0x140: {  	v8 =	vld [tilespmem:s4+$0xD480];
	[tilespmem:s4+$0xD410] =	vst v1;
	v1 =	vmul.f32 $1.131370830e+01, v3  }
0x141: {  	v9 =	vld [tilespmem:s4+$0xD490];
	[tilespmem:s4+$0xD420] =	vst v0;
	v0 =	vmul.f32 $1.131370830e+01, v4  }
0x142: {  	v2 =	vmul.f32 $1.131370830e+01, v5;
	[tilespmem:s4+$0xD430] =	vst v1;
	v1 =	vld [tilespmem:s4+$0xD4A0]  }
0x143: {  	v3 =	vmul.f32 $1.131370830e+01, v6;
	[tilespmem:s4+$0xD440] =	vst v0;
	v0 =	vld [tilespmem:s4+$0xD4B0]  }
0x144: {  	[tilespmem:s4+$0xD450] =	vst v2;
	v2 =	vld [tilespmem:s4+$0xD4C0];
	v4 =	vmul.f32 $1.131370830e+01, v7  }
0x145: {  	v6 =	vmul.f32 $1.131370830e+01, v8;
	[tilespmem:s4+$0xD460] =	vst v3;
	v3 =	vld [tilespmem:s4+$0xD4D0]  }
0x146: {  	s5 =	simm.s32 $0x400;
	v5 =	vmul.f32 $1.131370830e+01, v9;
	[tilespmem:s4+$0xD470] =	vst v4;
	v4 =	vld [tilespmem:s4+$0xD4E0]  }
.LBB2_16:
0x147: {  	s11 =	sshra.s32 s5, $0x2;
	p0 =	sne.s32 s5, $0x7C00;
	[tilespmem:s4+$0xD480] =	vst v6;
	v1 =	vmul.f32 $1.131370830e+01, v1;
	v6 =	vld [tilespmem:s4+$0xD4F0]  }
0x148: {  	v7 =	vld [tilespmem:s11+$0xD400];
	[tilespmem:s4+$0xD490] =	vst v5;
	v0 =	vmul.f32 $1.131370830e+01, v0  }
0x149: {  	v5 =	vld [tilespmem:s11+$0xD410];
	[tilespmem:s4+$0xD4A0] =	vst v1;
	v1 =	vmul.f32 $1.131370830e+01, v2  }
0x14a: {  	v2 =	vld [tilespmem:s11+$0xD420];
	[tilespmem:s4+$0xD4B0] =	vst v0;
	v0 =	vmul.f32 $1.131370830e+01, v3  }
0x14b: {  	v3 =	vld [tilespmem:s11+$0xD430];
	[tilespmem:s4+$0xD4C0] =	vst v1;
	v1 =	vmul.f32 $1.131370830e+01, v4  }
0x14c: {  	v4 =	vld [tilespmem:s11+$0xD440];
	[tilespmem:s4+$0xD4D0] =	vst v0;
	v0 =	vmul.f32 $1.131370830e+01, v6  }
0x14d: {  	v6 =	vmul.f32 $1.131370830e+01, v7;
	v7 =	vld [tilespmem:s11+$0xD450];
	[tilespmem:s4+$0xD4E0] =	vst v1  }
0x14e: {  	v1 =	vmul.f32 $1.131370830e+01, v5;
	v5 =	vld [tilespmem:s11+$0xD460];
	[tilespmem:s4+$0xD4F0] =	vst v0;
	s4 =	smov.u32 s11  }
0x14f: {  	[tilespmem:s4+$0xD400] =	vst v6;
	v0 =	vmul.f32 $1.131370830e+01, v2;
	v2 =	vld [tilespmem:s4+$0xD470]  }
0x150: {  	[tilespmem:s4+$0xD410] =	vst v1;
	v1 =	vmul.f32 $1.131370830e+01, v3;
	v3 =	vld [tilespmem:s4+$0xD480]  }
0x151: {  	[tilespmem:s4+$0xD420] =	vst v0;
	v0 =	vmul.f32 $1.131370830e+01, v4;
	v4 =	vld [tilespmem:s4+$0xD490]  }
.Ltmp7:
0x152: {  	[tilespmem:s4+$0xD430] =	vst v1;
	v6 =	vmul.f32 $1.131370830e+01, v7;
	v1 =	vld [tilespmem:s4+$0xD4A0];
	(pc) =	sbr.rel @p0 .LBB2_16-.Ltmp7, $4  }
0x153: {  	[tilespmem:s4+$0xD440] =	vst v0;
	v5 =	vmul.f32 $1.131370830e+01, v5;
	v0 =	vld [tilespmem:s4+$0xD4B0]  }
0x154: {  	[tilespmem:s4+$0xD450] =	vst v6;
	v7 =	vmul.f32 $1.131370830e+01, v2;
	v2 =	vld [tilespmem:s4+$0xD4C0]  }
0x155: {  	[tilespmem:s4+$0xD460] =	vst v5;
	v6 =	vmul.f32 $1.131370830e+01, v3;
	v3 =	vld [tilespmem:s4+$0xD4D0]  }
0x156: {  	s5 =	sadd.s32 $0x400, s5;
	[tilespmem:s4+$0xD470] =	vst v7;
	v5 =	vmul.f32 $1.131370830e+01, v4;
	v4 =	vld [tilespmem:s4+$0xD4E0]  }
0x157: {  	[tilespmem:s4+$0xD480] =	vst v6;
	v1 =	vmul.f32 $1.131370830e+01, v1;
	v6 =	vld [tilespmem:s4+$0xD4F0]  }
0x158: {  	[tilespmem:s4+$0xD490] =	vst v5;
	v0 =	vmul.f32 $1.131370830e+01, v0  }
0x159: {  	[tilespmem:s4+$0xD4A0] =	vst v1;
	v1 =	vmul.f32 $1.131370830e+01, v2  }
0x15a: {  	[tilespmem:s4+$0xD4B0] =	vst v0;
	v0 =	vmul.f32 $1.131370830e+01, v3  }
0x15b: {  	[tilespmem:s4+$0xD4C0] =	vst v1;
	v1 =	vmul.f32 $1.131370830e+01, v4  }
0x15c: {  	s5 =	sadd.s32 s7, s19;
	[tilespmem:s4+$0xD4D0] =	vst v0;
	v0 =	vmul.f32 $1.131370830e+01, v6  }
0x15d: {  	s5 =	sshrl.u32 s5, $0x3;
	[tilespmem:s4+$0xD4E0] =	vst v1  }
0x15e: {  	s19 =	simm.s32 $0x0;
	s11 =	simm.s32 $0xD400;
	s5 =	sadd.s32 s3, s5;
	[tilespmem:s4+$0xD4F0] =	vst v0  }
0x15f: {  	[hbm4b:s5+s19] =	stream.linear.scatter [tilespmem:s11], [sflag:$0x10], $0x2000, $0x38;
	[tilespmem:$0x17400] =	vst v63  }
0x160: {  	_ =	swait.ge [sflag:s9], $0x2000  }
0x161: {  	[sflag:s9] =	ssyncset.done $0x0  }
0x162: {  	s4 =	simm.s32 $0x0;
	[sflag:s9] =	ssyncadd.s32 $0xFFFFE000  }
0x163: {  	v0 =	vld [tilespmem:s4+$0xF400]  }
0x164: {  	v1 =	vld [tilespmem:s4+$0xF410]  }
0x165: {  	v2 =	vld [tilespmem:s4+$0xF420]  }
0x166: {  	v3 =	vld [tilespmem:s4+$0xF430]  }
0x167: {  	v4 =	vld [tilespmem:s4+$0xF440]  }
0x168: {  	v5 =	vld [tilespmem:s4+$0xF450];
	v0 =	vmul.f32 $1.131370830e+01, v0  }
0x169: {  	v6 =	vld [tilespmem:s4+$0xF460];
	v1 =	vmul.f32 $1.131370830e+01, v1  }
0x16a: {  	v7 =	vld [tilespmem:s4+$0xF470];
	[tilespmem:s4+$0xF400] =	vst v0;
	v0 =	vmul.f32 $1.131370830e+01, v2  }
0x16b: {  	v8 =	vld [tilespmem:s4+$0xF480];
	[tilespmem:s4+$0xF410] =	vst v1;
	v1 =	vmul.f32 $1.131370830e+01, v3  }
0x16c: {  	v9 =	vld [tilespmem:s4+$0xF490];
	[tilespmem:s4+$0xF420] =	vst v0;
	v0 =	vmul.f32 $1.131370830e+01, v4  }
0x16d: {  	v2 =	vmul.f32 $1.131370830e+01, v5;
	[tilespmem:s4+$0xF430] =	vst v1;
	v1 =	vld [tilespmem:s4+$0xF4A0]  }
0x16e: {  	v3 =	vmul.f32 $1.131370830e+01, v6;
	[tilespmem:s4+$0xF440] =	vst v0;
	v0 =	vld [tilespmem:s4+$0xF4B0]  }
0x16f: {  	[tilespmem:s4+$0xF450] =	vst v2;
	v2 =	vld [tilespmem:s4+$0xF4C0];
	v4 =	vmul.f32 $1.131370830e+01, v7  }
0x170: {  	v6 =	vmul.f32 $1.131370830e+01, v8;
	[tilespmem:s4+$0xF460] =	vst v3;
	v3 =	vld [tilespmem:s4+$0xF4D0]  }
0x171: {  	s5 =	simm.s32 $0x400;
	v5 =	vmul.f32 $1.131370830e+01, v9;
	[tilespmem:s4+$0xF470] =	vst v4;
	v4 =	vld [tilespmem:s4+$0xF4E0]  }
.LBB2_18:
0x172: {  	s11 =	sshra.s32 s5, $0x2;
	p0 =	sne.s32 s5, $0x7C00;
	[tilespmem:s4+$0xF480] =	vst v6;
	v1 =	vmul.f32 $1.131370830e+01, v1;
	v6 =	vld [tilespmem:s4+$0xF4F0]  }
0x173: {  	v7 =	vld [tilespmem:s11+$0xF400];
	[tilespmem:s4+$0xF490] =	vst v5;
	v0 =	vmul.f32 $1.131370830e+01, v0  }
0x174: {  	v5 =	vld [tilespmem:s11+$0xF410];
	[tilespmem:s4+$0xF4A0] =	vst v1;
	v1 =	vmul.f32 $1.131370830e+01, v2  }
0x175: {  	v2 =	vld [tilespmem:s11+$0xF420];
	[tilespmem:s4+$0xF4B0] =	vst v0;
	v0 =	vmul.f32 $1.131370830e+01, v3  }
0x176: {  	v3 =	vld [tilespmem:s11+$0xF430];
	[tilespmem:s4+$0xF4C0] =	vst v1;
	v1 =	vmul.f32 $1.131370830e+01, v4  }
0x177: {  	v4 =	vld [tilespmem:s11+$0xF440];
	[tilespmem:s4+$0xF4D0] =	vst v0;
	v0 =	vmul.f32 $1.131370830e+01, v6  }
0x178: {  	v6 =	vmul.f32 $1.131370830e+01, v7;
	v7 =	vld [tilespmem:s11+$0xF450];
	[tilespmem:s4+$0xF4E0] =	vst v1  }
0x179: {  	v1 =	vmul.f32 $1.131370830e+01, v5;
	v5 =	vld [tilespmem:s11+$0xF460];
	[tilespmem:s4+$0xF4F0] =	vst v0;
	s4 =	smov.u32 s11  }
0x17a: {  	[tilespmem:s4+$0xF400] =	vst v6;
	v0 =	vmul.f32 $1.131370830e+01, v2;
	v2 =	vld [tilespmem:s4+$0xF470]  }
0x17b: {  	[tilespmem:s4+$0xF410] =	vst v1;
	v1 =	vmul.f32 $1.131370830e+01, v3;
	v3 =	vld [tilespmem:s4+$0xF480]  }
0x17c: {  	[tilespmem:s4+$0xF420] =	vst v0;
	v0 =	vmul.f32 $1.131370830e+01, v4;
	v4 =	vld [tilespmem:s4+$0xF490]  }
.Ltmp8:
0x17d: {  	[tilespmem:s4+$0xF430] =	vst v1;
	v6 =	vmul.f32 $1.131370830e+01, v7;
	v1 =	vld [tilespmem:s4+$0xF4A0];
	(pc) =	sbr.rel @p0 .LBB2_18-.Ltmp8, $4  }
0x17e: {  	[tilespmem:s4+$0xF440] =	vst v0;
	v5 =	vmul.f32 $1.131370830e+01, v5;
	v0 =	vld [tilespmem:s4+$0xF4B0]  }
0x17f: {  	[tilespmem:s4+$0xF450] =	vst v6;
	v7 =	vmul.f32 $1.131370830e+01, v2;
	v2 =	vld [tilespmem:s4+$0xF4C0]  }
0x180: {  	[tilespmem:s4+$0xF460] =	vst v5;
	v6 =	vmul.f32 $1.131370830e+01, v3;
	v3 =	vld [tilespmem:s4+$0xF4D0]  }
0x181: {  	s5 =	sadd.s32 $0x400, s5;
	[tilespmem:s4+$0xF470] =	vst v7;
	v5 =	vmul.f32 $1.131370830e+01, v4;
	v4 =	vld [tilespmem:s4+$0xF4E0]  }
0x182: {  	[tilespmem:s4+$0xF480] =	vst v6;
	v1 =	vmul.f32 $1.131370830e+01, v1;
	v6 =	vld [tilespmem:s4+$0xF4F0]  }
0x183: {  	[tilespmem:s4+$0xF490] =	vst v5;
	v0 =	vmul.f32 $1.131370830e+01, v0  }
0x184: {  	[tilespmem:s4+$0xF4A0] =	vst v1;
	v1 =	vmul.f32 $1.131370830e+01, v2  }
0x185: {  	[tilespmem:s4+$0xF4B0] =	vst v0;
	v0 =	vmul.f32 $1.131370830e+01, v3  }
0x186: {  	[tilespmem:s4+$0xF4C0] =	vst v1;
	v1 =	vmul.f32 $1.131370830e+01, v4  }
0x187: {  	s5 =	sadd.s32 s7, s24;
	[tilespmem:s4+$0xF4D0] =	vst v0;
	v0 =	vmul.f32 $1.131370830e+01, v6  }
0x188: {  	s5 =	sshrl.u32 s5, $0x3;
	[tilespmem:s4+$0xF4E0] =	vst v1  }
0x189: {  	s19 =	simm.s32 $0x0;
	s24 =	simm.s32 $0xF400;
	s11 =	sadd.s32 s3, s5;
	[tilespmem:s4+$0xF4F0] =	vst v0  }
0x18a: {  	[hbm4b:s11+s19] =	stream.linear.scatter [tilespmem:s24], [sflag:$0x11], $0x2000, $0x38;
	[tilespmem:$0x17400] =	vst v63  }
0x18b: {  	_ =	swait.ge [sflag:s12], $0x2000  }
0x18c: {  	[sflag:s12] =	ssyncset.done $0x0  }
0x18d: {  	s4 =	simm.s32 $0x0;
	[sflag:s12] =	ssyncadd.s32 $0xFFFFE000  }
0x18e: {  	v0 =	vld [tilespmem:s4+$0x11400]  }
0x18f: {  	v1 =	vld [tilespmem:s4+$0x11410]  }
0x190: {  	v2 =	vld [tilespmem:s4+$0x11420]  }
0x191: {  	v3 =	vld [tilespmem:s4+$0x11430]  }
0x192: {  	v4 =	vld [tilespmem:s4+$0x11440]  }
0x193: {  	v5 =	vld [tilespmem:s4+$0x11450];
	v0 =	vmul.f32 $1.131370830e+01, v0  }
0x194: {  	v6 =	vld [tilespmem:s4+$0x11460];
	v1 =	vmul.f32 $1.131370830e+01, v1  }
0x195: {  	v7 =	vld [tilespmem:s4+$0x11470];
	[tilespmem:s4+$0x11400] =	vst v0;
	v0 =	vmul.f32 $1.131370830e+01, v2  }
0x196: {  	v8 =	vld [tilespmem:s4+$0x11480];
	[tilespmem:s4+$0x11410] =	vst v1;
	v1 =	vmul.f32 $1.131370830e+01, v3  }
0x197: {  	v9 =	vld [tilespmem:s4+$0x11490];
	[tilespmem:s4+$0x11420] =	vst v0;
	v0 =	vmul.f32 $1.131370830e+01, v4  }
0x198: {  	v2 =	vmul.f32 $1.131370830e+01, v5;
	[tilespmem:s4+$0x11430] =	vst v1;
	v1 =	vld [tilespmem:s4+$0x114A0]  }
0x199: {  	v3 =	vmul.f32 $1.131370830e+01, v6;
	[tilespmem:s4+$0x11440] =	vst v0;
	v0 =	vld [tilespmem:s4+$0x114B0]  }
0x19a: {  	[tilespmem:s4+$0x11450] =	vst v2;
	v2 =	vld [tilespmem:s4+$0x114C0];
	v4 =	vmul.f32 $1.131370830e+01, v7  }
0x19b: {  	v6 =	vmul.f32 $1.131370830e+01, v8;
	[tilespmem:s4+$0x11460] =	vst v3;
	v3 =	vld [tilespmem:s4+$0x114D0]  }
0x19c: {  	s5 =	simm.s32 $0x400;
	v5 =	vmul.f32 $1.131370830e+01, v9;
	[tilespmem:s4+$0x11470] =	vst v4;
	v4 =	vld [tilespmem:s4+$0x114E0]  }
.LBB2_20:
0x19d: {  	s11 =	sshra.s32 s5, $0x2;
	p0 =	sne.s32 s5, $0x7C00;
	[tilespmem:s4+$0x11480] =	vst v6;
	v1 =	vmul.f32 $1.131370830e+01, v1;
	v6 =	vld [tilespmem:s4+$0x114F0]  }
0x19e: {  	v7 =	vld [tilespmem:s11+$0x11400];
	[tilespmem:s4+$0x11490] =	vst v5;
	v0 =	vmul.f32 $1.131370830e+01, v0  }
0x19f: {  	v5 =	vld [tilespmem:s11+$0x11410];
	[tilespmem:s4+$0x114A0] =	vst v1;
	v1 =	vmul.f32 $1.131370830e+01, v2  }
0x1a0: {  	v2 =	vld [tilespmem:s11+$0x11420];
	[tilespmem:s4+$0x114B0] =	vst v0;
	v0 =	vmul.f32 $1.131370830e+01, v3  }
0x1a1: {  	v3 =	vld [tilespmem:s11+$0x11430];
	[tilespmem:s4+$0x114C0] =	vst v1;
	v1 =	vmul.f32 $1.131370830e+01, v4  }
0x1a2: {  	v4 =	vld [tilespmem:s11+$0x11440];
	[tilespmem:s4+$0x114D0] =	vst v0;
	v0 =	vmul.f32 $1.131370830e+01, v6  }
0x1a3: {  	v6 =	vmul.f32 $1.131370830e+01, v7;
	v7 =	vld [tilespmem:s11+$0x11450];
	[tilespmem:s4+$0x114E0] =	vst v1  }
0x1a4: {  	v1 =	vmul.f32 $1.131370830e+01, v5;
	v5 =	vld [tilespmem:s11+$0x11460];
	[tilespmem:s4+$0x114F0] =	vst v0;
	s4 =	smov.u32 s11  }
0x1a5: {  	[tilespmem:s4+$0x11400] =	vst v6;
	v0 =	vmul.f32 $1.131370830e+01, v2;
	v2 =	vld [tilespmem:s4+$0x11470]  }
0x1a6: {  	[tilespmem:s4+$0x11410] =	vst v1;
	v1 =	vmul.f32 $1.131370830e+01, v3;
	v3 =	vld [tilespmem:s4+$0x11480]  }
0x1a7: {  	[tilespmem:s4+$0x11420] =	vst v0;
	v0 =	vmul.f32 $1.131370830e+01, v4;
	v4 =	vld [tilespmem:s4+$0x11490]  }
.Ltmp9:
0x1a8: {  	[tilespmem:s4+$0x11430] =	vst v1;
	v6 =	vmul.f32 $1.131370830e+01, v7;
	v1 =	vld [tilespmem:s4+$0x114A0];
	(pc) =	sbr.rel @p0 .LBB2_20-.Ltmp9, $4  }
0x1a9: {  	[tilespmem:s4+$0x11440] =	vst v0;
	v5 =	vmul.f32 $1.131370830e+01, v5;
	v0 =	vld [tilespmem:s4+$0x114B0]  }
0x1aa: {  	[tilespmem:s4+$0x11450] =	vst v6;
	v7 =	vmul.f32 $1.131370830e+01, v2;
	v2 =	vld [tilespmem:s4+$0x114C0]  }
0x1ab: {  	[tilespmem:s4+$0x11460] =	vst v5;
	v6 =	vmul.f32 $1.131370830e+01, v3;
	v3 =	vld [tilespmem:s4+$0x114D0]  }
0x1ac: {  	s5 =	sadd.s32 $0x400, s5;
	[tilespmem:s4+$0x11470] =	vst v7;
	v5 =	vmul.f32 $1.131370830e+01, v4;
	v4 =	vld [tilespmem:s4+$0x114E0]  }
0x1ad: {  	[tilespmem:s4+$0x11480] =	vst v6;
	v1 =	vmul.f32 $1.131370830e+01, v1;
	v6 =	vld [tilespmem:s4+$0x114F0]  }
0x1ae: {  	[tilespmem:s4+$0x11490] =	vst v5;
	v0 =	vmul.f32 $1.131370830e+01, v0  }
0x1af: {  	[tilespmem:s4+$0x114A0] =	vst v1;
	v1 =	vmul.f32 $1.131370830e+01, v2  }
0x1b0: {  	[tilespmem:s4+$0x114B0] =	vst v0;
	v0 =	vmul.f32 $1.131370830e+01, v3  }
0x1b1: {  	[tilespmem:s4+$0x114C0] =	vst v1;
	v1 =	vmul.f32 $1.131370830e+01, v4  }
0x1b2: {  	s5 =	sadd.s32 s7, s22;
	[tilespmem:s4+$0x114D0] =	vst v0;
	v0 =	vmul.f32 $1.131370830e+01, v6  }
0x1b3: {  	s5 =	sshrl.u32 s5, $0x3;
	[tilespmem:s4+$0x114E0] =	vst v1  }
0x1b4: {  	s22 =	simm.s32 $0x0;
	s19 =	sadd.s32 s3, s5;
	[tilespmem:s4+$0x114F0] =	vst v0  }
0x1b5: {  	[hbm4b:s19+s22] =	stream.linear.scatter [tilespmem:s25], [sflag:$0x12], $0x2000, $0x38;
	[tilespmem:$0x17400] =	vst v63  }
0x1b6: {  	_ =	swait.ge [sflag:s14], $0x2000  }
0x1b7: {  	[sflag:s14] =	ssyncset.done $0x0  }
0x1b8: {  	s4 =	simm.s32 $0x0;
	[sflag:s14] =	ssyncadd.s32 $0xFFFFE000  }
0x1b9: {  	v0 =	vld [tilespmem:s4+$0x13400]  }
0x1ba: {  	v1 =	vld [tilespmem:s4+$0x13410]  }
0x1bb: {  	v2 =	vld [tilespmem:s4+$0x13420]  }
0x1bc: {  	v3 =	vld [tilespmem:s4+$0x13430]  }
0x1bd: {  	v4 =	vld [tilespmem:s4+$0x13440]  }
0x1be: {  	v5 =	vld [tilespmem:s4+$0x13450];
	v0 =	vmul.f32 $1.131370830e+01, v0  }
0x1bf: {  	v6 =	vld [tilespmem:s4+$0x13460];
	v1 =	vmul.f32 $1.131370830e+01, v1  }
0x1c0: {  	v7 =	vld [tilespmem:s4+$0x13470];
	[tilespmem:s4+$0x13400] =	vst v0;
	v0 =	vmul.f32 $1.131370830e+01, v2  }
0x1c1: {  	v8 =	vld [tilespmem:s4+$0x13480];
	[tilespmem:s4+$0x13410] =	vst v1;
	v1 =	vmul.f32 $1.131370830e+01, v3  }
0x1c2: {  	v9 =	vld [tilespmem:s4+$0x13490];
	[tilespmem:s4+$0x13420] =	vst v0;
	v0 =	vmul.f32 $1.131370830e+01, v4  }
0x1c3: {  	v2 =	vmul.f32 $1.131370830e+01, v5;
	[tilespmem:s4+$0x13430] =	vst v1;
	v1 =	vld [tilespmem:s4+$0x134A0]  }
0x1c4: {  	v3 =	vmul.f32 $1.131370830e+01, v6;
	[tilespmem:s4+$0x13440] =	vst v0;
	v0 =	vld [tilespmem:s4+$0x134B0]  }
0x1c5: {  	[tilespmem:s4+$0x13450] =	vst v2;
	v2 =	vld [tilespmem:s4+$0x134C0];
	v4 =	vmul.f32 $1.131370830e+01, v7  }
0x1c6: {  	v6 =	vmul.f32 $1.131370830e+01, v8;
	[tilespmem:s4+$0x13460] =	vst v3;
	v3 =	vld [tilespmem:s4+$0x134D0]  }
0x1c7: {  	s5 =	simm.s32 $0x400;
	v5 =	vmul.f32 $1.131370830e+01, v9;
	[tilespmem:s4+$0x13470] =	vst v4;
	v4 =	vld [tilespmem:s4+$0x134E0]  }
.LBB2_22:
0x1c8: {  	s11 =	sshra.s32 s5, $0x2;
	p0 =	sne.s32 s5, $0x7C00;
	[tilespmem:s4+$0x13480] =	vst v6;
	v1 =	vmul.f32 $1.131370830e+01, v1;
	v6 =	vld [tilespmem:s4+$0x134F0]  }
0x1c9: {  	v7 =	vld [tilespmem:s11+$0x13400];
	[tilespmem:s4+$0x13490] =	vst v5;
	v0 =	vmul.f32 $1.131370830e+01, v0  }
0x1ca: {  	v5 =	vld [tilespmem:s11+$0x13410];
	[tilespmem:s4+$0x134A0] =	vst v1;
	v1 =	vmul.f32 $1.131370830e+01, v2  }
0x1cb: {  	v2 =	vld [tilespmem:s11+$0x13420];
	[tilespmem:s4+$0x134B0] =	vst v0;
	v0 =	vmul.f32 $1.131370830e+01, v3  }
0x1cc: {  	v3 =	vld [tilespmem:s11+$0x13430];
	[tilespmem:s4+$0x134C0] =	vst v1;
	v1 =	vmul.f32 $1.131370830e+01, v4  }
0x1cd: {  	v4 =	vld [tilespmem:s11+$0x13440];
	[tilespmem:s4+$0x134D0] =	vst v0;
	v0 =	vmul.f32 $1.131370830e+01, v6  }
0x1ce: {  	v6 =	vmul.f32 $1.131370830e+01, v7;
	v7 =	vld [tilespmem:s11+$0x13450];
	[tilespmem:s4+$0x134E0] =	vst v1  }
0x1cf: {  	v1 =	vmul.f32 $1.131370830e+01, v5;
	v5 =	vld [tilespmem:s11+$0x13460];
	[tilespmem:s4+$0x134F0] =	vst v0;
	s4 =	smov.u32 s11  }
0x1d0: {  	[tilespmem:s4+$0x13400] =	vst v6;
	v0 =	vmul.f32 $1.131370830e+01, v2;
	v2 =	vld [tilespmem:s4+$0x13470]  }
0x1d1: {  	[tilespmem:s4+$0x13410] =	vst v1;
	v1 =	vmul.f32 $1.131370830e+01, v3;
	v3 =	vld [tilespmem:s4+$0x13480]  }
0x1d2: {  	[tilespmem:s4+$0x13420] =	vst v0;
	v0 =	vmul.f32 $1.131370830e+01, v4;
	v4 =	vld [tilespmem:s4+$0x13490]  }
.Ltmp10:
0x1d3: {  	[tilespmem:s4+$0x13430] =	vst v1;
	v6 =	vmul.f32 $1.131370830e+01, v7;
	v1 =	vld [tilespmem:s4+$0x134A0];
	(pc) =	sbr.rel @p0 .LBB2_22-.Ltmp10, $4  }
0x1d4: {  	[tilespmem:s4+$0x13440] =	vst v0;
	v5 =	vmul.f32 $1.131370830e+01, v5;
	v0 =	vld [tilespmem:s4+$0x134B0]  }
0x1d5: {  	[tilespmem:s4+$0x13450] =	vst v6;
	v7 =	vmul.f32 $1.131370830e+01, v2;
	v2 =	vld [tilespmem:s4+$0x134C0]  }
0x1d6: {  	[tilespmem:s4+$0x13460] =	vst v5;
	v6 =	vmul.f32 $1.131370830e+01, v3;
	v3 =	vld [tilespmem:s4+$0x134D0]  }
0x1d7: {  	s5 =	sadd.s32 $0x400, s5;
	[tilespmem:s4+$0x13470] =	vst v7;
	v5 =	vmul.f32 $1.131370830e+01, v4;
	v4 =	vld [tilespmem:s4+$0x134E0]  }
0x1d8: {  	[tilespmem:s4+$0x13480] =	vst v6;
	v1 =	vmul.f32 $1.131370830e+01, v1;
	v6 =	vld [tilespmem:s4+$0x134F0]  }
0x1d9: {  	[tilespmem:s4+$0x13490] =	vst v5;
	v0 =	vmul.f32 $1.131370830e+01, v0  }
0x1da: {  	[tilespmem:s4+$0x134A0] =	vst v1;
	v1 =	vmul.f32 $1.131370830e+01, v2  }
0x1db: {  	[tilespmem:s4+$0x134B0] =	vst v0;
	v0 =	vmul.f32 $1.131370830e+01, v3  }
0x1dc: {  	[tilespmem:s4+$0x134C0] =	vst v1;
	v1 =	vmul.f32 $1.131370830e+01, v4  }
0x1dd: {  	s5 =	sadd.s32 s7, s17;
	[tilespmem:s4+$0x134D0] =	vst v0;
	v0 =	vmul.f32 $1.131370830e+01, v6  }
0x1de: {  	s5 =	sshrl.u32 s5, $0x3;
	[tilespmem:s4+$0x134E0] =	vst v1  }
0x1df: {  	s22 =	simm.s32 $0x0;
	s19 =	sadd.s32 s3, s5;
	[tilespmem:s4+$0x134F0] =	vst v0  }
0x1e0: {  	[hbm4b:s19+s22] =	stream.linear.scatter [tilespmem:s28], [sflag:$0x13], $0x2000, $0x38;
	[tilespmem:$0x17400] =	vst v63  }
0x1e1: {  	_ =	swait.ge [sflag:s16], $0x2000  }
0x1e2: {  	[sflag:s16] =	ssyncset.done $0x0  }
0x1e3: {  	s4 =	simm.s32 $0x0;
	[sflag:s16] =	ssyncadd.s32 $0xFFFFE000  }
0x1e4: {  	v0 =	vld [tilespmem:s4+$0x15400]  }
0x1e5: {  	v1 =	vld [tilespmem:s4+$0x15410]  }
0x1e6: {  	v2 =	vld [tilespmem:s4+$0x15420]  }
0x1e7: {  	v3 =	vld [tilespmem:s4+$0x15430]  }
0x1e8: {  	v4 =	vld [tilespmem:s4+$0x15440]  }
0x1e9: {  	v5 =	vld [tilespmem:s4+$0x15450];
	v0 =	vmul.f32 $1.131370830e+01, v0  }
0x1ea: {  	v6 =	vld [tilespmem:s4+$0x15460];
	v1 =	vmul.f32 $1.131370830e+01, v1  }
0x1eb: {  	v7 =	vld [tilespmem:s4+$0x15470];
	[tilespmem:s4+$0x15400] =	vst v0;
	v0 =	vmul.f32 $1.131370830e+01, v2  }
0x1ec: {  	v8 =	vld [tilespmem:s4+$0x15480];
	[tilespmem:s4+$0x15410] =	vst v1;
	v1 =	vmul.f32 $1.131370830e+01, v3  }
0x1ed: {  	v9 =	vld [tilespmem:s4+$0x15490];
	[tilespmem:s4+$0x15420] =	vst v0;
	v0 =	vmul.f32 $1.131370830e+01, v4  }
0x1ee: {  	v2 =	vmul.f32 $1.131370830e+01, v5;
	[tilespmem:s4+$0x15430] =	vst v1;
	v1 =	vld [tilespmem:s4+$0x154A0]  }
0x1ef: {  	v3 =	vmul.f32 $1.131370830e+01, v6;
	[tilespmem:s4+$0x15440] =	vst v0;
	v0 =	vld [tilespmem:s4+$0x154B0]  }
0x1f0: {  	[tilespmem:s4+$0x15450] =	vst v2;
	v2 =	vld [tilespmem:s4+$0x154C0];
	v4 =	vmul.f32 $1.131370830e+01, v7  }
0x1f1: {  	v6 =	vmul.f32 $1.131370830e+01, v8;
	[tilespmem:s4+$0x15460] =	vst v3;
	v3 =	vld [tilespmem:s4+$0x154D0]  }
0x1f2: {  	s5 =	simm.s32 $0x400;
	v5 =	vmul.f32 $1.131370830e+01, v9;
	[tilespmem:s4+$0x15470] =	vst v4;
	v4 =	vld [tilespmem:s4+$0x154E0]  }
.LBB2_24:
0x1f3: {  	s11 =	sshra.s32 s5, $0x2;
	p0 =	sne.s32 s5, $0x7C00;
	[tilespmem:s4+$0x15480] =	vst v6;
	v1 =	vmul.f32 $1.131370830e+01, v1;
	v6 =	vld [tilespmem:s4+$0x154F0]  }
0x1f4: {  	v7 =	vld [tilespmem:s11+$0x15400];
	[tilespmem:s4+$0x15490] =	vst v5;
	v0 =	vmul.f32 $1.131370830e+01, v0  }
0x1f5: {  	v5 =	vld [tilespmem:s11+$0x15410];
	[tilespmem:s4+$0x154A0] =	vst v1;
	v1 =	vmul.f32 $1.131370830e+01, v2  }
0x1f6: {  	v2 =	vld [tilespmem:s11+$0x15420];
	[tilespmem:s4+$0x154B0] =	vst v0;
	v0 =	vmul.f32 $1.131370830e+01, v3  }
0x1f7: {  	v3 =	vld [tilespmem:s11+$0x15430];
	[tilespmem:s4+$0x154C0] =	vst v1;
	v1 =	vmul.f32 $1.131370830e+01, v4  }
0x1f8: {  	v4 =	vld [tilespmem:s11+$0x15440];
	[tilespmem:s4+$0x154D0] =	vst v0;
	v0 =	vmul.f32 $1.131370830e+01, v6  }
0x1f9: {  	v6 =	vmul.f32 $1.131370830e+01, v7;
	v7 =	vld [tilespmem:s11+$0x15450];
	[tilespmem:s4+$0x154E0] =	vst v1  }
0x1fa: {  	v1 =	vmul.f32 $1.131370830e+01, v5;
	v5 =	vld [tilespmem:s11+$0x15460];
	[tilespmem:s4+$0x154F0] =	vst v0;
	s4 =	smov.u32 s11  }
0x1fb: {  	[tilespmem:s4+$0x15400] =	vst v6;
	v0 =	vmul.f32 $1.131370830e+01, v2;
	v2 =	vld [tilespmem:s4+$0x15470]  }
0x1fc: {  	[tilespmem:s4+$0x15410] =	vst v1;
	v1 =	vmul.f32 $1.131370830e+01, v3;
	v3 =	vld [tilespmem:s4+$0x15480]  }
0x1fd: {  	[tilespmem:s4+$0x15420] =	vst v0;
	v0 =	vmul.f32 $1.131370830e+01, v4;
	v4 =	vld [tilespmem:s4+$0x15490]  }
.Ltmp11:
0x1fe: {  	[tilespmem:s4+$0x15430] =	vst v1;
	v6 =	vmul.f32 $1.131370830e+01, v7;
	v1 =	vld [tilespmem:s4+$0x154A0];
	(pc) =	sbr.rel @p0 .LBB2_24-.Ltmp11, $4  }
0x1ff: {  	[tilespmem:s4+$0x15440] =	vst v0;
	v5 =	vmul.f32 $1.131370830e+01, v5;
	v0 =	vld [tilespmem:s4+$0x154B0]  }
0x200: {  	[tilespmem:s4+$0x15450] =	vst v6;
	v7 =	vmul.f32 $1.131370830e+01, v2;
	v2 =	vld [tilespmem:s4+$0x154C0]  }
0x201: {  	[tilespmem:s4+$0x15460] =	vst v5;
	v6 =	vmul.f32 $1.131370830e+01, v3;
	v3 =	vld [tilespmem:s4+$0x154D0]  }
0x202: {  	s5 =	sadd.s32 $0x400, s5;
	[tilespmem:s4+$0x15470] =	vst v7;
	v5 =	vmul.f32 $1.131370830e+01, v4;
	v4 =	vld [tilespmem:s4+$0x154E0]  }
0x203: {  	[tilespmem:s4+$0x15480] =	vst v6;
	v1 =	vmul.f32 $1.131370830e+01, v1;
	v59 =	vld [tilespmem:s4+$0x154F0]  }
0x204: {  	[tilespmem:s4+$0x15490] =	vst v5;
	v0 =	vmul.f32 $1.131370830e+01, v0  }
0x205: {  	s18 =	sadd.s32 $0x1, s18;
	[tilespmem:s4+$0x154A0] =	vst v1;
	v60 =	vmul.f32 $1.131370830e+01, v2  }
0x206: {  	p0 =	sne.s32 s18, $0xA;
	[tilespmem:s4+$0x154B0] =	vst v0;
	v61 =	vmul.f32 $1.131370830e+01, v3  }
.Ltmp12:
0x207: {  	s5 =	sshll.u32 s20, $0xD;
	[tilespmem:s4+$0x154C0] =	vst v60;
	v62 =	vmul.f32 $1.131370830e+01, v4;
	(pc) =	sbr.rel @p0 .LBB2_2-.Ltmp12, $4  }
0x208: {  	s5 =	sadd.s32 s7, s5;
	[tilespmem:s4+$0x154D0] =	vst v61;
	v63 =	vmul.f32 $1.131370830e+01, v59  }
0x209: {  	s5 =	sshrl.u32 s5, $0x3;
	[tilespmem:s4+$0x154E0] =	vst v62  }
0x20a: {  	s22 =	sadd.s32 s3, s5;
	[tilespmem:s4+$0x154F0] =	vst v63  }
0x20b: {  	[hbm4b:s22+s15] =	stream.linear.scatter [tilespmem:s29], [sflag:$0x14], $0x2000, $0x38;
	[tilespmem:$0x17400] =	vst v63  }
0x20c: {  	s4 =	simm.s32 $0xB  }
0x20d: {  	_ =	swait.ge [sflag:s4], $0x2000  }
0x20e: {  	[sflag:s4] =	ssyncset.done $0x0  }
0x20f: {  	s20 =	simm.s32 $0xC;
	[sflag:s4] =	ssyncadd.s32 $0xFFFFE000  }
0x210: {  	_ =	swait.ge [sflag:s20], $0x2000  }
0x211: {  	[sflag:s20] =	ssyncset.done $0x0  }
0x212: {  	s22 =	simm.s32 $0xD;
	[sflag:s20] =	ssyncadd.s32 $0xFFFFE000  }
0x213: {  	_ =	swait.ge [sflag:s22], $0x2000  }
0x214: {  	[sflag:s22] =	ssyncset.done $0x0  }
0x215: {  	s5 =	simm.s32 $0xE;
	[sflag:s22] =	ssyncadd.s32 $0xFFFFE000  }
0x216: {  	_ =	swait.ge [sflag:s5], $0x2000  }
0x217: {  	[sflag:s5] =	ssyncset.done $0x0  }
0x218: {  	s11 =	simm.s32 $0xF;
	[sflag:s5] =	ssyncadd.s32 $0xFFFFE000  }
0x219: {  	_ =	swait.ge [sflag:s11], $0x2000  }
0x21a: {  	[sflag:s11] =	ssyncset.done $0x0  }
0x21b: {  	s17 =	simm.s32 $0x10;
	[sflag:s11] =	ssyncadd.s32 $0xFFFFE000  }
0x21c: {  	_ =	swait.ge [sflag:s17], $0x2000  }
0x21d: {  	[sflag:s17] =	ssyncset.done $0x0  }
0x21e: {  	s18 =	simm.s32 $0x11;
	[sflag:s17] =	ssyncadd.s32 $0xFFFFE000  }
0x21f: {  	_ =	swait.ge [sflag:s18], $0x2000  }
0x220: {  	[sflag:s18] =	ssyncset.done $0x0  }
0x221: {  	s19 =	simm.s32 $0x12;
	[sflag:s18] =	ssyncadd.s32 $0xFFFFE000  }
0x222: {  	_ =	swait.ge [sflag:s19], $0x2000  }
0x223: {  	[sflag:s19] =	ssyncset.done $0x0  }
0x224: {  	s20 =	simm.s32 $0x13;
	[sflag:s19] =	ssyncadd.s32 $0xFFFFE000  }
0x225: {  	_ =	swait.ge [sflag:s20], $0x2000  }
0x226: {  	[sflag:s20] =	ssyncset.done $0x0  }
0x227: {  	s5 =	simm.s32 $0x14;
	[sflag:s20] =	ssyncadd.s32 $0xFFFFE000  }
0x228: {  	_ =	swait.ge [sflag:s5], $0x2000  }
0x229: {  	s11 =	rddreg [dreg:$0x7]  }
0x22a: {  	s22 =	rddreg [dreg:$0x6];
	s11 =	sadd.s32 $0x1, s11  }
0x22b: {  	p0 =	sne.s32 s11, s22  }
.Ltmp13:
0x22c: {  	_ = 	snop;
	(pc) =	sbr.rel @p0 .LBB2_1-.Ltmp13, $3  }
0x22d: {  	_ =	sdelay $0x1  }
0x22e: {  	[sflag:s5] =	ssyncset.done $0x0  }
0x22f: {  	[sflag:s5] =	ssyncadd.s32 $0xFFFFE000  }
0x230: {  	_ =	sfence.sel $0x180000  }
0x231: {  	[bflag:$0x0] =	sbarrier.arrive $0xFFFF  }
0x232: {  	_ =	strace $0x90000047  }
0x233: {  	s0 =	stileid.u32;
	[bflag:$0x2] =	sbarrier.arrive $0xFFFF  }
0x234: {  	p0 =	sne.s32 s0, $0x0;
	s0 =	rddreg [dreg:$0x3]  }
0x235: {  	s0 =	sadd.s32 @!p0 $0x100000, s0  }
0x236: {  	[sflag:s0] =	ssyncadd.tile.s32 @!p0 $0x1;
	_ =	shalt  }
.Lfunc_end2:
_tile_overlayer_lowered:
.L_overlay_start_2:
0x237: {  	(tag) =	ssettag $0x2  }
0x238: {  	s0 =	rddreg [dreg:$0x0];
	s2 =	stileid.u32  }
0x239: {  	s1 =	rddreg [dreg:$0x1];
	p0 =	sne.s32 s2, $0x0  }
0x23a: {  	s3 =	rddreg [dreg:$0x2];
	[bflag:$0x3] =	sbarrier.arrive $0xFFFF;
	s2 =	simm.s32 @!p0 $0x1C15  }
0x23b: {  	[timem:s3], [sflag:s2] =	dma.local @!p0 [hbm:s0], s1  }
0x23c: {  	s0 =	simm.s32 @!p0 $0x15  }
0x23d: {  	_ =	swait.ge @!p0 [sflag:s0], s1  }
0x23e: {  	s1 =	ssub.s32 @!p0 $0x0, s1;
	[sflag:s0] =	ssyncset.done @!p0 $0x0  }
0x23f: {  	[sflag:s0] =	ssyncadd.s32 @!p0 s1  }
0x240: {  	[bflag:$0x3] =	sbarrier.arrive $0xFFFF  }
0x241: {  	_ =	shalt  }

</sc_bundles>
